<compile_context>
chip_gen: v7x
topology: tpu7x:2x2x1
jax: 0.10.2.dev20260603
libtpu: 0.0.44.dev20260713+nightly
codegen_flags: <defaults>
</compile_context>

<pallas_src>
import functools
import jax
import jax.numpy as jnp
from jax import lax
from jax.experimental import pallas as pl
from jax.experimental.pallas import tpu as pltpu
from jax.experimental.pallas import tpu_sc as plsc

N = 10000
NPAD = 10240
E = 160000
D = 256
H = 128
NS = 16
NC = 2
K = 125
NCH = (E // NS) // K
GRP = 5
NG = NCH // (2 * GRP)
BLK_M = 2000



def _deg_scatter(idx_v, ones_v, shared, sem):
    @pl.loop(0, NCH // GRP)
    def _(g):
        for j in range(GRP):
            pltpu.async_copy(
                ones_v.at[pl.ds(0, K)],
                shared.at[idx_v.at[g, j]],
                sem, add=True)
        for j in range(GRP):
            pltpu.make_async_copy(
                ones_v.at[pl.ds(0, K)],
                shared.at[idx_v.at[g, j]],
                sem).wait()


def _deg_body(rowi, coli, deg_out, idx_v, ones_v, zbuf, shared, sem):
    c = lax.axis_index("c")
    s = lax.axis_index("s")

    @pl.when(c == 0)
    def _():
        pltpu.sync_copy(rowi.at[s], idx_v)

    @pl.when(c == 1)
    def _():
        pltpu.sync_copy(coli.at[s], idx_v)

    one = jnp.ones((16,), jnp.float32)
    for j in range(8):
        ones_v[pl.ds(j * 16, 16)] = one
    zero = jnp.zeros((16,), jnp.float32)

    @pl.loop(0, 40)
    def _(i):
        zbuf[pl.ds(i * 16, 16)] = zero

    pltpu.sync_copy(zbuf, shared.at[pl.ds(s * 640, 640)])
    plsc.subcore_barrier()
    _deg_scatter(idx_v, ones_v, shared, sem)
    plsc.subcore_barrier()
    pltpu.sync_copy(shared.at[pl.ds(s * 640, 640)],
                    deg_out.at[pl.ds(c * NPAD + s * 640, 640)])


@functools.partial(
    pl.kernel,
    out_type=jax.ShapeDtypeStruct((NC * NPAD,), jnp.float32),
    mesh=plsc.VectorSubcoreMesh(core_axis_name="c", subcore_axis_name="s"),
    scratch_types=[
        pltpu.VMEM((NCH // GRP, GRP, K), jnp.int32),
        pltpu.VMEM((128,), jnp.float32),
        pltpu.VMEM((640,), jnp.float32),
        pltpu.VMEM_SHARED((NPAD,), jnp.float32),
        pltpu.SemaphoreType.DMA,
    ],
)
def _deg_kernel(rowi, coli, deg_out, idx_v, ones_v, zbuf, shared, sem):
    _deg_body(rowi, coli, deg_out, idx_v, ones_v, zbuf, shared, sem)



def _agg_group(h_ref, shared, buf, sems, ssems, rows_cur, cols_cur,
               rows_next, par0, guard_last, first_wait_guard,
               after_first_wait=None):
    for jj in range(GRP):
        bp = (par0 + jj) % 2
        nparity = (par0 + jj + 1) % 2
        wait_prev = pltpu.make_async_copy(
            buf.at[nparity], shared.at[cols_cur.at[jj]], ssems[nparity])
        if jj == 0 and first_wait_guard is not None:
            @pl.when(first_wait_guard)
            def _():
                wait_prev.wait()
        else:
            wait_prev.wait()
        if jj == 0 and after_first_wait is not None:
            after_first_wait()
        if jj < GRP - 1:
            pltpu.async_copy(h_ref.at[rows_cur.at[jj + 1]],
                             buf.at[nparity], sems[nparity])
        elif guard_last is None:
            pltpu.async_copy(h_ref.at[rows_next.at[0]],
                             buf.at[nparity], sems[nparity])
        else:
            @pl.when(guard_last)
            def _():
                pltpu.async_copy(h_ref.at[rows_next.at[0]],
                                 buf.at[nparity], sems[nparity])
        pltpu.make_async_copy(h_ref.at[rows_cur.at[jj]],
                              buf.at[bp], sems[bp]).wait()
        pltpu.async_copy(buf.at[bp], shared.at[cols_cur.at[jj]],
                         ssems[bp], add=True)


def _agg_half(s, h_ref, o_ref, rowi, coli, ri0, ri1, ci0, ci1,
              buf, shared, sem0, sem1, ssem0, ssem1):
    sems = (sem0, sem1)
    ssems = (ssem0, ssem1)
    pltpu.sync_copy(rowi.at[s, 0], ri0)
    pltpu.sync_copy(coli.at[s, 0], ci0)
    pltpu.async_copy(h_ref.at[ri0.at[0]], buf.at[0], sem0)

    @pl.loop(0, NG)
    def _(g):
        def _refill_slot1():
            pltpu.sync_copy(rowi.at[s, 2 * g + 1], ri1)
            pltpu.sync_copy(coli.at[s, 2 * g + 1], ci1)

        _agg_group(h_ref, shared, buf, sems, ssems, ri0, ci0, ri1, 0,
                   None, g > 0, after_first_wait=_refill_slot1)
        nxt = jnp.minimum(2 * g + 2, 2 * NG - 1)

        def _refill_slot0():
            @pl.when(g < NG - 1)
            def _():
                pltpu.sync_copy(rowi.at[s, nxt], ri0)
                pltpu.sync_copy(coli.at[s, nxt], ci0)

        _agg_group(h_ref, shared, buf, sems, ssems, ri1, ci1, ri0,
                   GRP % 2, g < NG - 1, None,
                   after_first_wait=_refill_slot0)

    lbp = (NCH - 1) % 2
    pltpu.make_async_copy(buf.at[lbp], shared.at[ci0.at[0]],
                          ssems[lbp]).wait()
    plsc.subcore_barrier()
    for k in range(5):
        pltpu.sync_copy(shared.at[pl.ds(s * 640 + k * 128, 128)],
                        o_ref.at[pl.ds(s * 640 + k * 128, 128)])


def _agg_body(h2, rowi, coli, o0, o1,
              ri0, ri1, ci0, ci1, buf, shared, sem0, sem1, ssem0, ssem1):
    c = lax.axis_index("c")
    s = lax.axis_index("s")

    zero = jnp.zeros((16,), jnp.float32)

    @pl.loop(0, 512)
    def _(i):
        buf[0, i // 8, pl.ds((i % 8) * 16, 16)] = zero

    for k in range(10):
        pltpu.sync_copy(buf.at[0, pl.ds(0, 64)],
                        shared.at[pl.ds(s * 640 + k * 64, 64)])
    plsc.subcore_barrier()

    @pl.when(c == 0)
    def _():
        _agg_half(s, h2.at[0], o0, rowi, coli, ri0, ri1, ci0, ci1,
                  buf, shared, sem0, sem1, ssem0, ssem1)

    @pl.when(c == 1)
    def _():
        _agg_half(s, h2.at[1], o1, rowi, coli, ri0, ri1, ci0, ci1,
                  buf, shared, sem0, sem1, ssem0, ssem1)


@functools.partial(
    pl.kernel,
    out_type=(jax.ShapeDtypeStruct((NPAD, H), jnp.float32),
              jax.ShapeDtypeStruct((NPAD, H), jnp.float32)),
    mesh=plsc.VectorSubcoreMesh(core_axis_name="c", subcore_axis_name="s"),
    scratch_types=[
        pltpu.VMEM((GRP, K), jnp.int32),
        pltpu.VMEM((GRP, K), jnp.int32),
        pltpu.VMEM((GRP, K), jnp.int32),
        pltpu.VMEM((GRP, K), jnp.int32),
        pltpu.VMEM((2, K, H), jnp.float32),
        pltpu.VMEM_SHARED((NPAD, H), jnp.float32),
        pltpu.SemaphoreType.DMA,
        pltpu.SemaphoreType.DMA,
        pltpu.SemaphoreType.DMA,
        pltpu.SemaphoreType.DMA,
    ],
)
def _agg_kernel(h2, rowi, coli, o0, o1,
                ri0, ri1, ci0, ci1, buf, shared, sem0, sem1, ssem0, ssem1):
    _agg_body(h2, rowi, coli, o0, o1,
              ri0, ri1, ci0, ci1, buf, shared, sem0, sem1, ssem0, ssem1)



def _mm1_body(x_ref, w1_ref, b1_ref, deg_ref, h_ref):
    acc = lax.dot_general(x_ref[...], w1_ref[...], (((1,), (1,)), ((), ())),
                          preferred_element_type=jnp.float32)
    h = jnp.maximum(acc + b1_ref[...], 0.0)
    d = deg_ref[...]
    dinv = lax.rsqrt(jnp.maximum(d[:, 0:1] + d[:, 1:2], 1.0))
    h = h * dinv
    h_ref[0] = h[:, :H]
    h_ref[1] = h[:, H:]


def _mm1(x, W1, b1, degT):
    return pl.pallas_call(
        _mm1_body,
        grid=(N // BLK_M,),
        in_specs=[
            pl.BlockSpec((BLK_M, D), lambda i: (i, 0)),
            pl.BlockSpec((D, D), lambda i: (0, 0)),
            pl.BlockSpec((1, D), lambda i: (0, 0)),
            pl.BlockSpec((BLK_M, 2), lambda i: (i, 0)),
        ],
        out_specs=pl.BlockSpec((NC, BLK_M, H), lambda i: (0, i, 0)),
        out_shape=jax.ShapeDtypeStruct((NC, N, H), jnp.float32),
    )(x, W1, b1, degT)


def _mm2_body(a0_ref, a1_ref, w2a_ref, w2b_ref, b2_ref, deg_ref, out_ref):
    d = deg_ref[...]
    dinv = lax.rsqrt(jnp.maximum(d[:, 0:1] + d[:, 1:2], 1.0))
    acc = lax.dot_general(a0_ref[...] * dinv, w2a_ref[...],
                          (((1,), (1,)), ((), ())),
                          preferred_element_type=jnp.float32)
    acc = acc + lax.dot_general(a1_ref[...] * dinv, w2b_ref[...],
                                (((1,), (1,)), ((), ())),
                                preferred_element_type=jnp.float32)
    out_ref[...] = acc + b2_ref[...]


def _mm2(a0, a1, W2, b2, degT):
    return pl.pallas_call(
        _mm2_body,
        grid=(N // BLK_M,),
        in_specs=[
            pl.BlockSpec((BLK_M, H), lambda i: (i, 0)),
            pl.BlockSpec((BLK_M, H), lambda i: (i, 0)),
            pl.BlockSpec((D, H), lambda i: (0, 0)),
            pl.BlockSpec((D, H), lambda i: (0, 1)),
            pl.BlockSpec((1, D), lambda i: (0, 0)),
            pl.BlockSpec((BLK_M, 2), lambda i: (i, 0)),
        ],
        out_specs=pl.BlockSpec((BLK_M, D), lambda i: (i, 0)),
        out_shape=jax.ShapeDtypeStruct((N, D), jnp.float32),
    )(a0, a1, W2, W2, b2, degT)



@jax.jit
def _run(x, edge_index, W1, b1, W2, b2):
    edge32 = edge_index.astype(jnp.int32)
    row, col = edge32[0], edge32[1]
    rowi = row.reshape(NS, NCH // GRP, GRP, K)
    coli = col.reshape(NS, NCH // GRP, GRP, K)

    deg2 = _deg_kernel(rowi, coli)
    degT = deg2.reshape(NC, NPAD).T

    h2 = _mm1(x, W1, b1[None, :], degT)
    a0, a1 = _agg_kernel(h2, rowi, coli)
    return _mm2(a0, a1, W2, b2[None, :], degT)


def kernel(x, edge_index, W1, b1, W2, b2):
    return _run(x, edge_index, W1, b1, W2, b2)

# --- scband reference (transcript-rebuilt; emitter-appended) ---
"""Pipeline reference for scband-simple-gcn-9105330667544 (READ-ONLY COPY).

The authoritative reference and input builder live on the scoring server;
editing this copy changes nothing except your own understanding.
"""

import jax, jax.numpy as jnp
import numpy as np


def setup_inputs(seed: int = 0) -> dict:
    key = jax.random.key(seed)
    k_x, k_e, k_w1, k_b1, k_w2, k_b2 = jax.random.split(key, 6)
    N, E, D_IN, D_HID, D_OUT = 10000, 160000, 256, 256, 256
    x = jax.random.normal(k_x, (N, D_IN), dtype=jnp.float32)
    edge_index = jax.random.randint(k_e, (2, E), 0, N, dtype=jnp.int64)
    # Linear layers: PyTorch nn.Linear stores weight as [out, in]
    lim1 = 1.0 / np.sqrt(D_IN)
    W1 = jax.random.uniform(k_w1, (D_HID, D_IN), minval=-lim1, maxval=lim1, dtype=jnp.float32)
    b1 = jax.random.uniform(k_b1, (D_HID,), minval=-lim1, maxval=lim1, dtype=jnp.float32)
    lim2 = 1.0 / np.sqrt(D_HID)
    W2 = jax.random.uniform(k_w2, (D_OUT, D_HID), minval=-lim2, maxval=lim2, dtype=jnp.float32)
    b2 = jax.random.uniform(k_b2, (D_OUT,), minval=-lim2, maxval=lim2, dtype=jnp.float32)
    return {"x": x, "edge_index": edge_index, "W1": W1, "b1": b1, "W2": W2, "b2": b2}


def reference(x, edge_index, W1, b1, W2, b2):
    num_nodes = x.shape[0]
    edge_index = edge_index.astype(jnp.int32)
    row, col = edge_index[0], edge_index[1]
    E = row.shape[0]
    ones = jnp.ones((E,), dtype=jnp.float32)
    degrees = jnp.zeros((num_nodes,), dtype=jnp.float32)
    degrees = degrees.at[row].add(ones)
    degrees = degrees.at[col].add(ones)
    degrees = jnp.maximum(degrees, jnp.ones_like(degrees))
    degrees_inv_sqrt = 1.0 / jnp.sqrt(degrees)
    edge_weight = degrees_inv_sqrt[row] * degrees_inv_sqrt[col]
    out = x @ W1.T + b1
    out = jax.nn.relu(out)
    src_features = out[row] * edge_weight[:, None]
    out_agg = jnp.zeros_like(out).at[col].add(src_features)
    out = out_agg @ W2.T + b2
    return out

if __name__ == "__main__":
    import jax
    _d = setup_inputs()
    print(jax.jit(kernel)(*tuple(_d.values())))

</pallas_src>

<mosaic_0001>
#map = affine_map<(d0, d1) -> (0, 0, 0, 0)>
#map1 = affine_map<(d0, d1) -> (0)>
module attributes {stable_mosaic.version = 14 : i64} {
  func.func @_deg_kernel(%arg0: i32, %arg1: i32, %arg2: memref<16x16x5x125xi32, #tpu.memory_space<hbm>>, %arg3: memref<16x16x5x125xi32, #tpu.memory_space<hbm>>, %arg4: memref<20480xf32, #tpu.memory_space<hbm>>, %arg5: memref<16x5x125xi32, #tpu.memory_space<vmem>>, %arg6: memref<128xf32, #tpu.memory_space<vmem>>, %arg7: memref<640xf32, #tpu.memory_space<vmem>>, %arg8: memref<10240xf32, #tpu.memory_space<vmem_shared>>, %arg9: memref<!tpu.dma_semaphore, #tpu.memory_space<semaphore_mem>>) attributes {dimension_semantics = [#tpu.dimension_semantics<core_parallel>, #tpu.dimension_semantics<subcore_parallel>], iteration_bounds = array<i64: 2, 16>, scalar_prefetch = 0 : i64, scratch_operands = 5 : i64, tpu.core_type = #tpu.core_type<sc_vector_subcore>, window_params = [{transform_indices = #map}, {transform_indices = #map}, {transform_indices = #map1}]} {
    %eq3A = arith.constant 0 : i32
    %eq3A_0 = arith.cmpi eq, %arg0, %eq3A : i32
    %convert_element_type3A = arith.extui %eq3A_0 : i1 to i32
    %cond3A = arith.constant 0 : i32
    %cond3A_1 = arith.cmpi ne, %convert_element_type3A, %cond3A : i32
    scf.if %cond3A_1 {
      "tpu.region"() ({
        %run_scoped3A = tpu.sem_alloc : memref<!tpu.dma_semaphore, #tpu.memory_space<semaphore_mem>>
        %dma_start3A = arith.constant 0 : i32
        %dma_start3A_58 = arith.constant 0 : i32
        %dma_start3A_59 = arith.constant 0 : i32
        %dma_start3A_60 = tpu.memref_slice %arg2[%arg1, %dma_start3A, %dma_start3A_58, %dma_start3A_59] : memref<16x16x5x125xi32, #tpu.memory_space<hbm>> -> memref<1x16x5x125xi32, #tpu.memory_space<hbm>>
        %dma_start3A_61 = tpu.memref_squeeze %dma_start3A_60 : memref<1x16x5x125xi32, #tpu.memory_space<hbm>> -> memref<16x5x125xi32, #tpu.memory_space<hbm>>
        %dma_start3A_62 = arith.constant 0 : i32
        %dma_start3A_63 = arith.constant 0 : i32
        %dma_start3A_64 = arith.constant 0 : i32
        %dma_start3A_65 = tpu.memref_slice %arg2[%arg1, %dma_start3A_62, %dma_start3A_63, %dma_start3A_64] : memref<16x16x5x125xi32, #tpu.memory_space<hbm>> -> memref<1x16x5x125xi32, #tpu.memory_space<hbm>>
        %dma_start3A_66 = tpu.memref_squeeze %dma_start3A_65 : memref<1x16x5x125xi32, #tpu.memory_space<hbm>> -> memref<16x5x125xi32, #tpu.memory_space<hbm>>
        tpu.enqueue_dma source(%dma_start3A_66 : memref<16x5x125xi32, #tpu.memory_space<hbm>>) target(%arg5 : memref<16x5x125xi32, #tpu.memory_space<vmem>>) target_semaphore(%run_scoped3A : memref<!tpu.dma_semaphore, #tpu.memory_space<semaphore_mem>>)
        %dma_wait3A = arith.constant 0 : i32
        %dma_wait3A_67 = arith.constant 0 : i32
        %dma_wait3A_68 = arith.constant 0 : i32
        %dma_wait3A_69 = tpu.memref_slice %arg2[%arg1, %dma_wait3A, %dma_wait3A_67, %dma_wait3A_68] : memref<16x16x5x125xi32, #tpu.memory_space<hbm>> -> memref<1x16x5x125xi32, #tpu.memory_space<hbm>>
        %dma_wait3A_70 = tpu.memref_squeeze %dma_wait3A_69 : memref<1x16x5x125xi32, #tpu.memory_space<hbm>> -> memref<16x5x125xi32, #tpu.memory_space<hbm>>
        %dma_wait3A_71 = arith.constant 0 : i32
        %dma_wait3A_72 = arith.constant 0 : i32
        %dma_wait3A_73 = arith.constant 0 : i32
        %dma_wait3A_74 = tpu.memref_slice %arg2[%arg1, %dma_wait3A_71, %dma_wait3A_72, %dma_wait3A_73] : memref<16x16x5x125xi32, #tpu.memory_space<hbm>> -> memref<1x16x5x125xi32, #tpu.memory_space<hbm>>
        %dma_wait3A_75 = tpu.memref_squeeze %dma_wait3A_74 : memref<1x16x5x125xi32, #tpu.memory_space<hbm>> -> memref<16x5x125xi32, #tpu.memory_space<hbm>>
        tpu.wait_dma2 semaphore(%run_scoped3A : memref<!tpu.dma_semaphore, #tpu.memory_space<semaphore_mem>>) src(%dma_wait3A_75 : memref<16x5x125xi32, #tpu.memory_space<hbm>>) dst(%arg5 : memref<16x5x125xi32, #tpu.memory_space<vmem>>)
        tpu.yield
      }) : () -> ()
    } else {
    }
    %eq3A_2 = arith.constant 1 : i32
    %eq3A_3 = arith.cmpi eq, %arg0, %eq3A_2 : i32
    %convert_element_type3A_4 = arith.extui %eq3A_3 : i1 to i32
    %cond3A_5 = arith.constant 0 : i32
    %cond3A_6 = arith.cmpi ne, %convert_element_type3A_4, %cond3A_5 : i32
    scf.if %cond3A_6 {
      "tpu.region"() ({
        %run_scoped3A = tpu.sem_alloc : memref<!tpu.dma_semaphore, #tpu.memory_space<semaphore_mem>>
        %dma_start3A = arith.constant 0 : i32
        %dma_start3A_58 = arith.constant 0 : i32
        %dma_start3A_59 = arith.constant 0 : i32
        %dma_start3A_60 = tpu.memref_slice %arg3[%arg1, %dma_start3A, %dma_start3A_58, %dma_start3A_59] : memref<16x16x5x125xi32, #tpu.memory_space<hbm>> -> memref<1x16x5x125xi32, #tpu.memory_space<hbm>>
        %dma_start3A_61 = tpu.memref_squeeze %dma_start3A_60 : memref<1x16x5x125xi32, #tpu.memory_space<hbm>> -> memref<16x5x125xi32, #tpu.memory_space<hbm>>
        %dma_start3A_62 = arith.constant 0 : i32
        %dma_start3A_63 = arith.constant 0 : i32
        %dma_start3A_64 = arith.constant 0 : i32
        %dma_start3A_65 = tpu.memref_slice %arg3[%arg1, %dma_start3A_62, %dma_start3A_63, %dma_start3A_64] : memref<16x16x5x125xi32, #tpu.memory_space<hbm>> -> memref<1x16x5x125xi32, #tpu.memory_space<hbm>>
        %dma_start3A_66 = tpu.memref_squeeze %dma_start3A_65 : memref<1x16x5x125xi32, #tpu.memory_space<hbm>> -> memref<16x5x125xi32, #tpu.memory_space<hbm>>
        tpu.enqueue_dma source(%dma_start3A_66 : memref<16x5x125xi32, #tpu.memory_space<hbm>>) target(%arg5 : memref<16x5x125xi32, #tpu.memory_space<vmem>>) target_semaphore(%run_scoped3A : memref<!tpu.dma_semaphore, #tpu.memory_space<semaphore_mem>>)
        %dma_wait3A = arith.constant 0 : i32
        %dma_wait3A_67 = arith.constant 0 : i32
        %dma_wait3A_68 = arith.constant 0 : i32
        %dma_wait3A_69 = tpu.memref_slice %arg3[%arg1, %dma_wait3A, %dma_wait3A_67, %dma_wait3A_68] : memref<16x16x5x125xi32, #tpu.memory_space<hbm>> -> memref<1x16x5x125xi32, #tpu.memory_space<hbm>>
        %dma_wait3A_70 = tpu.memref_squeeze %dma_wait3A_69 : memref<1x16x5x125xi32, #tpu.memory_space<hbm>> -> memref<16x5x125xi32, #tpu.memory_space<hbm>>
        %dma_wait3A_71 = arith.constant 0 : i32
        %dma_wait3A_72 = arith.constant 0 : i32
        %dma_wait3A_73 = arith.constant 0 : i32
        %dma_wait3A_74 = tpu.memref_slice %arg3[%arg1, %dma_wait3A_71, %dma_wait3A_72, %dma_wait3A_73] : memref<16x16x5x125xi32, #tpu.memory_space<hbm>> -> memref<1x16x5x125xi32, #tpu.memory_space<hbm>>
        %dma_wait3A_75 = tpu.memref_squeeze %dma_wait3A_74 : memref<1x16x5x125xi32, #tpu.memory_space<hbm>> -> memref<16x5x125xi32, #tpu.memory_space<hbm>>
        tpu.wait_dma2 semaphore(%run_scoped3A : memref<!tpu.dma_semaphore, #tpu.memory_space<semaphore_mem>>) src(%dma_wait3A_75 : memref<16x5x125xi32, #tpu.memory_space<hbm>>) dst(%arg5 : memref<16x5x125xi32, #tpu.memory_space<vmem>>)
        tpu.yield
      }) : () -> ()
    } else {
    }
    %broadcast_in_dim3A = arith.constant 1.000000e+00 : f32
    %broadcast_in_dim3A_7 = vector.broadcast %broadcast_in_dim3A : f32 to vector<16xf32>
    %swap3A = arith.constant 0 : index
    %swap3A_8 = tpu.vector_load %arg6[%swap3A] {strides = array<i32>} : memref<128xf32, #tpu.memory_space<vmem>>, vector<16xf32>,
    %swap3A_9 = vector.shape_cast %swap3A_8 : vector<16xf32> to vector<16xf32>
    %swap3A_10 = vector.shape_cast %broadcast_in_dim3A_7 : vector<16xf32> to vector<16xf32>
    tpu.vector_store %arg6[%swap3A], %swap3A_10 {strides = array<i32>} : memref<128xf32, #tpu.memory_space<vmem>>, vector<16xf32>,
    %swap3A_11 = arith.constant 16 : index
    %swap3A_12 = tpu.vector_load %arg6[%swap3A_11] {strides = array<i32>} : memref<128xf32, #tpu.memory_space<vmem>>, vector<16xf32>,
    %swap3A_13 = vector.shape_cast %swap3A_12 : vector<16xf32> to vector<16xf32>
    %swap3A_14 = vector.shape_cast %broadcast_in_dim3A_7 : vector<16xf32> to vector<16xf32>
    tpu.vector_store %arg6[%swap3A_11], %swap3A_14 {strides = array<i32>} : memref<128xf32, #tpu.memory_space<vmem>>, vector<16xf32>,
    %swap3A_15 = arith.constant 32 : index
    %swap3A_16 = tpu.vector_load %arg6[%swap3A_15] {strides = array<i32>} : memref<128xf32, #tpu.memory_space<vmem>>, vector<16xf32>,
    %swap3A_17 = vector.shape_cast %swap3A_16 : vector<16xf32> to vector<16xf32>
    %swap3A_18 = vector.shape_cast %broadcast_in_dim3A_7 : vector<16xf32> to vector<16xf32>
    tpu.vector_store %arg6[%swap3A_15], %swap3A_18 {strides = array<i32>} : memref<128xf32, #tpu.memory_space<vmem>>, vector<16xf32>,
    %swap3A_19 = arith.constant 48 : index
    %swap3A_20 = tpu.vector_load %arg6[%swap3A_19] {strides = array<i32>} : memref<128xf32, #tpu.memory_space<vmem>>, vector<16xf32>,
    %swap3A_21 = vector.shape_cast %swap3A_20 : vector<16xf32> to vector<16xf32>
    %swap3A_22 = vector.shape_cast %broadcast_in_dim3A_7 : vector<16xf32> to vector<16xf32>
    tpu.vector_store %arg6[%swap3A_19], %swap3A_22 {strides = array<i32>} : memref<128xf32, #tpu.memory_space<vmem>>, vector<16xf32>,
    %swap3A_23 = arith.constant 64 : index
    %swap3A_24 = tpu.vector_load %arg6[%swap3A_23] {strides = array<i32>} : memref<128xf32, #tpu.memory_space<vmem>>, vector<16xf32>,
    %swap3A_25 = vector.shape_cast %swap3A_24 : vector<16xf32> to vector<16xf32>
    %swap3A_26 = vector.shape_cast %broadcast_in_dim3A_7 : vector<16xf32> to vector<16xf32>
    tpu.vector_store %arg6[%swap3A_23], %swap3A_26 {strides = array<i32>} : memref<128xf32, #tpu.memory_space<vmem>>, vector<16xf32>,
    %swap3A_27 = arith.constant 80 : index
    %swap3A_28 = tpu.vector_load %arg6[%swap3A_27] {strides = array<i32>} : memref<128xf32, #tpu.memory_space<vmem>>, vector<16xf32>,
    %swap3A_29 = vector.shape_cast %swap3A_28 : vector<16xf32> to vector<16xf32>
    %swap3A_30 = vector.shape_cast %broadcast_in_dim3A_7 : vector<16xf32> to vector<16xf32>
    tpu.vector_store %arg6[%swap3A_27], %swap3A_30 {strides = array<i32>} : memref<128xf32, #tpu.memory_space<vmem>>, vector<16xf32>,
    %swap3A_31 = arith.constant 96 : index
    %swap3A_32 = tpu.vector_load %arg6[%swap3A_31] {strides = array<i32>} : memref<128xf32, #tpu.memory_space<vmem>>, vector<16xf32>,
    %swap3A_33 = vector.shape_cast %swap3A_32 : vector<16xf32> to vector<16xf32>
    %swap3A_34 = vector.shape_cast %broadcast_in_dim3A_7 : vector<16xf32> to vector<16xf32>
    tpu.vector_store %arg6[%swap3A_31], %swap3A_34 {strides = array<i32>} : memref<128xf32, #tpu.memory_space<vmem>>, vector<16xf32>,
    %swap3A_35 = arith.constant 112 : index
    %swap3A_36 = tpu.vector_load %arg6[%swap3A_35] {strides = array<i32>} : memref<128xf32, #tpu.memory_space<vmem>>, vector<16xf32>,
    %swap3A_37 = vector.shape_cast %swap3A_36 : vector<16xf32> to vector<16xf32>
    %swap3A_38 = vector.shape_cast %broadcast_in_dim3A_7 : vector<16xf32> to vector<16xf32>
    tpu.vector_store %arg6[%swap3A_35], %swap3A_38 {strides = array<i32>} : memref<128xf32, #tpu.memory_space<vmem>>, vector<16xf32>,
    %broadcast_in_dim3A_39 = arith.constant 0.000000e+00 : f32
    %broadcast_in_dim3A_40 = vector.broadcast %broadcast_in_dim3A_39 : f32 to vector<16xf32>
    %scan3A = arith.constant 0 : i32
    %scan3A_41 = arith.constant 40 : i32
    %scan3A_42 = arith.addi %scan3A, %scan3A_41 : i32
    %scan3A_43 = arith.constant 1 : i32
    scf.for %scan3A_58 = %scan3A to %scan3A_42 step %scan3A_43  : i32 {
      %mul3A_59 = arith.constant 1 : i32
      %mul3A_60 = arith.muli %scan3A_58, %mul3A_59 : i32
      %add3A_61 = arith.constant 0 : i32
      %add3A_62 = arith.addi %add3A_61, %mul3A_60 : i32
      %mul3A_63 = arith.constant 16 : i32
      %mul3A_64 = arith.muli %add3A_62, %mul3A_63 : i32
      %swap3A_65 = arith.index_cast %mul3A_64 : i32 to index
      %swap3A_66 = tpu.vector_load %arg7[%swap3A_65] {strides = array<i32>} : memref<640xf32, #tpu.memory_space<vmem>>, vector<16xf32>,
      %swap3A_67 = vector.shape_cast %swap3A_66 : vector<16xf32> to vector<16xf32>
      %swap3A_68 = vector.shape_cast %broadcast_in_dim3A_40 : vector<16xf32> to vector<16xf32>
      tpu.vector_store %arg7[%swap3A_65], %swap3A_68 {strides = array<i32>} : memref<640xf32, #tpu.memory_space<vmem>>, vector<16xf32>,
    }
    %scan3A_44 = arith.constant 40 : i32
    %mul3A = arith.constant 640 : i32
    %mul3A_45 = arith.muli %arg1, %mul3A : i32
    "tpu.region"() ({
      %run_scoped3A = tpu.sem_alloc : memref<!tpu.dma_semaphore, #tpu.memory_space<semaphore_mem>>
      %dma_start3A = tpu.memref_slice %arg8[%mul3A_45] : memref<10240xf32, #tpu.memory_space<vmem_shared>> -> memref<640xf32, #tpu.memory_space<vmem_shared>>
      %dma_start3A_58 = tpu.memref_slice %arg8[%mul3A_45] : memref<10240xf32, #tpu.memory_space<vmem_shared>> -> memref<640xf32, #tpu.memory_space<vmem_shared>>
      tpu.enqueue_dma source(%arg7 : memref<640xf32, #tpu.memory_space<vmem>>) target(%dma_start3A_58 : memref<640xf32, #tpu.memory_space<vmem_shared>>) target_semaphore(%run_scoped3A : memref<!tpu.dma_semaphore, #tpu.memory_space<semaphore_mem>>)
      %dma_wait3A = tpu.memref_slice %arg8[%mul3A_45] : memref<10240xf32, #tpu.memory_space<vmem_shared>> -> memref<640xf32, #tpu.memory_space<vmem_shared>>
      %dma_wait3A_59 = tpu.memref_slice %arg8[%mul3A_45] : memref<10240xf32, #tpu.memory_space<vmem_shared>> -> memref<640xf32, #tpu.memory_space<vmem_shared>>
      tpu.wait_dma2 semaphore(%run_scoped3A : memref<!tpu.dma_semaphore, #tpu.memory_space<semaphore_mem>>) src(%arg7 : memref<640xf32, #tpu.memory_space<vmem>>) dst(%dma_wait3A_59 : memref<640xf32, #tpu.memory_space<vmem_shared>>)
      tpu.yield
    }) : () -> ()
    %barrier3A = arith.constant 0 : index
    tpu.barrier barrier_id(%barrier3A)
    %scan3A_46 = arith.constant 0 : i32
    %scan3A_47 = arith.constant 16 : i32
    %scan3A_48 = arith.addi %scan3A_46, %scan3A_47 : i32
    %scan3A_49 = arith.constant 1 : i32
    scf.for %scan3A_58 = %scan3A_46 to %scan3A_48 step %scan3A_49  : i32 {
      %mul3A_59 = arith.constant 1 : i32
      %mul3A_60 = arith.muli %scan3A_58, %mul3A_59 : i32
      %add3A_61 = arith.constant 0 : i32
      %add3A_62 = arith.addi %add3A_61, %mul3A_60 : i32
      %dma_start3A = arith.constant 0 : i32
      %dma_start3A_63 = arith.constant 0 : i32
      %dma_start3A_64 = tpu.memref_slice %arg6[%dma_start3A_63] : memref<128xf32, #tpu.memory_space<vmem>> -> memref<125xf32, #tpu.memory_space<vmem>>
      %dma_start3A_65 = arith.constant 0 : i32
      %dma_start3A_66 = tpu.memref_slice %arg5[%add3A_62, %dma_start3A, %dma_start3A_65] : memref<16x5x125xi32, #tpu.memory_space<vmem>> -> memref<1x1x125xi32, #tpu.memory_space<vmem>>
      %dma_start3A_67 = tpu.memref_squeeze %dma_start3A_66 : memref<1x1x125xi32, #tpu.memory_space<vmem>> -> memref<125xi32, #tpu.memory_space<vmem>>
      %dma_start3A_68 = arith.constant 0 : i32
      %dma_start3A_69 = tpu.memref_slice %arg8[%dma_start3A_68] : memref<10240xf32, #tpu.memory_space<vmem_shared>> -> memref<10240xf32, #tpu.memory_space<vmem_shared>>
      tpu.enqueue_indirect_dma source(%dma_start3A_64 : memref<125xf32, #tpu.memory_space<vmem>>) target(%dma_start3A_69 : memref<10240xf32, #tpu.memory_space<vmem_shared>>) offsets(%dma_start3A_67 : memref<125xi32, #tpu.memory_space<vmem>>) semaphore(%arg9 : memref<!tpu.dma_semaphore, #tpu.memory_space<semaphore_mem>>) {add = true}
      %dma_start3A_70 = arith.constant 1 : i32
      %dma_start3A_71 = arith.constant 0 : i32
      %dma_start3A_72 = tpu.memref_slice %arg6[%dma_start3A_71] : memref<128xf32, #tpu.memory_space<vmem>> -> memref<125xf32, #tpu.memory_space<vmem>>
      %dma_start3A_73 = arith.constant 0 : i32
      %dma_start3A_74 = tpu.memref_slice %arg5[%add3A_62, %dma_start3A_70, %dma_start3A_73] : memref<16x5x125xi32, #tpu.memory_space<vmem>> -> memref<1x1x125xi32, #tpu.memory_space<vmem>>
      %dma_start3A_75 = tpu.memref_squeeze %dma_start3A_74 : memref<1x1x125xi32, #tpu.memory_space<vmem>> -> memref<125xi32, #tpu.memory_space<vmem>>
      %dma_start3A_76 = arith.constant 0 : i32
      %dma_start3A_77 = tpu.memref_slice %arg8[%dma_start3A_76] : memref<10240xf32, #tpu.memory_space<vmem_shared>> -> memref<10240xf32, #tpu.memory_space<vmem_shared>>
      tpu.enqueue_indirect_dma source(%dma_start3A_72 : memref<125xf32, #tpu.memory_space<vmem>>) target(%dma_start3A_77 : memref<10240xf32, #tpu.memory_space<vmem_shared>>) offsets(%dma_start3A_75 : memref<125xi32, #tpu.memory_space<vmem>>) semaphore(%arg9 : memref<!tpu.dma_semaphore, #tpu.memory_space<semaphore_mem>>) {add = true}
      %dma_start3A_78 = arith.constant 2 : i32
      %dma_start3A_79 = arith.constant 0 : i32
      %dma_start3A_80 = tpu.memref_slice %arg6[%dma_start3A_79] : memref<128xf32, #tpu.memory_space<vmem>> -> memref<125xf32, #tpu.memory_space<vmem>>
      %dma_start3A_81 = arith.constant 0 : i32
      %dma_start3A_82 = tpu.memref_slice %arg5[%add3A_62, %dma_start3A_78, %dma_start3A_81] : memref<16x5x125xi32, #tpu.memory_space<vmem>> -> memref<1x1x125xi32, #tpu.memory_space<vmem>>
      %dma_start3A_83 = tpu.memref_squeeze %dma_start3A_82 : memref<1x1x125xi32, #tpu.memory_space<vmem>> -> memref<125xi32, #tpu.memory_space<vmem>>
      %dma_start3A_84 = arith.constant 0 : i32
      %dma_start3A_85 = tpu.memref_slice %arg8[%dma_start3A_84] : memref<10240xf32, #tpu.memory_space<vmem_shared>> -> memref<10240xf32, #tpu.memory_space<vmem_shared>>
      tpu.enqueue_indirect_dma source(%dma_start3A_80 : memref<125xf32, #tpu.memory_space<vmem>>) target(%dma_start3A_85 : memref<10240xf32, #tpu.memory_space<vmem_shared>>) offsets(%dma_start3A_83 : memref<125xi32, #tpu.memory_space<vmem>>) semaphore(%arg9 : memref<!tpu.dma_semaphore, #tpu.memory_space<semaphore_mem>>) {add = true}
      %dma_start3A_86 = arith.constant 3 : i32
      %dma_start3A_87 = arith.constant 0 : i32
      %dma_start3A_88 = tpu.memref_slice %arg6[%dma_start3A_87] : memref<128xf32, #tpu.memory_space<vmem>> -> memref<125xf32, #tpu.memory_space<vmem>>
      %dma_start3A_89 = arith.constant 0 : i32
      %dma_start3A_90 = tpu.memref_slice %arg5[%add3A_62, %dma_start3A_86, %dma_start3A_89] : memref<16x5x125xi32, #tpu.memory_space<vmem>> -> memref<1x1x125xi32, #tpu.memory_space<vmem>>
      %dma_start3A_91 = tpu.memref_squeeze %dma_start3A_90 : memref<1x1x125xi32, #tpu.memory_space<vmem>> -> memref<125xi32, #tpu.memory_space<vmem>>
      %dma_start3A_92 = arith.constant 0 : i32
      %dma_start3A_93 = tpu.memref_slice %arg8[%dma_start3A_92] : memref<10240xf32, #tpu.memory_space<vmem_shared>> -> memref<10240xf32, #tpu.memory_space<vmem_shared>>
      tpu.enqueue_indirect_dma source(%dma_start3A_88 : memref<125xf32, #tpu.memory_space<vmem>>) target(%dma_start3A_93 : memref<10240xf32, #tpu.memory_space<vmem_shared>>) offsets(%dma_start3A_91 : memref<125xi32, #tpu.memory_space<vmem>>) semaphore(%arg9 : memref<!tpu.dma_semaphore, #tpu.memory_space<semaphore_mem>>) {add = true}
      %dma_start3A_94 = arith.constant 4 : i32
      %dma_start3A_95 = arith.constant 0 : i32
      %dma_start3A_96 = tpu.memref_slice %arg6[%dma_start3A_95] : memref<128xf32, #tpu.memory_space<vmem>> -> memref<125xf32, #tpu.memory_space<vmem>>
      %dma_start3A_97 = arith.constant 0 : i32
      %dma_start3A_98 = tpu.memref_slice %arg5[%add3A_62, %dma_start3A_94, %dma_start3A_97] : memref<16x5x125xi32, #tpu.memory_space<vmem>> -> memref<1x1x125xi32, #tpu.memory_space<vmem>>
      %dma_start3A_99 = tpu.memref_squeeze %dma_start3A_98 : memref<1x1x125xi32, #tpu.memory_space<vmem>> -> memref<125xi32, #tpu.memory_space<vmem>>
      %dma_start3A_100 = arith.constant 0 : i32
      %dma_start3A_101 = tpu.memref_slice %arg8[%dma_start3A_100] : memref<10240xf32, #tpu.memory_space<vmem_shared>> -> memref<10240xf32, #tpu.memory_space<vmem_shared>>
      tpu.enqueue_indirect_dma source(%dma_start3A_96 : memref<125xf32, #tpu.memory_space<vmem>>) target(%dma_start3A_101 : memref<10240xf32, #tpu.memory_space<vmem_shared>>) offsets(%dma_start3A_99 : memref<125xi32, #tpu.memory_space<vmem>>) semaphore(%arg9 : memref<!tpu.dma_semaphore, #tpu.memory_space<semaphore_mem>>) {add = true}
      %dma_wait3A = arith.constant 0 : i32
      %dma_wait3A_102 = arith.constant 0 : i32
      %dma_wait3A_103 = tpu.memref_slice %arg6[%dma_wait3A_102] : memref<128xf32, #tpu.memory_space<vmem>> -> memref<125xf32, #tpu.memory_space<vmem>>
      %dma_wait3A_104 = arith.constant 0 : i32
      %dma_wait3A_105 = tpu.memref_slice %arg5[%add3A_62, %dma_wait3A, %dma_wait3A_104] : memref<16x5x125xi32, #tpu.memory_space<vmem>> -> memref<1x1x125xi32, #tpu.memory_space<vmem>>
      %dma_wait3A_106 = tpu.memref_squeeze %dma_wait3A_105 : memref<1x1x125xi32, #tpu.memory_space<vmem>> -> memref<125xi32, #tpu.memory_space<vmem>>
      %dma_wait3A_107 = arith.constant 0 : i32
      %dma_wait3A_108 = tpu.memref_slice %arg8[%dma_wait3A_107] : memref<10240xf32, #tpu.memory_space<vmem_shared>> -> memref<10240xf32, #tpu.memory_space<vmem_shared>>
      tpu.wait_indirect_dma semaphore(%arg9 : memref<!tpu.dma_semaphore, #tpu.memory_space<semaphore_mem>>) src(%dma_wait3A_103 : memref<125xf32, #tpu.memory_space<vmem>>) dst(%dma_wait3A_108 : memref<10240xf32, #tpu.memory_space<vmem_shared>>)
      %dma_wait3A_109 = arith.constant 1 : i32
      %dma_wait3A_110 = arith.constant 0 : i32
      %dma_wait3A_111 = tpu.memref_slice %arg6[%dma_wait3A_110] : memref<128xf32, #tpu.memory_space<vmem>> -> memref<125xf32, #tpu.memory_space<vmem>>
      %dma_wait3A_112 = arith.constant 0 : i32
      %dma_wait3A_113 = tpu.memref_slice %arg5[%add3A_62, %dma_wait3A_109, %dma_wait3A_112] : memref<16x5x125xi32, #tpu.memory_space<vmem>> -> memref<1x1x125xi32, #tpu.memory_space<vmem>>
      %dma_wait3A_114 = tpu.memref_squeeze %dma_wait3A_113 : memref<1x1x125xi32, #tpu.memory_space<vmem>> -> memref<125xi32, #tpu.memory_space<vmem>>
      %dma_wait3A_115 = arith.constant 0 : i32
      %dma_wait3A_116 = tpu.memref_slice %arg8[%dma_wait3A_115] : memref<10240xf32, #tpu.memory_space<vmem_shared>> -> memref<10240xf32, #tpu.memory_space<vmem_shared>>
      tpu.wait_indirect_dma semaphore(%arg9 : memref<!tpu.dma_semaphore, #tpu.memory_space<semaphore_mem>>) src(%dma_wait3A_111 : memref<125xf32, #tpu.memory_space<vmem>>) dst(%dma_wait3A_116 : memref<10240xf32, #tpu.memory_space<vmem_shared>>)
      %dma_wait3A_117 = arith.constant 2 : i32
      %dma_wait3A_118 = arith.constant 0 : i32
      %dma_wait3A_119 = tpu.memref_slice %arg6[%dma_wait3A_118] : memref<128xf32, #tpu.memory_space<vmem>> -> memref<125xf32, #tpu.memory_space<vmem>>
      %dma_wait3A_120 = arith.constant 0 : i32
      %dma_wait3A_121 = tpu.memref_slice %arg5[%add3A_62, %dma_wait3A_117, %dma_wait3A_120] : memref<16x5x125xi32, #tpu.memory_space<vmem>> -> memref<1x1x125xi32, #tpu.memory_space<vmem>>
      %dma_wait3A_122 = tpu.memref_squeeze %dma_wait3A_121 : memref<1x1x125xi32, #tpu.memory_space<vmem>> -> memref<125xi32, #tpu.memory_space<vmem>>
      %dma_wait3A_123 = arith.constant 0 : i32
      %dma_wait3A_124 = tpu.memref_slice %arg8[%dma_wait3A_123] : memref<10240xf32, #tpu.memory_space<vmem_shared>> -> memref<10240xf32, #tpu.memory_space<vmem_shared>>
      tpu.wait_indirect_dma semaphore(%arg9 : memref<!tpu.dma_semaphore, #tpu.memory_space<semaphore_mem>>) src(%dma_wait3A_119 : memref<125xf32, #tpu.memory_space<vmem>>) dst(%dma_wait3A_124 : memref<10240xf32, #tpu.memory_space<vmem_shared>>)
      %dma_wait3A_125 = arith.constant 3 : i32
      %dma_wait3A_126 = arith.constant 0 : i32
      %dma_wait3A_127 = tpu.memref_slice %arg6[%dma_wait3A_126] : memref<128xf32, #tpu.memory_space<vmem>> -> memref<125xf32, #tpu.memory_space<vmem>>
      %dma_wait3A_128 = arith.constant 0 : i32
      %dma_wait3A_129 = tpu.memref_slice %arg5[%add3A_62, %dma_wait3A_125, %dma_wait3A_128] : memref<16x5x125xi32, #tpu.memory_space<vmem>> -> memref<1x1x125xi32, #tpu.memory_space<vmem>>
      %dma_wait3A_130 = tpu.memref_squeeze %dma_wait3A_129 : memref<1x1x125xi32, #tpu.memory_space<vmem>> -> memref<125xi32, #tpu.memory_space<vmem>>
      %dma_wait3A_131 = arith.constant 0 : i32
      %dma_wait3A_132 = tpu.memref_slice %arg8[%dma_wait3A_131] : memref<10240xf32, #tpu.memory_space<vmem_shared>> -> memref<10240xf32, #tpu.memory_space<vmem_shared>>
      tpu.wait_indirect_dma semaphore(%arg9 : memref<!tpu.dma_semaphore, #tpu.memory_space<semaphore_mem>>) src(%dma_wait3A_127 : memref<125xf32, #tpu.memory_space<vmem>>) dst(%dma_wait3A_132 : memref<10240xf32, #tpu.memory_space<vmem_shared>>)
      %dma_wait3A_133 = arith.constant 4 : i32
      %dma_wait3A_134 = arith.constant 0 : i32
      %dma_wait3A_135 = tpu.memref_slice %arg6[%dma_wait3A_134] : memref<128xf32, #tpu.memory_space<vmem>> -> memref<125xf32, #tpu.memory_space<vmem>>
      %dma_wait3A_136 = arith.constant 0 : i32
      %dma_wait3A_137 = tpu.memref_slice %arg5[%add3A_62, %dma_wait3A_133, %dma_wait3A_136] : memref<16x5x125xi32, #tpu.memory_space<vmem>> -> memref<1x1x125xi32, #tpu.memory_space<vmem>>
      %dma_wait3A_138 = tpu.memref_squeeze %dma_wait3A_137 : memref<1x1x125xi32, #tpu.memory_space<vmem>> -> memref<125xi32, #tpu.memory_space<vmem>>
      %dma_wait3A_139 = arith.constant 0 : i32
      %dma_wait3A_140 = tpu.memref_slice %arg8[%dma_wait3A_139] : memref<10240xf32, #tpu.memory_space<vmem_shared>> -> memref<10240xf32, #tpu.memory_space<vmem_shared>>
      tpu.wait_indirect_dma semaphore(%arg9 : memref<!tpu.dma_semaphore, #tpu.memory_space<semaphore_mem>>) src(%dma_wait3A_135 : memref<125xf32, #tpu.memory_space<vmem>>) dst(%dma_wait3A_140 : memref<10240xf32, #tpu.memory_space<vmem_shared>>)
    }
    %scan3A_50 = arith.constant 16 : i32
    %barrier3A_51 = arith.constant 0 : index
    tpu.barrier barrier_id(%barrier3A_51)
    %mul3A_52 = arith.constant 640 : i32
    %mul3A_53 = arith.muli %arg1, %mul3A_52 : i32
    %mul3A_54 = arith.constant 10240 : i32
    %mul3A_55 = arith.muli %arg0, %mul3A_54 : i32
    %mul3A_56 = arith.constant 640 : i32
    %mul3A_57 = arith.muli %arg1, %mul3A_56 : i32
    %add3A = arith.addi %mul3A_55, %mul3A_57 : i32
    "tpu.region"() ({
      %run_scoped3A = tpu.sem_alloc : memref<!tpu.dma_semaphore, #tpu.memory_space<semaphore_mem>>
      %dma_start3A = tpu.memref_slice %arg4[%add3A] : memref<20480xf32, #tpu.memory_space<hbm>> -> memref<640xf32, #tpu.memory_space<hbm>>
      %dma_start3A_58 = tpu.memref_slice %arg8[%mul3A_53] : memref<10240xf32, #tpu.memory_space<vmem_shared>> -> memref<640xf32, #tpu.memory_space<vmem_shared>>
      tpu.enqueue_dma source(%dma_start3A_58 : memref<640xf32, #tpu.memory_space<vmem_shared>>) target(%dma_start3A : memref<640xf32, #tpu.memory_space<hbm>>) target_semaphore(%run_scoped3A : memref<!tpu.dma_semaphore, #tpu.memory_space<semaphore_mem>>)
      %dma_wait3A = tpu.memref_slice %arg4[%add3A] : memref<20480xf32, #tpu.memory_space<hbm>> -> memref<640xf32, #tpu.memory_space<hbm>>
      %dma_wait3A_59 = tpu.memref_slice %arg8[%mul3A_53] : memref<10240xf32, #tpu.memory_space<vmem_shared>> -> memref<640xf32, #tpu.memory_space<vmem_shared>>
      tpu.wait_dma2 semaphore(%run_scoped3A : memref<!tpu.dma_semaphore, #tpu.memory_space<semaphore_mem>>) src(%dma_wait3A_59 : memref<640xf32, #tpu.memory_space<vmem_shared>>) dst(%dma_wait3A : memref<640xf32, #tpu.memory_space<hbm>>)
      tpu.yield
    }) : () -> ()
    return
  }
}

#map = affine_map<(d0, d1) -> (0, 0, 0)>
#map1 = affine_map<(d0, d1) -> (0, 0, 0, 0)>
#map2 = affine_map<(d0, d1) -> (0, 0)>
module attributes {stable_mosaic.version = 14 : i64} {
  func.func @_agg_kernel(%arg0: i32, %arg1: i32, %arg2: memref<2x10000x128xf32, #tpu.memory_space<hbm>>, %arg3: memref<16x16x5x125xi32, #tpu.memory_space<hbm>>, %arg4: memref<16x16x5x125xi32, #tpu.memory_space<hbm>>, %arg5: memref<10240x128xf32, #tpu.memory_space<hbm>>, %arg6: memref<10240x128xf32, #tpu.memory_space<hbm>>, %arg7: memref<5x125xi32, #tpu.memory_space<vmem>>, %arg8: memref<5x125xi32, #tpu.memory_space<vmem>>, %arg9: memref<5x125xi32, #tpu.memory_space<vmem>>, %arg10: memref<5x125xi32, #tpu.memory_space<vmem>>, %arg11: memref<2x125x128xf32, #tpu.memory_space<vmem>>, %arg12: memref<10240x128xf32, #tpu.memory_space<vmem_shared>>, %arg13: memref<!tpu.dma_semaphore, #tpu.memory_space<semaphore_mem>>, %arg14: memref<!tpu.dma_semaphore, #tpu.memory_space<semaphore_mem>>, %arg15: memref<!tpu.dma_semaphore, #tpu.memory_space<semaphore_mem>>, %arg16: memref<!tpu.dma_semaphore, #tpu.memory_space<semaphore_mem>>) attributes {dimension_semantics = [#tpu.dimension_semantics<core_parallel>, #tpu.dimension_semantics<subcore_parallel>], iteration_bounds = array<i64: 2, 16>, scalar_prefetch = 0 : i64, scratch_operands = 10 : i64, tpu.core_type = #tpu.core_type<sc_vector_subcore>, window_params = [{transform_indices = #map}, {transform_indices = #map1}, {transform_indices = #map1}, {transform_indices = #map2}, {transform_indices = #map2}]} {
    %broadcast_in_dim3A = arith.constant 0.000000e+00 : f32
    %broadcast_in_dim3A_0 = vector.broadcast %broadcast_in_dim3A : f32 to vector<16xf32>
    %scan3A = arith.constant 0 : i32
    %scan3A_1 = arith.constant 512 : i32
    %scan3A_2 = arith.addi %scan3A, %scan3A_1 : i32
    %scan3A_3 = arith.constant 1 : i32
    scf.for %scan3A_59 = %scan3A to %scan3A_2 step %scan3A_3  : i32 {
      %mul3A_60 = arith.constant 1 : i32
      %mul3A_61 = arith.muli %scan3A_59, %mul3A_60 : i32
      %add3A_62 = arith.constant 0 : i32
      %add3A_63 = arith.addi %add3A_62, %mul3A_61 : i32
      %jit3A = arith.constant 8 : i32
      %div3A = arith.divsi %add3A_63, %jit3A : i32
      %sign3A = arith.constant 0 : i32
      %sign3A_64 = arith.cmpi sgt, %add3A_63, %sign3A : i32
      %sign3A_65 = arith.extui %sign3A_64 : i1 to i32
      %sign3A_66 = arith.constant 0 : i32
      %sign3A_67 = arith.cmpi slt, %add3A_63, %sign3A_66 : i32
      %sign3A_68 = arith.extui %sign3A_67 : i1 to i32
      %sign3A_69 = arith.subi %sign3A_65, %sign3A_68 : i32
      %sign3A_70 = arith.constant 0 : i32
      %sign3A_71 = arith.cmpi sgt, %jit3A, %sign3A_70 : i32
      %sign3A_72 = arith.extui %sign3A_71 : i1 to i32
      %sign3A_73 = arith.constant 0 : i32
      %sign3A_74 = arith.cmpi slt, %jit3A, %sign3A_73 : i32
      %sign3A_75 = arith.extui %sign3A_74 : i1 to i32
      %sign3A_76 = arith.subi %sign3A_72, %sign3A_75 : i32
      %ne3A = arith.cmpi ne, %sign3A_69, %sign3A_76 : i32
      %rem3A = arith.remsi %add3A_63, %jit3A : i32
      %ne3A_77 = arith.constant 0 : i32
      %ne3A_78 = arith.cmpi ne, %rem3A, %ne3A_77 : i32
      %and3A = arith.andi %ne3A, %ne3A_78 : i1
      %sub3A = arith.constant 1 : i32
      %sub3A_79 = arith.subi %div3A, %sub3A : i32
      %select_n3A = arith.select %and3A, %sub3A_79, %div3A : i32
      %jit3A_80 = arith.constant 8 : i32
      %eq3A_81 = arith.constant 0 : i32
      %eq3A_82 = arith.cmpi eq, %jit3A_80, %eq3A_81 : i32
      %jit3A_83 = arith.constant 1 : i32
      %select_n3A_84 = arith.select %eq3A_82, %jit3A_83, %jit3A_80 : i32
      %rem3A_85 = arith.remsi %add3A_63, %select_n3A_84 : i32
      %ne3A_86 = arith.constant 0 : i32
      %ne3A_87 = arith.cmpi ne, %rem3A_85, %ne3A_86 : i32
      %lt3A = arith.constant 0 : i32
      %lt3A_88 = arith.cmpi slt, %rem3A_85, %lt3A : i32
      %lt3A_89 = arith.constant 0 : i32
      %lt3A_90 = arith.cmpi slt, %select_n3A_84, %lt3A_89 : i32
      %ne3A_91 = arith.xori %lt3A_88, %lt3A_90 : i1
      %and3A_92 = arith.andi %ne3A_91, %ne3A_87 : i1
      %add3A_93 = arith.addi %rem3A_85, %select_n3A_84 : i32
      %select_n3A_94 = arith.select %and3A_92, %add3A_93, %rem3A_85 : i32
      %mul3A_95 = arith.constant 16 : i32
      %mul3A_96 = arith.muli %select_n3A_94, %mul3A_95 : i32
      %swap3A = arith.constant 0 : i32
      %swap3A_97 = arith.index_cast %swap3A : i32 to index
      %swap3A_98 = arith.index_cast %select_n3A : i32 to index
      %swap3A_99 = arith.index_cast %mul3A_96 : i32 to index
      %swap3A_100 = tpu.vector_load %arg11[%swap3A_97, %swap3A_98, %swap3A_99] {strides = array<i32>} : memref<2x125x128xf32, #tpu.memory_space<vmem>>, vector<1x1x16xf32>,
      %swap3A_101 = vector.shape_cast %swap3A_100 : vector<1x1x16xf32> to vector<16xf32>
      %swap3A_102 = vector.shape_cast %broadcast_in_dim3A_0 : vector<16xf32> to vector<1x1x16xf32>
      tpu.vector_store %arg11[%swap3A_97, %swap3A_98, %swap3A_99], %swap3A_102 {strides = array<i32>} : memref<2x125x128xf32, #tpu.memory_space<vmem>>, vector<1x1x16xf32>,
    }
    %scan3A_4 = arith.constant 512 : i32
    %mul3A = arith.constant 640 : i32
    %mul3A_5 = arith.muli %arg1, %mul3A : i32
    %add3A = arith.constant 0 : i32
    %add3A_6 = arith.addi %mul3A_5, %add3A : i32
    %run_scoped3A = arith.constant 0 : i32
    "tpu.region"() ({
      %run_scoped3A_59 = tpu.sem_alloc : memref<!tpu.dma_semaphore, #tpu.memory_space<semaphore_mem>>
      %dma_start3A = arith.constant 0 : i32
      %dma_start3A_60 = arith.constant 0 : i32
      %dma_start3A_61 = tpu.memref_slice %arg11[%run_scoped3A, %dma_start3A, %dma_start3A_60] : memref<2x125x128xf32, #tpu.memory_space<vmem>> -> memref<1x64x128xf32, #tpu.memory_space<vmem>>
      %dma_start3A_62 = tpu.memref_squeeze %dma_start3A_61 : memref<1x64x128xf32, #tpu.memory_space<vmem>> -> memref<64x128xf32, #tpu.memory_space<vmem>>
      %dma_start3A_63 = arith.constant 0 : i32
      %dma_start3A_64 = tpu.memref_slice %arg12[%add3A_6, %dma_start3A_63] : memref<10240x128xf32, #tpu.memory_space<vmem_shared>> -> memref<64x128xf32, #tpu.memory_space<vmem_shared>>
      %dma_start3A_65 = arith.constant 0 : i32
      %dma_start3A_66 = tpu.memref_slice %arg12[%add3A_6, %dma_start3A_65] : memref<10240x128xf32, #tpu.memory_space<vmem_shared>> -> memref<64x128xf32, #tpu.memory_space<vmem_shared>>
      %dma_start3A_67 = arith.constant 0 : i32
      %dma_start3A_68 = arith.constant 0 : i32
      %dma_start3A_69 = tpu.memref_slice %arg11[%run_scoped3A, %dma_start3A_67, %dma_start3A_68] : memref<2x125x128xf32, #tpu.memory_space<vmem>> -> memref<1x64x128xf32, #tpu.memory_space<vmem>>
      %dma_start3A_70 = tpu.memref_squeeze %dma_start3A_69 : memref<1x64x128xf32, #tpu.memory_space<vmem>> -> memref<64x128xf32, #tpu.memory_space<vmem>>
      tpu.enqueue_dma source(%dma_start3A_70 : memref<64x128xf32, #tpu.memory_space<vmem>>) target(%dma_start3A_66 : memref<64x128xf32, #tpu.memory_space<vmem_shared>>) target_semaphore(%run_scoped3A_59 : memref<!tpu.dma_semaphore, #tpu.memory_space<semaphore_mem>>)
      %dma_wait3A = arith.constant 0 : i32
      %dma_wait3A_71 = arith.constant 0 : i32
      %dma_wait3A_72 = tpu.memref_slice %arg11[%run_scoped3A, %dma_wait3A, %dma_wait3A_71] : memref<2x125x128xf32, #tpu.memory_space<vmem>> -> memref<1x64x128xf32, #tpu.memory_space<vmem>>
      %dma_wait3A_73 = tpu.memref_squeeze %dma_wait3A_72 : memref<1x64x128xf32, #tpu.memory_space<vmem>> -> memref<64x128xf32, #tpu.memory_space<vmem>>
      %dma_wait3A_74 = arith.constant 0 : i32
      %dma_wait3A_75 = tpu.memref_slice %arg12[%add3A_6, %dma_wait3A_74] : memref<10240x128xf32, #tpu.memory_space<vmem_shared>> -> memref<64x128xf32, #tpu.memory_space<vmem_shared>>
      %dma_wait3A_76 = arith.constant 0 : i32
      %dma_wait3A_77 = tpu.memref_slice %arg12[%add3A_6, %dma_wait3A_76] : memref<10240x128xf32, #tpu.memory_space<vmem_shared>> -> memref<64x128xf32, #tpu.memory_space<vmem_shared>>
      %dma_wait3A_78 = arith.constant 0 : i32
      %dma_wait3A_79 = arith.constant 0 : i32
      %dma_wait3A_80 = tpu.memref_slice %arg11[%run_scoped3A, %dma_wait3A_78, %dma_wait3A_79] : memref<2x125x128xf32, #tpu.memory_space<vmem>> -> memref<1x64x128xf32, #tpu.memory_space<vmem>>
      %dma_wait3A_81 = tpu.memref_squeeze %dma_wait3A_80 : memref<1x64x128xf32, #tpu.memory_space<vmem>> -> memref<64x128xf32, #tpu.memory_space<vmem>>
      tpu.wait_dma2 semaphore(%run_scoped3A_59 : memref<!tpu.dma_semaphore, #tpu.memory_space<semaphore_mem>>) src(%dma_wait3A_81 : memref<64x128xf32, #tpu.memory_space<vmem>>) dst(%dma_wait3A_77 : memref<64x128xf32, #tpu.memory_space<vmem_shared>>)
      tpu.yield
    }) : () -> ()
    %mul3A_7 = arith.constant 640 : i32
    %mul3A_8 = arith.muli %arg1, %mul3A_7 : i32
    %add3A_9 = arith.constant 64 : i32
    %add3A_10 = arith.addi %mul3A_8, %add3A_9 : i32
    %run_scoped3A_11 = arith.constant 0 : i32
    "tpu.region"() ({
      %run_scoped3A_59 = tpu.sem_alloc : memref<!tpu.dma_semaphore, #tpu.memory_space<semaphore_mem>>
      %dma_start3A = arith.constant 0 : i32
      %dma_start3A_60 = arith.constant 0 : i32
      %dma_start3A_61 = tpu.memref_slice %arg11[%run_scoped3A_11, %dma_start3A, %dma_start3A_60] : memref<2x125x128xf32, #tpu.memory_space<vmem>> -> memref<1x64x128xf32, #tpu.memory_space<vmem>>
      %dma_start3A_62 = tpu.memref_squeeze %dma_start3A_61 : memref<1x64x128xf32, #tpu.memory_space<vmem>> -> memref<64x128xf32, #tpu.memory_space<vmem>>
      %dma_start3A_63 = arith.constant 0 : i32
      %dma_start3A_64 = tpu.memref_slice %arg12[%add3A_10, %dma_start3A_63] : memref<10240x128xf32, #tpu.memory_space<vmem_shared>> -> memref<64x128xf32, #tpu.memory_space<vmem_shared>>
      %dma_start3A_65 = arith.constant 0 : i32
      %dma_start3A_66 = tpu.memref_slice %arg12[%add3A_10, %dma_start3A_65] : memref<10240x128xf32, #tpu.memory_space<vmem_shared>> -> memref<64x128xf32, #tpu.memory_space<vmem_shared>>
      %dma_start3A_67 = arith.constant 0 : i32
      %dma_start3A_68 = arith.constant 0 : i32
      %dma_start3A_69 = tpu.memref_slice %arg11[%run_scoped3A_11, %dma_start3A_67, %dma_start3A_68] : memref<2x125x128xf32, #tpu.memory_space<vmem>> -> memref<1x64x128xf32, #tpu.memory_space<vmem>>
      %dma_start3A_70 = tpu.memref_squeeze %dma_start3A_69 : memref<1x64x128xf32, #tpu.memory_space<vmem>> -> memref<64x128xf32, #tpu.memory_space<vmem>>
      tpu.enqueue_dma source(%dma_start3A_70 : memref<64x128xf32, #tpu.memory_space<vmem>>) target(%dma_start3A_66 : memref<64x128xf32, #tpu.memory_space<vmem_shared>>) target_semaphore(%run_scoped3A_59 : memref<!tpu.dma_semaphore, #tpu.memory_space<semaphore_mem>>)
      %dma_wait3A = arith.constant 0 : i32
      %dma_wait3A_71 = arith.constant 0 : i32
      %dma_wait3A_72 = tpu.memref_slice %arg11[%run_scoped3A_11, %dma_wait3A, %dma_wait3A_71] : memref<2x125x128xf32, #tpu.memory_space<vmem>> -> memref<1x64x128xf32, #tpu.memory_space<vmem>>
      %dma_wait3A_73 = tpu.memref_squeeze %dma_wait3A_72 : memref<1x64x128xf32, #tpu.memory_space<vmem>> -> memref<64x128xf32, #tpu.memory_space<vmem>>
      %dma_wait3A_74 = arith.constant 0 : i32
      %dma_wait3A_75 = tpu.memref_slice %arg12[%add3A_10, %dma_wait3A_74] : memref<10240x128xf32, #tpu.memory_space<vmem_shared>> -> memref<64x128xf32, #tpu.memory_space<vmem_shared>>
      %dma_wait3A_76 = arith.constant 0 : i32
      %dma_wait3A_77 = tpu.memref_slice %arg12[%add3A_10, %dma_wait3A_76] : memref<10240x128xf32, #tpu.memory_space<vmem_shared>> -> memref<64x128xf32, #tpu.memory_space<vmem_shared>>
      %dma_wait3A_78 = arith.constant 0 : i32
      %dma_wait3A_79 = arith.constant 0 : i32
      %dma_wait3A_80 = tpu.memref_slice %arg11[%run_scoped3A_11, %dma_wait3A_78, %dma_wait3A_79] : memref<2x125x128xf32, #tpu.memory_space<vmem>> -> memref<1x64x128xf32, #tpu.memory_space<vmem>>
      %dma_wait3A_81 = tpu.memref_squeeze %dma_wait3A_80 : memref<1x64x128xf32, #tpu.memory_space<vmem>> -> memref<64x128xf32, #tpu.memory_space<vmem>>
      tpu.wait_dma2 semaphore(%run_scoped3A_59 : memref<!tpu.dma_semaphore, #tpu.memory_space<semaphore_mem>>) src(%dma_wait3A_81 : memref<64x128xf32, #tpu.memory_space<vmem>>) dst(%dma_wait3A_77 : memref<64x128xf32, #tpu.memory_space<vmem_shared>>)
      tpu.yield
    }) : () -> ()
    %mul3A_12 = arith.constant 640 : i32
    %mul3A_13 = arith.muli %arg1, %mul3A_12 : i32
    %add3A_14 = arith.constant 128 : i32
    %add3A_15 = arith.addi %mul3A_13, %add3A_14 : i32
    %run_scoped3A_16 = arith.constant 0 : i32
    "tpu.region"() ({
      %run_scoped3A_59 = tpu.sem_alloc : memref<!tpu.dma_semaphore, #tpu.memory_space<semaphore_mem>>
      %dma_start3A = arith.constant 0 : i32
      %dma_start3A_60 = arith.constant 0 : i32
      %dma_start3A_61 = tpu.memref_slice %arg11[%run_scoped3A_16, %dma_start3A, %dma_start3A_60] : memref<2x125x128xf32, #tpu.memory_space<vmem>> -> memref<1x64x128xf32, #tpu.memory_space<vmem>>
      %dma_start3A_62 = tpu.memref_squeeze %dma_start3A_61 : memref<1x64x128xf32, #tpu.memory_space<vmem>> -> memref<64x128xf32, #tpu.memory_space<vmem>>
      %dma_start3A_63 = arith.constant 0 : i32
      %dma_start3A_64 = tpu.memref_slice %arg12[%add3A_15, %dma_start3A_63] : memref<10240x128xf32, #tpu.memory_space<vmem_shared>> -> memref<64x128xf32, #tpu.memory_space<vmem_shared>>
      %dma_start3A_65 = arith.constant 0 : i32
      %dma_start3A_66 = tpu.memref_slice %arg12[%add3A_15, %dma_start3A_65] : memref<10240x128xf32, #tpu.memory_space<vmem_shared>> -> memref<64x128xf32, #tpu.memory_space<vmem_shared>>
      %dma_start3A_67 = arith.constant 0 : i32
      %dma_start3A_68 = arith.constant 0 : i32
      %dma_start3A_69 = tpu.memref_slice %arg11[%run_scoped3A_16, %dma_start3A_67, %dma_start3A_68] : memref<2x125x128xf32, #tpu.memory_space<vmem>> -> memref<1x64x128xf32, #tpu.memory_space<vmem>>
      %dma_start3A_70 = tpu.memref_squeeze %dma_start3A_69 : memref<1x64x128xf32, #tpu.memory_space<vmem>> -> memref<64x128xf32, #tpu.memory_space<vmem>>
      tpu.enqueue_dma source(%dma_start3A_70 : memref<64x128xf32, #tpu.memory_space<vmem>>) target(%dma_start3A_66 : memref<64x128xf32, #tpu.memory_space<vmem_shared>>) target_semaphore(%run_scoped3A_59 : memref<!tpu.dma_semaphore, #tpu.memory_space<semaphore_mem>>)
      %dma_wait3A = arith.constant 0 : i32
      %dma_wait3A_71 = arith.constant 0 : i32
      %dma_wait3A_72 = tpu.memref_slice %arg11[%run_scoped3A_16, %dma_wait3A, %dma_wait3A_71] : memref<2x125x128xf32, #tpu.memory_space<vmem>> -> memref<1x64x128xf32, #tpu.memory_space<vmem>>
      %dma_wait3A_73 = tpu.memref_squeeze %dma_wait3A_72 : memref<1x64x128xf32, #tpu.memory_space<vmem>> -> memref<64x128xf32, #tpu.memory_space<vmem>>
      %dma_wait3A_74 = arith.constant 0 : i32
      %dma_wait3A_75 = tpu.memref_slice %arg12[%add3A_15, %dma_wait3A_74] : memref<10240x128xf32, #tpu.memory_space<vmem_shared>> -> memref<64x128xf32, #tpu.memory_space<vmem_shared>>
      %dma_wait3A_76 = arith.constant 0 : i32
      %dma_wait3A_77 = tpu.memref_slice %arg12[%add3A_15, %dma_wait3A_76] : memref<10240x128xf32, #tpu.memory_space<vmem_shared>> -> memref<64x128xf32, #tpu.memory_space<vmem_shared>>
      %dma_wait3A_78 = arith.constant 0 : i32
      %dma_wait3A_79 = arith.constant 0 : i32
      %dma_wait3A_80 = tpu.memref_slice %arg11[%run_scoped3A_16, %dma_wait3A_78, %dma_wait3A_79] : memref<2x125x128xf32, #tpu.memory_space<vmem>> -> memref<1x64x128xf32, #tpu.memory_space<vmem>>
      %dma_wait3A_81 = tpu.memref_squeeze %dma_wait3A_80 : memref<1x64x128xf32, #tpu.memory_space<vmem>> -> memref<64x128xf32, #tpu.memory_space<vmem>>
      tpu.wait_dma2 semaphore(%run_scoped3A_59 : memref<!tpu.dma_semaphore, #tpu.memory_space<semaphore_mem>>) src(%dma_wait3A_81 : memref<64x128xf32, #tpu.memory_space<vmem>>) dst(%dma_wait3A_77 : memref<64x128xf32, #tpu.memory_space<vmem_shared>>)
      tpu.yield
    }) : () -> ()
    %mul3A_17 = arith.constant 640 : i32
    %mul3A_18 = arith.muli %arg1, %mul3A_17 : i32
    %add3A_19 = arith.constant 192 : i32
    %add3A_20 = arith.addi %mul3A_18, %add3A_19 : i32
    %run_scoped3A_21 = arith.constant 0 : i32
    "tpu.region"() ({
      %run_scoped3A_59 = tpu.sem_alloc : memref<!tpu.dma_semaphore, #tpu.memory_space<semaphore_mem>>
      %dma_start3A = arith.constant 0 : i32
      %dma_start3A_60 = arith.constant 0 : i32
      %dma_start3A_61 = tpu.memref_slice %arg11[%run_scoped3A_21, %dma_start3A, %dma_start3A_60] : memref<2x125x128xf32, #tpu.memory_space<vmem>> -> memref<1x64x128xf32, #tpu.memory_space<vmem>>
      %dma_start3A_62 = tpu.memref_squeeze %dma_start3A_61 : memref<1x64x128xf32, #tpu.memory_space<vmem>> -> memref<64x128xf32, #tpu.memory_space<vmem>>
      %dma_start3A_63 = arith.constant 0 : i32
      %dma_start3A_64 = tpu.memref_slice %arg12[%add3A_20, %dma_start3A_63] : memref<10240x128xf32, #tpu.memory_space<vmem_shared>> -> memref<64x128xf32, #tpu.memory_space<vmem_shared>>
      %dma_start3A_65 = arith.constant 0 : i32
      %dma_start3A_66 = tpu.memref_slice %arg12[%add3A_20, %dma_start3A_65] : memref<10240x128xf32, #tpu.memory_space<vmem_shared>> -> memref<64x128xf32, #tpu.memory_space<vmem_shared>>
      %dma_start3A_67 = arith.constant 0 : i32
      %dma_start3A_68 = arith.constant 0 : i32
      %dma_start3A_69 = tpu.memref_slice %arg11[%run_scoped3A_21, %dma_start3A_67, %dma_start3A_68] : memref<2x125x128xf32, #tpu.memory_space<vmem>> -> memref<1x64x128xf32, #tpu.memory_space<vmem>>
      %dma_start3A_70 = tpu.memref_squeeze %dma_start3A_69 : memref<1x64x128xf32, #tpu.memory_space<vmem>> -> memref<64x128xf32, #tpu.memory_space<vmem>>
      tpu.enqueue_dma source(%dma_start3A_70 : memref<64x128xf32, #tpu.memory_space<vmem>>) target(%dma_start3A_66 : memref<64x128xf32, #tpu.memory_space<vmem_shared>>) target_semaphore(%run_scoped3A_59 : memref<!tpu.dma_semaphore, #tpu.memory_space<semaphore_mem>>)
      %dma_wait3A = arith.constant 0 : i32
      %dma_wait3A_71 = arith.constant 0 : i32
      %dma_wait3A_72 = tpu.memref_slice %arg11[%run_scoped3A_21, %dma_wait3A, %dma_wait3A_71] : memref<2x125x128xf32, #tpu.memory_space<vmem>> -> memref<1x64x128xf32, #tpu.memory_space<vmem>>
      %dma_wait3A_73 = tpu.memref_squeeze %dma_wait3A_72 : memref<1x64x128xf32, #tpu.memory_space<vmem>> -> memref<64x128xf32, #tpu.memory_space<vmem>>
      %dma_wait3A_74 = arith.constant 0 : i32
      %dma_wait3A_75 = tpu.memref_slice %arg12[%add3A_20, %dma_wait3A_74] : memref<10240x128xf32, #tpu.memory_space<vmem_shared>> -> memref<64x128xf32, #tpu.memory_space<vmem_shared>>
      %dma_wait3A_76 = arith.constant 0 : i32
      %dma_wait3A_77 = tpu.memref_slice %arg12[%add3A_20, %dma_wait3A_76] : memref<10240x128xf32, #tpu.memory_space<vmem_shared>> -> memref<64x128xf32, #tpu.memory_space<vmem_shared>>
      %dma_wait3A_78 = arith.constant 0 : i32
      %dma_wait3A_79 = arith.constant 0 : i32
      %dma_wait3A_80 = tpu.memref_slice %arg11[%run_scoped3A_21, %dma_wait3A_78, %dma_wait3A_79] : memref<2x125x128xf32, #tpu.memory_space<vmem>> -> memref<1x64x128xf32, #tpu.memory_space<vmem>>
      %dma_wait3A_81 = tpu.memref_squeeze %dma_wait3A_80 : memref<1x64x128xf32, #tpu.memory_space<vmem>> -> memref<64x128xf32, #tpu.memory_space<vmem>>
      tpu.wait_dma2 semaphore(%run_scoped3A_59 : memref<!tpu.dma_semaphore, #tpu.memory_space<semaphore_mem>>) src(%dma_wait3A_81 : memref<64x128xf32, #tpu.memory_space<vmem>>) dst(%dma_wait3A_77 : memref<64x128xf32, #tpu.memory_space<vmem_shared>>)
      tpu.yield
    }) : () -> ()
    %mul3A_22 = arith.constant 640 : i32
    %mul3A_23 = arith.muli %arg1, %mul3A_22 : i32
    %add3A_24 = arith.constant 256 : i32
    %add3A_25 = arith.addi %mul3A_23, %add3A_24 : i32
    %run_scoped3A_26 = arith.constant 0 : i32
    "tpu.region"() ({
      %run_scoped3A_59 = tpu.sem_alloc : memref<!tpu.dma_semaphore, #tpu.memory_space<semaphore_mem>>
      %dma_start3A = arith.constant 0 : i32
      %dma_start3A_60 = arith.constant 0 : i32
      %dma_start3A_61 = tpu.memref_slice %arg11[%run_scoped3A_26, %dma_start3A, %dma_start3A_60] : memref<2x125x128xf32, #tpu.memory_space<vmem>> -> memref<1x64x128xf32, #tpu.memory_space<vmem>>
      %dma_start3A_62 = tpu.memref_squeeze %dma_start3A_61 : memref<1x64x128xf32, #tpu.memory_space<vmem>> -> memref<64x128xf32, #tpu.memory_space<vmem>>
      %dma_start3A_63 = arith.constant 0 : i32
      %dma_start3A_64 = tpu.memref_slice %arg12[%add3A_25, %dma_start3A_63] : memref<10240x128xf32, #tpu.memory_space<vmem_shared>> -> memref<64x128xf32, #tpu.memory_space<vmem_shared>>
      %dma_start3A_65 = arith.constant 0 : i32
      %dma_start3A_66 = tpu.memref_slice %arg12[%add3A_25, %dma_start3A_65] : memref<10240x128xf32, #tpu.memory_space<vmem_shared>> -> memref<64x128xf32, #tpu.memory_space<vmem_shared>>
      %dma_start3A_67 = arith.constant 0 : i32
      %dma_start3A_68 = arith.constant 0 : i32
      %dma_start3A_69 = tpu.memref_slice %arg11[%run_scoped3A_26, %dma_start3A_67, %dma_start3A_68] : memref<2x125x128xf32, #tpu.memory_space<vmem>> -> memref<1x64x128xf32, #tpu.memory_space<vmem>>
      %dma_start3A_70 = tpu.memref_squeeze %dma_start3A_69 : memref<1x64x128xf32, #tpu.memory_space<vmem>> -> memref<64x128xf32, #tpu.memory_space<vmem>>
      tpu.enqueue_dma source(%dma_start3A_70 : memref<64x128xf32, #tpu.memory_space<vmem>>) target(%dma_start3A_66 : memref<64x128xf32, #tpu.memory_space<vmem_shared>>) target_semaphore(%run_scoped3A_59 : memref<!tpu.dma_semaphore, #tpu.memory_space<semaphore_mem>>)
      %dma_wait3A = arith.constant 0 : i32
      %dma_wait3A_71 = arith.constant 0 : i32
      %dma_wait3A_72 = tpu.memref_slice %arg11[%run_scoped3A_26, %dma_wait3A, %dma_wait3A_71] : memref<2x125x128xf32, #tpu.memory_space<vmem>> -> memref<1x64x128xf32, #tpu.memory_space<vmem>>
      %dma_wait3A_73 = tpu.memref_squeeze %dma_wait3A_72 : memref<1x64x128xf32, #tpu.memory_space<vmem>> -> memref<64x128xf32, #tpu.memory_space<vmem>>
      %dma_wait3A_74 = arith.constant 0 : i32
      %dma_wait3A_75 = tpu.memref_slice %arg12[%add3A_25, %dma_wait3A_74] : memref<10240x128xf32, #tpu.memory_space<vmem_shared>> -> memref<64x128xf32, #tpu.memory_space<vmem_shared>>
      %dma_wait3A_76 = arith.constant 0 : i32
      %dma_wait3A_77 = tpu.memref_slice %arg12[%add3A_25, %dma_wait3A_76] : memref<10240x128xf32, #tpu.memory_space<vmem_shared>> -> memref<64x128xf32, #tpu.memory_space<vmem_shared>>
      %dma_wait3A_78 = arith.constant 0 : i32
      %dma_wait3A_79 = arith.constant 0 : i32
      %dma_wait3A_80 = tpu.memref_slice %arg11[%run_scoped3A_26, %dma_wait3A_78, %dma_wait3A_79] : memref<2x125x128xf32, #tpu.memory_space<vmem>> -> memref<1x64x128xf32, #tpu.memory_space<vmem>>
      %dma_wait3A_81 = tpu.memref_squeeze %dma_wait3A_80 : memref<1x64x128xf32, #tpu.memory_space<vmem>> -> memref<64x128xf32, #tpu.memory_space<vmem>>
      tpu.wait_dma2 semaphore(%run_scoped3A_59 : memref<!tpu.dma_semaphore, #tpu.memory_space<semaphore_mem>>) src(%dma_wait3A_81 : memref<64x128xf32, #tpu.memory_space<vmem>>) dst(%dma_wait3A_77 : memref<64x128xf32, #tpu.memory_space<vmem_shared>>)
      tpu.yield
    }) : () -> ()
    %mul3A_27 = arith.constant 640 : i32
    %mul3A_28 = arith.muli %arg1, %mul3A_27 : i32
    %add3A_29 = arith.constant 320 : i32
    %add3A_30 = arith.addi %mul3A_28, %add3A_29 : i32
    %run_scoped3A_31 = arith.constant 0 : i32
    "tpu.region"() ({
      %run_scoped3A_59 = tpu.sem_alloc : memref<!tpu.dma_semaphore, #tpu.memory_space<semaphore_mem>>
      %dma_start3A = arith.constant 0 : i32
      %dma_start3A_60 = arith.constant 0 : i32
      %dma_start3A_61 = tpu.memref_slice %arg11[%run_scoped3A_31, %dma_start3A, %dma_start3A_60] : memref<2x125x128xf32, #tpu.memory_space<vmem>> -> memref<1x64x128xf32, #tpu.memory_space<vmem>>
      %dma_start3A_62 = tpu.memref_squeeze %dma_start3A_61 : memref<1x64x128xf32, #tpu.memory_space<vmem>> -> memref<64x128xf32, #tpu.memory_space<vmem>>
      %dma_start3A_63 = arith.constant 0 : i32
      %dma_start3A_64 = tpu.memref_slice %arg12[%add3A_30, %dma_start3A_63] : memref<10240x128xf32, #tpu.memory_space<vmem_shared>> -> memref<64x128xf32, #tpu.memory_space<vmem_shared>>
      %dma_start3A_65 = arith.constant 0 : i32
      %dma_start3A_66 = tpu.memref_slice %arg12[%add3A_30, %dma_start3A_65] : memref<10240x128xf32, #tpu.memory_space<vmem_shared>> -> memref<64x128xf32, #tpu.memory_space<vmem_shared>>
      %dma_start3A_67 = arith.constant 0 : i32
      %dma_start3A_68 = arith.constant 0 : i32
      %dma_start3A_69 = tpu.memref_slice %arg11[%run_scoped3A_31, %dma_start3A_67, %dma_start3A_68] : memref<2x125x128xf32, #tpu.memory_space<vmem>> -> memref<1x64x128xf32, #tpu.memory_space<vmem>>
      %dma_start3A_70 = tpu.memref_squeeze %dma_start3A_69 : memref<1x64x128xf32, #tpu.memory_space<vmem>> -> memref<64x128xf32, #tpu.memory_space<vmem>>
      tpu.enqueue_dma source(%dma_start3A_70 : memref<64x128xf32, #tpu.memory_space<vmem>>) target(%dma_start3A_66 : memref<64x128xf32, #tpu.memory_space<vmem_shared>>) target_semaphore(%run_scoped3A_59 : memref<!tpu.dma_semaphore, #tpu.memory_space<semaphore_mem>>)
      %dma_wait3A = arith.constant 0 : i32
      %dma_wait3A_71 = arith.constant 0 : i32
      %dma_wait3A_72 = tpu.memref_slice %arg11[%run_scoped3A_31, %dma_wait3A, %dma_wait3A_71] : memref<2x125x128xf32, #tpu.memory_space<vmem>> -> memref<1x64x128xf32, #tpu.memory_space<vmem>>
      %dma_wait3A_73 = tpu.memref_squeeze %dma_wait3A_72 : memref<1x64x128xf32, #tpu.memory_space<vmem>> -> memref<64x128xf32, #tpu.memory_space<vmem>>
      %dma_wait3A_74 = arith.constant 0 : i32
      %dma_wait3A_75 = tpu.memref_slice %arg12[%add3A_30, %dma_wait3A_74] : memref<10240x128xf32, #tpu.memory_space<vmem_shared>> -> memref<64x128xf32, #tpu.memory_space<vmem_shared>>
      %dma_wait3A_76 = arith.constant 0 : i32
      %dma_wait3A_77 = tpu.memref_slice %arg12[%add3A_30, %dma_wait3A_76] : memref<10240x128xf32, #tpu.memory_space<vmem_shared>> -> memref<64x128xf32, #tpu.memory_space<vmem_shared>>
      %dma_wait3A_78 = arith.constant 0 : i32
      %dma_wait3A_79 = arith.constant 0 : i32
      %dma_wait3A_80 = tpu.memref_slice %arg11[%run_scoped3A_31, %dma_wait3A_78, %dma_wait3A_79] : memref<2x125x128xf32, #tpu.memory_space<vmem>> -> memref<1x64x128xf32, #tpu.memory_space<vmem>>
      %dma_wait3A_81 = tpu.memref_squeeze %dma_wait3A_80 : memref<1x64x128xf32, #tpu.memory_space<vmem>> -> memref<64x128xf32, #tpu.memory_space<vmem>>
      tpu.wait_dma2 semaphore(%run_scoped3A_59 : memref<!tpu.dma_semaphore, #tpu.memory_space<semaphore_mem>>) src(%dma_wait3A_81 : memref<64x128xf32, #tpu.memory_space<vmem>>) dst(%dma_wait3A_77 : memref<64x128xf32, #tpu.memory_space<vmem_shared>>)
      tpu.yield
    }) : () -> ()
    %mul3A_32 = arith.constant 640 : i32
    %mul3A_33 = arith.muli %arg1, %mul3A_32 : i32
    %add3A_34 = arith.constant 384 : i32
    %add3A_35 = arith.addi %mul3A_33, %add3A_34 : i32
    %run_scoped3A_36 = arith.constant 0 : i32
    "tpu.region"() ({
      %run_scoped3A_59 = tpu.sem_alloc : memref<!tpu.dma_semaphore, #tpu.memory_space<semaphore_mem>>
      %dma_start3A = arith.constant 0 : i32
      %dma_start3A_60 = arith.constant 0 : i32
      %dma_start3A_61 = tpu.memref_slice %arg11[%run_scoped3A_36, %dma_start3A, %dma_start3A_60] : memref<2x125x128xf32, #tpu.memory_space<vmem>> -> memref<1x64x128xf32, #tpu.memory_space<vmem>>
      %dma_start3A_62 = tpu.memref_squeeze %dma_start3A_61 : memref<1x64x128xf32, #tpu.memory_space<vmem>> -> memref<64x128xf32, #tpu.memory_space<vmem>>
      %dma_start3A_63 = arith.constant 0 : i32
      %dma_start3A_64 = tpu.memref_slice %arg12[%add3A_35, %dma_start3A_63] : memref<10240x128xf32, #tpu.memory_space<vmem_shared>> -> memref<64x128xf32, #tpu.memory_space<vmem_shared>>
      %dma_start3A_65 = arith.constant 0 : i32
      %dma_start3A_66 = tpu.memref_slice %arg12[%add3A_35, %dma_start3A_65] : memref<10240x128xf32, #tpu.memory_space<vmem_shared>> -> memref<64x128xf32, #tpu.memory_space<vmem_shared>>
      %dma_start3A_67 = arith.constant 0 : i32
      %dma_start3A_68 = arith.constant 0 : i32
      %dma_start3A_69 = tpu.memref_slice %arg11[%run_scoped3A_36, %dma_start3A_67, %dma_start3A_68] : memref<2x125x128xf32, #tpu.memory_space<vmem>> -> memref<1x64x128xf32, #tpu.memory_space<vmem>>
      %dma_start3A_70 = tpu.memref_squeeze %dma_start3A_69 : memref<1x64x128xf32, #tpu.memory_space<vmem>> -> memref<64x128xf32, #tpu.memory_space<vmem>>
      tpu.enqueue_dma source(%dma_start3A_70 : memref<64x128xf32, #tpu.memory_space<vmem>>) target(%dma_start3A_66 : memref<64x128xf32, #tpu.memory_space<vmem_shared>>) target_semaphore(%run_scoped3A_59 : memref<!tpu.dma_semaphore, #tpu.memory_space<semaphore_mem>>)
      %dma_wait3A = arith.constant 0 : i32
      %dma_wait3A_71 = arith.constant 0 : i32
      %dma_wait3A_72 = tpu.memref_slice %arg11[%run_scoped3A_36, %dma_wait3A, %dma_wait3A_71] : memref<2x125x128xf32, #tpu.memory_space<vmem>> -> memref<1x64x128xf32, #tpu.memory_space<vmem>>
      %dma_wait3A_73 = tpu.memref_squeeze %dma_wait3A_72 : memref<1x64x128xf32, #tpu.memory_space<vmem>> -> memref<64x128xf32, #tpu.memory_space<vmem>>
      %dma_wait3A_74 = arith.constant 0 : i32
      %dma_wait3A_75 = tpu.memref_slice %arg12[%add3A_35, %dma_wait3A_74] : memref<10240x128xf32, #tpu.memory_space<vmem_shared>> -> memref<64x128xf32, #tpu.memory_space<vmem_shared>>
      %dma_wait3A_76 = arith.constant 0 : i32
      %dma_wait3A_77 = tpu.memref_slice %arg12[%add3A_35, %dma_wait3A_76] : memref<10240x128xf32, #tpu.memory_space<vmem_shared>> -> memref<64x128xf32, #tpu.memory_space<vmem_shared>>
      %dma_wait3A_78 = arith.constant 0 : i32
      %dma_wait3A_79 = arith.constant 0 : i32
      %dma_wait3A_80 = tpu.memref_slice %arg11[%run_scoped3A_36, %dma_wait3A_78, %dma_wait3A_79] : memref<2x125x128xf32, #tpu.memory_space<vmem>> -> memref<1x64x128xf32, #tpu.memory_space<vmem>>
      %dma_wait3A_81 = tpu.memref_squeeze %dma_wait3A_80 : memref<1x64x128xf32, #tpu.memory_space<vmem>> -> memref<64x128xf32, #tpu.memory_space<vmem>>
      tpu.wait_dma2 semaphore(%run_scoped3A_59 : memref<!tpu.dma_semaphore, #tpu.memory_space<semaphore_mem>>) src(%dma_wait3A_81 : memref<64x128xf32, #tpu.memory_space<vmem>>) dst(%dma_wait3A_77 : memref<64x128xf32, #tpu.memory_space<vmem_shared>>)
      tpu.yield
    }) : () -> ()
    %mul3A_37 = arith.constant 640 : i32
    %mul3A_38 = arith.muli %arg1, %mul3A_37 : i32
    %add3A_39 = arith.constant 448 : i32
    %add3A_40 = arith.addi %mul3A_38, %add3A_39 : i32
    %run_scoped3A_41 = arith.constant 0 : i32
    "tpu.region"() ({
      %run_scoped3A_59 = tpu.sem_alloc : memref<!tpu.dma_semaphore, #tpu.memory_space<semaphore_mem>>
      %dma_start3A = arith.constant 0 : i32
      %dma_start3A_60 = arith.constant 0 : i32
      %dma_start3A_61 = tpu.memref_slice %arg11[%run_scoped3A_41, %dma_start3A, %dma_start3A_60] : memref<2x125x128xf32, #tpu.memory_space<vmem>> -> memref<1x64x128xf32, #tpu.memory_space<vmem>>
      %dma_start3A_62 = tpu.memref_squeeze %dma_start3A_61 : memref<1x64x128xf32, #tpu.memory_space<vmem>> -> memref<64x128xf32, #tpu.memory_space<vmem>>
      %dma_start3A_63 = arith.constant 0 : i32
      %dma_start3A_64 = tpu.memref_slice %arg12[%add3A_40, %dma_start3A_63] : memref<10240x128xf32, #tpu.memory_space<vmem_shared>> -> memref<64x128xf32, #tpu.memory_space<vmem_shared>>
      %dma_start3A_65 = arith.constant 0 : i32
      %dma_start3A_66 = tpu.memref_slice %arg12[%add3A_40, %dma_start3A_65] : memref<10240x128xf32, #tpu.memory_space<vmem_shared>> -> memref<64x128xf32, #tpu.memory_space<vmem_shared>>
      %dma_start3A_67 = arith.constant 0 : i32
      %dma_start3A_68 = arith.constant 0 : i32
      %dma_start3A_69 = tpu.memref_slice %arg11[%run_scoped3A_41, %dma_start3A_67, %dma_start3A_68] : memref<2x125x128xf32, #tpu.memory_space<vmem>> -> memref<1x64x128xf32, #tpu.memory_space<vmem>>
      %dma_start3A_70 = tpu.memref_squeeze %dma_start3A_69 : memref<1x64x128xf32, #tpu.memory_space<vmem>> -> memref<64x128xf32, #tpu.memory_space<vmem>>
      tpu.enqueue_dma source(%dma_start3A_70 : memref<64x128xf32, #tpu.memory_space<vmem>>) target(%dma_start3A_66 : memref<64x128xf32, #tpu.memory_space<vmem_shared>>) target_semaphore(%run_scoped3A_59 : memref<!tpu.dma_semaphore, #tpu.memory_space<semaphore_mem>>)
      %dma_wait3A = arith.constant 0 : i32
      %dma_wait3A_71 = arith.constant 0 : i32
      %dma_wait3A_72 = tpu.memref_slice %arg11[%run_scoped3A_41, %dma_wait3A, %dma_wait3A_71] : memref<2x125x128xf32, #tpu.memory_space<vmem>> -> memref<1x64x128xf32, #tpu.memory_space<vmem>>
      %dma_wait3A_73 = tpu.memref_squeeze %dma_wait3A_72 : memref<1x64x128xf32, #tpu.memory_space<vmem>> -> memref<64x128xf32, #tpu.memory_space<vmem>>
      %dma_wait3A_74 = arith.constant 0 : i32
      %dma_wait3A_75 = tpu.memref_slice %arg12[%add3A_40, %dma_wait3A_74] : memref<10240x128xf32, #tpu.memory_space<vmem_shared>> -> memref<64x128xf32, #tpu.memory_space<vmem_shared>>
      %dma_wait3A_76 = arith.constant 0 : i32
      %dma_wait3A_77 = tpu.memref_slice %arg12[%add3A_40, %dma_wait3A_76] : memref<10240x128xf32, #tpu.memory_space<vmem_shared>> -> memref<64x128xf32, #tpu.memory_space<vmem_shared>>
      %dma_wait3A_78 = arith.constant 0 : i32
      %dma_wait3A_79 = arith.constant 0 : i32
      %dma_wait3A_80 = tpu.memref_slice %arg11[%run_scoped3A_41, %dma_wait3A_78, %dma_wait3A_79] : memref<2x125x128xf32, #tpu.memory_space<vmem>> -> memref<1x64x128xf32, #tpu.memory_space<vmem>>
      %dma_wait3A_81 = tpu.memref_squeeze %dma_wait3A_80 : memref<1x64x128xf32, #tpu.memory_space<vmem>> -> memref<64x128xf32, #tpu.memory_space<vmem>>
      tpu.wait_dma2 semaphore(%run_scoped3A_59 : memref<!tpu.dma_semaphore, #tpu.memory_space<semaphore_mem>>) src(%dma_wait3A_81 : memref<64x128xf32, #tpu.memory_space<vmem>>) dst(%dma_wait3A_77 : memref<64x128xf32, #tpu.memory_space<vmem_shared>>)
      tpu.yield
    }) : () -> ()
    %mul3A_42 = arith.constant 640 : i32
    %mul3A_43 = arith.muli %arg1, %mul3A_42 : i32
    %add3A_44 = arith.constant 512 : i32
    %add3A_45 = arith.addi %mul3A_43, %add3A_44 : i32
    %run_scoped3A_46 = arith.constant 0 : i32
    "tpu.region"() ({
      %run_scoped3A_59 = tpu.sem_alloc : memref<!tpu.dma_semaphore, #tpu.memory_space<semaphore_mem>>
      %dma_start3A = arith.constant 0 : i32
      %dma_start3A_60 = arith.constant 0 : i32
      %dma_start3A_61 = tpu.memref_slice %arg11[%run_scoped3A_46, %dma_start3A, %dma_start3A_60] : memref<2x125x128xf32, #tpu.memory_space<vmem>> -> memref<1x64x128xf32, #tpu.memory_space<vmem>>
      %dma_start3A_62 = tpu.memref_squeeze %dma_start3A_61 : memref<1x64x128xf32, #tpu.memory_space<vmem>> -> memref<64x128xf32, #tpu.memory_space<vmem>>
      %dma_start3A_63 = arith.constant 0 : i32
      %dma_start3A_64 = tpu.memref_slice %arg12[%add3A_45, %dma_start3A_63] : memref<10240x128xf32, #tpu.memory_space<vmem_shared>> -> memref<64x128xf32, #tpu.memory_space<vmem_shared>>
      %dma_start3A_65 = arith.constant 0 : i32
      %dma_start3A_66 = tpu.memref_slice %arg12[%add3A_45, %dma_start3A_65] : memref<10240x128xf32, #tpu.memory_space<vmem_shared>> -> memref<64x128xf32, #tpu.memory_space<vmem_shared>>
      %dma_start3A_67 = arith.constant 0 : i32
      %dma_start3A_68 = arith.constant 0 : i32
      %dma_start3A_69 = tpu.memref_slice %arg11[%run_scoped3A_46, %dma_start3A_67, %dma_start3A_68] : memref<2x125x128xf32, #tpu.memory_space<vmem>> -> memref<1x64x128xf32, #tpu.memory_space<vmem>>
      %dma_start3A_70 = tpu.memref_squeeze %dma_start3A_69 : memref<1x64x128xf32, #tpu.memory_space<vmem>> -> memref<64x128xf32, #tpu.memory_space<vmem>>
      tpu.enqueue_dma source(%dma_start3A_70 : memref<64x128xf32, #tpu.memory_space<vmem>>) target(%dma_start3A_66 : memref<64x128xf32, #tpu.memory_space<vmem_shared>>) target_semaphore(%run_scoped3A_59 : memref<!tpu.dma_semaphore, #tpu.memory_space<semaphore_mem>>)
      %dma_wait3A = arith.constant 0 : i32
      %dma_wait3A_71 = arith.constant 0 : i32
      %dma_wait3A_72 = tpu.memref_slice %arg11[%run_scoped3A_46, %dma_wait3A, %dma_wait3A_71] : memref<2x125x128xf32, #tpu.memory_space<vmem>> -> memref<1x64x128xf32, #tpu.memory_space<vmem>>
      %dma_wait3A_73 = tpu.memref_squeeze %dma_wait3A_72 : memref<1x64x128xf32, #tpu.memory_space<vmem>> -> memref<64x128xf32, #tpu.memory_space<vmem>>
      %dma_wait3A_74 = arith.constant 0 : i32
      %dma_wait3A_75 = tpu.memref_slice %arg12[%add3A_45, %dma_wait3A_74] : memref<10240x128xf32, #tpu.memory_space<vmem_shared>> -> memref<64x128xf32, #tpu.memory_space<vmem_shared>>
      %dma_wait3A_76 = arith.constant 0 : i32
      %dma_wait3A_77 = tpu.memref_slice %arg12[%add3A_45, %dma_wait3A_76] : memref<10240x128xf32, #tpu.memory_space<vmem_shared>> -> memref<64x128xf32, #tpu.memory_space<vmem_shared>>
      %dma_wait3A_78 = arith.constant 0 : i32
      %dma_wait3A_79 = arith.constant 0 : i32
      %dma_wait3A_80 = tpu.memref_slice %arg11[%run_scoped3A_46, %dma_wait3A_78, %dma_wait3A_79] : memref<2x125x128xf32, #tpu.memory_space<vmem>> -> memref<1x64x128xf32, #tpu.memory_space<vmem>>
      %dma_wait3A_81 = tpu.memref_squeeze %dma_wait3A_80 : memref<1x64x128xf32, #tpu.memory_space<vmem>> -> memref<64x128xf32, #tpu.memory_space<vmem>>
      tpu.wait_dma2 semaphore(%run_scoped3A_59 : memref<!tpu.dma_semaphore, #tpu.memory_space<semaphore_mem>>) src(%dma_wait3A_81 : memref<64x128xf32, #tpu.memory_space<vmem>>) dst(%dma_wait3A_77 : memref<64x128xf32, #tpu.memory_space<vmem_shared>>)
      tpu.yield
    }) : () -> ()
    %mul3A_47 = arith.constant 640 : i32
    %mul3A_48 = arith.muli %arg1, %mul3A_47 : i32
    %add3A_49 = arith.constant 576 : i32
    %add3A_50 = arith.addi %mul3A_48, %add3A_49 : i32
    %run_scoped3A_51 = arith.constant 0 : i32
    "tpu.region"() ({
      %run_scoped3A_59 = tpu.sem_alloc : memref<!tpu.dma_semaphore, #tpu.memory_space<semaphore_mem>>
      %dma_start3A = arith.constant 0 : i32
      %dma_start3A_60 = arith.constant 0 : i32
      %dma_start3A_61 = tpu.memref_slice %arg11[%run_scoped3A_51, %dma_start3A, %dma_start3A_60] : memref<2x125x128xf32, #tpu.memory_space<vmem>> -> memref<1x64x128xf32, #tpu.memory_space<vmem>>
      %dma_start3A_62 = tpu.memref_squeeze %dma_start3A_61 : memref<1x64x128xf32, #tpu.memory_space<vmem>> -> memref<64x128xf32, #tpu.memory_space<vmem>>
      %dma_start3A_63 = arith.constant 0 : i32
      %dma_start3A_64 = tpu.memref_slice %arg12[%add3A_50, %dma_start3A_63] : memref<10240x128xf32, #tpu.memory_space<vmem_shared>> -> memref<64x128xf32, #tpu.memory_space<vmem_shared>>
      %dma_start3A_65 = arith.constant 0 : i32
      %dma_start3A_66 = tpu.memref_slice %arg12[%add3A_50, %dma_start3A_65] : memref<10240x128xf32, #tpu.memory_space<vmem_shared>> -> memref<64x128xf32, #tpu.memory_space<vmem_shared>>
      %dma_start3A_67 = arith.constant 0 : i32
      %dma_start3A_68 = arith.constant 0 : i32
      %dma_start3A_69 = tpu.memref_slice %arg11[%run_scoped3A_51, %dma_start3A_67, %dma_start3A_68] : memref<2x125x128xf32, #tpu.memory_space<vmem>> -> memref<1x64x128xf32, #tpu.memory_space<vmem>>
      %dma_start3A_70 = tpu.memref_squeeze %dma_start3A_69 : memref<1x64x128xf32, #tpu.memory_space<vmem>> -> memref<64x128xf32, #tpu.memory_space<vmem>>
      tpu.enqueue_dma source(%dma_start3A_70 : memref<64x128xf32, #tpu.memory_space<vmem>>) target(%dma_start3A_66 : memref<64x128xf32, #tpu.memory_space<vmem_shared>>) target_semaphore(%run_scoped3A_59 : memref<!tpu.dma_semaphore, #tpu.memory_space<semaphore_mem>>)
      %dma_wait3A = arith.constant 0 : i32
      %dma_wait3A_71 = arith.constant 0 : i32
      %dma_wait3A_72 = tpu.memref_slice %arg11[%run_scoped3A_51, %dma_wait3A, %dma_wait3A_71] : memref<2x125x128xf32, #tpu.memory_space<vmem>> -> memref<1x64x128xf32, #tpu.memory_space<vmem>>
      %dma_wait3A_73 = tpu.memref_squeeze %dma_wait3A_72 : memref<1x64x128xf32, #tpu.memory_space<vmem>> -> memref<64x128xf32, #tpu.memory_space<vmem>>
      %dma_wait3A_74 = arith.constant 0 : i32
      %dma_wait3A_75 = tpu.memref_slice %arg12[%add3A_50, %dma_wait3A_74] : memref<10240x128xf32, #tpu.memory_space<vmem_shared>> -> memref<64x128xf32, #tpu.memory_space<vmem_shared>>
      %dma_wait3A_76 = arith.constant 0 : i32
      %dma_wait3A_77 = tpu.memref_slice %arg12[%add3A_50, %dma_wait3A_76] : memref<10240x128xf32, #tpu.memory_space<vmem_shared>> -> memref<64x128xf32, #tpu.memory_space<vmem_shared>>
      %dma_wait3A_78 = arith.constant 0 : i32
      %dma_wait3A_79 = arith.constant 0 : i32
      %dma_wait3A_80 = tpu.memref_slice %arg11[%run_scoped3A_51, %dma_wait3A_78, %dma_wait3A_79] : memref<2x125x128xf32, #tpu.memory_space<vmem>> -> memref<1x64x128xf32, #tpu.memory_space<vmem>>
      %dma_wait3A_81 = tpu.memref_squeeze %dma_wait3A_80 : memref<1x64x128xf32, #tpu.memory_space<vmem>> -> memref<64x128xf32, #tpu.memory_space<vmem>>
      tpu.wait_dma2 semaphore(%run_scoped3A_59 : memref<!tpu.dma_semaphore, #tpu.memory_space<semaphore_mem>>) src(%dma_wait3A_81 : memref<64x128xf32, #tpu.memory_space<vmem>>) dst(%dma_wait3A_77 : memref<64x128xf32, #tpu.memory_space<vmem_shared>>)
      tpu.yield
    }) : () -> ()
    %barrier3A = arith.constant 0 : index
    tpu.barrier barrier_id(%barrier3A)
    %eq3A = arith.constant 0 : i32
    %eq3A_52 = arith.cmpi eq, %arg0, %eq3A : i32
    %convert_element_type3A = arith.extui %eq3A_52 : i1 to i32
    %cond3A = arith.constant 0 : i32
    %cond3A_53 = arith.cmpi ne, %convert_element_type3A, %cond3A : i32
    scf.if %cond3A_53 {
      %run_scoped3A_59 = arith.constant 0 : i32
      "tpu.region"() ({
        %run_scoped3A_135 = tpu.sem_alloc : memref<!tpu.dma_semaphore, #tpu.memory_space<semaphore_mem>>
        %dma_start3A_136 = arith.constant 0 : i32
        %dma_start3A_137 = arith.constant 0 : i32
        %dma_start3A_138 = tpu.memref_slice %arg3[%arg1, %run_scoped3A_59, %dma_start3A_136, %dma_start3A_137] : memref<16x16x5x125xi32, #tpu.memory_space<hbm>> -> memref<1x1x5x125xi32, #tpu.memory_space<hbm>>
        %dma_start3A_139 = tpu.memref_squeeze %dma_start3A_138 : memref<1x1x5x125xi32, #tpu.memory_space<hbm>> -> memref<5x125xi32, #tpu.memory_space<hbm>>
        %dma_start3A_140 = arith.constant 0 : i32
        %dma_start3A_141 = arith.constant 0 : i32
        %dma_start3A_142 = tpu.memref_slice %arg3[%arg1, %run_scoped3A_59, %dma_start3A_140, %dma_start3A_141] : memref<16x16x5x125xi32, #tpu.memory_space<hbm>> -> memref<1x1x5x125xi32, #tpu.memory_space<hbm>>
        %dma_start3A_143 = tpu.memref_squeeze %dma_start3A_142 : memref<1x1x5x125xi32, #tpu.memory_space<hbm>> -> memref<5x125xi32, #tpu.memory_space<hbm>>
        tpu.enqueue_dma source(%dma_start3A_143 : memref<5x125xi32, #tpu.memory_space<hbm>>) target(%arg7 : memref<5x125xi32, #tpu.memory_space<vmem>>) target_semaphore(%run_scoped3A_135 : memref<!tpu.dma_semaphore, #tpu.memory_space<semaphore_mem>>)
        %dma_wait3A_144 = arith.constant 0 : i32
        %dma_wait3A_145 = arith.constant 0 : i32
        %dma_wait3A_146 = tpu.memref_slice %arg3[%arg1, %run_scoped3A_59, %dma_wait3A_144, %dma_wait3A_145] : memref<16x16x5x125xi32, #tpu.memory_space<hbm>> -> memref<1x1x5x125xi32, #tpu.memory_space<hbm>>
        %dma_wait3A_147 = tpu.memref_squeeze %dma_wait3A_146 : memref<1x1x5x125xi32, #tpu.memory_space<hbm>> -> memref<5x125xi32, #tpu.memory_space<hbm>>
        %dma_wait3A_148 = arith.constant 0 : i32
        %dma_wait3A_149 = arith.constant 0 : i32
        %dma_wait3A_150 = tpu.memref_slice %arg3[%arg1, %run_scoped3A_59, %dma_wait3A_148, %dma_wait3A_149] : memref<16x16x5x125xi32, #tpu.memory_space<hbm>> -> memref<1x1x5x125xi32, #tpu.memory_space<hbm>>
        %dma_wait3A_151 = tpu.memref_squeeze %dma_wait3A_150 : memref<1x1x5x125xi32, #tpu.memory_space<hbm>> -> memref<5x125xi32, #tpu.memory_space<hbm>>
        tpu.wait_dma2 semaphore(%run_scoped3A_135 : memref<!tpu.dma_semaphore, #tpu.memory_space<semaphore_mem>>) src(%dma_wait3A_151 : memref<5x125xi32, #tpu.memory_space<hbm>>) dst(%arg7 : memref<5x125xi32, #tpu.memory_space<vmem>>)
        tpu.yield
      }) : () -> ()
      %run_scoped3A_60 = arith.constant 0 : i32
      "tpu.region"() ({
        %run_scoped3A_135 = tpu.sem_alloc : memref<!tpu.dma_semaphore, #tpu.memory_space<semaphore_mem>>
        %dma_start3A_136 = arith.constant 0 : i32
        %dma_start3A_137 = arith.constant 0 : i32
        %dma_start3A_138 = tpu.memref_slice %arg4[%arg1, %run_scoped3A_60, %dma_start3A_136, %dma_start3A_137] : memref<16x16x5x125xi32, #tpu.memory_space<hbm>> -> memref<1x1x5x125xi32, #tpu.memory_space<hbm>>
        %dma_start3A_139 = tpu.memref_squeeze %dma_start3A_138 : memref<1x1x5x125xi32, #tpu.memory_space<hbm>> -> memref<5x125xi32, #tpu.memory_space<hbm>>
        %dma_start3A_140 = arith.constant 0 : i32
        %dma_start3A_141 = arith.constant 0 : i32
        %dma_start3A_142 = tpu.memref_slice %arg4[%arg1, %run_scoped3A_60, %dma_start3A_140, %dma_start3A_141] : memref<16x16x5x125xi32, #tpu.memory_space<hbm>> -> memref<1x1x5x125xi32, #tpu.memory_space<hbm>>
        %dma_start3A_143 = tpu.memref_squeeze %dma_start3A_142 : memref<1x1x5x125xi32, #tpu.memory_space<hbm>> -> memref<5x125xi32, #tpu.memory_space<hbm>>
        tpu.enqueue_dma source(%dma_start3A_143 : memref<5x125xi32, #tpu.memory_space<hbm>>) target(%arg9 : memref<5x125xi32, #tpu.memory_space<vmem>>) target_semaphore(%run_scoped3A_135 : memref<!tpu.dma_semaphore, #tpu.memory_space<semaphore_mem>>)
        %dma_wait3A_144 = arith.constant 0 : i32
        %dma_wait3A_145 = arith.constant 0 : i32
        %dma_wait3A_146 = tpu.memref_slice %arg4[%arg1, %run_scoped3A_60, %dma_wait3A_144, %dma_wait3A_145] : memref<16x16x5x125xi32, #tpu.memory_space<hbm>> -> memref<1x1x5x125xi32, #tpu.memory_space<hbm>>
        %dma_wait3A_147 = tpu.memref_squeeze %dma_wait3A_146 : memref<1x1x5x125xi32, #tpu.memory_space<hbm>> -> memref<5x125xi32, #tpu.memory_space<hbm>>
        %dma_wait3A_148 = arith.constant 0 : i32
        %dma_wait3A_149 = arith.constant 0 : i32
        %dma_wait3A_150 = tpu.memref_slice %arg4[%arg1, %run_scoped3A_60, %dma_wait3A_148, %dma_wait3A_149] : memref<16x16x5x125xi32, #tpu.memory_space<hbm>> -> memref<1x1x5x125xi32, #tpu.memory_space<hbm>>
        %dma_wait3A_151 = tpu.memref_squeeze %dma_wait3A_150 : memref<1x1x5x125xi32, #tpu.memory_space<hbm>> -> memref<5x125xi32, #tpu.memory_space<hbm>>
        tpu.wait_dma2 semaphore(%run_scoped3A_135 : memref<!tpu.dma_semaphore, #tpu.memory_space<semaphore_mem>>) src(%dma_wait3A_151 : memref<5x125xi32, #tpu.memory_space<hbm>>) dst(%arg9 : memref<5x125xi32, #tpu.memory_space<vmem>>)
        tpu.yield
      }) : () -> ()
      %dma_start3A = arith.constant 0 : i32
      %dma_start3A_61 = arith.constant 0 : i32
      %dma_start3A_62 = arith.constant 0 : i32
      %dma_start3A_63 = arith.constant 0 : i32
      %dma_start3A_64 = arith.constant 0 : i32
      %dma_start3A_65 = tpu.memref_slice %arg11[%dma_start3A_62, %dma_start3A_63, %dma_start3A_64] : memref<2x125x128xf32, #tpu.memory_space<vmem>> -> memref<1x125x128xf32, #tpu.memory_space<vmem>>
      %dma_start3A_66 = tpu.memref_squeeze %dma_start3A_65 : memref<1x125x128xf32, #tpu.memory_space<vmem>> -> memref<125x128xf32, #tpu.memory_space<vmem>>
      %dma_start3A_67 = arith.constant 0 : i32
      %dma_start3A_68 = tpu.memref_slice %arg7[%dma_start3A_61, %dma_start3A_67] : memref<5x125xi32, #tpu.memory_space<vmem>> -> memref<1x125xi32, #tpu.memory_space<vmem>>
      %dma_start3A_69 = tpu.memref_squeeze %dma_start3A_68 : memref<1x125xi32, #tpu.memory_space<vmem>> -> memref<125xi32, #tpu.memory_space<vmem>>
      %dma_start3A_70 = arith.constant 0 : i32
      %dma_start3A_71 = arith.constant 0 : i32
      %dma_start3A_72 = tpu.memref_slice %arg2[%dma_start3A, %dma_start3A_70, %dma_start3A_71] : memref<2x10000x128xf32, #tpu.memory_space<hbm>> -> memref<1x10000x128xf32, #tpu.memory_space<hbm>>
      %dma_start3A_73 = tpu.memref_squeeze %dma_start3A_72 : memref<1x10000x128xf32, #tpu.memory_space<hbm>> -> memref<10000x128xf32, #tpu.memory_space<hbm>>
      %dma_start3A_74 = arith.constant 0 : i32
      %dma_start3A_75 = arith.constant 0 : i32
      %dma_start3A_76 = tpu.memref_slice %dma_start3A_73[%dma_start3A_74, %dma_start3A_75] : memref<10000x128xf32, #tpu.memory_space<hbm>> -> memref<10000x128xf32, #tpu.memory_space<hbm>>
      tpu.enqueue_indirect_dma source(%dma_start3A_76 : memref<10000x128xf32, #tpu.memory_space<hbm>>) target(%dma_start3A_66 : memref<125x128xf32, #tpu.memory_space<vmem>>) offsets(%dma_start3A_69 : memref<125xi32, #tpu.memory_space<vmem>>) semaphore(%arg13 : memref<!tpu.dma_semaphore, #tpu.memory_space<semaphore_mem>>)
      %scan3A_77 = arith.constant 0 : i32
      %scan3A_78 = arith.constant 0 : i32
      %scan3A_79 = arith.constant 8 : i32
      %scan3A_80 = arith.addi %scan3A_78, %scan3A_79 : i32
      %scan3A_81 = arith.constant 1 : i32
      scf.for %scan3A_135 = %scan3A_78 to %scan3A_80 step %scan3A_81  : i32 {
        %mul3A_136 = arith.constant 1 : i32
        %mul3A_137 = arith.muli %scan3A_135, %mul3A_136 : i32
        %add3A_138 = arith.constant 0 : i32
        %add3A_139 = arith.addi %add3A_138, %mul3A_137 : i32
        %gt3A = arith.constant 0 : i32
        %gt3A_140 = arith.cmpi sgt, %add3A_139, %gt3A : i32
        %convert_element_type3A_141 = arith.extui %gt3A_140 : i1 to i32
        %cond3A_142 = arith.constant 1 : i32
        %cond3A_143 = arith.constant 0 : i32
        %cond3A_144 = arith.constant 0 : i32
        %cond3A_145 = arith.cmpi ne, %convert_element_type3A_141, %cond3A_144 : i32
        scf.if %cond3A_145 {
          %dma_wait3A_700 = arith.constant 0 : i32
          %dma_wait3A_701 = arith.constant 0 : i32
          %dma_wait3A_702 = tpu.memref_slice %arg11[%cond3A_142, %dma_wait3A_700, %dma_wait3A_701] : memref<2x125x128xf32, #tpu.memory_space<vmem>> -> memref<1x125x128xf32, #tpu.memory_space<vmem>>
          %dma_wait3A_703 = tpu.memref_squeeze %dma_wait3A_702 : memref<1x125x128xf32, #tpu.memory_space<vmem>> -> memref<125x128xf32, #tpu.memory_space<vmem>>
          %dma_wait3A_704 = arith.constant 0 : i32
          %dma_wait3A_705 = tpu.memref_slice %arg9[%cond3A_143, %dma_wait3A_704] : memref<5x125xi32, #tpu.memory_space<vmem>> -> memref<1x125xi32, #tpu.memory_space<vmem>>
          %dma_wait3A_706 = tpu.memref_squeeze %dma_wait3A_705 : memref<1x125xi32, #tpu.memory_space<vmem>> -> memref<125xi32, #tpu.memory_space<vmem>>
          %dma_wait3A_707 = arith.constant 0 : i32
          %dma_wait3A_708 = arith.constant 0 : i32
          %dma_wait3A_709 = tpu.memref_slice %arg12[%dma_wait3A_707, %dma_wait3A_708] : memref<10240x128xf32, #tpu.memory_space<vmem_shared>> -> memref<10240x128xf32, #tpu.memory_space<vmem_shared>>
          tpu.wait_indirect_dma semaphore(%arg16 : memref<!tpu.dma_semaphore, #tpu.memory_space<semaphore_mem>>) src(%dma_wait3A_703 : memref<125x128xf32, #tpu.memory_space<vmem>>) dst(%dma_wait3A_709 : memref<10240x128xf32, #tpu.memory_space<vmem_shared>>)
        } else {
        }
        %mul3A_146 = arith.constant 2 : i32
        %mul3A_147 = arith.muli %mul3A_146, %add3A_139 : i32
        %add3A_148 = arith.constant 1 : i32
        %add3A_149 = arith.addi %mul3A_147, %add3A_148 : i32
        "tpu.region"() ({
          %run_scoped3A_700 = tpu.sem_alloc : memref<!tpu.dma_semaphore, #tpu.memory_space<semaphore_mem>>
          %dma_start3A_701 = arith.constant 0 : i32
          %dma_start3A_702 = arith.constant 0 : i32
          %dma_start3A_703 = tpu.memref_slice %arg3[%arg1, %add3A_149, %dma_start3A_701, %dma_start3A_702] : memref<16x16x5x125xi32, #tpu.memory_space<hbm>> -> memref<1x1x5x125xi32, #tpu.memory_space<hbm>>
          %dma_start3A_704 = tpu.memref_squeeze %dma_start3A_703 : memref<1x1x5x125xi32, #tpu.memory_space<hbm>> -> memref<5x125xi32, #tpu.memory_space<hbm>>
          %dma_start3A_705 = arith.constant 0 : i32
          %dma_start3A_706 = arith.constant 0 : i32
          %dma_start3A_707 = tpu.memref_slice %arg3[%arg1, %add3A_149, %dma_start3A_705, %dma_start3A_706] : memref<16x16x5x125xi32, #tpu.memory_space<hbm>> -> memref<1x1x5x125xi32, #tpu.memory_space<hbm>>
          %dma_start3A_708 = tpu.memref_squeeze %dma_start3A_707 : memref<1x1x5x125xi32, #tpu.memory_space<hbm>> -> memref<5x125xi32, #tpu.memory_space<hbm>>
          tpu.enqueue_dma source(%dma_start3A_708 : memref<5x125xi32, #tpu.memory_space<hbm>>) target(%arg8 : memref<5x125xi32, #tpu.memory_space<vmem>>) target_semaphore(%run_scoped3A_700 : memref<!tpu.dma_semaphore, #tpu.memory_space<semaphore_mem>>)
          %dma_wait3A_709 = arith.constant 0 : i32
          %dma_wait3A_710 = arith.constant 0 : i32
          %dma_wait3A_711 = tpu.memref_slice %arg3[%arg1, %add3A_149, %dma_wait3A_709, %dma_wait3A_710] : memref<16x16x5x125xi32, #tpu.memory_space<hbm>> -> memref<1x1x5x125xi32, #tpu.memory_space<hbm>>
          %dma_wait3A_712 = tpu.memref_squeeze %dma_wait3A_711 : memref<1x1x5x125xi32, #tpu.memory_space<hbm>> -> memref<5x125xi32, #tpu.memory_space<hbm>>
          %dma_wait3A_713 = arith.constant 0 : i32
          %dma_wait3A_714 = arith.constant 0 : i32
          %dma_wait3A_715 = tpu.memref_slice %arg3[%arg1, %add3A_149, %dma_wait3A_713, %dma_wait3A_714] : memref<16x16x5x125xi32, #tpu.memory_space<hbm>> -> memref<1x1x5x125xi32, #tpu.memory_space<hbm>>
          %dma_wait3A_716 = tpu.memref_squeeze %dma_wait3A_715 : memref<1x1x5x125xi32, #tpu.memory_space<hbm>> -> memref<5x125xi32, #tpu.memory_space<hbm>>
          tpu.wait_dma2 semaphore(%run_scoped3A_700 : memref<!tpu.dma_semaphore, #tpu.memory_space<semaphore_mem>>) src(%dma_wait3A_716 : memref<5x125xi32, #tpu.memory_space<hbm>>) dst(%arg8 : memref<5x125xi32, #tpu.memory_space<vmem>>)
          tpu.yield
        }) : () -> ()
        %mul3A_150 = arith.constant 2 : i32
        %mul3A_151 = arith.muli %mul3A_150, %add3A_139 : i32
        %add3A_152 = arith.constant 1 : i32
        %add3A_153 = arith.addi %mul3A_151, %add3A_152 : i32
        "tpu.region"() ({
          %run_scoped3A_700 = tpu.sem_alloc : memref<!tpu.dma_semaphore, #tpu.memory_space<semaphore_mem>>
          %dma_start3A_701 = arith.constant 0 : i32
          %dma_start3A_702 = arith.constant 0 : i32
          %dma_start3A_703 = tpu.memref_slice %arg4[%arg1, %add3A_153, %dma_start3A_701, %dma_start3A_702] : memref<16x16x5x125xi32, #tpu.memory_space<hbm>> -> memref<1x1x5x125xi32, #tpu.memory_space<hbm>>
          %dma_start3A_704 = tpu.memref_squeeze %dma_start3A_703 : memref<1x1x5x125xi32, #tpu.memory_space<hbm>> -> memref<5x125xi32, #tpu.memory_space<hbm>>
          %dma_start3A_705 = arith.constant 0 : i32
          %dma_start3A_706 = arith.constant 0 : i32
          %dma_start3A_707 = tpu.memref_slice %arg4[%arg1, %add3A_153, %dma_start3A_705, %dma_start3A_706] : memref<16x16x5x125xi32, #tpu.memory_space<hbm>> -> memref<1x1x5x125xi32, #tpu.memory_space<hbm>>
          %dma_start3A_708 = tpu.memref_squeeze %dma_start3A_707 : memref<1x1x5x125xi32, #tpu.memory_space<hbm>> -> memref<5x125xi32, #tpu.memory_space<hbm>>
          tpu.enqueue_dma source(%dma_start3A_708 : memref<5x125xi32, #tpu.memory_space<hbm>>) target(%arg10 : memref<5x125xi32, #tpu.memory_space<vmem>>) target_semaphore(%run_scoped3A_700 : memref<!tpu.dma_semaphore, #tpu.memory_space<semaphore_mem>>)
          %dma_wait3A_709 = arith.constant 0 : i32
          %dma_wait3A_710 = arith.constant 0 : i32
          %dma_wait3A_711 = tpu.memref_slice %arg4[%arg1, %add3A_153, %dma_wait3A_709, %dma_wait3A_710] : memref<16x16x5x125xi32, #tpu.memory_space<hbm>> -> memref<1x1x5x125xi32, #tpu.memory_space<hbm>>
          %dma_wait3A_712 = tpu.memref_squeeze %dma_wait3A_711 : memref<1x1x5x125xi32, #tpu.memory_space<hbm>> -> memref<5x125xi32, #tpu.memory_space<hbm>>
          %dma_wait3A_713 = arith.constant 0 : i32
          %dma_wait3A_714 = arith.constant 0 : i32
          %dma_wait3A_715 = tpu.memref_slice %arg4[%arg1, %add3A_153, %dma_wait3A_713, %dma_wait3A_714] : memref<16x16x5x125xi32, #tpu.memory_space<hbm>> -> memref<1x1x5x125xi32, #tpu.memory_space<hbm>>
          %dma_wait3A_716 = tpu.memref_squeeze %dma_wait3A_715 : memref<1x1x5x125xi32, #tpu.memory_space<hbm>> -> memref<5x125xi32, #tpu.memory_space<hbm>>
          tpu.wait_dma2 semaphore(%run_scoped3A_700 : memref<!tpu.dma_semaphore, #tpu.memory_space<semaphore_mem>>) src(%dma_wait3A_716 : memref<5x125xi32, #tpu.memory_space<hbm>>) dst(%arg10 : memref<5x125xi32, #tpu.memory_space<vmem>>)
          tpu.yield
        }) : () -> ()
        %dma_start3A_154 = arith.constant 1 : i32
        %dma_start3A_155 = arith.constant 1 : i32
        %dma_start3A_156 = arith.constant 0 : i32
        %dma_start3A_157 = arith.constant 0 : i32
        %dma_start3A_158 = tpu.memref_slice %arg11[%dma_start3A_155, %dma_start3A_156, %dma_start3A_157] : memref<2x125x128xf32, #tpu.memory_space<vmem>> -> memref<1x125x128xf32, #tpu.memory_space<vmem>>
        %dma_start3A_159 = tpu.memref_squeeze %dma_start3A_158 : memref<1x125x128xf32, #tpu.memory_space<vmem>> -> memref<125x128xf32, #tpu.memory_space<vmem>>
        %dma_start3A_160 = arith.constant 0 : i32
        %dma_start3A_161 = tpu.memref_slice %arg7[%dma_start3A_154, %dma_start3A_160] : memref<5x125xi32, #tpu.memory_space<vmem>> -> memref<1x125xi32, #tpu.memory_space<vmem>>
        %dma_start3A_162 = tpu.memref_squeeze %dma_start3A_161 : memref<1x125xi32, #tpu.memory_space<vmem>> -> memref<125xi32, #tpu.memory_space<vmem>>
        %dma_start3A_163 = arith.constant 0 : i32
        %dma_start3A_164 = arith.constant 0 : i32
        %dma_start3A_165 = tpu.memref_slice %arg2[%scan3A_77, %dma_start3A_163, %dma_start3A_164] : memref<2x10000x128xf32, #tpu.memory_space<hbm>> -> memref<1x10000x128xf32, #tpu.memory_space<hbm>>
        %dma_start3A_166 = tpu.memref_squeeze %dma_start3A_165 : memref<1x10000x128xf32, #tpu.memory_space<hbm>> -> memref<10000x128xf32, #tpu.memory_space<hbm>>
        %dma_start3A_167 = arith.constant 0 : i32
        %dma_start3A_168 = arith.constant 0 : i32
        %dma_start3A_169 = tpu.memref_slice %dma_start3A_166[%dma_start3A_167, %dma_start3A_168] : memref<10000x128xf32, #tpu.memory_space<hbm>> -> memref<10000x128xf32, #tpu.memory_space<hbm>>
        tpu.enqueue_indirect_dma source(%dma_start3A_169 : memref<10000x128xf32, #tpu.memory_space<hbm>>) target(%dma_start3A_159 : memref<125x128xf32, #tpu.memory_space<vmem>>) offsets(%dma_start3A_162 : memref<125xi32, #tpu.memory_space<vmem>>) semaphore(%arg14 : memref<!tpu.dma_semaphore, #tpu.memory_space<semaphore_mem>>)
        %dma_wait3A_170 = arith.constant 0 : i32
        %dma_wait3A_171 = arith.constant 0 : i32
        %dma_wait3A_172 = arith.constant 0 : i32
        %dma_wait3A_173 = arith.constant 0 : i32
        %dma_wait3A_174 = tpu.memref_slice %arg11[%dma_wait3A_171, %dma_wait3A_172, %dma_wait3A_173] : memref<2x125x128xf32, #tpu.memory_space<vmem>> -> memref<1x125x128xf32, #tpu.memory_space<vmem>>
        %dma_wait3A_175 = tpu.memref_squeeze %dma_wait3A_174 : memref<1x125x128xf32, #tpu.memory_space<vmem>> -> memref<125x128xf32, #tpu.memory_space<vmem>>
        %dma_wait3A_176 = arith.constant 0 : i32
        %dma_wait3A_177 = tpu.memref_slice %arg7[%dma_wait3A_170, %dma_wait3A_176] : memref<5x125xi32, #tpu.memory_space<vmem>> -> memref<1x125xi32, #tpu.memory_space<vmem>>
        %dma_wait3A_178 = tpu.memref_squeeze %dma_wait3A_177 : memref<1x125xi32, #tpu.memory_space<vmem>> -> memref<125xi32, #tpu.memory_space<vmem>>
        %dma_wait3A_179 = arith.constant 0 : i32
        %dma_wait3A_180 = arith.constant 0 : i32
        %dma_wait3A_181 = tpu.memref_slice %arg2[%scan3A_77, %dma_wait3A_179, %dma_wait3A_180] : memref<2x10000x128xf32, #tpu.memory_space<hbm>> -> memref<1x10000x128xf32, #tpu.memory_space<hbm>>
        %dma_wait3A_182 = tpu.memref_squeeze %dma_wait3A_181 : memref<1x10000x128xf32, #tpu.memory_space<hbm>> -> memref<10000x128xf32, #tpu.memory_space<hbm>>
        %dma_wait3A_183 = arith.constant 0 : i32
        %dma_wait3A_184 = arith.constant 0 : i32
        %dma_wait3A_185 = tpu.memref_slice %dma_wait3A_182[%dma_wait3A_183, %dma_wait3A_184] : memref<10000x128xf32, #tpu.memory_space<hbm>> -> memref<10000x128xf32, #tpu.memory_space<hbm>>
        tpu.wait_indirect_dma semaphore(%arg13 : memref<!tpu.dma_semaphore, #tpu.memory_space<semaphore_mem>>) src(%dma_wait3A_185 : memref<10000x128xf32, #tpu.memory_space<hbm>>) dst(%dma_wait3A_175 : memref<125x128xf32, #tpu.memory_space<vmem>>)
        %dma_start3A_186 = arith.constant 0 : i32
        %dma_start3A_187 = arith.constant 0 : i32
        %dma_start3A_188 = arith.constant 0 : i32
        %dma_start3A_189 = arith.constant 0 : i32
        %dma_start3A_190 = tpu.memref_slice %arg11[%dma_start3A_186, %dma_start3A_188, %dma_start3A_189] : memref<2x125x128xf32, #tpu.memory_space<vmem>> -> memref<1x125x128xf32, #tpu.memory_space<vmem>>
        %dma_start3A_191 = tpu.memref_squeeze %dma_start3A_190 : memref<1x125x128xf32, #tpu.memory_space<vmem>> -> memref<125x128xf32, #tpu.memory_space<vmem>>
        %dma_start3A_192 = arith.constant 0 : i32
        %dma_start3A_193 = tpu.memref_slice %arg9[%dma_start3A_187, %dma_start3A_192] : memref<5x125xi32, #tpu.memory_space<vmem>> -> memref<1x125xi32, #tpu.memory_space<vmem>>
        %dma_start3A_194 = tpu.memref_squeeze %dma_start3A_193 : memref<1x125xi32, #tpu.memory_space<vmem>> -> memref<125xi32, #tpu.memory_space<vmem>>
        %dma_start3A_195 = arith.constant 0 : i32
        %dma_start3A_196 = arith.constant 0 : i32
        %dma_start3A_197 = tpu.memref_slice %arg12[%dma_start3A_195, %dma_start3A_196] : memref<10240x128xf32, #tpu.memory_space<vmem_shared>> -> memref<10240x128xf32, #tpu.memory_space<vmem_shared>>
        tpu.enqueue_indirect_dma source(%dma_start3A_191 : memref<125x128xf32, #tpu.memory_space<vmem>>) target(%dma_start3A_197 : memref<10240x128xf32, #tpu.memory_space<vmem_shared>>) offsets(%dma_start3A_194 : memref<125xi32, #tpu.memory_space<vmem>>) semaphore(%arg15 : memref<!tpu.dma_semaphore, #tpu.memory_space<semaphore_mem>>) {add = true}
        %dma_wait3A_198 = arith.constant 0 : i32
        %dma_wait3A_199 = arith.constant 1 : i32
        %dma_wait3A_200 = arith.constant 0 : i32
        %dma_wait3A_201 = arith.constant 0 : i32
        %dma_wait3A_202 = tpu.memref_slice %arg11[%dma_wait3A_198, %dma_wait3A_200, %dma_wait3A_201] : memref<2x125x128xf32, #tpu.memory_space<vmem>> -> memref<1x125x128xf32, #tpu.memory_space<vmem>>
        %dma_wait3A_203 = tpu.memref_squeeze %dma_wait3A_202 : memref<1x125x128xf32, #tpu.memory_space<vmem>> -> memref<125x128xf32, #tpu.memory_space<vmem>>
        %dma_wait3A_204 = arith.constant 0 : i32
        %dma_wait3A_205 = tpu.memref_slice %arg9[%dma_wait3A_199, %dma_wait3A_204] : memref<5x125xi32, #tpu.memory_space<vmem>> -> memref<1x125xi32, #tpu.memory_space<vmem>>
        %dma_wait3A_206 = tpu.memref_squeeze %dma_wait3A_205 : memref<1x125xi32, #tpu.memory_space<vmem>> -> memref<125xi32, #tpu.memory_space<vmem>>
        %dma_wait3A_207 = arith.constant 0 : i32
        %dma_wait3A_208 = arith.constant 0 : i32
        %dma_wait3A_209 = tpu.memref_slice %arg12[%dma_wait3A_207, %dma_wait3A_208] : memref<10240x128xf32, #tpu.memory_space<vmem_shared>> -> memref<10240x128xf32, #tpu.memory_space<vmem_shared>>
        tpu.wait_indirect_dma semaphore(%arg15 : memref<!tpu.dma_semaphore, #tpu.memory_space<semaphore_mem>>) src(%dma_wait3A_203 : memref<125x128xf32, #tpu.memory_space<vmem>>) dst(%dma_wait3A_209 : memref<10240x128xf32, #tpu.memory_space<vmem_shared>>)
        %dma_start3A_210 = arith.constant 2 : i32
        %dma_start3A_211 = arith.constant 0 : i32
        %dma_start3A_212 = arith.constant 0 : i32
        %dma_start3A_213 = arith.constant 0 : i32
        %dma_start3A_214 = tpu.memref_slice %arg11[%dma_start3A_211, %dma_start3A_212, %dma_start3A_213] : memref<2x125x128xf32, #tpu.memory_space<vmem>> -> memref<1x125x128xf32, #tpu.memory_space<vmem>>
        %dma_start3A_215 = tpu.memref_squeeze %dma_start3A_214 : memref<1x125x128xf32, #tpu.memory_space<vmem>> -> memref<125x128xf32, #tpu.memory_space<vmem>>
        %dma_start3A_216 = arith.constant 0 : i32
        %dma_start3A_217 = tpu.memref_slice %arg7[%dma_start3A_210, %dma_start3A_216] : memref<5x125xi32, #tpu.memory_space<vmem>> -> memref<1x125xi32, #tpu.memory_space<vmem>>
        %dma_start3A_218 = tpu.memref_squeeze %dma_start3A_217 : memref<1x125xi32, #tpu.memory_space<vmem>> -> memref<125xi32, #tpu.memory_space<vmem>>
        %dma_start3A_219 = arith.constant 0 : i32
        %dma_start3A_220 = arith.constant 0 : i32
        %dma_start3A_221 = tpu.memref_slice %arg2[%scan3A_77, %dma_start3A_219, %dma_start3A_220] : memref<2x10000x128xf32, #tpu.memory_space<hbm>> -> memref<1x10000x128xf32, #tpu.memory_space<hbm>>
        %dma_start3A_222 = tpu.memref_squeeze %dma_start3A_221 : memref<1x10000x128xf32, #tpu.memory_space<hbm>> -> memref<10000x128xf32, #tpu.memory_space<hbm>>
        %dma_start3A_223 = arith.constant 0 : i32
        %dma_start3A_224 = arith.constant 0 : i32
        %dma_start3A_225 = tpu.memref_slice %dma_start3A_222[%dma_start3A_223, %dma_start3A_224] : memref<10000x128xf32, #tpu.memory_space<hbm>> -> memref<10000x128xf32, #tpu.memory_space<hbm>>
        tpu.enqueue_indirect_dma source(%dma_start3A_225 : memref<10000x128xf32, #tpu.memory_space<hbm>>) target(%dma_start3A_215 : memref<125x128xf32, #tpu.memory_space<vmem>>) offsets(%dma_start3A_218 : memref<125xi32, #tpu.memory_space<vmem>>) semaphore(%arg13 : memref<!tpu.dma_semaphore, #tpu.memory_space<semaphore_mem>>)
        %dma_wait3A_226 = arith.constant 1 : i32
        %dma_wait3A_227 = arith.constant 1 : i32
        %dma_wait3A_228 = arith.constant 0 : i32
        %dma_wait3A_229 = arith.constant 0 : i32
        %dma_wait3A_230 = tpu.memref_slice %arg11[%dma_wait3A_227, %dma_wait3A_228, %dma_wait3A_229] : memref<2x125x128xf32, #tpu.memory_space<vmem>> -> memref<1x125x128xf32, #tpu.memory_space<vmem>>
        %dma_wait3A_231 = tpu.memref_squeeze %dma_wait3A_230 : memref<1x125x128xf32, #tpu.memory_space<vmem>> -> memref<125x128xf32, #tpu.memory_space<vmem>>
        %dma_wait3A_232 = arith.constant 0 : i32
        %dma_wait3A_233 = tpu.memref_slice %arg7[%dma_wait3A_226, %dma_wait3A_232] : memref<5x125xi32, #tpu.memory_space<vmem>> -> memref<1x125xi32, #tpu.memory_space<vmem>>
        %dma_wait3A_234 = tpu.memref_squeeze %dma_wait3A_233 : memref<1x125xi32, #tpu.memory_space<vmem>> -> memref<125xi32, #tpu.memory_space<vmem>>
        %dma_wait3A_235 = arith.constant 0 : i32
        %dma_wait3A_236 = arith.constant 0 : i32
        %dma_wait3A_237 = tpu.memref_slice %arg2[%scan3A_77, %dma_wait3A_235, %dma_wait3A_236] : memref<2x10000x128xf32, #tpu.memory_space<hbm>> -> memref<1x10000x128xf32, #tpu.memory_space<hbm>>
        %dma_wait3A_238 = tpu.memref_squeeze %dma_wait3A_237 : memref<1x10000x128xf32, #tpu.memory_space<hbm>> -> memref<10000x128xf32, #tpu.memory_space<hbm>>
        %dma_wait3A_239 = arith.constant 0 : i32
        %dma_wait3A_240 = arith.constant 0 : i32
        %dma_wait3A_241 = tpu.memref_slice %dma_wait3A_238[%dma_wait3A_239, %dma_wait3A_240] : memref<10000x128xf32, #tpu.memory_space<hbm>> -> memref<10000x128xf32, #tpu.memory_space<hbm>>
        tpu.wait_indirect_dma semaphore(%arg14 : memref<!tpu.dma_semaphore, #tpu.memory_space<semaphore_mem>>) src(%dma_wait3A_241 : memref<10000x128xf32, #tpu.memory_space<hbm>>) dst(%dma_wait3A_231 : memref<125x128xf32, #tpu.memory_space<vmem>>)
        %dma_start3A_242 = arith.constant 1 : i32
        %dma_start3A_243 = arith.constant 1 : i32
        %dma_start3A_244 = arith.constant 0 : i32
        %dma_start3A_245 = arith.constant 0 : i32
        %dma_start3A_246 = tpu.memref_slice %arg11[%dma_start3A_242, %dma_start3A_244, %dma_start3A_245] : memref<2x125x128xf32, #tpu.memory_space<vmem>> -> memref<1x125x128xf32, #tpu.memory_space<vmem>>
        %dma_start3A_247 = tpu.memref_squeeze %dma_start3A_246 : memref<1x125x128xf32, #tpu.memory_space<vmem>> -> memref<125x128xf32, #tpu.memory_space<vmem>>
        %dma_start3A_248 = arith.constant 0 : i32
        %dma_start3A_249 = tpu.memref_slice %arg9[%dma_start3A_243, %dma_start3A_248] : memref<5x125xi32, #tpu.memory_space<vmem>> -> memref<1x125xi32, #tpu.memory_space<vmem>>
        %dma_start3A_250 = tpu.memref_squeeze %dma_start3A_249 : memref<1x125xi32, #tpu.memory_space<vmem>> -> memref<125xi32, #tpu.memory_space<vmem>>
        %dma_start3A_251 = arith.constant 0 : i32
        %dma_start3A_252 = arith.constant 0 : i32
        %dma_start3A_253 = tpu.memref_slice %arg12[%dma_start3A_251, %dma_start3A_252] : memref<10240x128xf32, #tpu.memory_space<vmem_shared>> -> memref<10240x128xf32, #tpu.memory_space<vmem_shared>>
        tpu.enqueue_indirect_dma source(%dma_start3A_247 : memref<125x128xf32, #tpu.memory_space<vmem>>) target(%dma_start3A_253 : memref<10240x128xf32, #tpu.memory_space<vmem_shared>>) offsets(%dma_start3A_250 : memref<125xi32, #tpu.memory_space<vmem>>) semaphore(%arg16 : memref<!tpu.dma_semaphore, #tpu.memory_space<semaphore_mem>>) {add = true}
        %dma_wait3A_254 = arith.constant 1 : i32
        %dma_wait3A_255 = arith.constant 2 : i32
        %dma_wait3A_256 = arith.constant 0 : i32
        %dma_wait3A_257 = arith.constant 0 : i32
        %dma_wait3A_258 = tpu.memref_slice %arg11[%dma_wait3A_254, %dma_wait3A_256, %dma_wait3A_257] : memref<2x125x128xf32, #tpu.memory_space<vmem>> -> memref<1x125x128xf32, #tpu.memory_space<vmem>>
        %dma_wait3A_259 = tpu.memref_squeeze %dma_wait3A_258 : memref<1x125x128xf32, #tpu.memory_space<vmem>> -> memref<125x128xf32, #tpu.memory_space<vmem>>
        %dma_wait3A_260 = arith.constant 0 : i32
        %dma_wait3A_261 = tpu.memref_slice %arg9[%dma_wait3A_255, %dma_wait3A_260] : memref<5x125xi32, #tpu.memory_space<vmem>> -> memref<1x125xi32, #tpu.memory_space<vmem>>
        %dma_wait3A_262 = tpu.memref_squeeze %dma_wait3A_261 : memref<1x125xi32, #tpu.memory_space<vmem>> -> memref<125xi32, #tpu.memory_space<vmem>>
        %dma_wait3A_263 = arith.constant 0 : i32
        %dma_wait3A_264 = arith.constant 0 : i32
        %dma_wait3A_265 = tpu.memref_slice %arg12[%dma_wait3A_263, %dma_wait3A_264] : memref<10240x128xf32, #tpu.memory_space<vmem_shared>> -> memref<10240x128xf32, #tpu.memory_space<vmem_shared>>
        tpu.wait_indirect_dma semaphore(%arg16 : memref<!tpu.dma_semaphore, #tpu.memory_space<semaphore_mem>>) src(%dma_wait3A_259 : memref<125x128xf32, #tpu.memory_space<vmem>>) dst(%dma_wait3A_265 : memref<10240x128xf32, #tpu.memory_space<vmem_shared>>)
        %dma_start3A_266 = arith.constant 3 : i32
        %dma_start3A_267 = arith.constant 1 : i32
        %dma_start3A_268 = arith.constant 0 : i32
        %dma_start3A_269 = arith.constant 0 : i32
        %dma_start3A_270 = tpu.memref_slice %arg11[%dma_start3A_267, %dma_start3A_268, %dma_start3A_269] : memref<2x125x128xf32, #tpu.memory_space<vmem>> -> memref<1x125x128xf32, #tpu.memory_space<vmem>>
        %dma_start3A_271 = tpu.memref_squeeze %dma_start3A_270 : memref<1x125x128xf32, #tpu.memory_space<vmem>> -> memref<125x128xf32, #tpu.memory_space<vmem>>
        %dma_start3A_272 = arith.constant 0 : i32
        %dma_start3A_273 = tpu.memref_slice %arg7[%dma_start3A_266, %dma_start3A_272] : memref<5x125xi32, #tpu.memory_space<vmem>> -> memref<1x125xi32, #tpu.memory_space<vmem>>
        %dma_start3A_274 = tpu.memref_squeeze %dma_start3A_273 : memref<1x125xi32, #tpu.memory_space<vmem>> -> memref<125xi32, #tpu.memory_space<vmem>>
        %dma_start3A_275 = arith.constant 0 : i32
        %dma_start3A_276 = arith.constant 0 : i32
        %dma_start3A_277 = tpu.memref_slice %arg2[%scan3A_77, %dma_start3A_275, %dma_start3A_276] : memref<2x10000x128xf32, #tpu.memory_space<hbm>> -> memref<1x10000x128xf32, #tpu.memory_space<hbm>>
        %dma_start3A_278 = tpu.memref_squeeze %dma_start3A_277 : memref<1x10000x128xf32, #tpu.memory_space<hbm>> -> memref<10000x128xf32, #tpu.memory_space<hbm>>
        %dma_start3A_279 = arith.constant 0 : i32
        %dma_start3A_280 = arith.constant 0 : i32
        %dma_start3A_281 = tpu.memref_slice %dma_start3A_278[%dma_start3A_279, %dma_start3A_280] : memref<10000x128xf32, #tpu.memory_space<hbm>> -> memref<10000x128xf32, #tpu.memory_space<hbm>>
        tpu.enqueue_indirect_dma source(%dma_start3A_281 : memref<10000x128xf32, #tpu.memory_space<hbm>>) target(%dma_start3A_271 : memref<125x128xf32, #tpu.memory_space<vmem>>) offsets(%dma_start3A_274 : memref<125xi32, #tpu.memory_space<vmem>>) semaphore(%arg14 : memref<!tpu.dma_semaphore, #tpu.memory_space<semaphore_mem>>)
        %dma_wait3A_282 = arith.constant 2 : i32
        %dma_wait3A_283 = arith.constant 0 : i32
        %dma_wait3A_284 = arith.constant 0 : i32
        %dma_wait3A_285 = arith.constant 0 : i32
        %dma_wait3A_286 = tpu.memref_slice %arg11[%dma_wait3A_283, %dma_wait3A_284, %dma_wait3A_285] : memref<2x125x128xf32, #tpu.memory_space<vmem>> -> memref<1x125x128xf32, #tpu.memory_space<vmem>>
        %dma_wait3A_287 = tpu.memref_squeeze %dma_wait3A_286 : memref<1x125x128xf32, #tpu.memory_space<vmem>> -> memref<125x128xf32, #tpu.memory_space<vmem>>
        %dma_wait3A_288 = arith.constant 0 : i32
        %dma_wait3A_289 = tpu.memref_slice %arg7[%dma_wait3A_282, %dma_wait3A_288] : memref<5x125xi32, #tpu.memory_space<vmem>> -> memref<1x125xi32, #tpu.memory_space<vmem>>
        %dma_wait3A_290 = tpu.memref_squeeze %dma_wait3A_289 : memref<1x125xi32, #tpu.memory_space<vmem>> -> memref<125xi32, #tpu.memory_space<vmem>>
        %dma_wait3A_291 = arith.constant 0 : i32
        %dma_wait3A_292 = arith.constant 0 : i32
        %dma_wait3A_293 = tpu.memref_slice %arg2[%scan3A_77, %dma_wait3A_291, %dma_wait3A_292] : memref<2x10000x128xf32, #tpu.memory_space<hbm>> -> memref<1x10000x128xf32, #tpu.memory_space<hbm>>
        %dma_wait3A_294 = tpu.memref_squeeze %dma_wait3A_293 : memref<1x10000x128xf32, #tpu.memory_space<hbm>> -> memref<10000x128xf32, #tpu.memory_space<hbm>>
        %dma_wait3A_295 = arith.constant 0 : i32
        %dma_wait3A_296 = arith.constant 0 : i32
        %dma_wait3A_297 = tpu.memref_slice %dma_wait3A_294[%dma_wait3A_295, %dma_wait3A_296] : memref<10000x128xf32, #tpu.memory_space<hbm>> -> memref<10000x128xf32, #tpu.memory_space<hbm>>
        tpu.wait_indirect_dma semaphore(%arg13 : memref<!tpu.dma_semaphore, #tpu.memory_space<semaphore_mem>>) src(%dma_wait3A_297 : memref<10000x128xf32, #tpu.memory_space<hbm>>) dst(%dma_wait3A_287 : memref<125x128xf32, #tpu.memory_space<vmem>>)
        %dma_start3A_298 = arith.constant 0 : i32
        %dma_start3A_299 = arith.constant 2 : i32
        %dma_start3A_300 = arith.constant 0 : i32
        %dma_start3A_301 = arith.constant 0 : i32
        %dma_start3A_302 = tpu.memref_slice %arg11[%dma_start3A_298, %dma_start3A_300, %dma_start3A_301] : memref<2x125x128xf32, #tpu.memory_space<vmem>> -> memref<1x125x128xf32, #tpu.memory_space<vmem>>
        %dma_start3A_303 = tpu.memref_squeeze %dma_start3A_302 : memref<1x125x128xf32, #tpu.memory_space<vmem>> -> memref<125x128xf32, #tpu.memory_space<vmem>>
        %dma_start3A_304 = arith.constant 0 : i32
        %dma_start3A_305 = tpu.memref_slice %arg9[%dma_start3A_299, %dma_start3A_304] : memref<5x125xi32, #tpu.memory_space<vmem>> -> memref<1x125xi32, #tpu.memory_space<vmem>>
        %dma_start3A_306 = tpu.memref_squeeze %dma_start3A_305 : memref<1x125xi32, #tpu.memory_space<vmem>> -> memref<125xi32, #tpu.memory_space<vmem>>
        %dma_start3A_307 = arith.constant 0 : i32
        %dma_start3A_308 = arith.constant 0 : i32
        %dma_start3A_309 = tpu.memref_slice %arg12[%dma_start3A_307, %dma_start3A_308] : memref<10240x128xf32, #tpu.memory_space<vmem_shared>> -> memref<10240x128xf32, #tpu.memory_space<vmem_shared>>
        tpu.enqueue_indirect_dma source(%dma_start3A_303 : memref<125x128xf32, #tpu.memory_space<vmem>>) target(%dma_start3A_309 : memref<10240x128xf32, #tpu.memory_space<vmem_shared>>) offsets(%dma_start3A_306 : memref<125xi32, #tpu.memory_space<vmem>>) semaphore(%arg15 : memref<!tpu.dma_semaphore, #tpu.memory_space<semaphore_mem>>) {add = true}
        %dma_wait3A_310 = arith.constant 0 : i32
        %dma_wait3A_311 = arith.constant 3 : i32
        %dma_wait3A_312 = arith.constant 0 : i32
        %dma_wait3A_313 = arith.constant 0 : i32
        %dma_wait3A_314 = tpu.memref_slice %arg11[%dma_wait3A_310, %dma_wait3A_312, %dma_wait3A_313] : memref<2x125x128xf32, #tpu.memory_space<vmem>> -> memref<1x125x128xf32, #tpu.memory_space<vmem>>
        %dma_wait3A_315 = tpu.memref_squeeze %dma_wait3A_314 : memref<1x125x128xf32, #tpu.memory_space<vmem>> -> memref<125x128xf32, #tpu.memory_space<vmem>>
        %dma_wait3A_316 = arith.constant 0 : i32
        %dma_wait3A_317 = tpu.memref_slice %arg9[%dma_wait3A_311, %dma_wait3A_316] : memref<5x125xi32, #tpu.memory_space<vmem>> -> memref<1x125xi32, #tpu.memory_space<vmem>>
        %dma_wait3A_318 = tpu.memref_squeeze %dma_wait3A_317 : memref<1x125xi32, #tpu.memory_space<vmem>> -> memref<125xi32, #tpu.memory_space<vmem>>
        %dma_wait3A_319 = arith.constant 0 : i32
        %dma_wait3A_320 = arith.constant 0 : i32
        %dma_wait3A_321 = tpu.memref_slice %arg12[%dma_wait3A_319, %dma_wait3A_320] : memref<10240x128xf32, #tpu.memory_space<vmem_shared>> -> memref<10240x128xf32, #tpu.memory_space<vmem_shared>>
        tpu.wait_indirect_dma semaphore(%arg15 : memref<!tpu.dma_semaphore, #tpu.memory_space<semaphore_mem>>) src(%dma_wait3A_315 : memref<125x128xf32, #tpu.memory_space<vmem>>) dst(%dma_wait3A_321 : memref<10240x128xf32, #tpu.memory_space<vmem_shared>>)
        %dma_start3A_322 = arith.constant 4 : i32
        %dma_start3A_323 = arith.constant 0 : i32
        %dma_start3A_324 = arith.constant 0 : i32
        %dma_start3A_325 = arith.constant 0 : i32
        %dma_start3A_326 = tpu.memref_slice %arg11[%dma_start3A_323, %dma_start3A_324, %dma_start3A_325] : memref<2x125x128xf32, #tpu.memory_space<vmem>> -> memref<1x125x128xf32, #tpu.memory_space<vmem>>
        %dma_start3A_327 = tpu.memref_squeeze %dma_start3A_326 : memref<1x125x128xf32, #tpu.memory_space<vmem>> -> memref<125x128xf32, #tpu.memory_space<vmem>>
        %dma_start3A_328 = arith.constant 0 : i32
        %dma_start3A_329 = tpu.memref_slice %arg7[%dma_start3A_322, %dma_start3A_328] : memref<5x125xi32, #tpu.memory_space<vmem>> -> memref<1x125xi32, #tpu.memory_space<vmem>>
        %dma_start3A_330 = tpu.memref_squeeze %dma_start3A_329 : memref<1x125xi32, #tpu.memory_space<vmem>> -> memref<125xi32, #tpu.memory_space<vmem>>
        %dma_start3A_331 = arith.constant 0 : i32
        %dma_start3A_332 = arith.constant 0 : i32
        %dma_start3A_333 = tpu.memref_slice %arg2[%scan3A_77, %dma_start3A_331, %dma_start3A_332] : memref<2x10000x128xf32, #tpu.memory_space<hbm>> -> memref<1x10000x128xf32, #tpu.memory_space<hbm>>
        %dma_start3A_334 = tpu.memref_squeeze %dma_start3A_333 : memref<1x10000x128xf32, #tpu.memory_space<hbm>> -> memref<10000x128xf32, #tpu.memory_space<hbm>>
        %dma_start3A_335 = arith.constant 0 : i32
        %dma_start3A_336 = arith.constant 0 : i32
        %dma_start3A_337 = tpu.memref_slice %dma_start3A_334[%dma_start3A_335, %dma_start3A_336] : memref<10000x128xf32, #tpu.memory_space<hbm>> -> memref<10000x128xf32, #tpu.memory_space<hbm>>
        tpu.enqueue_indirect_dma source(%dma_start3A_337 : memref<10000x128xf32, #tpu.memory_space<hbm>>) target(%dma_start3A_327 : memref<125x128xf32, #tpu.memory_space<vmem>>) offsets(%dma_start3A_330 : memref<125xi32, #tpu.memory_space<vmem>>) semaphore(%arg13 : memref<!tpu.dma_semaphore, #tpu.memory_space<semaphore_mem>>)
        %dma_wait3A_338 = arith.constant 3 : i32
        %dma_wait3A_339 = arith.constant 1 : i32
        %dma_wait3A_340 = arith.constant 0 : i32
        %dma_wait3A_341 = arith.constant 0 : i32
        %dma_wait3A_342 = tpu.memref_slice %arg11[%dma_wait3A_339, %dma_wait3A_340, %dma_wait3A_341] : memref<2x125x128xf32, #tpu.memory_space<vmem>> -> memref<1x125x128xf32, #tpu.memory_space<vmem>>
        %dma_wait3A_343 = tpu.memref_squeeze %dma_wait3A_342 : memref<1x125x128xf32, #tpu.memory_space<vmem>> -> memref<125x128xf32, #tpu.memory_space<vmem>>
        %dma_wait3A_344 = arith.constant 0 : i32
        %dma_wait3A_345 = tpu.memref_slice %arg7[%dma_wait3A_338, %dma_wait3A_344] : memref<5x125xi32, #tpu.memory_space<vmem>> -> memref<1x125xi32, #tpu.memory_space<vmem>>
        %dma_wait3A_346 = tpu.memref_squeeze %dma_wait3A_345 : memref<1x125xi32, #tpu.memory_space<vmem>> -> memref<125xi32, #tpu.memory_space<vmem>>
        %dma_wait3A_347 = arith.constant 0 : i32
        %dma_wait3A_348 = arith.constant 0 : i32
        %dma_wait3A_349 = tpu.memref_slice %arg2[%scan3A_77, %dma_wait3A_347, %dma_wait3A_348] : memref<2x10000x128xf32, #tpu.memory_space<hbm>> -> memref<1x10000x128xf32, #tpu.memory_space<hbm>>
        %dma_wait3A_350 = tpu.memref_squeeze %dma_wait3A_349 : memref<1x10000x128xf32, #tpu.memory_space<hbm>> -> memref<10000x128xf32, #tpu.memory_space<hbm>>
        %dma_wait3A_351 = arith.constant 0 : i32
        %dma_wait3A_352 = arith.constant 0 : i32
        %dma_wait3A_353 = tpu.memref_slice %dma_wait3A_350[%dma_wait3A_351, %dma_wait3A_352] : memref<10000x128xf32, #tpu.memory_space<hbm>> -> memref<10000x128xf32, #tpu.memory_space<hbm>>
        tpu.wait_indirect_dma semaphore(%arg14 : memref<!tpu.dma_semaphore, #tpu.memory_space<semaphore_mem>>) src(%dma_wait3A_353 : memref<10000x128xf32, #tpu.memory_space<hbm>>) dst(%dma_wait3A_343 : memref<125x128xf32, #tpu.memory_space<vmem>>)
        %dma_start3A_354 = arith.constant 1 : i32
        %dma_start3A_355 = arith.constant 3 : i32
        %dma_start3A_356 = arith.constant 0 : i32
        %dma_start3A_357 = arith.constant 0 : i32
        %dma_start3A_358 = tpu.memref_slice %arg11[%dma_start3A_354, %dma_start3A_356, %dma_start3A_357] : memref<2x125x128xf32, #tpu.memory_space<vmem>> -> memref<1x125x128xf32, #tpu.memory_space<vmem>>
        %dma_start3A_359 = tpu.memref_squeeze %dma_start3A_358 : memref<1x125x128xf32, #tpu.memory_space<vmem>> -> memref<125x128xf32, #tpu.memory_space<vmem>>
        %dma_start3A_360 = arith.constant 0 : i32
        %dma_start3A_361 = tpu.memref_slice %arg9[%dma_start3A_355, %dma_start3A_360] : memref<5x125xi32, #tpu.memory_space<vmem>> -> memref<1x125xi32, #tpu.memory_space<vmem>>
        %dma_start3A_362 = tpu.memref_squeeze %dma_start3A_361 : memref<1x125xi32, #tpu.memory_space<vmem>> -> memref<125xi32, #tpu.memory_space<vmem>>
        %dma_start3A_363 = arith.constant 0 : i32
        %dma_start3A_364 = arith.constant 0 : i32
        %dma_start3A_365 = tpu.memref_slice %arg12[%dma_start3A_363, %dma_start3A_364] : memref<10240x128xf32, #tpu.memory_space<vmem_shared>> -> memref<10240x128xf32, #tpu.memory_space<vmem_shared>>
        tpu.enqueue_indirect_dma source(%dma_start3A_359 : memref<125x128xf32, #tpu.memory_space<vmem>>) target(%dma_start3A_365 : memref<10240x128xf32, #tpu.memory_space<vmem_shared>>) offsets(%dma_start3A_362 : memref<125xi32, #tpu.memory_space<vmem>>) semaphore(%arg16 : memref<!tpu.dma_semaphore, #tpu.memory_space<semaphore_mem>>) {add = true}
        %dma_wait3A_366 = arith.constant 1 : i32
        %dma_wait3A_367 = arith.constant 4 : i32
        %dma_wait3A_368 = arith.constant 0 : i32
        %dma_wait3A_369 = arith.constant 0 : i32
        %dma_wait3A_370 = tpu.memref_slice %arg11[%dma_wait3A_366, %dma_wait3A_368, %dma_wait3A_369] : memref<2x125x128xf32, #tpu.memory_space<vmem>> -> memref<1x125x128xf32, #tpu.memory_space<vmem>>
        %dma_wait3A_371 = tpu.memref_squeeze %dma_wait3A_370 : memref<1x125x128xf32, #tpu.memory_space<vmem>> -> memref<125x128xf32, #tpu.memory_space<vmem>>
        %dma_wait3A_372 = arith.constant 0 : i32
        %dma_wait3A_373 = tpu.memref_slice %arg9[%dma_wait3A_367, %dma_wait3A_372] : memref<5x125xi32, #tpu.memory_space<vmem>> -> memref<1x125xi32, #tpu.memory_space<vmem>>
        %dma_wait3A_374 = tpu.memref_squeeze %dma_wait3A_373 : memref<1x125xi32, #tpu.memory_space<vmem>> -> memref<125xi32, #tpu.memory_space<vmem>>
        %dma_wait3A_375 = arith.constant 0 : i32
        %dma_wait3A_376 = arith.constant 0 : i32
        %dma_wait3A_377 = tpu.memref_slice %arg12[%dma_wait3A_375, %dma_wait3A_376] : memref<10240x128xf32, #tpu.memory_space<vmem_shared>> -> memref<10240x128xf32, #tpu.memory_space<vmem_shared>>
        tpu.wait_indirect_dma semaphore(%arg16 : memref<!tpu.dma_semaphore, #tpu.memory_space<semaphore_mem>>) src(%dma_wait3A_371 : memref<125x128xf32, #tpu.memory_space<vmem>>) dst(%dma_wait3A_377 : memref<10240x128xf32, #tpu.memory_space<vmem_shared>>)
        %dma_start3A_378 = arith.constant 0 : i32
        %dma_start3A_379 = arith.constant 1 : i32
        %dma_start3A_380 = arith.constant 0 : i32
        %dma_start3A_381 = arith.constant 0 : i32
        %dma_start3A_382 = tpu.memref_slice %arg11[%dma_start3A_379, %dma_start3A_380, %dma_start3A_381] : memref<2x125x128xf32, #tpu.memory_space<vmem>> -> memref<1x125x128xf32, #tpu.memory_space<vmem>>
        %dma_start3A_383 = tpu.memref_squeeze %dma_start3A_382 : memref<1x125x128xf32, #tpu.memory_space<vmem>> -> memref<125x128xf32, #tpu.memory_space<vmem>>
        %dma_start3A_384 = arith.constant 0 : i32
        %dma_start3A_385 = tpu.memref_slice %arg8[%dma_start3A_378, %dma_start3A_384] : memref<5x125xi32, #tpu.memory_space<vmem>> -> memref<1x125xi32, #tpu.memory_space<vmem>>
        %dma_start3A_386 = tpu.memref_squeeze %dma_start3A_385 : memref<1x125xi32, #tpu.memory_space<vmem>> -> memref<125xi32, #tpu.memory_space<vmem>>
        %dma_start3A_387 = arith.constant 0 : i32
        %dma_start3A_388 = arith.constant 0 : i32
        %dma_start3A_389 = tpu.memref_slice %arg2[%scan3A_77, %dma_start3A_387, %dma_start3A_388] : memref<2x10000x128xf32, #tpu.memory_space<hbm>> -> memref<1x10000x128xf32, #tpu.memory_space<hbm>>
        %dma_start3A_390 = tpu.memref_squeeze %dma_start3A_389 : memref<1x10000x128xf32, #tpu.memory_space<hbm>> -> memref<10000x128xf32, #tpu.memory_space<hbm>>
        %dma_start3A_391 = arith.constant 0 : i32
        %dma_start3A_392 = arith.constant 0 : i32
        %dma_start3A_393 = tpu.memref_slice %dma_start3A_390[%dma_start3A_391, %dma_start3A_392] : memref<10000x128xf32, #tpu.memory_space<hbm>> -> memref<10000x128xf32, #tpu.memory_space<hbm>>
        tpu.enqueue_indirect_dma source(%dma_start3A_393 : memref<10000x128xf32, #tpu.memory_space<hbm>>) target(%dma_start3A_383 : memref<125x128xf32, #tpu.memory_space<vmem>>) offsets(%dma_start3A_386 : memref<125xi32, #tpu.memory_space<vmem>>) semaphore(%arg14 : memref<!tpu.dma_semaphore, #tpu.memory_space<semaphore_mem>>)
        %dma_wait3A_394 = arith.constant 4 : i32
        %dma_wait3A_395 = arith.constant 0 : i32
        %dma_wait3A_396 = arith.constant 0 : i32
        %dma_wait3A_397 = arith.constant 0 : i32
        %dma_wait3A_398 = tpu.memref_slice %arg11[%dma_wait3A_395, %dma_wait3A_396, %dma_wait3A_397] : memref<2x125x128xf32, #tpu.memory_space<vmem>> -> memref<1x125x128xf32, #tpu.memory_space<vmem>>
        %dma_wait3A_399 = tpu.memref_squeeze %dma_wait3A_398 : memref<1x125x128xf32, #tpu.memory_space<vmem>> -> memref<125x128xf32, #tpu.memory_space<vmem>>
        %dma_wait3A_400 = arith.constant 0 : i32
        %dma_wait3A_401 = tpu.memref_slice %arg7[%dma_wait3A_394, %dma_wait3A_400] : memref<5x125xi32, #tpu.memory_space<vmem>> -> memref<1x125xi32, #tpu.memory_space<vmem>>
        %dma_wait3A_402 = tpu.memref_squeeze %dma_wait3A_401 : memref<1x125xi32, #tpu.memory_space<vmem>> -> memref<125xi32, #tpu.memory_space<vmem>>
        %dma_wait3A_403 = arith.constant 0 : i32
        %dma_wait3A_404 = arith.constant 0 : i32
        %dma_wait3A_405 = tpu.memref_slice %arg2[%scan3A_77, %dma_wait3A_403, %dma_wait3A_404] : memref<2x10000x128xf32, #tpu.memory_space<hbm>> -> memref<1x10000x128xf32, #tpu.memory_space<hbm>>
        %dma_wait3A_406 = tpu.memref_squeeze %dma_wait3A_405 : memref<1x10000x128xf32, #tpu.memory_space<hbm>> -> memref<10000x128xf32, #tpu.memory_space<hbm>>
        %dma_wait3A_407 = arith.constant 0 : i32
        %dma_wait3A_408 = arith.constant 0 : i32
        %dma_wait3A_409 = tpu.memref_slice %dma_wait3A_406[%dma_wait3A_407, %dma_wait3A_408] : memref<10000x128xf32, #tpu.memory_space<hbm>> -> memref<10000x128xf32, #tpu.memory_space<hbm>>
        tpu.wait_indirect_dma semaphore(%arg13 : memref<!tpu.dma_semaphore, #tpu.memory_space<semaphore_mem>>) src(%dma_wait3A_409 : memref<10000x128xf32, #tpu.memory_space<hbm>>) dst(%dma_wait3A_399 : memref<125x128xf32, #tpu.memory_space<vmem>>)
        %dma_start3A_410 = arith.constant 0 : i32
        %dma_start3A_411 = arith.constant 4 : i32
        %dma_start3A_412 = arith.constant 0 : i32
        %dma_start3A_413 = arith.constant 0 : i32
        %dma_start3A_414 = tpu.memref_slice %arg11[%dma_start3A_410, %dma_start3A_412, %dma_start3A_413] : memref<2x125x128xf32, #tpu.memory_space<vmem>> -> memref<1x125x128xf32, #tpu.memory_space<vmem>>
        %dma_start3A_415 = tpu.memref_squeeze %dma_start3A_414 : memref<1x125x128xf32, #tpu.memory_space<vmem>> -> memref<125x128xf32, #tpu.memory_space<vmem>>
        %dma_start3A_416 = arith.constant 0 : i32
        %dma_start3A_417 = tpu.memref_slice %arg9[%dma_start3A_411, %dma_start3A_416] : memref<5x125xi32, #tpu.memory_space<vmem>> -> memref<1x125xi32, #tpu.memory_space<vmem>>
        %dma_start3A_418 = tpu.memref_squeeze %dma_start3A_417 : memref<1x125xi32, #tpu.memory_space<vmem>> -> memref<125xi32, #tpu.memory_space<vmem>>
        %dma_start3A_419 = arith.constant 0 : i32
        %dma_start3A_420 = arith.constant 0 : i32
        %dma_start3A_421 = tpu.memref_slice %arg12[%dma_start3A_419, %dma_start3A_420] : memref<10240x128xf32, #tpu.memory_space<vmem_shared>> -> memref<10240x128xf32, #tpu.memory_space<vmem_shared>>
        tpu.enqueue_indirect_dma source(%dma_start3A_415 : memref<125x128xf32, #tpu.memory_space<vmem>>) target(%dma_start3A_421 : memref<10240x128xf32, #tpu.memory_space<vmem_shared>>) offsets(%dma_start3A_418 : memref<125xi32, #tpu.memory_space<vmem>>) semaphore(%arg15 : memref<!tpu.dma_semaphore, #tpu.memory_space<semaphore_mem>>) {add = true}
        %mul3A_422 = arith.constant 2 : i32
        %mul3A_423 = arith.muli %mul3A_422, %add3A_139 : i32
        %add3A_424 = arith.constant 2 : i32
        %add3A_425 = arith.addi %mul3A_423, %add3A_424 : i32
        %min3A = arith.constant 15 : i32
        %min3A_426 = arith.minsi %add3A_425, %min3A : i32
        %lt3A = arith.constant 7 : i32
        %lt3A_427 = arith.cmpi slt, %add3A_139, %lt3A : i32
        %dma_wait3A_428 = arith.constant 0 : i32
        %dma_wait3A_429 = arith.constant 0 : i32
        %dma_wait3A_430 = arith.constant 0 : i32
        %dma_wait3A_431 = arith.constant 0 : i32
        %dma_wait3A_432 = tpu.memref_slice %arg11[%dma_wait3A_428, %dma_wait3A_430, %dma_wait3A_431] : memref<2x125x128xf32, #tpu.memory_space<vmem>> -> memref<1x125x128xf32, #tpu.memory_space<vmem>>
        %dma_wait3A_433 = tpu.memref_squeeze %dma_wait3A_432 : memref<1x125x128xf32, #tpu.memory_space<vmem>> -> memref<125x128xf32, #tpu.memory_space<vmem>>
        %dma_wait3A_434 = arith.constant 0 : i32
        %dma_wait3A_435 = tpu.memref_slice %arg10[%dma_wait3A_429, %dma_wait3A_434] : memref<5x125xi32, #tpu.memory_space<vmem>> -> memref<1x125xi32, #tpu.memory_space<vmem>>
        %dma_wait3A_436 = tpu.memref_squeeze %dma_wait3A_435 : memref<1x125xi32, #tpu.memory_space<vmem>> -> memref<125xi32, #tpu.memory_space<vmem>>
        %dma_wait3A_437 = arith.constant 0 : i32
        %dma_wait3A_438 = arith.constant 0 : i32
        %dma_wait3A_439 = tpu.memref_slice %arg12[%dma_wait3A_437, %dma_wait3A_438] : memref<10240x128xf32, #tpu.memory_space<vmem_shared>> -> memref<10240x128xf32, #tpu.memory_space<vmem_shared>>
        tpu.wait_indirect_dma semaphore(%arg15 : memref<!tpu.dma_semaphore, #tpu.memory_space<semaphore_mem>>) src(%dma_wait3A_433 : memref<125x128xf32, #tpu.memory_space<vmem>>) dst(%dma_wait3A_439 : memref<10240x128xf32, #tpu.memory_space<vmem_shared>>)
        %lt3A_440 = arith.constant 7 : i32
        %lt3A_441 = arith.cmpi slt, %add3A_139, %lt3A_440 : i32
        %convert_element_type3A_442 = arith.extui %lt3A_441 : i1 to i32
        %cond3A_443 = arith.constant 0 : i32
        %cond3A_444 = arith.cmpi ne, %convert_element_type3A_442, %cond3A_443 : i32
        scf.if %cond3A_444 {
          "tpu.region"() ({
            %run_scoped3A_700 = tpu.sem_alloc : memref<!tpu.dma_semaphore, #tpu.memory_space<semaphore_mem>>
            %dma_start3A_701 = arith.constant 0 : i32
            %dma_start3A_702 = arith.constant 0 : i32
            %dma_start3A_703 = tpu.memref_slice %arg3[%arg1, %min3A_426, %dma_start3A_701, %dma_start3A_702] : memref<16x16x5x125xi32, #tpu.memory_space<hbm>> -> memref<1x1x5x125xi32, #tpu.memory_space<hbm>>
            %dma_start3A_704 = tpu.memref_squeeze %dma_start3A_703 : memref<1x1x5x125xi32, #tpu.memory_space<hbm>> -> memref<5x125xi32, #tpu.memory_space<hbm>>
            %dma_start3A_705 = arith.constant 0 : i32
            %dma_start3A_706 = arith.constant 0 : i32
            %dma_start3A_707 = tpu.memref_slice %arg3[%arg1, %min3A_426, %dma_start3A_705, %dma_start3A_706] : memref<16x16x5x125xi32, #tpu.memory_space<hbm>> -> memref<1x1x5x125xi32, #tpu.memory_space<hbm>>
            %dma_start3A_708 = tpu.memref_squeeze %dma_start3A_707 : memref<1x1x5x125xi32, #tpu.memory_space<hbm>> -> memref<5x125xi32, #tpu.memory_space<hbm>>
            tpu.enqueue_dma source(%dma_start3A_708 : memref<5x125xi32, #tpu.memory_space<hbm>>) target(%arg7 : memref<5x125xi32, #tpu.memory_space<vmem>>) target_semaphore(%run_scoped3A_700 : memref<!tpu.dma_semaphore, #tpu.memory_space<semaphore_mem>>)
            %dma_wait3A_709 = arith.constant 0 : i32
            %dma_wait3A_710 = arith.constant 0 : i32
            %dma_wait3A_711 = tpu.memref_slice %arg3[%arg1, %min3A_426, %dma_wait3A_709, %dma_wait3A_710] : memref<16x16x5x125xi32, #tpu.memory_space<hbm>> -> memref<1x1x5x125xi32, #tpu.memory_space<hbm>>
            %dma_wait3A_712 = tpu.memref_squeeze %dma_wait3A_711 : memref<1x1x5x125xi32, #tpu.memory_space<hbm>> -> memref<5x125xi32, #tpu.memory_space<hbm>>
            %dma_wait3A_713 = arith.constant 0 : i32
            %dma_wait3A_714 = arith.constant 0 : i32
            %dma_wait3A_715 = tpu.memref_slice %arg3[%arg1, %min3A_426, %dma_wait3A_713, %dma_wait3A_714] : memref<16x16x5x125xi32, #tpu.memory_space<hbm>> -> memref<1x1x5x125xi32, #tpu.memory_space<hbm>>
            %dma_wait3A_716 = tpu.memref_squeeze %dma_wait3A_715 : memref<1x1x5x125xi32, #tpu.memory_space<hbm>> -> memref<5x125xi32, #tpu.memory_space<hbm>>
            tpu.wait_dma2 semaphore(%run_scoped3A_700 : memref<!tpu.dma_semaphore, #tpu.memory_space<semaphore_mem>>) src(%dma_wait3A_716 : memref<5x125xi32, #tpu.memory_space<hbm>>) dst(%arg7 : memref<5x125xi32, #tpu.memory_space<vmem>>)
            tpu.yield
          }) : () -> ()
          "tpu.region"() ({
            %run_scoped3A_700 = tpu.sem_alloc : memref<!tpu.dma_semaphore, #tpu.memory_space<semaphore_mem>>
            %dma_start3A_701 = arith.constant 0 : i32
            %dma_start3A_702 = arith.constant 0 : i32
            %dma_start3A_703 = tpu.memref_slice %arg4[%arg1, %min3A_426, %dma_start3A_701, %dma_start3A_702] : memref<16x16x5x125xi32, #tpu.memory_space<hbm>> -> memref<1x1x5x125xi32, #tpu.memory_space<hbm>>
            %dma_start3A_704 = tpu.memref_squeeze %dma_start3A_703 : memref<1x1x5x125xi32, #tpu.memory_space<hbm>> -> memref<5x125xi32, #tpu.memory_space<hbm>>
            %dma_start3A_705 = arith.constant 0 : i32
            %dma_start3A_706 = arith.constant 0 : i32
            %dma_start3A_707 = tpu.memref_slice %arg4[%arg1, %min3A_426, %dma_start3A_705, %dma_start3A_706] : memref<16x16x5x125xi32, #tpu.memory_space<hbm>> -> memref<1x1x5x125xi32, #tpu.memory_space<hbm>>
            %dma_start3A_708 = tpu.memref_squeeze %dma_start3A_707 : memref<1x1x5x125xi32, #tpu.memory_space<hbm>> -> memref<5x125xi32, #tpu.memory_space<hbm>>
            tpu.enqueue_dma source(%dma_start3A_708 : memref<5x125xi32, #tpu.memory_space<hbm>>) target(%arg9 : memref<5x125xi32, #tpu.memory_space<vmem>>) target_semaphore(%run_scoped3A_700 : memref<!tpu.dma_semaphore, #tpu.memory_space<semaphore_mem>>)
            %dma_wait3A_709 = arith.constant 0 : i32
            %dma_wait3A_710 = arith.constant 0 : i32
            %dma_wait3A_711 = tpu.memref_slice %arg4[%arg1, %min3A_426, %dma_wait3A_709, %dma_wait3A_710] : memref<16x16x5x125xi32, #tpu.memory_space<hbm>> -> memref<1x1x5x125xi32, #tpu.memory_space<hbm>>
            %dma_wait3A_712 = tpu.memref_squeeze %dma_wait3A_711 : memref<1x1x5x125xi32, #tpu.memory_space<hbm>> -> memref<5x125xi32, #tpu.memory_space<hbm>>
            %dma_wait3A_713 = arith.constant 0 : i32
            %dma_wait3A_714 = arith.constant 0 : i32
            %dma_wait3A_715 = tpu.memref_slice %arg4[%arg1, %min3A_426, %dma_wait3A_713, %dma_wait3A_714] : memref<16x16x5x125xi32, #tpu.memory_space<hbm>> -> memref<1x1x5x125xi32, #tpu.memory_space<hbm>>
            %dma_wait3A_716 = tpu.memref_squeeze %dma_wait3A_715 : memref<1x1x5x125xi32, #tpu.memory_space<hbm>> -> memref<5x125xi32, #tpu.memory_space<hbm>>
            tpu.wait_dma2 semaphore(%run_scoped3A_700 : memref<!tpu.dma_semaphore, #tpu.memory_space<semaphore_mem>>) src(%dma_wait3A_716 : memref<5x125xi32, #tpu.memory_space<hbm>>) dst(%arg9 : memref<5x125xi32, #tpu.memory_space<vmem>>)
            tpu.yield
          }) : () -> ()
        } else {
        }
        %dma_start3A_445 = arith.constant 1 : i32
        %dma_start3A_446 = arith.constant 0 : i32
        %dma_start3A_447 = arith.constant 0 : i32
        %dma_start3A_448 = arith.constant 0 : i32
        %dma_start3A_449 = tpu.memref_slice %arg11[%dma_start3A_446, %dma_start3A_447, %dma_start3A_448] : memref<2x125x128xf32, #tpu.memory_space<vmem>> -> memref<1x125x128xf32, #tpu.memory_space<vmem>>
        %dma_start3A_450 = tpu.memref_squeeze %dma_start3A_449 : memref<1x125x128xf32, #tpu.memory_space<vmem>> -> memref<125x128xf32, #tpu.memory_space<vmem>>
        %dma_start3A_451 = arith.constant 0 : i32
        %dma_start3A_452 = tpu.memref_slice %arg8[%dma_start3A_445, %dma_start3A_451] : memref<5x125xi32, #tpu.memory_space<vmem>> -> memref<1x125xi32, #tpu.memory_space<vmem>>
        %dma_start3A_453 = tpu.memref_squeeze %dma_start3A_452 : memref<1x125xi32, #tpu.memory_space<vmem>> -> memref<125xi32, #tpu.memory_space<vmem>>
        %dma_start3A_454 = arith.constant 0 : i32
        %dma_start3A_455 = arith.constant 0 : i32
        %dma_start3A_456 = tpu.memref_slice %arg2[%scan3A_77, %dma_start3A_454, %dma_start3A_455] : memref<2x10000x128xf32, #tpu.memory_space<hbm>> -> memref<1x10000x128xf32, #tpu.memory_space<hbm>>
        %dma_start3A_457 = tpu.memref_squeeze %dma_start3A_456 : memref<1x10000x128xf32, #tpu.memory_space<hbm>> -> memref<10000x128xf32, #tpu.memory_space<hbm>>
        %dma_start3A_458 = arith.constant 0 : i32
        %dma_start3A_459 = arith.constant 0 : i32
        %dma_start3A_460 = tpu.memref_slice %dma_start3A_457[%dma_start3A_458, %dma_start3A_459] : memref<10000x128xf32, #tpu.memory_space<hbm>> -> memref<10000x128xf32, #tpu.memory_space<hbm>>
        tpu.enqueue_indirect_dma source(%dma_start3A_460 : memref<10000x128xf32, #tpu.memory_space<hbm>>) target(%dma_start3A_450 : memref<125x128xf32, #tpu.memory_space<vmem>>) offsets(%dma_start3A_453 : memref<125xi32, #tpu.memory_space<vmem>>) semaphore(%arg13 : memref<!tpu.dma_semaphore, #tpu.memory_space<semaphore_mem>>)
        %dma_wait3A_461 = arith.constant 0 : i32
        %dma_wait3A_462 = arith.constant 1 : i32
        %dma_wait3A_463 = arith.constant 0 : i32
        %dma_wait3A_464 = arith.constant 0 : i32
        %dma_wait3A_465 = tpu.memref_slice %arg11[%dma_wait3A_462, %dma_wait3A_463, %dma_wait3A_464] : memref<2x125x128xf32, #tpu.memory_space<vmem>> -> memref<1x125x128xf32, #tpu.memory_space<vmem>>
        %dma_wait3A_466 = tpu.memref_squeeze %dma_wait3A_465 : memref<1x125x128xf32, #tpu.memory_space<vmem>> -> memref<125x128xf32, #tpu.memory_space<vmem>>
        %dma_wait3A_467 = arith.constant 0 : i32
        %dma_wait3A_468 = tpu.memref_slice %arg8[%dma_wait3A_461, %dma_wait3A_467] : memref<5x125xi32, #tpu.memory_space<vmem>> -> memref<1x125xi32, #tpu.memory_space<vmem>>
        %dma_wait3A_469 = tpu.memref_squeeze %dma_wait3A_468 : memref<1x125xi32, #tpu.memory_space<vmem>> -> memref<125xi32, #tpu.memory_space<vmem>>
        %dma_wait3A_470 = arith.constant 0 : i32
        %dma_wait3A_471 = arith.constant 0 : i32
        %dma_wait3A_472 = tpu.memref_slice %arg2[%scan3A_77, %dma_wait3A_470, %dma_wait3A_471] : memref<2x10000x128xf32, #tpu.memory_space<hbm>> -> memref<1x10000x128xf32, #tpu.memory_space<hbm>>
        %dma_wait3A_473 = tpu.memref_squeeze %dma_wait3A_472 : memref<1x10000x128xf32, #tpu.memory_space<hbm>> -> memref<10000x128xf32, #tpu.memory_space<hbm>>
        %dma_wait3A_474 = arith.constant 0 : i32
        %dma_wait3A_475 = arith.constant 0 : i32
        %dma_wait3A_476 = tpu.memref_slice %dma_wait3A_473[%dma_wait3A_474, %dma_wait3A_475] : memref<10000x128xf32, #tpu.memory_space<hbm>> -> memref<10000x128xf32, #tpu.memory_space<hbm>>
        tpu.wait_indirect_dma semaphore(%arg14 : memref<!tpu.dma_semaphore, #tpu.memory_space<semaphore_mem>>) src(%dma_wait3A_476 : memref<10000x128xf32, #tpu.memory_space<hbm>>) dst(%dma_wait3A_466 : memref<125x128xf32, #tpu.memory_space<vmem>>)
        %dma_start3A_477 = arith.constant 1 : i32
        %dma_start3A_478 = arith.constant 0 : i32
        %dma_start3A_479 = arith.constant 0 : i32
        %dma_start3A_480 = arith.constant 0 : i32
        %dma_start3A_481 = tpu.memref_slice %arg11[%dma_start3A_477, %dma_start3A_479, %dma_start3A_480] : memref<2x125x128xf32, #tpu.memory_space<vmem>> -> memref<1x125x128xf32, #tpu.memory_space<vmem>>
        %dma_start3A_482 = tpu.memref_squeeze %dma_start3A_481 : memref<1x125x128xf32, #tpu.memory_space<vmem>> -> memref<125x128xf32, #tpu.memory_space<vmem>>
        %dma_start3A_483 = arith.constant 0 : i32
        %dma_start3A_484 = tpu.memref_slice %arg10[%dma_start3A_478, %dma_start3A_483] : memref<5x125xi32, #tpu.memory_space<vmem>> -> memref<1x125xi32, #tpu.memory_space<vmem>>
        %dma_start3A_485 = tpu.memref_squeeze %dma_start3A_484 : memref<1x125xi32, #tpu.memory_space<vmem>> -> memref<125xi32, #tpu.memory_space<vmem>>
        %dma_start3A_486 = arith.constant 0 : i32
        %dma_start3A_487 = arith.constant 0 : i32
        %dma_start3A_488 = tpu.memref_slice %arg12[%dma_start3A_486, %dma_start3A_487] : memref<10240x128xf32, #tpu.memory_space<vmem_shared>> -> memref<10240x128xf32, #tpu.memory_space<vmem_shared>>
        tpu.enqueue_indirect_dma source(%dma_start3A_482 : memref<125x128xf32, #tpu.memory_space<vmem>>) target(%dma_start3A_488 : memref<10240x128xf32, #tpu.memory_space<vmem_shared>>) offsets(%dma_start3A_485 : memref<125xi32, #tpu.memory_space<vmem>>) semaphore(%arg16 : memref<!tpu.dma_semaphore, #tpu.memory_space<semaphore_mem>>) {add = true}
        %dma_wait3A_489 = arith.constant 1 : i32
        %dma_wait3A_490 = arith.constant 1 : i32
        %dma_wait3A_491 = arith.constant 0 : i32
        %dma_wait3A_492 = arith.constant 0 : i32
        %dma_wait3A_493 = tpu.memref_slice %arg11[%dma_wait3A_489, %dma_wait3A_491, %dma_wait3A_492] : memref<2x125x128xf32, #tpu.memory_space<vmem>> -> memref<1x125x128xf32, #tpu.memory_space<vmem>>
        %dma_wait3A_494 = tpu.memref_squeeze %dma_wait3A_493 : memref<1x125x128xf32, #tpu.memory_space<vmem>> -> memref<125x128xf32, #tpu.memory_space<vmem>>
        %dma_wait3A_495 = arith.constant 0 : i32
        %dma_wait3A_496 = tpu.memref_slice %arg10[%dma_wait3A_490, %dma_wait3A_495] : memref<5x125xi32, #tpu.memory_space<vmem>> -> memref<1x125xi32, #tpu.memory_space<vmem>>
        %dma_wait3A_497 = tpu.memref_squeeze %dma_wait3A_496 : memref<1x125xi32, #tpu.memory_space<vmem>> -> memref<125xi32, #tpu.memory_space<vmem>>
        %dma_wait3A_498 = arith.constant 0 : i32
        %dma_wait3A_499 = arith.constant 0 : i32
        %dma_wait3A_500 = tpu.memref_slice %arg12[%dma_wait3A_498, %dma_wait3A_499] : memref<10240x128xf32, #tpu.memory_space<vmem_shared>> -> memref<10240x128xf32, #tpu.memory_space<vmem_shared>>
        tpu.wait_indirect_dma semaphore(%arg16 : memref<!tpu.dma_semaphore, #tpu.memory_space<semaphore_mem>>) src(%dma_wait3A_494 : memref<125x128xf32, #tpu.memory_space<vmem>>) dst(%dma_wait3A_500 : memref<10240x128xf32, #tpu.memory_space<vmem_shared>>)
        %dma_start3A_501 = arith.constant 2 : i32
        %dma_start3A_502 = arith.constant 1 : i32
        %dma_start3A_503 = arith.constant 0 : i32
        %dma_start3A_504 = arith.constant 0 : i32
        %dma_start3A_505 = tpu.memref_slice %arg11[%dma_start3A_502, %dma_start3A_503, %dma_start3A_504] : memref<2x125x128xf32, #tpu.memory_space<vmem>> -> memref<1x125x128xf32, #tpu.memory_space<vmem>>
        %dma_start3A_506 = tpu.memref_squeeze %dma_start3A_505 : memref<1x125x128xf32, #tpu.memory_space<vmem>> -> memref<125x128xf32, #tpu.memory_space<vmem>>
        %dma_start3A_507 = arith.constant 0 : i32
        %dma_start3A_508 = tpu.memref_slice %arg8[%dma_start3A_501, %dma_start3A_507] : memref<5x125xi32, #tpu.memory_space<vmem>> -> memref<1x125xi32, #tpu.memory_space<vmem>>
        %dma_start3A_509 = tpu.memref_squeeze %dma_start3A_508 : memref<1x125xi32, #tpu.memory_space<vmem>> -> memref<125xi32, #tpu.memory_space<vmem>>
        %dma_start3A_510 = arith.constant 0 : i32
        %dma_start3A_511 = arith.constant 0 : i32
        %dma_start3A_512 = tpu.memref_slice %arg2[%scan3A_77, %dma_start3A_510, %dma_start3A_511] : memref<2x10000x128xf32, #tpu.memory_space<hbm>> -> memref<1x10000x128xf32, #tpu.memory_space<hbm>>
        %dma_start3A_513 = tpu.memref_squeeze %dma_start3A_512 : memref<1x10000x128xf32, #tpu.memory_space<hbm>> -> memref<10000x128xf32, #tpu.memory_space<hbm>>
        %dma_start3A_514 = arith.constant 0 : i32
        %dma_start3A_515 = arith.constant 0 : i32
        %dma_start3A_516 = tpu.memref_slice %dma_start3A_513[%dma_start3A_514, %dma_start3A_515] : memref<10000x128xf32, #tpu.memory_space<hbm>> -> memref<10000x128xf32, #tpu.memory_space<hbm>>
        tpu.enqueue_indirect_dma source(%dma_start3A_516 : memref<10000x128xf32, #tpu.memory_space<hbm>>) target(%dma_start3A_506 : memref<125x128xf32, #tpu.memory_space<vmem>>) offsets(%dma_start3A_509 : memref<125xi32, #tpu.memory_space<vmem>>) semaphore(%arg14 : memref<!tpu.dma_semaphore, #tpu.memory_space<semaphore_mem>>)
        %dma_wait3A_517 = arith.constant 1 : i32
        %dma_wait3A_518 = arith.constant 0 : i32
        %dma_wait3A_519 = arith.constant 0 : i32
        %dma_wait3A_520 = arith.constant 0 : i32
        %dma_wait3A_521 = tpu.memref_slice %arg11[%dma_wait3A_518, %dma_wait3A_519, %dma_wait3A_520] : memref<2x125x128xf32, #tpu.memory_space<vmem>> -> memref<1x125x128xf32, #tpu.memory_space<vmem>>
        %dma_wait3A_522 = tpu.memref_squeeze %dma_wait3A_521 : memref<1x125x128xf32, #tpu.memory_space<vmem>> -> memref<125x128xf32, #tpu.memory_space<vmem>>
        %dma_wait3A_523 = arith.constant 0 : i32
        %dma_wait3A_524 = tpu.memref_slice %arg8[%dma_wait3A_517, %dma_wait3A_523] : memref<5x125xi32, #tpu.memory_space<vmem>> -> memref<1x125xi32, #tpu.memory_space<vmem>>
        %dma_wait3A_525 = tpu.memref_squeeze %dma_wait3A_524 : memref<1x125xi32, #tpu.memory_space<vmem>> -> memref<125xi32, #tpu.memory_space<vmem>>
        %dma_wait3A_526 = arith.constant 0 : i32
        %dma_wait3A_527 = arith.constant 0 : i32
        %dma_wait3A_528 = tpu.memref_slice %arg2[%scan3A_77, %dma_wait3A_526, %dma_wait3A_527] : memref<2x10000x128xf32, #tpu.memory_space<hbm>> -> memref<1x10000x128xf32, #tpu.memory_space<hbm>>
        %dma_wait3A_529 = tpu.memref_squeeze %dma_wait3A_528 : memref<1x10000x128xf32, #tpu.memory_space<hbm>> -> memref<10000x128xf32, #tpu.memory_space<hbm>>
        %dma_wait3A_530 = arith.constant 0 : i32
        %dma_wait3A_531 = arith.constant 0 : i32
        %dma_wait3A_532 = tpu.memref_slice %dma_wait3A_529[%dma_wait3A_530, %dma_wait3A_531] : memref<10000x128xf32, #tpu.memory_space<hbm>> -> memref<10000x128xf32, #tpu.memory_space<hbm>>
        tpu.wait_indirect_dma semaphore(%arg13 : memref<!tpu.dma_semaphore, #tpu.memory_space<semaphore_mem>>) src(%dma_wait3A_532 : memref<10000x128xf32, #tpu.memory_space<hbm>>) dst(%dma_wait3A_522 : memref<125x128xf32, #tpu.memory_space<vmem>>)
        %dma_start3A_533 = arith.constant 0 : i32
        %dma_start3A_534 = arith.constant 1 : i32
        %dma_start3A_535 = arith.constant 0 : i32
        %dma_start3A_536 = arith.constant 0 : i32
        %dma_start3A_537 = tpu.memref_slice %arg11[%dma_start3A_533, %dma_start3A_535, %dma_start3A_536] : memref<2x125x128xf32, #tpu.memory_space<vmem>> -> memref<1x125x128xf32, #tpu.memory_space<vmem>>
        %dma_start3A_538 = tpu.memref_squeeze %dma_start3A_537 : memref<1x125x128xf32, #tpu.memory_space<vmem>> -> memref<125x128xf32, #tpu.memory_space<vmem>>
        %dma_start3A_539 = arith.constant 0 : i32
        %dma_start3A_540 = tpu.memref_slice %arg10[%dma_start3A_534, %dma_start3A_539] : memref<5x125xi32, #tpu.memory_space<vmem>> -> memref<1x125xi32, #tpu.memory_space<vmem>>
        %dma_start3A_541 = tpu.memref_squeeze %dma_start3A_540 : memref<1x125xi32, #tpu.memory_space<vmem>> -> memref<125xi32, #tpu.memory_space<vmem>>
        %dma_start3A_542 = arith.constant 0 : i32
        %dma_start3A_543 = arith.constant 0 : i32
        %dma_start3A_544 = tpu.memref_slice %arg12[%dma_start3A_542, %dma_start3A_543] : memref<10240x128xf32, #tpu.memory_space<vmem_shared>> -> memref<10240x128xf32, #tpu.memory_space<vmem_shared>>
        tpu.enqueue_indirect_dma source(%dma_start3A_538 : memref<125x128xf32, #tpu.memory_space<vmem>>) target(%dma_start3A_544 : memref<10240x128xf32, #tpu.memory_space<vmem_shared>>) offsets(%dma_start3A_541 : memref<125xi32, #tpu.memory_space<vmem>>) semaphore(%arg15 : memref<!tpu.dma_semaphore, #tpu.memory_space<semaphore_mem>>) {add = true}
        %dma_wait3A_545 = arith.constant 0 : i32
        %dma_wait3A_546 = arith.constant 2 : i32
        %dma_wait3A_547 = arith.constant 0 : i32
        %dma_wait3A_548 = arith.constant 0 : i32
        %dma_wait3A_549 = tpu.memref_slice %arg11[%dma_wait3A_545, %dma_wait3A_547, %dma_wait3A_548] : memref<2x125x128xf32, #tpu.memory_space<vmem>> -> memref<1x125x128xf32, #tpu.memory_space<vmem>>
        %dma_wait3A_550 = tpu.memref_squeeze %dma_wait3A_549 : memref<1x125x128xf32, #tpu.memory_space<vmem>> -> memref<125x128xf32, #tpu.memory_space<vmem>>
        %dma_wait3A_551 = arith.constant 0 : i32
        %dma_wait3A_552 = tpu.memref_slice %arg10[%dma_wait3A_546, %dma_wait3A_551] : memref<5x125xi32, #tpu.memory_space<vmem>> -> memref<1x125xi32, #tpu.memory_space<vmem>>
        %dma_wait3A_553 = tpu.memref_squeeze %dma_wait3A_552 : memref<1x125xi32, #tpu.memory_space<vmem>> -> memref<125xi32, #tpu.memory_space<vmem>>
        %dma_wait3A_554 = arith.constant 0 : i32
        %dma_wait3A_555 = arith.constant 0 : i32
        %dma_wait3A_556 = tpu.memref_slice %arg12[%dma_wait3A_554, %dma_wait3A_555] : memref<10240x128xf32, #tpu.memory_space<vmem_shared>> -> memref<10240x128xf32, #tpu.memory_space<vmem_shared>>
        tpu.wait_indirect_dma semaphore(%arg15 : memref<!tpu.dma_semaphore, #tpu.memory_space<semaphore_mem>>) src(%dma_wait3A_550 : memref<125x128xf32, #tpu.memory_space<vmem>>) dst(%dma_wait3A_556 : memref<10240x128xf32, #tpu.memory_space<vmem_shared>>)
        %dma_start3A_557 = arith.constant 3 : i32
        %dma_start3A_558 = arith.constant 0 : i32
        %dma_start3A_559 = arith.constant 0 : i32
        %dma_start3A_560 = arith.constant 0 : i32
        %dma_start3A_561 = tpu.memref_slice %arg11[%dma_start3A_558, %dma_start3A_559, %dma_start3A_560] : memref<2x125x128xf32, #tpu.memory_space<vmem>> -> memref<1x125x128xf32, #tpu.memory_space<vmem>>
        %dma_start3A_562 = tpu.memref_squeeze %dma_start3A_561 : memref<1x125x128xf32, #tpu.memory_space<vmem>> -> memref<125x128xf32, #tpu.memory_space<vmem>>
        %dma_start3A_563 = arith.constant 0 : i32
        %dma_start3A_564 = tpu.memref_slice %arg8[%dma_start3A_557, %dma_start3A_563] : memref<5x125xi32, #tpu.memory_space<vmem>> -> memref<1x125xi32, #tpu.memory_space<vmem>>
        %dma_start3A_565 = tpu.memref_squeeze %dma_start3A_564 : memref<1x125xi32, #tpu.memory_space<vmem>> -> memref<125xi32, #tpu.memory_space<vmem>>
        %dma_start3A_566 = arith.constant 0 : i32
        %dma_start3A_567 = arith.constant 0 : i32
        %dma_start3A_568 = tpu.memref_slice %arg2[%scan3A_77, %dma_start3A_566, %dma_start3A_567] : memref<2x10000x128xf32, #tpu.memory_space<hbm>> -> memref<1x10000x128xf32, #tpu.memory_space<hbm>>
        %dma_start3A_569 = tpu.memref_squeeze %dma_start3A_568 : memref<1x10000x128xf32, #tpu.memory_space<hbm>> -> memref<10000x128xf32, #tpu.memory_space<hbm>>
        %dma_start3A_570 = arith.constant 0 : i32
        %dma_start3A_571 = arith.constant 0 : i32
        %dma_start3A_572 = tpu.memref_slice %dma_start3A_569[%dma_start3A_570, %dma_start3A_571] : memref<10000x128xf32, #tpu.memory_space<hbm>> -> memref<10000x128xf32, #tpu.memory_space<hbm>>
        tpu.enqueue_indirect_dma source(%dma_start3A_572 : memref<10000x128xf32, #tpu.memory_space<hbm>>) target(%dma_start3A_562 : memref<125x128xf32, #tpu.memory_space<vmem>>) offsets(%dma_start3A_565 : memref<125xi32, #tpu.memory_space<vmem>>) semaphore(%arg13 : memref<!tpu.dma_semaphore, #tpu.memory_space<semaphore_mem>>)
        %dma_wait3A_573 = arith.constant 2 : i32
        %dma_wait3A_574 = arith.constant 1 : i32
        %dma_wait3A_575 = arith.constant 0 : i32
        %dma_wait3A_576 = arith.constant 0 : i32
        %dma_wait3A_577 = tpu.memref_slice %arg11[%dma_wait3A_574, %dma_wait3A_575, %dma_wait3A_576] : memref<2x125x128xf32, #tpu.memory_space<vmem>> -> memref<1x125x128xf32, #tpu.memory_space<vmem>>
        %dma_wait3A_578 = tpu.memref_squeeze %dma_wait3A_577 : memref<1x125x128xf32, #tpu.memory_space<vmem>> -> memref<125x128xf32, #tpu.memory_space<vmem>>
        %dma_wait3A_579 = arith.constant 0 : i32
        %dma_wait3A_580 = tpu.memref_slice %arg8[%dma_wait3A_573, %dma_wait3A_579] : memref<5x125xi32, #tpu.memory_space<vmem>> -> memref<1x125xi32, #tpu.memory_space<vmem>>
        %dma_wait3A_581 = tpu.memref_squeeze %dma_wait3A_580 : memref<1x125xi32, #tpu.memory_space<vmem>> -> memref<125xi32, #tpu.memory_space<vmem>>
        %dma_wait3A_582 = arith.constant 0 : i32
        %dma_wait3A_583 = arith.constant 0 : i32
        %dma_wait3A_584 = tpu.memref_slice %arg2[%scan3A_77, %dma_wait3A_582, %dma_wait3A_583] : memref<2x10000x128xf32, #tpu.memory_space<hbm>> -> memref<1x10000x128xf32, #tpu.memory_space<hbm>>
        %dma_wait3A_585 = tpu.memref_squeeze %dma_wait3A_584 : memref<1x10000x128xf32, #tpu.memory_space<hbm>> -> memref<10000x128xf32, #tpu.memory_space<hbm>>
        %dma_wait3A_586 = arith.constant 0 : i32
        %dma_wait3A_587 = arith.constant 0 : i32
        %dma_wait3A_588 = tpu.memref_slice %dma_wait3A_585[%dma_wait3A_586, %dma_wait3A_587] : memref<10000x128xf32, #tpu.memory_space<hbm>> -> memref<10000x128xf32, #tpu.memory_space<hbm>>
        tpu.wait_indirect_dma semaphore(%arg14 : memref<!tpu.dma_semaphore, #tpu.memory_space<semaphore_mem>>) src(%dma_wait3A_588 : memref<10000x128xf32, #tpu.memory_space<hbm>>) dst(%dma_wait3A_578 : memref<125x128xf32, #tpu.memory_space<vmem>>)
        %dma_start3A_589 = arith.constant 1 : i32
        %dma_start3A_590 = arith.constant 2 : i32
        %dma_start3A_591 = arith.constant 0 : i32
        %dma_start3A_592 = arith.constant 0 : i32
        %dma_start3A_593 = tpu.memref_slice %arg11[%dma_start3A_589, %dma_start3A_591, %dma_start3A_592] : memref<2x125x128xf32, #tpu.memory_space<vmem>> -> memref<1x125x128xf32, #tpu.memory_space<vmem>>
        %dma_start3A_594 = tpu.memref_squeeze %dma_start3A_593 : memref<1x125x128xf32, #tpu.memory_space<vmem>> -> memref<125x128xf32, #tpu.memory_space<vmem>>
        %dma_start3A_595 = arith.constant 0 : i32
        %dma_start3A_596 = tpu.memref_slice %arg10[%dma_start3A_590, %dma_start3A_595] : memref<5x125xi32, #tpu.memory_space<vmem>> -> memref<1x125xi32, #tpu.memory_space<vmem>>
        %dma_start3A_597 = tpu.memref_squeeze %dma_start3A_596 : memref<1x125xi32, #tpu.memory_space<vmem>> -> memref<125xi32, #tpu.memory_space<vmem>>
        %dma_start3A_598 = arith.constant 0 : i32
        %dma_start3A_599 = arith.constant 0 : i32
        %dma_start3A_600 = tpu.memref_slice %arg12[%dma_start3A_598, %dma_start3A_599] : memref<10240x128xf32, #tpu.memory_space<vmem_shared>> -> memref<10240x128xf32, #tpu.memory_space<vmem_shared>>
        tpu.enqueue_indirect_dma source(%dma_start3A_594 : memref<125x128xf32, #tpu.memory_space<vmem>>) target(%dma_start3A_600 : memref<10240x128xf32, #tpu.memory_space<vmem_shared>>) offsets(%dma_start3A_597 : memref<125xi32, #tpu.memory_space<vmem>>) semaphore(%arg16 : memref<!tpu.dma_semaphore, #tpu.memory_space<semaphore_mem>>) {add = true}
        %dma_wait3A_601 = arith.constant 1 : i32
        %dma_wait3A_602 = arith.constant 3 : i32
        %dma_wait3A_603 = arith.constant 0 : i32
        %dma_wait3A_604 = arith.constant 0 : i32
        %dma_wait3A_605 = tpu.memref_slice %arg11[%dma_wait3A_601, %dma_wait3A_603, %dma_wait3A_604] : memref<2x125x128xf32, #tpu.memory_space<vmem>> -> memref<1x125x128xf32, #tpu.memory_space<vmem>>
        %dma_wait3A_606 = tpu.memref_squeeze %dma_wait3A_605 : memref<1x125x128xf32, #tpu.memory_space<vmem>> -> memref<125x128xf32, #tpu.memory_space<vmem>>
        %dma_wait3A_607 = arith.constant 0 : i32
        %dma_wait3A_608 = tpu.memref_slice %arg10[%dma_wait3A_602, %dma_wait3A_607] : memref<5x125xi32, #tpu.memory_space<vmem>> -> memref<1x125xi32, #tpu.memory_space<vmem>>
        %dma_wait3A_609 = tpu.memref_squeeze %dma_wait3A_608 : memref<1x125xi32, #tpu.memory_space<vmem>> -> memref<125xi32, #tpu.memory_space<vmem>>
        %dma_wait3A_610 = arith.constant 0 : i32
        %dma_wait3A_611 = arith.constant 0 : i32
        %dma_wait3A_612 = tpu.memref_slice %arg12[%dma_wait3A_610, %dma_wait3A_611] : memref<10240x128xf32, #tpu.memory_space<vmem_shared>> -> memref<10240x128xf32, #tpu.memory_space<vmem_shared>>
        tpu.wait_indirect_dma semaphore(%arg16 : memref<!tpu.dma_semaphore, #tpu.memory_space<semaphore_mem>>) src(%dma_wait3A_606 : memref<125x128xf32, #tpu.memory_space<vmem>>) dst(%dma_wait3A_612 : memref<10240x128xf32, #tpu.memory_space<vmem_shared>>)
        %dma_start3A_613 = arith.constant 4 : i32
        %dma_start3A_614 = arith.constant 1 : i32
        %dma_start3A_615 = arith.constant 0 : i32
        %dma_start3A_616 = arith.constant 0 : i32
        %dma_start3A_617 = tpu.memref_slice %arg11[%dma_start3A_614, %dma_start3A_615, %dma_start3A_616] : memref<2x125x128xf32, #tpu.memory_space<vmem>> -> memref<1x125x128xf32, #tpu.memory_space<vmem>>
        %dma_start3A_618 = tpu.memref_squeeze %dma_start3A_617 : memref<1x125x128xf32, #tpu.memory_space<vmem>> -> memref<125x128xf32, #tpu.memory_space<vmem>>
        %dma_start3A_619 = arith.constant 0 : i32
        %dma_start3A_620 = tpu.memref_slice %arg8[%dma_start3A_613, %dma_start3A_619] : memref<5x125xi32, #tpu.memory_space<vmem>> -> memref<1x125xi32, #tpu.memory_space<vmem>>
        %dma_start3A_621 = tpu.memref_squeeze %dma_start3A_620 : memref<1x125xi32, #tpu.memory_space<vmem>> -> memref<125xi32, #tpu.memory_space<vmem>>
        %dma_start3A_622 = arith.constant 0 : i32
        %dma_start3A_623 = arith.constant 0 : i32
        %dma_start3A_624 = tpu.memref_slice %arg2[%scan3A_77, %dma_start3A_622, %dma_start3A_623] : memref<2x10000x128xf32, #tpu.memory_space<hbm>> -> memref<1x10000x128xf32, #tpu.memory_space<hbm>>
        %dma_start3A_625 = tpu.memref_squeeze %dma_start3A_624 : memref<1x10000x128xf32, #tpu.memory_space<hbm>> -> memref<10000x128xf32, #tpu.memory_space<hbm>>
        %dma_start3A_626 = arith.constant 0 : i32
        %dma_start3A_627 = arith.constant 0 : i32
        %dma_start3A_628 = tpu.memref_slice %dma_start3A_625[%dma_start3A_626, %dma_start3A_627] : memref<10000x128xf32, #tpu.memory_space<hbm>> -> memref<10000x128xf32, #tpu.memory_space<hbm>>
        tpu.enqueue_indirect_dma source(%dma_start3A_628 : memref<10000x128xf32, #tpu.memory_space<hbm>>) target(%dma_start3A_618 : memref<125x128xf32, #tpu.memory_space<vmem>>) offsets(%dma_start3A_621 : memref<125xi32, #tpu.memory_space<vmem>>) semaphore(%arg14 : memref<!tpu.dma_semaphore, #tpu.memory_space<semaphore_mem>>)
        %dma_wait3A_629 = arith.constant 3 : i32
        %dma_wait3A_630 = arith.constant 0 : i32
        %dma_wait3A_631 = arith.constant 0 : i32
        %dma_wait3A_632 = arith.constant 0 : i32
        %dma_wait3A_633 = tpu.memref_slice %arg11[%dma_wait3A_630, %dma_wait3A_631, %dma_wait3A_632] : memref<2x125x128xf32, #tpu.memory_space<vmem>> -> memref<1x125x128xf32, #tpu.memory_space<vmem>>
        %dma_wait3A_634 = tpu.memref_squeeze %dma_wait3A_633 : memref<1x125x128xf32, #tpu.memory_space<vmem>> -> memref<125x128xf32, #tpu.memory_space<vmem>>
        %dma_wait3A_635 = arith.constant 0 : i32
        %dma_wait3A_636 = tpu.memref_slice %arg8[%dma_wait3A_629, %dma_wait3A_635] : memref<5x125xi32, #tpu.memory_space<vmem>> -> memref<1x125xi32, #tpu.memory_space<vmem>>
        %dma_wait3A_637 = tpu.memref_squeeze %dma_wait3A_636 : memref<1x125xi32, #tpu.memory_space<vmem>> -> memref<125xi32, #tpu.memory_space<vmem>>
        %dma_wait3A_638 = arith.constant 0 : i32
        %dma_wait3A_639 = arith.constant 0 : i32
        %dma_wait3A_640 = tpu.memref_slice %arg2[%scan3A_77, %dma_wait3A_638, %dma_wait3A_639] : memref<2x10000x128xf32, #tpu.memory_space<hbm>> -> memref<1x10000x128xf32, #tpu.memory_space<hbm>>
        %dma_wait3A_641 = tpu.memref_squeeze %dma_wait3A_640 : memref<1x10000x128xf32, #tpu.memory_space<hbm>> -> memref<10000x128xf32, #tpu.memory_space<hbm>>
        %dma_wait3A_642 = arith.constant 0 : i32
        %dma_wait3A_643 = arith.constant 0 : i32
        %dma_wait3A_644 = tpu.memref_slice %dma_wait3A_641[%dma_wait3A_642, %dma_wait3A_643] : memref<10000x128xf32, #tpu.memory_space<hbm>> -> memref<10000x128xf32, #tpu.memory_space<hbm>>
        tpu.wait_indirect_dma semaphore(%arg13 : memref<!tpu.dma_semaphore, #tpu.memory_space<semaphore_mem>>) src(%dma_wait3A_644 : memref<10000x128xf32, #tpu.memory_space<hbm>>) dst(%dma_wait3A_634 : memref<125x128xf32, #tpu.memory_space<vmem>>)
        %dma_start3A_645 = arith.constant 0 : i32
        %dma_start3A_646 = arith.constant 3 : i32
        %dma_start3A_647 = arith.constant 0 : i32
        %dma_start3A_648 = arith.constant 0 : i32
        %dma_start3A_649 = tpu.memref_slice %arg11[%dma_start3A_645, %dma_start3A_647, %dma_start3A_648] : memref<2x125x128xf32, #tpu.memory_space<vmem>> -> memref<1x125x128xf32, #tpu.memory_space<vmem>>
        %dma_start3A_650 = tpu.memref_squeeze %dma_start3A_649 : memref<1x125x128xf32, #tpu.memory_space<vmem>> -> memref<125x128xf32, #tpu.memory_space<vmem>>
        %dma_start3A_651 = arith.constant 0 : i32
        %dma_start3A_652 = tpu.memref_slice %arg10[%dma_start3A_646, %dma_start3A_651] : memref<5x125xi32, #tpu.memory_space<vmem>> -> memref<1x125xi32, #tpu.memory_space<vmem>>
        %dma_start3A_653 = tpu.memref_squeeze %dma_start3A_652 : memref<1x125xi32, #tpu.memory_space<vmem>> -> memref<125xi32, #tpu.memory_space<vmem>>
        %dma_start3A_654 = arith.constant 0 : i32
        %dma_start3A_655 = arith.constant 0 : i32
        %dma_start3A_656 = tpu.memref_slice %arg12[%dma_start3A_654, %dma_start3A_655] : memref<10240x128xf32, #tpu.memory_space<vmem_shared>> -> memref<10240x128xf32, #tpu.memory_space<vmem_shared>>
        tpu.enqueue_indirect_dma source(%dma_start3A_650 : memref<125x128xf32, #tpu.memory_space<vmem>>) target(%dma_start3A_656 : memref<10240x128xf32, #tpu.memory_space<vmem_shared>>) offsets(%dma_start3A_653 : memref<125xi32, #tpu.memory_space<vmem>>) semaphore(%arg15 : memref<!tpu.dma_semaphore, #tpu.memory_space<semaphore_mem>>) {add = true}
        %dma_wait3A_657 = arith.constant 0 : i32
        %dma_wait3A_658 = arith.constant 4 : i32
        %dma_wait3A_659 = arith.constant 0 : i32
        %dma_wait3A_660 = arith.constant 0 : i32
        %dma_wait3A_661 = tpu.memref_slice %arg11[%dma_wait3A_657, %dma_wait3A_659, %dma_wait3A_660] : memref<2x125x128xf32, #tpu.memory_space<vmem>> -> memref<1x125x128xf32, #tpu.memory_space<vmem>>
        %dma_wait3A_662 = tpu.memref_squeeze %dma_wait3A_661 : memref<1x125x128xf32, #tpu.memory_space<vmem>> -> memref<125x128xf32, #tpu.memory_space<vmem>>
        %dma_wait3A_663 = arith.constant 0 : i32
        %dma_wait3A_664 = tpu.memref_slice %arg10[%dma_wait3A_658, %dma_wait3A_663] : memref<5x125xi32, #tpu.memory_space<vmem>> -> memref<1x125xi32, #tpu.memory_space<vmem>>
        %dma_wait3A_665 = tpu.memref_squeeze %dma_wait3A_664 : memref<1x125xi32, #tpu.memory_space<vmem>> -> memref<125xi32, #tpu.memory_space<vmem>>
        %dma_wait3A_666 = arith.constant 0 : i32
        %dma_wait3A_667 = arith.constant 0 : i32
        %dma_wait3A_668 = tpu.memref_slice %arg12[%dma_wait3A_666, %dma_wait3A_667] : memref<10240x128xf32, #tpu.memory_space<vmem_shared>> -> memref<10240x128xf32, #tpu.memory_space<vmem_shared>>
        tpu.wait_indirect_dma semaphore(%arg15 : memref<!tpu.dma_semaphore, #tpu.memory_space<semaphore_mem>>) src(%dma_wait3A_662 : memref<125x128xf32, #tpu.memory_space<vmem>>) dst(%dma_wait3A_668 : memref<10240x128xf32, #tpu.memory_space<vmem_shared>>)
        %convert_element_type3A_669 = arith.extui %lt3A_427 : i1 to i32
        %cond3A_670 = arith.constant 0 : i32
        %cond3A_671 = arith.cmpi ne, %convert_element_type3A_669, %cond3A_670 : i32
        scf.if %cond3A_671 {
          %dma_start3A_700 = arith.constant 0 : i32
          %dma_start3A_701 = arith.constant 0 : i32
          %dma_start3A_702 = arith.constant 0 : i32
          %dma_start3A_703 = arith.constant 0 : i32
          %dma_start3A_704 = tpu.memref_slice %arg11[%dma_start3A_701, %dma_start3A_702, %dma_start3A_703] : memref<2x125x128xf32, #tpu.memory_space<vmem>> -> memref<1x125x128xf32, #tpu.memory_space<vmem>>
          %dma_start3A_705 = tpu.memref_squeeze %dma_start3A_704 : memref<1x125x128xf32, #tpu.memory_space<vmem>> -> memref<125x128xf32, #tpu.memory_space<vmem>>
          %dma_start3A_706 = arith.constant 0 : i32
          %dma_start3A_707 = tpu.memref_slice %arg7[%dma_start3A_700, %dma_start3A_706] : memref<5x125xi32, #tpu.memory_space<vmem>> -> memref<1x125xi32, #tpu.memory_space<vmem>>
          %dma_start3A_708 = tpu.memref_squeeze %dma_start3A_707 : memref<1x125xi32, #tpu.memory_space<vmem>> -> memref<125xi32, #tpu.memory_space<vmem>>
          %dma_start3A_709 = arith.constant 0 : i32
          %dma_start3A_710 = arith.constant 0 : i32
          %dma_start3A_711 = tpu.memref_slice %arg2[%scan3A_77, %dma_start3A_709, %dma_start3A_710] : memref<2x10000x128xf32, #tpu.memory_space<hbm>> -> memref<1x10000x128xf32, #tpu.memory_space<hbm>>
          %dma_start3A_712 = tpu.memref_squeeze %dma_start3A_711 : memref<1x10000x128xf32, #tpu.memory_space<hbm>> -> memref<10000x128xf32, #tpu.memory_space<hbm>>
          %dma_start3A_713 = arith.constant 0 : i32
          %dma_start3A_714 = arith.constant 0 : i32
          %dma_start3A_715 = tpu.memref_slice %dma_start3A_712[%dma_start3A_713, %dma_start3A_714] : memref<10000x128xf32, #tpu.memory_space<hbm>> -> memref<10000x128xf32, #tpu.memory_space<hbm>>
          tpu.enqueue_indirect_dma source(%dma_start3A_715 : memref<10000x128xf32, #tpu.memory_space<hbm>>) target(%dma_start3A_705 : memref<125x128xf32, #tpu.memory_space<vmem>>) offsets(%dma_start3A_708 : memref<125xi32, #tpu.memory_space<vmem>>) semaphore(%arg13 : memref<!tpu.dma_semaphore, #tpu.memory_space<semaphore_mem>>)
        } else {
        }
        %dma_wait3A_672 = arith.constant 4 : i32
        %dma_wait3A_673 = arith.constant 1 : i32
        %dma_wait3A_674 = arith.constant 0 : i32
        %dma_wait3A_675 = arith.constant 0 : i32
        %dma_wait3A_676 = tpu.memref_slice %arg11[%dma_wait3A_673, %dma_wait3A_674, %dma_wait3A_675] : memref<2x125x128xf32, #tpu.memory_space<vmem>> -> memref<1x125x128xf32, #tpu.memory_space<vmem>>
        %dma_wait3A_677 = tpu.memref_squeeze %dma_wait3A_676 : memref<1x125x128xf32, #tpu.memory_space<vmem>> -> memref<125x128xf32, #tpu.memory_space<vmem>>
        %dma_wait3A_678 = arith.constant 0 : i32
        %dma_wait3A_679 = tpu.memref_slice %arg8[%dma_wait3A_672, %dma_wait3A_678] : memref<5x125xi32, #tpu.memory_space<vmem>> -> memref<1x125xi32, #tpu.memory_space<vmem>>
        %dma_wait3A_680 = tpu.memref_squeeze %dma_wait3A_679 : memref<1x125xi32, #tpu.memory_space<vmem>> -> memref<125xi32, #tpu.memory_space<vmem>>
        %dma_wait3A_681 = arith.constant 0 : i32
        %dma_wait3A_682 = arith.constant 0 : i32
        %dma_wait3A_683 = tpu.memref_slice %arg2[%scan3A_77, %dma_wait3A_681, %dma_wait3A_682] : memref<2x10000x128xf32, #tpu.memory_space<hbm>> -> memref<1x10000x128xf32, #tpu.memory_space<hbm>>
        %dma_wait3A_684 = tpu.memref_squeeze %dma_wait3A_683 : memref<1x10000x128xf32, #tpu.memory_space<hbm>> -> memref<10000x128xf32, #tpu.memory_space<hbm>>
        %dma_wait3A_685 = arith.constant 0 : i32
        %dma_wait3A_686 = arith.constant 0 : i32
        %dma_wait3A_687 = tpu.memref_slice %dma_wait3A_684[%dma_wait3A_685, %dma_wait3A_686] : memref<10000x128xf32, #tpu.memory_space<hbm>> -> memref<10000x128xf32, #tpu.memory_space<hbm>>
        tpu.wait_indirect_dma semaphore(%arg14 : memref<!tpu.dma_semaphore, #tpu.memory_space<semaphore_mem>>) src(%dma_wait3A_687 : memref<10000x128xf32, #tpu.memory_space<hbm>>) dst(%dma_wait3A_677 : memref<125x128xf32, #tpu.memory_space<vmem>>)
        %dma_start3A_688 = arith.constant 1 : i32
        %dma_start3A_689 = arith.constant 4 : i32
        %dma_start3A_690 = arith.constant 0 : i32
        %dma_start3A_691 = arith.constant 0 : i32
        %dma_start3A_692 = tpu.memref_slice %arg11[%dma_start3A_688, %dma_start3A_690, %dma_start3A_691] : memref<2x125x128xf32, #tpu.memory_space<vmem>> -> memref<1x125x128xf32, #tpu.memory_space<vmem>>
        %dma_start3A_693 = tpu.memref_squeeze %dma_start3A_692 : memref<1x125x128xf32, #tpu.memory_space<vmem>> -> memref<125x128xf32, #tpu.memory_space<vmem>>
        %dma_start3A_694 = arith.constant 0 : i32
        %dma_start3A_695 = tpu.memref_slice %arg10[%dma_start3A_689, %dma_start3A_694] : memref<5x125xi32, #tpu.memory_space<vmem>> -> memref<1x125xi32, #tpu.memory_space<vmem>>
        %dma_start3A_696 = tpu.memref_squeeze %dma_start3A_695 : memref<1x125xi32, #tpu.memory_space<vmem>> -> memref<125xi32, #tpu.memory_space<vmem>>
        %dma_start3A_697 = arith.constant 0 : i32
        %dma_start3A_698 = arith.constant 0 : i32
        %dma_start3A_699 = tpu.memref_slice %arg12[%dma_start3A_697, %dma_start3A_698] : memref<10240x128xf32, #tpu.memory_space<vmem_shared>> -> memref<10240x128xf32, #tpu.memory_space<vmem_shared>>
        tpu.enqueue_indirect_dma source(%dma_start3A_693 : memref<125x128xf32, #tpu.memory_space<vmem>>) target(%dma_start3A_699 : memref<10240x128xf32, #tpu.memory_space<vmem_shared>>) offsets(%dma_start3A_696 : memref<125xi32, #tpu.memory_space<vmem>>) semaphore(%arg16 : memref<!tpu.dma_semaphore, #tpu.memory_space<semaphore_mem>>) {add = true}
      }
      %scan3A_82 = arith.constant 8 : i32
      %dma_wait3A = arith.constant 1 : i32
      %dma_wait3A_83 = arith.constant 0 : i32
      %dma_wait3A_84 = arith.constant 0 : i32
      %dma_wait3A_85 = arith.constant 0 : i32
      %dma_wait3A_86 = tpu.memref_slice %arg11[%dma_wait3A, %dma_wait3A_84, %dma_wait3A_85] : memref<2x125x128xf32, #tpu.memory_space<vmem>> -> memref<1x125x128xf32, #tpu.memory_space<vmem>>
      %dma_wait3A_87 = tpu.memref_squeeze %dma_wait3A_86 : memref<1x125x128xf32, #tpu.memory_space<vmem>> -> memref<125x128xf32, #tpu.memory_space<vmem>>
      %dma_wait3A_88 = arith.constant 0 : i32
      %dma_wait3A_89 = tpu.memref_slice %arg9[%dma_wait3A_83, %dma_wait3A_88] : memref<5x125xi32, #tpu.memory_space<vmem>> -> memref<1x125xi32, #tpu.memory_space<vmem>>
      %dma_wait3A_90 = tpu.memref_squeeze %dma_wait3A_89 : memref<1x125xi32, #tpu.memory_space<vmem>> -> memref<125xi32, #tpu.memory_space<vmem>>
      %dma_wait3A_91 = arith.constant 0 : i32
      %dma_wait3A_92 = arith.constant 0 : i32
      %dma_wait3A_93 = tpu.memref_slice %arg12[%dma_wait3A_91, %dma_wait3A_92] : memref<10240x128xf32, #tpu.memory_space<vmem_shared>> -> memref<10240x128xf32, #tpu.memory_space<vmem_shared>>
      tpu.wait_indirect_dma semaphore(%arg16 : memref<!tpu.dma_semaphore, #tpu.memory_space<semaphore_mem>>) src(%dma_wait3A_87 : memref<125x128xf32, #tpu.memory_space<vmem>>) dst(%dma_wait3A_93 : memref<10240x128xf32, #tpu.memory_space<vmem_shared>>)
      %barrier3A_94 = arith.constant 0 : index
      tpu.barrier barrier_id(%barrier3A_94)
      %mul3A_95 = arith.constant 640 : i32
      %mul3A_96 = arith.muli %arg1, %mul3A_95 : i32
      %add3A_97 = arith.constant 0 : i32
      %add3A_98 = arith.addi %mul3A_96, %add3A_97 : i32
      %mul3A_99 = arith.constant 640 : i32
      %mul3A_100 = arith.muli %arg1, %mul3A_99 : i32
      %add3A_101 = arith.constant 0 : i32
      %add3A_102 = arith.addi %mul3A_100, %add3A_101 : i32
      "tpu.region"() ({
        %run_scoped3A_135 = tpu.sem_alloc : memref<!tpu.dma_semaphore, #tpu.memory_space<semaphore_mem>>
        %dma_start3A_136 = arith.constant 0 : i32
        %dma_start3A_137 = tpu.memref_slice %arg5[%add3A_102, %dma_start3A_136] : memref<10240x128xf32, #tpu.memory_space<hbm>> -> memref<128x128xf32, #tpu.memory_space<hbm>>
        %dma_start3A_138 = arith.constant 0 : i32
        %dma_start3A_139 = tpu.memref_slice %arg12[%add3A_98, %dma_start3A_138] : memref<10240x128xf32, #tpu.memory_space<vmem_shared>> -> memref<128x128xf32, #tpu.memory_space<vmem_shared>>
        tpu.enqueue_dma source(%dma_start3A_139 : memref<128x128xf32, #tpu.memory_space<vmem_shared>>) target(%dma_start3A_137 : memref<128x128xf32, #tpu.memory_space<hbm>>) target_semaphore(%run_scoped3A_135 : memref<!tpu.dma_semaphore, #tpu.memory_space<semaphore_mem>>)
        %dma_wait3A_140 = arith.constant 0 : i32
        %dma_wait3A_141 = tpu.memref_slice %arg5[%add3A_102, %dma_wait3A_140] : memref<10240x128xf32, #tpu.memory_space<hbm>> -> memref<128x128xf32, #tpu.memory_space<hbm>>
        %dma_wait3A_142 = arith.constant 0 : i32
        %dma_wait3A_143 = tpu.memref_slice %arg12[%add3A_98, %dma_wait3A_142] : memref<10240x128xf32, #tpu.memory_space<vmem_shared>> -> memref<128x128xf32, #tpu.memory_space<vmem_shared>>
        tpu.wait_dma2 semaphore(%run_scoped3A_135 : memref<!tpu.dma_semaphore, #tpu.memory_space<semaphore_mem>>) src(%dma_wait3A_143 : memref<128x128xf32, #tpu.memory_space<vmem_shared>>) dst(%dma_wait3A_141 : memref<128x128xf32, #tpu.memory_space<hbm>>)
        tpu.yield
      }) : () -> ()
      %mul3A_103 = arith.constant 640 : i32
      %mul3A_104 = arith.muli %arg1, %mul3A_103 : i32
      %add3A_105 = arith.constant 128 : i32
      %add3A_106 = arith.addi %mul3A_104, %add3A_105 : i32
      %mul3A_107 = arith.constant 640 : i32
      %mul3A_108 = arith.muli %arg1, %mul3A_107 : i32
      %add3A_109 = arith.constant 128 : i32
      %add3A_110 = arith.addi %mul3A_108, %add3A_109 : i32
      "tpu.region"() ({
        %run_scoped3A_135 = tpu.sem_alloc : memref<!tpu.dma_semaphore, #tpu.memory_space<semaphore_mem>>
        %dma_start3A_136 = arith.constant 0 : i32
        %dma_start3A_137 = tpu.memref_slice %arg5[%add3A_110, %dma_start3A_136] : memref<10240x128xf32, #tpu.memory_space<hbm>> -> memref<128x128xf32, #tpu.memory_space<hbm>>
        %dma_start3A_138 = arith.constant 0 : i32
        %dma_start3A_139 = tpu.memref_slice %arg12[%add3A_106, %dma_start3A_138] : memref<10240x128xf32, #tpu.memory_space<vmem_shared>> -> memref<128x128xf32, #tpu.memory_space<vmem_shared>>
        tpu.enqueue_dma source(%dma_start3A_139 : memref<128x128xf32, #tpu.memory_space<vmem_shared>>) target(%dma_start3A_137 : memref<128x128xf32, #tpu.memory_space<hbm>>) target_semaphore(%run_scoped3A_135 : memref<!tpu.dma_semaphore, #tpu.memory_space<semaphore_mem>>)
        %dma_wait3A_140 = arith.constant 0 : i32
        %dma_wait3A_141 = tpu.memref_slice %arg5[%add3A_110, %dma_wait3A_140] : memref<10240x128xf32, #tpu.memory_space<hbm>> -> memref<128x128xf32, #tpu.memory_space<hbm>>
        %dma_wait3A_142 = arith.constant 0 : i32
        %dma_wait3A_143 = tpu.memref_slice %arg12[%add3A_106, %dma_wait3A_142] : memref<10240x128xf32, #tpu.memory_space<vmem_shared>> -> memref<128x128xf32, #tpu.memory_space<vmem_shared>>
        tpu.wait_dma2 semaphore(%run_scoped3A_135 : memref<!tpu.dma_semaphore, #tpu.memory_space<semaphore_mem>>) src(%dma_wait3A_143 : memref<128x128xf32, #tpu.memory_space<vmem_shared>>) dst(%dma_wait3A_141 : memref<128x128xf32, #tpu.memory_space<hbm>>)
        tpu.yield
      }) : () -> ()
      %mul3A_111 = arith.constant 640 : i32
      %mul3A_112 = arith.muli %arg1, %mul3A_111 : i32
      %add3A_113 = arith.constant 256 : i32
      %add3A_114 = arith.addi %mul3A_112, %add3A_113 : i32
      %mul3A_115 = arith.constant 640 : i32
      %mul3A_116 = arith.muli %arg1, %mul3A_115 : i32
      %add3A_117 = arith.constant 256 : i32
      %add3A_118 = arith.addi %mul3A_116, %add3A_117 : i32
      "tpu.region"() ({
        %run_scoped3A_135 = tpu.sem_alloc : memref<!tpu.dma_semaphore, #tpu.memory_space<semaphore_mem>>
        %dma_start3A_136 = arith.constant 0 : i32
        %dma_start3A_137 = tpu.memref_slice %arg5[%add3A_118, %dma_start3A_136] : memref<10240x128xf32, #tpu.memory_space<hbm>> -> memref<128x128xf32, #tpu.memory_space<hbm>>
        %dma_start3A_138 = arith.constant 0 : i32
        %dma_start3A_139 = tpu.memref_slice %arg12[%add3A_114, %dma_start3A_138] : memref<10240x128xf32, #tpu.memory_space<vmem_shared>> -> memref<128x128xf32, #tpu.memory_space<vmem_shared>>
        tpu.enqueue_dma source(%dma_start3A_139 : memref<128x128xf32, #tpu.memory_space<vmem_shared>>) target(%dma_start3A_137 : memref<128x128xf32, #tpu.memory_space<hbm>>) target_semaphore(%run_scoped3A_135 : memref<!tpu.dma_semaphore, #tpu.memory_space<semaphore_mem>>)
        %dma_wait3A_140 = arith.constant 0 : i32
        %dma_wait3A_141 = tpu.memref_slice %arg5[%add3A_118, %dma_wait3A_140] : memref<10240x128xf32, #tpu.memory_space<hbm>> -> memref<128x128xf32, #tpu.memory_space<hbm>>
        %dma_wait3A_142 = arith.constant 0 : i32
        %dma_wait3A_143 = tpu.memref_slice %arg12[%add3A_114, %dma_wait3A_142] : memref<10240x128xf32, #tpu.memory_space<vmem_shared>> -> memref<128x128xf32, #tpu.memory_space<vmem_shared>>
        tpu.wait_dma2 semaphore(%run_scoped3A_135 : memref<!tpu.dma_semaphore, #tpu.memory_space<semaphore_mem>>) src(%dma_wait3A_143 : memref<128x128xf32, #tpu.memory_space<vmem_shared>>) dst(%dma_wait3A_141 : memref<128x128xf32, #tpu.memory_space<hbm>>)
        tpu.yield
      }) : () -> ()
      %mul3A_119 = arith.constant 640 : i32
      %mul3A_120 = arith.muli %arg1, %mul3A_119 : i32
      %add3A_121 = arith.constant 384 : i32
      %add3A_122 = arith.addi %mul3A_120, %add3A_121 : i32
      %mul3A_123 = arith.constant 640 : i32
      %mul3A_124 = arith.muli %arg1, %mul3A_123 : i32
      %add3A_125 = arith.constant 384 : i32
      %add3A_126 = arith.addi %mul3A_124, %add3A_125 : i32
      "tpu.region"() ({
        %run_scoped3A_135 = tpu.sem_alloc : memref<!tpu.dma_semaphore, #tpu.memory_space<semaphore_mem>>
        %dma_start3A_136 = arith.constant 0 : i32
        %dma_start3A_137 = tpu.memref_slice %arg5[%add3A_126, %dma_start3A_136] : memref<10240x128xf32, #tpu.memory_space<hbm>> -> memref<128x128xf32, #tpu.memory_space<hbm>>
        %dma_start3A_138 = arith.constant 0 : i32
        %dma_start3A_139 = tpu.memref_slice %arg12[%add3A_122, %dma_start3A_138] : memref<10240x128xf32, #tpu.memory_space<vmem_shared>> -> memref<128x128xf32, #tpu.memory_space<vmem_shared>>
        tpu.enqueue_dma source(%dma_start3A_139 : memref<128x128xf32, #tpu.memory_space<vmem_shared>>) target(%dma_start3A_137 : memref<128x128xf32, #tpu.memory_space<hbm>>) target_semaphore(%run_scoped3A_135 : memref<!tpu.dma_semaphore, #tpu.memory_space<semaphore_mem>>)
        %dma_wait3A_140 = arith.constant 0 : i32
        %dma_wait3A_141 = tpu.memref_slice %arg5[%add3A_126, %dma_wait3A_140] : memref<10240x128xf32, #tpu.memory_space<hbm>> -> memref<128x128xf32, #tpu.memory_space<hbm>>
        %dma_wait3A_142 = arith.constant 0 : i32
        %dma_wait3A_143 = tpu.memref_slice %arg12[%add3A_122, %dma_wait3A_142] : memref<10240x128xf32, #tpu.memory_space<vmem_shared>> -> memref<128x128xf32, #tpu.memory_space<vmem_shared>>
        tpu.wait_dma2 semaphore(%run_scoped3A_135 : memref<!tpu.dma_semaphore, #tpu.memory_space<semaphore_mem>>) src(%dma_wait3A_143 : memref<128x128xf32, #tpu.memory_space<vmem_shared>>) dst(%dma_wait3A_141 : memref<128x128xf32, #tpu.memory_space<hbm>>)
        tpu.yield
      }) : () -> ()
      %mul3A_127 = arith.constant 640 : i32
      %mul3A_128 = arith.muli %arg1, %mul3A_127 : i32
      %add3A_129 = arith.constant 512 : i32
      %add3A_130 = arith.addi %mul3A_128, %add3A_129 : i32
      %mul3A_131 = arith.constant 640 : i32
      %mul3A_132 = arith.muli %arg1, %mul3A_131 : i32
      %add3A_133 = arith.constant 512 : i32
      %add3A_134 = arith.addi %mul3A_132, %add3A_133 : i32
      "tpu.region"() ({
        %run_scoped3A_135 = tpu.sem_alloc : memref<!tpu.dma_semaphore, #tpu.memory_space<semaphore_mem>>
        %dma_start3A_136 = arith.constant 0 : i32
        %dma_start3A_137 = tpu.memref_slice %arg5[%add3A_134, %dma_start3A_136] : memref<10240x128xf32, #tpu.memory_space<hbm>> -> memref<128x128xf32, #tpu.memory_space<hbm>>
        %dma_start3A_138 = arith.constant 0 : i32
        %dma_start3A_139 = tpu.memref_slice %arg12[%add3A_130, %dma_start3A_138] : memref<10240x128xf32, #tpu.memory_space<vmem_shared>> -> memref<128x128xf32, #tpu.memory_space<vmem_shared>>
        tpu.enqueue_dma source(%dma_start3A_139 : memref<128x128xf32, #tpu.memory_space<vmem_shared>>) target(%dma_start3A_137 : memref<128x128xf32, #tpu.memory_space<hbm>>) target_semaphore(%run_scoped3A_135 : memref<!tpu.dma_semaphore, #tpu.memory_space<semaphore_mem>>)
        %dma_wait3A_140 = arith.constant 0 : i32
        %dma_wait3A_141 = tpu.memref_slice %arg5[%add3A_134, %dma_wait3A_140] : memref<10240x128xf32, #tpu.memory_space<hbm>> -> memref<128x128xf32, #tpu.memory_space<hbm>>
        %dma_wait3A_142 = arith.constant 0 : i32
        %dma_wait3A_143 = tpu.memref_slice %arg12[%add3A_130, %dma_wait3A_142] : memref<10240x128xf32, #tpu.memory_space<vmem_shared>> -> memref<128x128xf32, #tpu.memory_space<vmem_shared>>
        tpu.wait_dma2 semaphore(%run_scoped3A_135 : memref<!tpu.dma_semaphore, #tpu.memory_space<semaphore_mem>>) src(%dma_wait3A_143 : memref<128x128xf32, #tpu.memory_space<vmem_shared>>) dst(%dma_wait3A_141 : memref<128x128xf32, #tpu.memory_space<hbm>>)
        tpu.yield
      }) : () -> ()
    } else {
    }
    %eq3A_54 = arith.constant 1 : i32
    %eq3A_55 = arith.cmpi eq, %arg0, %eq3A_54 : i32
    %convert_element_type3A_56 = arith.extui %eq3A_55 : i1 to i32
    %cond3A_57 = arith.constant 0 : i32
    %cond3A_58 = arith.cmpi ne, %convert_element_type3A_56, %cond3A_57 : i32
    scf.if %cond3A_58 {
      %run_scoped3A_59 = arith.constant 0 : i32
      "tpu.region"() ({
        %run_scoped3A_135 = tpu.sem_alloc : memref<!tpu.dma_semaphore, #tpu.memory_space<semaphore_mem>>
        %dma_start3A_136 = arith.constant 0 : i32
        %dma_start3A_137 = arith.constant 0 : i32
        %dma_start3A_138 = tpu.memref_slice %arg3[%arg1, %run_scoped3A_59, %dma_start3A_136, %dma_start3A_137] : memref<16x16x5x125xi32, #tpu.memory_space<hbm>> -> memref<1x1x5x125xi32, #tpu.memory_space<hbm>>
        %dma_start3A_139 = tpu.memref_squeeze %dma_start3A_138 : memref<1x1x5x125xi32, #tpu.memory_space<hbm>> -> memref<5x125xi32, #tpu.memory_space<hbm>>
        %dma_start3A_140 = arith.constant 0 : i32
        %dma_start3A_141 = arith.constant 0 : i32
        %dma_start3A_142 = tpu.memref_slice %arg3[%arg1, %run_scoped3A_59, %dma_start3A_140, %dma_start3A_141] : memref<16x16x5x125xi32, #tpu.memory_space<hbm>> -> memref<1x1x5x125xi32, #tpu.memory_space<hbm>>
        %dma_start3A_143 = tpu.memref_squeeze %dma_start3A_142 : memref<1x1x5x125xi32, #tpu.memory_space<hbm>> -> memref<5x125xi32, #tpu.memory_space<hbm>>
        tpu.enqueue_dma source(%dma_start3A_143 : memref<5x125xi32, #tpu.memory_space<hbm>>) target(%arg7 : memref<5x125xi32, #tpu.memory_space<vmem>>) target_semaphore(%run_scoped3A_135 : memref<!tpu.dma_semaphore, #tpu.memory_space<semaphore_mem>>)
        %dma_wait3A_144 = arith.constant 0 : i32
        %dma_wait3A_145 = arith.constant 0 : i32
        %dma_wait3A_146 = tpu.memref_slice %arg3[%arg1, %run_scoped3A_59, %dma_wait3A_144, %dma_wait3A_145] : memref<16x16x5x125xi32, #tpu.memory_space<hbm>> -> memref<1x1x5x125xi32, #tpu.memory_space<hbm>>
        %dma_wait3A_147 = tpu.memref_squeeze %dma_wait3A_146 : memref<1x1x5x125xi32, #tpu.memory_space<hbm>> -> memref<5x125xi32, #tpu.memory_space<hbm>>
        %dma_wait3A_148 = arith.constant 0 : i32
        %dma_wait3A_149 = arith.constant 0 : i32
        %dma_wait3A_150 = tpu.memref_slice %arg3[%arg1, %run_scoped3A_59, %dma_wait3A_148, %dma_wait3A_149] : memref<16x16x5x125xi32, #tpu.memory_space<hbm>> -> memref<1x1x5x125xi32, #tpu.memory_space<hbm>>
        %dma_wait3A_151 = tpu.memref_squeeze %dma_wait3A_150 : memref<1x1x5x125xi32, #tpu.memory_space<hbm>> -> memref<5x125xi32, #tpu.memory_space<hbm>>
        tpu.wait_dma2 semaphore(%run_scoped3A_135 : memref<!tpu.dma_semaphore, #tpu.memory_space<semaphore_mem>>) src(%dma_wait3A_151 : memref<5x125xi32, #tpu.memory_space<hbm>>) dst(%arg7 : memref<5x125xi32, #tpu.memory_space<vmem>>)
        tpu.yield
      }) : () -> ()
      %run_scoped3A_60 = arith.constant 0 : i32
      "tpu.region"() ({
        %run_scoped3A_135 = tpu.sem_alloc : memref<!tpu.dma_semaphore, #tpu.memory_space<semaphore_mem>>
        %dma_start3A_136 = arith.constant 0 : i32
        %dma_start3A_137 = arith.constant 0 : i32
        %dma_start3A_138 = tpu.memref_slice %arg4[%arg1, %run_scoped3A_60, %dma_start3A_136, %dma_start3A_137] : memref<16x16x5x125xi32, #tpu.memory_space<hbm>> -> memref<1x1x5x125xi32, #tpu.memory_space<hbm>>
        %dma_start3A_139 = tpu.memref_squeeze %dma_start3A_138 : memref<1x1x5x125xi32, #tpu.memory_space<hbm>> -> memref<5x125xi32, #tpu.memory_space<hbm>>
        %dma_start3A_140 = arith.constant 0 : i32
        %dma_start3A_141 = arith.constant 0 : i32
        %dma_start3A_142 = tpu.memref_slice %arg4[%arg1, %run_scoped3A_60, %dma_start3A_140, %dma_start3A_141] : memref<16x16x5x125xi32, #tpu.memory_space<hbm>> -> memref<1x1x5x125xi32, #tpu.memory_space<hbm>>
        %dma_start3A_143 = tpu.memref_squeeze %dma_start3A_142 : memref<1x1x5x125xi32, #tpu.memory_space<hbm>> -> memref<5x125xi32, #tpu.memory_space<hbm>>
        tpu.enqueue_dma source(%dma_start3A_143 : memref<5x125xi32, #tpu.memory_space<hbm>>) target(%arg9 : memref<5x125xi32, #tpu.memory_space<vmem>>) target_semaphore(%run_scoped3A_135 : memref<!tpu.dma_semaphore, #tpu.memory_space<semaphore_mem>>)
        %dma_wait3A_144 = arith.constant 0 : i32
        %dma_wait3A_145 = arith.constant 0 : i32
        %dma_wait3A_146 = tpu.memref_slice %arg4[%arg1, %run_scoped3A_60, %dma_wait3A_144, %dma_wait3A_145] : memref<16x16x5x125xi32, #tpu.memory_space<hbm>> -> memref<1x1x5x125xi32, #tpu.memory_space<hbm>>
        %dma_wait3A_147 = tpu.memref_squeeze %dma_wait3A_146 : memref<1x1x5x125xi32, #tpu.memory_space<hbm>> -> memref<5x125xi32, #tpu.memory_space<hbm>>
        %dma_wait3A_148 = arith.constant 0 : i32
        %dma_wait3A_149 = arith.constant 0 : i32
        %dma_wait3A_150 = tpu.memref_slice %arg4[%arg1, %run_scoped3A_60, %dma_wait3A_148, %dma_wait3A_149] : memref<16x16x5x125xi32, #tpu.memory_space<hbm>> -> memref<1x1x5x125xi32, #tpu.memory_space<hbm>>
        %dma_wait3A_151 = tpu.memref_squeeze %dma_wait3A_150 : memref<1x1x5x125xi32, #tpu.memory_space<hbm>> -> memref<5x125xi32, #tpu.memory_space<hbm>>
        tpu.wait_dma2 semaphore(%run_scoped3A_135 : memref<!tpu.dma_semaphore, #tpu.memory_space<semaphore_mem>>) src(%dma_wait3A_151 : memref<5x125xi32, #tpu.memory_space<hbm>>) dst(%arg9 : memref<5x125xi32, #tpu.memory_space<vmem>>)
        tpu.yield
      }) : () -> ()
      %dma_start3A = arith.constant 1 : i32
      %dma_start3A_61 = arith.constant 0 : i32
      %dma_start3A_62 = arith.constant 0 : i32
      %dma_start3A_63 = arith.constant 0 : i32
      %dma_start3A_64 = arith.constant 0 : i32
      %dma_start3A_65 = tpu.memref_slice %arg11[%dma_start3A_62, %dma_start3A_63, %dma_start3A_64] : memref<2x125x128xf32, #tpu.memory_space<vmem>> -> memref<1x125x128xf32, #tpu.memory_space<vmem>>
      %dma_start3A_66 = tpu.memref_squeeze %dma_start3A_65 : memref<1x125x128xf32, #tpu.memory_space<vmem>> -> memref<125x128xf32, #tpu.memory_space<vmem>>
      %dma_start3A_67 = arith.constant 0 : i32
      %dma_start3A_68 = tpu.memref_slice %arg7[%dma_start3A_61, %dma_start3A_67] : memref<5x125xi32, #tpu.memory_space<vmem>> -> memref<1x125xi32, #tpu.memory_space<vmem>>
      %dma_start3A_69 = tpu.memref_squeeze %dma_start3A_68 : memref<1x125xi32, #tpu.memory_space<vmem>> -> memref<125xi32, #tpu.memory_space<vmem>>
      %dma_start3A_70 = arith.constant 0 : i32
      %dma_start3A_71 = arith.constant 0 : i32
      %dma_start3A_72 = tpu.memref_slice %arg2[%dma_start3A, %dma_start3A_70, %dma_start3A_71] : memref<2x10000x128xf32, #tpu.memory_space<hbm>> -> memref<1x10000x128xf32, #tpu.memory_space<hbm>>
      %dma_start3A_73 = tpu.memref_squeeze %dma_start3A_72 : memref<1x10000x128xf32, #tpu.memory_space<hbm>> -> memref<10000x128xf32, #tpu.memory_space<hbm>>
      %dma_start3A_74 = arith.constant 0 : i32
      %dma_start3A_75 = arith.constant 0 : i32
      %dma_start3A_76 = tpu.memref_slice %dma_start3A_73[%dma_start3A_74, %dma_start3A_75] : memref<10000x128xf32, #tpu.memory_space<hbm>> -> memref<10000x128xf32, #tpu.memory_space<hbm>>
      tpu.enqueue_indirect_dma source(%dma_start3A_76 : memref<10000x128xf32, #tpu.memory_space<hbm>>) target(%dma_start3A_66 : memref<125x128xf32, #tpu.memory_space<vmem>>) offsets(%dma_start3A_69 : memref<125xi32, #tpu.memory_space<vmem>>) semaphore(%arg13 : memref<!tpu.dma_semaphore, #tpu.memory_space<semaphore_mem>>)
      %scan3A_77 = arith.constant 1 : i32
      %scan3A_78 = arith.constant 0 : i32
      %scan3A_79 = arith.constant 8 : i32
      %scan3A_80 = arith.addi %scan3A_78, %scan3A_79 : i32
      %scan3A_81 = arith.constant 1 : i32
      scf.for %scan3A_135 = %scan3A_78 to %scan3A_80 step %scan3A_81  : i32 {
        %mul3A_136 = arith.constant 1 : i32
        %mul3A_137 = arith.muli %scan3A_135, %mul3A_136 : i32
        %add3A_138 = arith.constant 0 : i32
        %add3A_139 = arith.addi %add3A_138, %mul3A_137 : i32
        %gt3A = arith.constant 0 : i32
        %gt3A_140 = arith.cmpi sgt, %add3A_139, %gt3A : i32
        %convert_element_type3A_141 = arith.extui %gt3A_140 : i1 to i32
        %cond3A_142 = arith.constant 1 : i32
        %cond3A_143 = arith.constant 0 : i32
        %cond3A_144 = arith.constant 0 : i32
        %cond3A_145 = arith.cmpi ne, %convert_element_type3A_141, %cond3A_144 : i32
        scf.if %cond3A_145 {
          %dma_wait3A_700 = arith.constant 0 : i32
          %dma_wait3A_701 = arith.constant 0 : i32
          %dma_wait3A_702 = tpu.memref_slice %arg11[%cond3A_142, %dma_wait3A_700, %dma_wait3A_701] : memref<2x125x128xf32, #tpu.memory_space<vmem>> -> memref<1x125x128xf32, #tpu.memory_space<vmem>>
          %dma_wait3A_703 = tpu.memref_squeeze %dma_wait3A_702 : memref<1x125x128xf32, #tpu.memory_space<vmem>> -> memref<125x128xf32, #tpu.memory_space<vmem>>
          %dma_wait3A_704 = arith.constant 0 : i32
          %dma_wait3A_705 = tpu.memref_slice %arg9[%cond3A_143, %dma_wait3A_704] : memref<5x125xi32, #tpu.memory_space<vmem>> -> memref<1x125xi32, #tpu.memory_space<vmem>>
          %dma_wait3A_706 = tpu.memref_squeeze %dma_wait3A_705 : memref<1x125xi32, #tpu.memory_space<vmem>> -> memref<125xi32, #tpu.memory_space<vmem>>
          %dma_wait3A_707 = arith.constant 0 : i32
          %dma_wait3A_708 = arith.constant 0 : i32
          %dma_wait3A_709 = tpu.memref_slice %arg12[%dma_wait3A_707, %dma_wait3A_708] : memref<10240x128xf32, #tpu.memory_space<vmem_shared>> -> memref<10240x128xf32, #tpu.memory_space<vmem_shared>>
          tpu.wait_indirect_dma semaphore(%arg16 : memref<!tpu.dma_semaphore, #tpu.memory_space<semaphore_mem>>) src(%dma_wait3A_703 : memref<125x128xf32, #tpu.memory_space<vmem>>) dst(%dma_wait3A_709 : memref<10240x128xf32, #tpu.memory_space<vmem_shared>>)
        } else {
        }
        %mul3A_146 = arith.constant 2 : i32
        %mul3A_147 = arith.muli %mul3A_146, %add3A_139 : i32
        %add3A_148 = arith.constant 1 : i32
        %add3A_149 = arith.addi %mul3A_147, %add3A_148 : i32
        "tpu.region"() ({
          %run_scoped3A_700 = tpu.sem_alloc : memref<!tpu.dma_semaphore, #tpu.memory_space<semaphore_mem>>
          %dma_start3A_701 = arith.constant 0 : i32
          %dma_start3A_702 = arith.constant 0 : i32
          %dma_start3A_703 = tpu.memref_slice %arg3[%arg1, %add3A_149, %dma_start3A_701, %dma_start3A_702] : memref<16x16x5x125xi32, #tpu.memory_space<hbm>> -> memref<1x1x5x125xi32, #tpu.memory_space<hbm>>
          %dma_start3A_704 = tpu.memref_squeeze %dma_start3A_703 : memref<1x1x5x125xi32, #tpu.memory_space<hbm>> -> memref<5x125xi32, #tpu.memory_space<hbm>>
          %dma_start3A_705 = arith.constant 0 : i32
          %dma_start3A_706 = arith.constant 0 : i32
          %dma_start3A_707 = tpu.memref_slice %arg3[%arg1, %add3A_149, %dma_start3A_705, %dma_start3A_706] : memref<16x16x5x125xi32, #tpu.memory_space<hbm>> -> memref<1x1x5x125xi32, #tpu.memory_space<hbm>>
          %dma_start3A_708 = tpu.memref_squeeze %dma_start3A_707 : memref<1x1x5x125xi32, #tpu.memory_space<hbm>> -> memref<5x125xi32, #tpu.memory_space<hbm>>
          tpu.enqueue_dma source(%dma_start3A_708 : memref<5x125xi32, #tpu.memory_space<hbm>>) target(%arg8 : memref<5x125xi32, #tpu.memory_space<vmem>>) target_semaphore(%run_scoped3A_700 : memref<!tpu.dma_semaphore, #tpu.memory_space<semaphore_mem>>)
          %dma_wait3A_709 = arith.constant 0 : i32
          %dma_wait3A_710 = arith.constant 0 : i32
          %dma_wait3A_711 = tpu.memref_slice %arg3[%arg1, %add3A_149, %dma_wait3A_709, %dma_wait3A_710] : memref<16x16x5x125xi32, #tpu.memory_space<hbm>> -> memref<1x1x5x125xi32, #tpu.memory_space<hbm>>
          %dma_wait3A_712 = tpu.memref_squeeze %dma_wait3A_711 : memref<1x1x5x125xi32, #tpu.memory_space<hbm>> -> memref<5x125xi32, #tpu.memory_space<hbm>>
          %dma_wait3A_713 = arith.constant 0 : i32
          %dma_wait3A_714 = arith.constant 0 : i32
          %dma_wait3A_715 = tpu.memref_slice %arg3[%arg1, %add3A_149, %dma_wait3A_713, %dma_wait3A_714] : memref<16x16x5x125xi32, #tpu.memory_space<hbm>> -> memref<1x1x5x125xi32, #tpu.memory_space<hbm>>
          %dma_wait3A_716 = tpu.memref_squeeze %dma_wait3A_715 : memref<1x1x5x125xi32, #tpu.memory_space<hbm>> -> memref<5x125xi32, #tpu.memory_space<hbm>>
          tpu.wait_dma2 semaphore(%run_scoped3A_700 : memref<!tpu.dma_semaphore, #tpu.memory_space<semaphore_mem>>) src(%dma_wait3A_716 : memref<5x125xi32, #tpu.memory_space<hbm>>) dst(%arg8 : memref<5x125xi32, #tpu.memory_space<vmem>>)
          tpu.yield
        }) : () -> ()
        %mul3A_150 = arith.constant 2 : i32
        %mul3A_151 = arith.muli %mul3A_150, %add3A_139 : i32
        %add3A_152 = arith.constant 1 : i32
        %add3A_153 = arith.addi %mul3A_151, %add3A_152 : i32
        "tpu.region"() ({
          %run_scoped3A_700 = tpu.sem_alloc : memref<!tpu.dma_semaphore, #tpu.memory_space<semaphore_mem>>
          %dma_start3A_701 = arith.constant 0 : i32
          %dma_start3A_702 = arith.constant 0 : i32
          %dma_start3A_703 = tpu.memref_slice %arg4[%arg1, %add3A_153, %dma_start3A_701, %dma_start3A_702] : memref<16x16x5x125xi32, #tpu.memory_space<hbm>> -> memref<1x1x5x125xi32, #tpu.memory_space<hbm>>
          %dma_start3A_704 = tpu.memref_squeeze %dma_start3A_703 : memref<1x1x5x125xi32, #tpu.memory_space<hbm>> -> memref<5x125xi32, #tpu.memory_space<hbm>>
          %dma_start3A_705 = arith.constant 0 : i32
          %dma_start3A_706 = arith.constant 0 : i32
          %dma_start3A_707 = tpu.memref_slice %arg4[%arg1, %add3A_153, %dma_start3A_705, %dma_start3A_706] : memref<16x16x5x125xi32, #tpu.memory_space<hbm>> -> memref<1x1x5x125xi32, #tpu.memory_space<hbm>>
          %dma_start3A_708 = tpu.memref_squeeze %dma_start3A_707 : memref<1x1x5x125xi32, #tpu.memory_space<hbm>> -> memref<5x125xi32, #tpu.memory_space<hbm>>
          tpu.enqueue_dma source(%dma_start3A_708 : memref<5x125xi32, #tpu.memory_space<hbm>>) target(%arg10 : memref<5x125xi32, #tpu.memory_space<vmem>>) target_semaphore(%run_scoped3A_700 : memref<!tpu.dma_semaphore, #tpu.memory_space<semaphore_mem>>)
          %dma_wait3A_709 = arith.constant 0 : i32
          %dma_wait3A_710 = arith.constant 0 : i32
          %dma_wait3A_711 = tpu.memref_slice %arg4[%arg1, %add3A_153, %dma_wait3A_709, %dma_wait3A_710] : memref<16x16x5x125xi32, #tpu.memory_space<hbm>> -> memref<1x1x5x125xi32, #tpu.memory_space<hbm>>
          %dma_wait3A_712 = tpu.memref_squeeze %dma_wait3A_711 : memref<1x1x5x125xi32, #tpu.memory_space<hbm>> -> memref<5x125xi32, #tpu.memory_space<hbm>>
          %dma_wait3A_713 = arith.constant 0 : i32
          %dma_wait3A_714 = arith.constant 0 : i32
          %dma_wait3A_715 = tpu.memref_slice %arg4[%arg1, %add3A_153, %dma_wait3A_713, %dma_wait3A_714] : memref<16x16x5x125xi32, #tpu.memory_space<hbm>> -> memref<1x1x5x125xi32, #tpu.memory_space<hbm>>
          %dma_wait3A_716 = tpu.memref_squeeze %dma_wait3A_715 : memref<1x1x5x125xi32, #tpu.memory_space<hbm>> -> memref<5x125xi32, #tpu.memory_space<hbm>>
          tpu.wait_dma2 semaphore(%run_scoped3A_700 : memref<!tpu.dma_semaphore, #tpu.memory_space<semaphore_mem>>) src(%dma_wait3A_716 : memref<5x125xi32, #tpu.memory_space<hbm>>) dst(%arg10 : memref<5x125xi32, #tpu.memory_space<vmem>>)
          tpu.yield
        }) : () -> ()
        %dma_start3A_154 = arith.constant 1 : i32
        %dma_start3A_155 = arith.constant 1 : i32
        %dma_start3A_156 = arith.constant 0 : i32
        %dma_start3A_157 = arith.constant 0 : i32
        %dma_start3A_158 = tpu.memref_slice %arg11[%dma_start3A_155, %dma_start3A_156, %dma_start3A_157] : memref<2x125x128xf32, #tpu.memory_space<vmem>> -> memref<1x125x128xf32, #tpu.memory_space<vmem>>
        %dma_start3A_159 = tpu.memref_squeeze %dma_start3A_158 : memref<1x125x128xf32, #tpu.memory_space<vmem>> -> memref<125x128xf32, #tpu.memory_space<vmem>>
        %dma_start3A_160 = arith.constant 0 : i32
        %dma_start3A_161 = tpu.memref_slice %arg7[%dma_start3A_154, %dma_start3A_160] : memref<5x125xi32, #tpu.memory_space<vmem>> -> memref<1x125xi32, #tpu.memory_space<vmem>>
        %dma_start3A_162 = tpu.memref_squeeze %dma_start3A_161 : memref<1x125xi32, #tpu.memory_space<vmem>> -> memref<125xi32, #tpu.memory_space<vmem>>
        %dma_start3A_163 = arith.constant 0 : i32
        %dma_start3A_164 = arith.constant 0 : i32
        %dma_start3A_165 = tpu.memref_slice %arg2[%scan3A_77, %dma_start3A_163, %dma_start3A_164] : memref<2x10000x128xf32, #tpu.memory_space<hbm>> -> memref<1x10000x128xf32, #tpu.memory_space<hbm>>
        %dma_start3A_166 = tpu.memref_squeeze %dma_start3A_165 : memref<1x10000x128xf32, #tpu.memory_space<hbm>> -> memref<10000x128xf32, #tpu.memory_space<hbm>>
        %dma_start3A_167 = arith.constant 0 : i32
        %dma_start3A_168 = arith.constant 0 : i32
        %dma_start3A_169 = tpu.memref_slice %dma_start3A_166[%dma_start3A_167, %dma_start3A_168] : memref<10000x128xf32, #tpu.memory_space<hbm>> -> memref<10000x128xf32, #tpu.memory_space<hbm>>
        tpu.enqueue_indirect_dma source(%dma_start3A_169 : memref<10000x128xf32, #tpu.memory_space<hbm>>) target(%dma_start3A_159 : memref<125x128xf32, #tpu.memory_space<vmem>>) offsets(%dma_start3A_162 : memref<125xi32, #tpu.memory_space<vmem>>) semaphore(%arg14 : memref<!tpu.dma_semaphore, #tpu.memory_space<semaphore_mem>>)
        %dma_wait3A_170 = arith.constant 0 : i32
        %dma_wait3A_171 = arith.constant 0 : i32
        %dma_wait3A_172 = arith.constant 0 : i32
        %dma_wait3A_173 = arith.constant 0 : i32
        %dma_wait3A_174 = tpu.memref_slice %arg11[%dma_wait3A_171, %dma_wait3A_172, %dma_wait3A_173] : memref<2x125x128xf32, #tpu.memory_space<vmem>> -> memref<1x125x128xf32, #tpu.memory_space<vmem>>
        %dma_wait3A_175 = tpu.memref_squeeze %dma_wait3A_174 : memref<1x125x128xf32, #tpu.memory_space<vmem>> -> memref<125x128xf32, #tpu.memory_space<vmem>>
        %dma_wait3A_176 = arith.constant 0 : i32
        %dma_wait3A_177 = tpu.memref_slice %arg7[%dma_wait3A_170, %dma_wait3A_176] : memref<5x125xi32, #tpu.memory_space<vmem>> -> memref<1x125xi32, #tpu.memory_space<vmem>>
        %dma_wait3A_178 = tpu.memref_squeeze %dma_wait3A_177 : memref<1x125xi32, #tpu.memory_space<vmem>> -> memref<125xi32, #tpu.memory_space<vmem>>
        %dma_wait3A_179 = arith.constant 0 : i32
        %dma_wait3A_180 = arith.constant 0 : i32
        %dma_wait3A_181 = tpu.memref_slice %arg2[%scan3A_77, %dma_wait3A_179, %dma_wait3A_180] : memref<2x10000x128xf32, #tpu.memory_space<hbm>> -> memref<1x10000x128xf32, #tpu.memory_space<hbm>>
        %dma_wait3A_182 = tpu.memref_squeeze %dma_wait3A_181 : memref<1x10000x128xf32, #tpu.memory_space<hbm>> -> memref<10000x128xf32, #tpu.memory_space<hbm>>
        %dma_wait3A_183 = arith.constant 0 : i32
        %dma_wait3A_184 = arith.constant 0 : i32
        %dma_wait3A_185 = tpu.memref_slice %dma_wait3A_182[%dma_wait3A_183, %dma_wait3A_184] : memref<10000x128xf32, #tpu.memory_space<hbm>> -> memref<10000x128xf32, #tpu.memory_space<hbm>>
        tpu.wait_indirect_dma semaphore(%arg13 : memref<!tpu.dma_semaphore, #tpu.memory_space<semaphore_mem>>) src(%dma_wait3A_185 : memref<10000x128xf32, #tpu.memory_space<hbm>>) dst(%dma_wait3A_175 : memref<125x128xf32, #tpu.memory_space<vmem>>)
        %dma_start3A_186 = arith.constant 0 : i32
        %dma_start3A_187 = arith.constant 0 : i32
        %dma_start3A_188 = arith.constant 0 : i32
        %dma_start3A_189 = arith.constant 0 : i32
        %dma_start3A_190 = tpu.memref_slice %arg11[%dma_start3A_186, %dma_start3A_188, %dma_start3A_189] : memref<2x125x128xf32, #tpu.memory_space<vmem>> -> memref<1x125x128xf32, #tpu.memory_space<vmem>>
        %dma_start3A_191 = tpu.memref_squeeze %dma_start3A_190 : memref<1x125x128xf32, #tpu.memory_space<vmem>> -> memref<125x128xf32, #tpu.memory_space<vmem>>
        %dma_start3A_192 = arith.constant 0 : i32
        %dma_start3A_193 = tpu.memref_slice %arg9[%dma_start3A_187, %dma_start3A_192] : memref<5x125xi32, #tpu.memory_space<vmem>> -> memref<1x125xi32, #tpu.memory_space<vmem>>
        %dma_start3A_194 = tpu.memref_squeeze %dma_start3A_193 : memref<1x125xi32, #tpu.memory_space<vmem>> -> memref<125xi32, #tpu.memory_space<vmem>>
        %dma_start3A_195 = arith.constant 0 : i32
        %dma_start3A_196 = arith.constant 0 : i32
        %dma_start3A_197 = tpu.memref_slice %arg12[%dma_start3A_195, %dma_start3A_196] : memref<10240x128xf32, #tpu.memory_space<vmem_shared>> -> memref<10240x128xf32, #tpu.memory_space<vmem_shared>>
        tpu.enqueue_indirect_dma source(%dma_start3A_191 : memref<125x128xf32, #tpu.memory_space<vmem>>) target(%dma_start3A_197 : memref<10240x128xf32, #tpu.memory_space<vmem_shared>>) offsets(%dma_start3A_194 : memref<125xi32, #tpu.memory_space<vmem>>) semaphore(%arg15 : memref<!tpu.dma_semaphore, #tpu.memory_space<semaphore_mem>>) {add = true}
        %dma_wait3A_198 = arith.constant 0 : i32
        %dma_wait3A_199 = arith.constant 1 : i32
        %dma_wait3A_200 = arith.constant 0 : i32
        %dma_wait3A_201 = arith.constant 0 : i32
        %dma_wait3A_202 = tpu.memref_slice %arg11[%dma_wait3A_198, %dma_wait3A_200, %dma_wait3A_201] : memref<2x125x128xf32, #tpu.memory_space<vmem>> -> memref<1x125x128xf32, #tpu.memory_space<vmem>>
        %dma_wait3A_203 = tpu.memref_squeeze %dma_wait3A_202 : memref<1x125x128xf32, #tpu.memory_space<vmem>> -> memref<125x128xf32, #tpu.memory_space<vmem>>
        %dma_wait3A_204 = arith.constant 0 : i32
        %dma_wait3A_205 = tpu.memref_slice %arg9[%dma_wait3A_199, %dma_wait3A_204] : memref<5x125xi32, #tpu.memory_space<vmem>> -> memref<1x125xi32, #tpu.memory_space<vmem>>
        %dma_wait3A_206 = tpu.memref_squeeze %dma_wait3A_205 : memref<1x125xi32, #tpu.memory_space<vmem>> -> memref<125xi32, #tpu.memory_space<vmem>>
        %dma_wait3A_207 = arith.constant 0 : i32
        %dma_wait3A_208 = arith.constant 0 : i32
        %dma_wait3A_209 = tpu.memref_slice %arg12[%dma_wait3A_207, %dma_wait3A_208] : memref<10240x128xf32, #tpu.memory_space<vmem_shared>> -> memref<10240x128xf32, #tpu.memory_space<vmem_shared>>
        tpu.wait_indirect_dma semaphore(%arg15 : memref<!tpu.dma_semaphore, #tpu.memory_space<semaphore_mem>>) src(%dma_wait3A_203 : memref<125x128xf32, #tpu.memory_space<vmem>>) dst(%dma_wait3A_209 : memref<10240x128xf32, #tpu.memory_space<vmem_shared>>)
        %dma_start3A_210 = arith.constant 2 : i32
        %dma_start3A_211 = arith.constant 0 : i32
        %dma_start3A_212 = arith.constant 0 : i32
        %dma_start3A_213 = arith.constant 0 : i32
        %dma_start3A_214 = tpu.memref_slice %arg11[%dma_start3A_211, %dma_start3A_212, %dma_start3A_213] : memref<2x125x128xf32, #tpu.memory_space<vmem>> -> memref<1x125x128xf32, #tpu.memory_space<vmem>>
        %dma_start3A_215 = tpu.memref_squeeze %dma_start3A_214 : memref<1x125x128xf32, #tpu.memory_space<vmem>> -> memref<125x128xf32, #tpu.memory_space<vmem>>
        %dma_start3A_216 = arith.constant 0 : i32
        %dma_start3A_217 = tpu.memref_slice %arg7[%dma_start3A_210, %dma_start3A_216] : memref<5x125xi32, #tpu.memory_space<vmem>> -> memref<1x125xi32, #tpu.memory_space<vmem>>
        %dma_start3A_218 = tpu.memref_squeeze %dma_start3A_217 : memref<1x125xi32, #tpu.memory_space<vmem>> -> memref<125xi32, #tpu.memory_space<vmem>>
        %dma_start3A_219 = arith.constant 0 : i32
        %dma_start3A_220 = arith.constant 0 : i32
        %dma_start3A_221 = tpu.memref_slice %arg2[%scan3A_77, %dma_start3A_219, %dma_start3A_220] : memref<2x10000x128xf32, #tpu.memory_space<hbm>> -> memref<1x10000x128xf32, #tpu.memory_space<hbm>>
        %dma_start3A_222 = tpu.memref_squeeze %dma_start3A_221 : memref<1x10000x128xf32, #tpu.memory_space<hbm>> -> memref<10000x128xf32, #tpu.memory_space<hbm>>
        %dma_start3A_223 = arith.constant 0 : i32
        %dma_start3A_224 = arith.constant 0 : i32
        %dma_start3A_225 = tpu.memref_slice %dma_start3A_222[%dma_start3A_223, %dma_start3A_224] : memref<10000x128xf32, #tpu.memory_space<hbm>> -> memref<10000x128xf32, #tpu.memory_space<hbm>>
        tpu.enqueue_indirect_dma source(%dma_start3A_225 : memref<10000x128xf32, #tpu.memory_space<hbm>>) target(%dma_start3A_215 : memref<125x128xf32, #tpu.memory_space<vmem>>) offsets(%dma_start3A_218 : memref<125xi32, #tpu.memory_space<vmem>>) semaphore(%arg13 : memref<!tpu.dma_semaphore, #tpu.memory_space<semaphore_mem>>)
        %dma_wait3A_226 = arith.constant 1 : i32
        %dma_wait3A_227 = arith.constant 1 : i32
        %dma_wait3A_228 = arith.constant 0 : i32
        %dma_wait3A_229 = arith.constant 0 : i32
        %dma_wait3A_230 = tpu.memref_slice %arg11[%dma_wait3A_227, %dma_wait3A_228, %dma_wait3A_229] : memref<2x125x128xf32, #tpu.memory_space<vmem>> -> memref<1x125x128xf32, #tpu.memory_space<vmem>>
        %dma_wait3A_231 = tpu.memref_squeeze %dma_wait3A_230 : memref<1x125x128xf32, #tpu.memory_space<vmem>> -> memref<125x128xf32, #tpu.memory_space<vmem>>
        %dma_wait3A_232 = arith.constant 0 : i32
        %dma_wait3A_233 = tpu.memref_slice %arg7[%dma_wait3A_226, %dma_wait3A_232] : memref<5x125xi32, #tpu.memory_space<vmem>> -> memref<1x125xi32, #tpu.memory_space<vmem>>
        %dma_wait3A_234 = tpu.memref_squeeze %dma_wait3A_233 : memref<1x125xi32, #tpu.memory_space<vmem>> -> memref<125xi32, #tpu.memory_space<vmem>>
        %dma_wait3A_235 = arith.constant 0 : i32
        %dma_wait3A_236 = arith.constant 0 : i32
        %dma_wait3A_237 = tpu.memref_slice %arg2[%scan3A_77, %dma_wait3A_235, %dma_wait3A_236] : memref<2x10000x128xf32, #tpu.memory_space<hbm>> -> memref<1x10000x128xf32, #tpu.memory_space<hbm>>
        %dma_wait3A_238 = tpu.memref_squeeze %dma_wait3A_237 : memref<1x10000x128xf32, #tpu.memory_space<hbm>> -> memref<10000x128xf32, #tpu.memory_space<hbm>>
        %dma_wait3A_239 = arith.constant 0 : i32
        %dma_wait3A_240 = arith.constant 0 : i32
        %dma_wait3A_241 = tpu.memref_slice %dma_wait3A_238[%dma_wait3A_239, %dma_wait3A_240] : memref<10000x128xf32, #tpu.memory_space<hbm>> -> memref<10000x128xf32, #tpu.memory_space<hbm>>
        tpu.wait_indirect_dma semaphore(%arg14 : memref<!tpu.dma_semaphore, #tpu.memory_space<semaphore_mem>>) src(%dma_wait3A_241 : memref<10000x128xf32, #tpu.memory_space<hbm>>) dst(%dma_wait3A_231 : memref<125x128xf32, #tpu.memory_space<vmem>>)
        %dma_start3A_242 = arith.constant 1 : i32
        %dma_start3A_243 = arith.constant 1 : i32
        %dma_start3A_244 = arith.constant 0 : i32
        %dma_start3A_245 = arith.constant 0 : i32
        %dma_start3A_246 = tpu.memref_slice %arg11[%dma_start3A_242, %dma_start3A_244, %dma_start3A_245] : memref<2x125x128xf32, #tpu.memory_space<vmem>> -> memref<1x125x128xf32, #tpu.memory_space<vmem>>
        %dma_start3A_247 = tpu.memref_squeeze %dma_start3A_246 : memref<1x125x128xf32, #tpu.memory_space<vmem>> -> memref<125x128xf32, #tpu.memory_space<vmem>>
        %dma_start3A_248 = arith.constant 0 : i32
        %dma_start3A_249 = tpu.memref_slice %arg9[%dma_start3A_243, %dma_start3A_248] : memref<5x125xi32, #tpu.memory_space<vmem>> -> memref<1x125xi32, #tpu.memory_space<vmem>>
        %dma_start3A_250 = tpu.memref_squeeze %dma_start3A_249 : memref<1x125xi32, #tpu.memory_space<vmem>> -> memref<125xi32, #tpu.memory_space<vmem>>
        %dma_start3A_251 = arith.constant 0 : i32
        %dma_start3A_252 = arith.constant 0 : i32
        %dma_start3A_253 = tpu.memref_slice %arg12[%dma_start3A_251, %dma_start3A_252] : memref<10240x128xf32, #tpu.memory_space<vmem_shared>> -> memref<10240x128xf32, #tpu.memory_space<vmem_shared>>
        tpu.enqueue_indirect_dma source(%dma_start3A_247 : memref<125x128xf32, #tpu.memory_space<vmem>>) target(%dma_start3A_253 : memref<10240x128xf32, #tpu.memory_space<vmem_shared>>) offsets(%dma_start3A_250 : memref<125xi32, #tpu.memory_space<vmem>>) semaphore(%arg16 : memref<!tpu.dma_semaphore, #tpu.memory_space<semaphore_mem>>) {add = true}
        %dma_wait3A_254 = arith.constant 1 : i32
        %dma_wait3A_255 = arith.constant 2 : i32
        %dma_wait3A_256 = arith.constant 0 : i32
        %dma_wait3A_257 = arith.constant 0 : i32
        %dma_wait3A_258 = tpu.memref_slice %arg11[%dma_wait3A_254, %dma_wait3A_256, %dma_wait3A_257] : memref<2x125x128xf32, #tpu.memory_space<vmem>> -> memref<1x125x128xf32, #tpu.memory_space<vmem>>
        %dma_wait3A_259 = tpu.memref_squeeze %dma_wait3A_258 : memref<1x125x128xf32, #tpu.memory_space<vmem>> -> memref<125x128xf32, #tpu.memory_space<vmem>>
        %dma_wait3A_260 = arith.constant 0 : i32
        %dma_wait3A_261 = tpu.memref_slice %arg9[%dma_wait3A_255, %dma_wait3A_260] : memref<5x125xi32, #tpu.memory_space<vmem>> -> memref<1x125xi32, #tpu.memory_space<vmem>>
        %dma_wait3A_262 = tpu.memref_squeeze %dma_wait3A_261 : memref<1x125xi32, #tpu.memory_space<vmem>> -> memref<125xi32, #tpu.memory_space<vmem>>
        %dma_wait3A_263 = arith.constant 0 : i32
        %dma_wait3A_264 = arith.constant 0 : i32
        %dma_wait3A_265 = tpu.memref_slice %arg12[%dma_wait3A_263, %dma_wait3A_264] : memref<10240x128xf32, #tpu.memory_space<vmem_shared>> -> memref<10240x128xf32, #tpu.memory_space<vmem_shared>>
        tpu.wait_indirect_dma semaphore(%arg16 : memref<!tpu.dma_semaphore, #tpu.memory_space<semaphore_mem>>) src(%dma_wait3A_259 : memref<125x128xf32, #tpu.memory_space<vmem>>) dst(%dma_wait3A_265 : memref<10240x128xf32, #tpu.memory_space<vmem_shared>>)
        %dma_start3A_266 = arith.constant 3 : i32
        %dma_start3A_267 = arith.constant 1 : i32
        %dma_start3A_268 = arith.constant 0 : i32
        %dma_start3A_269 = arith.constant 0 : i32
        %dma_start3A_270 = tpu.memref_slice %arg11[%dma_start3A_267, %dma_start3A_268, %dma_start3A_269] : memref<2x125x128xf32, #tpu.memory_space<vmem>> -> memref<1x125x128xf32, #tpu.memory_space<vmem>>
        %dma_start3A_271 = tpu.memref_squeeze %dma_start3A_270 : memref<1x125x128xf32, #tpu.memory_space<vmem>> -> memref<125x128xf32, #tpu.memory_space<vmem>>
        %dma_start3A_272 = arith.constant 0 : i32
        %dma_start3A_273 = tpu.memref_slice %arg7[%dma_start3A_266, %dma_start3A_272] : memref<5x125xi32, #tpu.memory_space<vmem>> -> memref<1x125xi32, #tpu.memory_space<vmem>>
        %dma_start3A_274 = tpu.memref_squeeze %dma_start3A_273 : memref<1x125xi32, #tpu.memory_space<vmem>> -> memref<125xi32, #tpu.memory_space<vmem>>
        %dma_start3A_275 = arith.constant 0 : i32
        %dma_start3A_276 = arith.constant 0 : i32
        %dma_start3A_277 = tpu.memref_slice %arg2[%scan3A_77, %dma_start3A_275, %dma_start3A_276] : memref<2x10000x128xf32, #tpu.memory_space<hbm>> -> memref<1x10000x128xf32, #tpu.memory_space<hbm>>
        %dma_start3A_278 = tpu.memref_squeeze %dma_start3A_277 : memref<1x10000x128xf32, #tpu.memory_space<hbm>> -> memref<10000x128xf32, #tpu.memory_space<hbm>>
        %dma_start3A_279 = arith.constant 0 : i32
        %dma_start3A_280 = arith.constant 0 : i32
        %dma_start3A_281 = tpu.memref_slice %dma_start3A_278[%dma_start3A_279, %dma_start3A_280] : memref<10000x128xf32, #tpu.memory_space<hbm>> -> memref<10000x128xf32, #tpu.memory_space<hbm>>
        tpu.enqueue_indirect_dma source(%dma_start3A_281 : memref<10000x128xf32, #tpu.memory_space<hbm>>) target(%dma_start3A_271 : memref<125x128xf32, #tpu.memory_space<vmem>>) offsets(%dma_start3A_274 : memref<125xi32, #tpu.memory_space<vmem>>) semaphore(%arg14 : memref<!tpu.dma_semaphore, #tpu.memory_space<semaphore_mem>>)
        %dma_wait3A_282 = arith.constant 2 : i32
        %dma_wait3A_283 = arith.constant 0 : i32
        %dma_wait3A_284 = arith.constant 0 : i32
        %dma_wait3A_285 = arith.constant 0 : i32
        %dma_wait3A_286 = tpu.memref_slice %arg11[%dma_wait3A_283, %dma_wait3A_284, %dma_wait3A_285] : memref<2x125x128xf32, #tpu.memory_space<vmem>> -> memref<1x125x128xf32, #tpu.memory_space<vmem>>
        %dma_wait3A_287 = tpu.memref_squeeze %dma_wait3A_286 : memref<1x125x128xf32, #tpu.memory_space<vmem>> -> memref<125x128xf32, #tpu.memory_space<vmem>>
        %dma_wait3A_288 = arith.constant 0 : i32
        %dma_wait3A_289 = tpu.memref_slice %arg7[%dma_wait3A_282, %dma_wait3A_288] : memref<5x125xi32, #tpu.memory_space<vmem>> -> memref<1x125xi32, #tpu.memory_space<vmem>>
        %dma_wait3A_290 = tpu.memref_squeeze %dma_wait3A_289 : memref<1x125xi32, #tpu.memory_space<vmem>> -> memref<125xi32, #tpu.memory_space<vmem>>
        %dma_wait3A_291 = arith.constant 0 : i32
        %dma_wait3A_292 = arith.constant 0 : i32
        %dma_wait3A_293 = tpu.memref_slice %arg2[%scan3A_77, %dma_wait3A_291, %dma_wait3A_292] : memref<2x10000x128xf32, #tpu.memory_space<hbm>> -> memref<1x10000x128xf32, #tpu.memory_space<hbm>>
        %dma_wait3A_294 = tpu.memref_squeeze %dma_wait3A_293 : memref<1x10000x128xf32, #tpu.memory_space<hbm>> -> memref<10000x128xf32, #tpu.memory_space<hbm>>
        %dma_wait3A_295 = arith.constant 0 : i32
        %dma_wait3A_296 = arith.constant 0 : i32
        %dma_wait3A_297 = tpu.memref_slice %dma_wait3A_294[%dma_wait3A_295, %dma_wait3A_296] : memref<10000x128xf32, #tpu.memory_space<hbm>> -> memref<10000x128xf32, #tpu.memory_space<hbm>>
        tpu.wait_indirect_dma semaphore(%arg13 : memref<!tpu.dma_semaphore, #tpu.memory_space<semaphore_mem>>) src(%dma_wait3A_297 : memref<10000x128xf32, #tpu.memory_space<hbm>>) dst(%dma_wait3A_287 : memref<125x128xf32, #tpu.memory_space<vmem>>)
        %dma_start3A_298 = arith.constant 0 : i32
        %dma_start3A_299 = arith.constant 2 : i32
        %dma_start3A_300 = arith.constant 0 : i32
        %dma_start3A_301 = arith.constant 0 : i32
        %dma_start3A_302 = tpu.memref_slice %arg11[%dma_start3A_298, %dma_start3A_300, %dma_start3A_301] : memref<2x125x128xf32, #tpu.memory_space<vmem>> -> memref<1x125x128xf32, #tpu.memory_space<vmem>>
        %dma_start3A_303 = tpu.memref_squeeze %dma_start3A_302 : memref<1x125x128xf32, #tpu.memory_space<vmem>> -> memref<125x128xf32, #tpu.memory_space<vmem>>
        %dma_start3A_304 = arith.constant 0 : i32
        %dma_start3A_305 = tpu.memref_slice %arg9[%dma_start3A_299, %dma_start3A_304] : memref<5x125xi32, #tpu.memory_space<vmem>> -> memref<1x125xi32, #tpu.memory_space<vmem>>
        %dma_start3A_306 = tpu.memref_squeeze %dma_start3A_305 : memref<1x125xi32, #tpu.memory_space<vmem>> -> memref<125xi32, #tpu.memory_space<vmem>>
        %dma_start3A_307 = arith.constant 0 : i32
        %dma_start3A_308 = arith.constant 0 : i32
        %dma_start3A_309 = tpu.memref_slice %arg12[%dma_start3A_307, %dma_start3A_308] : memref<10240x128xf32, #tpu.memory_space<vmem_shared>> -> memref<10240x128xf32, #tpu.memory_space<vmem_shared>>
        tpu.enqueue_indirect_dma source(%dma_start3A_303 : memref<125x128xf32, #tpu.memory_space<vmem>>) target(%dma_start3A_309 : memref<10240x128xf32, #tpu.memory_space<vmem_shared>>) offsets(%dma_start3A_306 : memref<125xi32, #tpu.memory_space<vmem>>) semaphore(%arg15 : memref<!tpu.dma_semaphore, #tpu.memory_space<semaphore_mem>>) {add = true}
        %dma_wait3A_310 = arith.constant 0 : i32
        %dma_wait3A_311 = arith.constant 3 : i32
        %dma_wait3A_312 = arith.constant 0 : i32
        %dma_wait3A_313 = arith.constant 0 : i32
        %dma_wait3A_314 = tpu.memref_slice %arg11[%dma_wait3A_310, %dma_wait3A_312, %dma_wait3A_313] : memref<2x125x128xf32, #tpu.memory_space<vmem>> -> memref<1x125x128xf32, #tpu.memory_space<vmem>>
        %dma_wait3A_315 = tpu.memref_squeeze %dma_wait3A_314 : memref<1x125x128xf32, #tpu.memory_space<vmem>> -> memref<125x128xf32, #tpu.memory_space<vmem>>
        %dma_wait3A_316 = arith.constant 0 : i32
        %dma_wait3A_317 = tpu.memref_slice %arg9[%dma_wait3A_311, %dma_wait3A_316] : memref<5x125xi32, #tpu.memory_space<vmem>> -> memref<1x125xi32, #tpu.memory_space<vmem>>
        %dma_wait3A_318 = tpu.memref_squeeze %dma_wait3A_317 : memref<1x125xi32, #tpu.memory_space<vmem>> -> memref<125xi32, #tpu.memory_space<vmem>>
        %dma_wait3A_319 = arith.constant 0 : i32
        %dma_wait3A_320 = arith.constant 0 : i32
        %dma_wait3A_321 = tpu.memref_slice %arg12[%dma_wait3A_319, %dma_wait3A_320] : memref<10240x128xf32, #tpu.memory_space<vmem_shared>> -> memref<10240x128xf32, #tpu.memory_space<vmem_shared>>
        tpu.wait_indirect_dma semaphore(%arg15 : memref<!tpu.dma_semaphore, #tpu.memory_space<semaphore_mem>>) src(%dma_wait3A_315 : memref<125x128xf32, #tpu.memory_space<vmem>>) dst(%dma_wait3A_321 : memref<10240x128xf32, #tpu.memory_space<vmem_shared>>)
        %dma_start3A_322 = arith.constant 4 : i32
        %dma_start3A_323 = arith.constant 0 : i32
        %dma_start3A_324 = arith.constant 0 : i32
        %dma_start3A_325 = arith.constant 0 : i32
        %dma_start3A_326 = tpu.memref_slice %arg11[%dma_start3A_323, %dma_start3A_324, %dma_start3A_325] : memref<2x125x128xf32, #tpu.memory_space<vmem>> -> memref<1x125x128xf32, #tpu.memory_space<vmem>>
        %dma_start3A_327 = tpu.memref_squeeze %dma_start3A_326 : memref<1x125x128xf32, #tpu.memory_space<vmem>> -> memref<125x128xf32, #tpu.memory_space<vmem>>
        %dma_start3A_328 = arith.constant 0 : i32
        %dma_start3A_329 = tpu.memref_slice %arg7[%dma_start3A_322, %dma_start3A_328] : memref<5x125xi32, #tpu.memory_space<vmem>> -> memref<1x125xi32, #tpu.memory_space<vmem>>
        %dma_start3A_330 = tpu.memref_squeeze %dma_start3A_329 : memref<1x125xi32, #tpu.memory_space<vmem>> -> memref<125xi32, #tpu.memory_space<vmem>>
        %dma_start3A_331 = arith.constant 0 : i32
        %dma_start3A_332 = arith.constant 0 : i32
        %dma_start3A_333 = tpu.memref_slice %arg2[%scan3A_77, %dma_start3A_331, %dma_start3A_332] : memref<2x10000x128xf32, #tpu.memory_space<hbm>> -> memref<1x10000x128xf32, #tpu.memory_space<hbm>>
        %dma_start3A_334 = tpu.memref_squeeze %dma_start3A_333 : memref<1x10000x128xf32, #tpu.memory_space<hbm>> -> memref<10000x128xf32, #tpu.memory_space<hbm>>
        %dma_start3A_335 = arith.constant 0 : i32
        %dma_start3A_336 = arith.constant 0 : i32
        %dma_start3A_337 = tpu.memref_slice %dma_start3A_334[%dma_start3A_335, %dma_start3A_336] : memref<10000x128xf32, #tpu.memory_space<hbm>> -> memref<10000x128xf32, #tpu.memory_space<hbm>>
        tpu.enqueue_indirect_dma source(%dma_start3A_337 : memref<10000x128xf32, #tpu.memory_space<hbm>>) target(%dma_start3A_327 : memref<125x128xf32, #tpu.memory_space<vmem>>) offsets(%dma_start3A_330 : memref<125xi32, #tpu.memory_space<vmem>>) semaphore(%arg13 : memref<!tpu.dma_semaphore, #tpu.memory_space<semaphore_mem>>)
        %dma_wait3A_338 = arith.constant 3 : i32
        %dma_wait3A_339 = arith.constant 1 : i32
        %dma_wait3A_340 = arith.constant 0 : i32
        %dma_wait3A_341 = arith.constant 0 : i32
        %dma_wait3A_342 = tpu.memref_slice %arg11[%dma_wait3A_339, %dma_wait3A_340, %dma_wait3A_341] : memref<2x125x128xf32, #tpu.memory_space<vmem>> -> memref<1x125x128xf32, #tpu.memory_space<vmem>>
        %dma_wait3A_343 = tpu.memref_squeeze %dma_wait3A_342 : memref<1x125x128xf32, #tpu.memory_space<vmem>> -> memref<125x128xf32, #tpu.memory_space<vmem>>
        %dma_wait3A_344 = arith.constant 0 : i32
        %dma_wait3A_345 = tpu.memref_slice %arg7[%dma_wait3A_338, %dma_wait3A_344] : memref<5x125xi32, #tpu.memory_space<vmem>> -> memref<1x125xi32, #tpu.memory_space<vmem>>
        %dma_wait3A_346 = tpu.memref_squeeze %dma_wait3A_345 : memref<1x125xi32, #tpu.memory_space<vmem>> -> memref<125xi32, #tpu.memory_space<vmem>>
        %dma_wait3A_347 = arith.constant 0 : i32
        %dma_wait3A_348 = arith.constant 0 : i32
        %dma_wait3A_349 = tpu.memref_slice %arg2[%scan3A_77, %dma_wait3A_347, %dma_wait3A_348] : memref<2x10000x128xf32, #tpu.memory_space<hbm>> -> memref<1x10000x128xf32, #tpu.memory_space<hbm>>
        %dma_wait3A_350 = tpu.memref_squeeze %dma_wait3A_349 : memref<1x10000x128xf32, #tpu.memory_space<hbm>> -> memref<10000x128xf32, #tpu.memory_space<hbm>>
        %dma_wait3A_351 = arith.constant 0 : i32
        %dma_wait3A_352 = arith.constant 0 : i32
        %dma_wait3A_353 = tpu.memref_slice %dma_wait3A_350[%dma_wait3A_351, %dma_wait3A_352] : memref<10000x128xf32, #tpu.memory_space<hbm>> -> memref<10000x128xf32, #tpu.memory_space<hbm>>
        tpu.wait_indirect_dma semaphore(%arg14 : memref<!tpu.dma_semaphore, #tpu.memory_space<semaphore_mem>>) src(%dma_wait3A_353 : memref<10000x128xf32, #tpu.memory_space<hbm>>) dst(%dma_wait3A_343 : memref<125x128xf32, #tpu.memory_space<vmem>>)
        %dma_start3A_354 = arith.constant 1 : i32
        %dma_start3A_355 = arith.constant 3 : i32
        %dma_start3A_356 = arith.constant 0 : i32
        %dma_start3A_357 = arith.constant 0 : i32
        %dma_start3A_358 = tpu.memref_slice %arg11[%dma_start3A_354, %dma_start3A_356, %dma_start3A_357] : memref<2x125x128xf32, #tpu.memory_space<vmem>> -> memref<1x125x128xf32, #tpu.memory_space<vmem>>
        %dma_start3A_359 = tpu.memref_squeeze %dma_start3A_358 : memref<1x125x128xf32, #tpu.memory_space<vmem>> -> memref<125x128xf32, #tpu.memory_space<vmem>>
        %dma_start3A_360 = arith.constant 0 : i32
        %dma_start3A_361 = tpu.memref_slice %arg9[%dma_start3A_355, %dma_start3A_360] : memref<5x125xi32, #tpu.memory_space<vmem>> -> memref<1x125xi32, #tpu.memory_space<vmem>>
        %dma_start3A_362 = tpu.memref_squeeze %dma_start3A_361 : memref<1x125xi32, #tpu.memory_space<vmem>> -> memref<125xi32, #tpu.memory_space<vmem>>
        %dma_start3A_363 = arith.constant 0 : i32
        %dma_start3A_364 = arith.constant 0 : i32
        %dma_start3A_365 = tpu.memref_slice %arg12[%dma_start3A_363, %dma_start3A_364] : memref<10240x128xf32, #tpu.memory_space<vmem_shared>> -> memref<10240x128xf32, #tpu.memory_space<vmem_shared>>
        tpu.enqueue_indirect_dma source(%dma_start3A_359 : memref<125x128xf32, #tpu.memory_space<vmem>>) target(%dma_start3A_365 : memref<10240x128xf32, #tpu.memory_space<vmem_shared>>) offsets(%dma_start3A_362 : memref<125xi32, #tpu.memory_space<vmem>>) semaphore(%arg16 : memref<!tpu.dma_semaphore, #tpu.memory_space<semaphore_mem>>) {add = true}
        %dma_wait3A_366 = arith.constant 1 : i32
        %dma_wait3A_367 = arith.constant 4 : i32
        %dma_wait3A_368 = arith.constant 0 : i32
        %dma_wait3A_369 = arith.constant 0 : i32
        %dma_wait3A_370 = tpu.memref_slice %arg11[%dma_wait3A_366, %dma_wait3A_368, %dma_wait3A_369] : memref<2x125x128xf32, #tpu.memory_space<vmem>> -> memref<1x125x128xf32, #tpu.memory_space<vmem>>
        %dma_wait3A_371 = tpu.memref_squeeze %dma_wait3A_370 : memref<1x125x128xf32, #tpu.memory_space<vmem>> -> memref<125x128xf32, #tpu.memory_space<vmem>>
        %dma_wait3A_372 = arith.constant 0 : i32
        %dma_wait3A_373 = tpu.memref_slice %arg9[%dma_wait3A_367, %dma_wait3A_372] : memref<5x125xi32, #tpu.memory_space<vmem>> -> memref<1x125xi32, #tpu.memory_space<vmem>>
        %dma_wait3A_374 = tpu.memref_squeeze %dma_wait3A_373 : memref<1x125xi32, #tpu.memory_space<vmem>> -> memref<125xi32, #tpu.memory_space<vmem>>
        %dma_wait3A_375 = arith.constant 0 : i32
        %dma_wait3A_376 = arith.constant 0 : i32
        %dma_wait3A_377 = tpu.memref_slice %arg12[%dma_wait3A_375, %dma_wait3A_376] : memref<10240x128xf32, #tpu.memory_space<vmem_shared>> -> memref<10240x128xf32, #tpu.memory_space<vmem_shared>>
        tpu.wait_indirect_dma semaphore(%arg16 : memref<!tpu.dma_semaphore, #tpu.memory_space<semaphore_mem>>) src(%dma_wait3A_371 : memref<125x128xf32, #tpu.memory_space<vmem>>) dst(%dma_wait3A_377 : memref<10240x128xf32, #tpu.memory_space<vmem_shared>>)
        %dma_start3A_378 = arith.constant 0 : i32
        %dma_start3A_379 = arith.constant 1 : i32
        %dma_start3A_380 = arith.constant 0 : i32
        %dma_start3A_381 = arith.constant 0 : i32
        %dma_start3A_382 = tpu.memref_slice %arg11[%dma_start3A_379, %dma_start3A_380, %dma_start3A_381] : memref<2x125x128xf32, #tpu.memory_space<vmem>> -> memref<1x125x128xf32, #tpu.memory_space<vmem>>
        %dma_start3A_383 = tpu.memref_squeeze %dma_start3A_382 : memref<1x125x128xf32, #tpu.memory_space<vmem>> -> memref<125x128xf32, #tpu.memory_space<vmem>>
        %dma_start3A_384 = arith.constant 0 : i32
        %dma_start3A_385 = tpu.memref_slice %arg8[%dma_start3A_378, %dma_start3A_384] : memref<5x125xi32, #tpu.memory_space<vmem>> -> memref<1x125xi32, #tpu.memory_space<vmem>>
        %dma_start3A_386 = tpu.memref_squeeze %dma_start3A_385 : memref<1x125xi32, #tpu.memory_space<vmem>> -> memref<125xi32, #tpu.memory_space<vmem>>
        %dma_start3A_387 = arith.constant 0 : i32
        %dma_start3A_388 = arith.constant 0 : i32
        %dma_start3A_389 = tpu.memref_slice %arg2[%scan3A_77, %dma_start3A_387, %dma_start3A_388] : memref<2x10000x128xf32, #tpu.memory_space<hbm>> -> memref<1x10000x128xf32, #tpu.memory_space<hbm>>
        %dma_start3A_390 = tpu.memref_squeeze %dma_start3A_389 : memref<1x10000x128xf32, #tpu.memory_space<hbm>> -> memref<10000x128xf32, #tpu.memory_space<hbm>>
        %dma_start3A_391 = arith.constant 0 : i32
        %dma_start3A_392 = arith.constant 0 : i32
        %dma_start3A_393 = tpu.memref_slice %dma_start3A_390[%dma_start3A_391, %dma_start3A_392] : memref<10000x128xf32, #tpu.memory_space<hbm>> -> memref<10000x128xf32, #tpu.memory_space<hbm>>
        tpu.enqueue_indirect_dma source(%dma_start3A_393 : memref<10000x128xf32, #tpu.memory_space<hbm>>) target(%dma_start3A_383 : memref<125x128xf32, #tpu.memory_space<vmem>>) offsets(%dma_start3A_386 : memref<125xi32, #tpu.memory_space<vmem>>) semaphore(%arg14 : memref<!tpu.dma_semaphore, #tpu.memory_space<semaphore_mem>>)
        %dma_wait3A_394 = arith.constant 4 : i32
        %dma_wait3A_395 = arith.constant 0 : i32
        %dma_wait3A_396 = arith.constant 0 : i32
        %dma_wait3A_397 = arith.constant 0 : i32
        %dma_wait3A_398 = tpu.memref_slice %arg11[%dma_wait3A_395, %dma_wait3A_396, %dma_wait3A_397] : memref<2x125x128xf32, #tpu.memory_space<vmem>> -> memref<1x125x128xf32, #tpu.memory_space<vmem>>
        %dma_wait3A_399 = tpu.memref_squeeze %dma_wait3A_398 : memref<1x125x128xf32, #tpu.memory_space<vmem>> -> memref<125x128xf32, #tpu.memory_space<vmem>>
        %dma_wait3A_400 = arith.constant 0 : i32
        %dma_wait3A_401 = tpu.memref_slice %arg7[%dma_wait3A_394, %dma_wait3A_400] : memref<5x125xi32, #tpu.memory_space<vmem>> -> memref<1x125xi32, #tpu.memory_space<vmem>>
        %dma_wait3A_402 = tpu.memref_squeeze %dma_wait3A_401 : memref<1x125xi32, #tpu.memory_space<vmem>> -> memref<125xi32, #tpu.memory_space<vmem>>
        %dma_wait3A_403 = arith.constant 0 : i32
        %dma_wait3A_404 = arith.constant 0 : i32
        %dma_wait3A_405 = tpu.memref_slice %arg2[%scan3A_77, %dma_wait3A_403, %dma_wait3A_404] : memref<2x10000x128xf32, #tpu.memory_space<hbm>> -> memref<1x10000x128xf32, #tpu.memory_space<hbm>>
        %dma_wait3A_406 = tpu.memref_squeeze %dma_wait3A_405 : memref<1x10000x128xf32, #tpu.memory_space<hbm>> -> memref<10000x128xf32, #tpu.memory_space<hbm>>
        %dma_wait3A_407 = arith.constant 0 : i32
        %dma_wait3A_408 = arith.constant 0 : i32
        %dma_wait3A_409 = tpu.memref_slice %dma_wait3A_406[%dma_wait3A_407, %dma_wait3A_408] : memref<10000x128xf32, #tpu.memory_space<hbm>> -> memref<10000x128xf32, #tpu.memory_space<hbm>>
        tpu.wait_indirect_dma semaphore(%arg13 : memref<!tpu.dma_semaphore, #tpu.memory_space<semaphore_mem>>) src(%dma_wait3A_409 : memref<10000x128xf32, #tpu.memory_space<hbm>>) dst(%dma_wait3A_399 : memref<125x128xf32, #tpu.memory_space<vmem>>)
        %dma_start3A_410 = arith.constant 0 : i32
        %dma_start3A_411 = arith.constant 4 : i32
        %dma_start3A_412 = arith.constant 0 : i32
        %dma_start3A_413 = arith.constant 0 : i32
        %dma_start3A_414 = tpu.memref_slice %arg11[%dma_start3A_410, %dma_start3A_412, %dma_start3A_413] : memref<2x125x128xf32, #tpu.memory_space<vmem>> -> memref<1x125x128xf32, #tpu.memory_space<vmem>>
        %dma_start3A_415 = tpu.memref_squeeze %dma_start3A_414 : memref<1x125x128xf32, #tpu.memory_space<vmem>> -> memref<125x128xf32, #tpu.memory_space<vmem>>
        %dma_start3A_416 = arith.constant 0 : i32
        %dma_start3A_417 = tpu.memref_slice %arg9[%dma_start3A_411, %dma_start3A_416] : memref<5x125xi32, #tpu.memory_space<vmem>> -> memref<1x125xi32, #tpu.memory_space<vmem>>
        %dma_start3A_418 = tpu.memref_squeeze %dma_start3A_417 : memref<1x125xi32, #tpu.memory_space<vmem>> -> memref<125xi32, #tpu.memory_space<vmem>>
        %dma_start3A_419 = arith.constant 0 : i32
        %dma_start3A_420 = arith.constant 0 : i32
        %dma_start3A_421 = tpu.memref_slice %arg12[%dma_start3A_419, %dma_start3A_420] : memref<10240x128xf32, #tpu.memory_space<vmem_shared>> -> memref<10240x128xf32, #tpu.memory_space<vmem_shared>>
        tpu.enqueue_indirect_dma source(%dma_start3A_415 : memref<125x128xf32, #tpu.memory_space<vmem>>) target(%dma_start3A_421 : memref<10240x128xf32, #tpu.memory_space<vmem_shared>>) offsets(%dma_start3A_418 : memref<125xi32, #tpu.memory_space<vmem>>) semaphore(%arg15 : memref<!tpu.dma_semaphore, #tpu.memory_space<semaphore_mem>>) {add = true}
        %mul3A_422 = arith.constant 2 : i32
        %mul3A_423 = arith.muli %mul3A_422, %add3A_139 : i32
        %add3A_424 = arith.constant 2 : i32
        %add3A_425 = arith.addi %mul3A_423, %add3A_424 : i32
        %min3A = arith.constant 15 : i32
        %min3A_426 = arith.minsi %add3A_425, %min3A : i32
        %lt3A = arith.constant 7 : i32
        %lt3A_427 = arith.cmpi slt, %add3A_139, %lt3A : i32
        %dma_wait3A_428 = arith.constant 0 : i32
        %dma_wait3A_429 = arith.constant 0 : i32
        %dma_wait3A_430 = arith.constant 0 : i32
        %dma_wait3A_431 = arith.constant 0 : i32
        %dma_wait3A_432 = tpu.memref_slice %arg11[%dma_wait3A_428, %dma_wait3A_430, %dma_wait3A_431] : memref<2x125x128xf32, #tpu.memory_space<vmem>> -> memref<1x125x128xf32, #tpu.memory_space<vmem>>
        %dma_wait3A_433 = tpu.memref_squeeze %dma_wait3A_432 : memref<1x125x128xf32, #tpu.memory_space<vmem>> -> memref<125x128xf32, #tpu.memory_space<vmem>>
        %dma_wait3A_434 = arith.constant 0 : i32
        %dma_wait3A_435 = tpu.memref_slice %arg10[%dma_wait3A_429, %dma_wait3A_434] : memref<5x125xi32, #tpu.memory_space<vmem>> -> memref<1x125xi32, #tpu.memory_space<vmem>>
        %dma_wait3A_436 = tpu.memref_squeeze %dma_wait3A_435 : memref<1x125xi32, #tpu.memory_space<vmem>> -> memref<125xi32, #tpu.memory_space<vmem>>
        %dma_wait3A_437 = arith.constant 0 : i32
        %dma_wait3A_438 = arith.constant 0 : i32
        %dma_wait3A_439 = tpu.memref_slice %arg12[%dma_wait3A_437, %dma_wait3A_438] : memref<10240x128xf32, #tpu.memory_space<vmem_shared>> -> memref<10240x128xf32, #tpu.memory_space<vmem_shared>>
        tpu.wait_indirect_dma semaphore(%arg15 : memref<!tpu.dma_semaphore, #tpu.memory_space<semaphore_mem>>) src(%dma_wait3A_433 : memref<125x128xf32, #tpu.memory_space<vmem>>) dst(%dma_wait3A_439 : memref<10240x128xf32, #tpu.memory_space<vmem_shared>>)
        %lt3A_440 = arith.constant 7 : i32
        %lt3A_441 = arith.cmpi slt, %add3A_139, %lt3A_440 : i32
        %convert_element_type3A_442 = arith.extui %lt3A_441 : i1 to i32
        %cond3A_443 = arith.constant 0 : i32
        %cond3A_444 = arith.cmpi ne, %convert_element_type3A_442, %cond3A_443 : i32
        scf.if %cond3A_444 {
          "tpu.region"() ({
            %run_scoped3A_700 = tpu.sem_alloc : memref<!tpu.dma_semaphore, #tpu.memory_space<semaphore_mem>>
            %dma_start3A_701 = arith.constant 0 : i32
            %dma_start3A_702 = arith.constant 0 : i32
            %dma_start3A_703 = tpu.memref_slice %arg3[%arg1, %min3A_426, %dma_start3A_701, %dma_start3A_702] : memref<16x16x5x125xi32, #tpu.memory_space<hbm>> -> memref<1x1x5x125xi32, #tpu.memory_space<hbm>>
            %dma_start3A_704 = tpu.memref_squeeze %dma_start3A_703 : memref<1x1x5x125xi32, #tpu.memory_space<hbm>> -> memref<5x125xi32, #tpu.memory_space<hbm>>
            %dma_start3A_705 = arith.constant 0 : i32
            %dma_start3A_706 = arith.constant 0 : i32
            %dma_start3A_707 = tpu.memref_slice %arg3[%arg1, %min3A_426, %dma_start3A_705, %dma_start3A_706] : memref<16x16x5x125xi32, #tpu.memory_space<hbm>> -> memref<1x1x5x125xi32, #tpu.memory_space<hbm>>
            %dma_start3A_708 = tpu.memref_squeeze %dma_start3A_707 : memref<1x1x5x125xi32, #tpu.memory_space<hbm>> -> memref<5x125xi32, #tpu.memory_space<hbm>>
            tpu.enqueue_dma source(%dma_start3A_708 : memref<5x125xi32, #tpu.memory_space<hbm>>) target(%arg7 : memref<5x125xi32, #tpu.memory_space<vmem>>) target_semaphore(%run_scoped3A_700 : memref<!tpu.dma_semaphore, #tpu.memory_space<semaphore_mem>>)
            %dma_wait3A_709 = arith.constant 0 : i32
            %dma_wait3A_710 = arith.constant 0 : i32
            %dma_wait3A_711 = tpu.memref_slice %arg3[%arg1, %min3A_426, %dma_wait3A_709, %dma_wait3A_710] : memref<16x16x5x125xi32, #tpu.memory_space<hbm>> -> memref<1x1x5x125xi32, #tpu.memory_space<hbm>>
            %dma_wait3A_712 = tpu.memref_squeeze %dma_wait3A_711 : memref<1x1x5x125xi32, #tpu.memory_space<hbm>> -> memref<5x125xi32, #tpu.memory_space<hbm>>
            %dma_wait3A_713 = arith.constant 0 : i32
            %dma_wait3A_714 = arith.constant 0 : i32
            %dma_wait3A_715 = tpu.memref_slice %arg3[%arg1, %min3A_426, %dma_wait3A_713, %dma_wait3A_714] : memref<16x16x5x125xi32, #tpu.memory_space<hbm>> -> memref<1x1x5x125xi32, #tpu.memory_space<hbm>>
            %dma_wait3A_716 = tpu.memref_squeeze %dma_wait3A_715 : memref<1x1x5x125xi32, #tpu.memory_space<hbm>> -> memref<5x125xi32, #tpu.memory_space<hbm>>
            tpu.wait_dma2 semaphore(%run_scoped3A_700 : memref<!tpu.dma_semaphore, #tpu.memory_space<semaphore_mem>>) src(%dma_wait3A_716 : memref<5x125xi32, #tpu.memory_space<hbm>>) dst(%arg7 : memref<5x125xi32, #tpu.memory_space<vmem>>)
            tpu.yield
          }) : () -> ()
          "tpu.region"() ({
            %run_scoped3A_700 = tpu.sem_alloc : memref<!tpu.dma_semaphore, #tpu.memory_space<semaphore_mem>>
            %dma_start3A_701 = arith.constant 0 : i32
            %dma_start3A_702 = arith.constant 0 : i32
            %dma_start3A_703 = tpu.memref_slice %arg4[%arg1, %min3A_426, %dma_start3A_701, %dma_start3A_702] : memref<16x16x5x125xi32, #tpu.memory_space<hbm>> -> memref<1x1x5x125xi32, #tpu.memory_space<hbm>>
            %dma_start3A_704 = tpu.memref_squeeze %dma_start3A_703 : memref<1x1x5x125xi32, #tpu.memory_space<hbm>> -> memref<5x125xi32, #tpu.memory_space<hbm>>
            %dma_start3A_705 = arith.constant 0 : i32
            %dma_start3A_706 = arith.constant 0 : i32
            %dma_start3A_707 = tpu.memref_slice %arg4[%arg1, %min3A_426, %dma_start3A_705, %dma_start3A_706] : memref<16x16x5x125xi32, #tpu.memory_space<hbm>> -> memref<1x1x5x125xi32, #tpu.memory_space<hbm>>
            %dma_start3A_708 = tpu.memref_squeeze %dma_start3A_707 : memref<1x1x5x125xi32, #tpu.memory_space<hbm>> -> memref<5x125xi32, #tpu.memory_space<hbm>>
            tpu.enqueue_dma source(%dma_start3A_708 : memref<5x125xi32, #tpu.memory_space<hbm>>) target(%arg9 : memref<5x125xi32, #tpu.memory_space<vmem>>) target_semaphore(%run_scoped3A_700 : memref<!tpu.dma_semaphore, #tpu.memory_space<semaphore_mem>>)
            %dma_wait3A_709 = arith.constant 0 : i32
            %dma_wait3A_710 = arith.constant 0 : i32
            %dma_wait3A_711 = tpu.memref_slice %arg4[%arg1, %min3A_426, %dma_wait3A_709, %dma_wait3A_710] : memref<16x16x5x125xi32, #tpu.memory_space<hbm>> -> memref<1x1x5x125xi32, #tpu.memory_space<hbm>>
            %dma_wait3A_712 = tpu.memref_squeeze %dma_wait3A_711 : memref<1x1x5x125xi32, #tpu.memory_space<hbm>> -> memref<5x125xi32, #tpu.memory_space<hbm>>
            %dma_wait3A_713 = arith.constant 0 : i32
            %dma_wait3A_714 = arith.constant 0 : i32
            %dma_wait3A_715 = tpu.memref_slice %arg4[%arg1, %min3A_426, %dma_wait3A_713, %dma_wait3A_714] : memref<16x16x5x125xi32, #tpu.memory_space<hbm>> -> memref<1x1x5x125xi32, #tpu.memory_space<hbm>>
            %dma_wait3A_716 = tpu.memref_squeeze %dma_wait3A_715 : memref<1x1x5x125xi32, #tpu.memory_space<hbm>> -> memref<5x125xi32, #tpu.memory_space<hbm>>
            tpu.wait_dma2 semaphore(%run_scoped3A_700 : memref<!tpu.dma_semaphore, #tpu.memory_space<semaphore_mem>>) src(%dma_wait3A_716 : memref<5x125xi32, #tpu.memory_space<hbm>>) dst(%arg9 : memref<5x125xi32, #tpu.memory_space<vmem>>)
            tpu.yield
          }) : () -> ()
        } else {
        }
        %dma_start3A_445 = arith.constant 1 : i32
        %dma_start3A_446 = arith.constant 0 : i32
        %dma_start3A_447 = arith.constant 0 : i32
        %dma_start3A_448 = arith.constant 0 : i32
        %dma_start3A_449 = tpu.memref_slice %arg11[%dma_start3A_446, %dma_start3A_447, %dma_start3A_448] : memref<2x125x128xf32, #tpu.memory_space<vmem>> -> memref<1x125x128xf32, #tpu.memory_space<vmem>>
        %dma_start3A_450 = tpu.memref_squeeze %dma_start3A_449 : memref<1x125x128xf32, #tpu.memory_space<vmem>> -> memref<125x128xf32, #tpu.memory_space<vmem>>
        %dma_start3A_451 = arith.constant 0 : i32
        %dma_start3A_452 = tpu.memref_slice %arg8[%dma_start3A_445, %dma_start3A_451] : memref<5x125xi32, #tpu.memory_space<vmem>> -> memref<1x125xi32, #tpu.memory_space<vmem>>
        %dma_start3A_453 = tpu.memref_squeeze %dma_start3A_452 : memref<1x125xi32, #tpu.memory_space<vmem>> -> memref<125xi32, #tpu.memory_space<vmem>>
        %dma_start3A_454 = arith.constant 0 : i32
        %dma_start3A_455 = arith.constant 0 : i32
        %dma_start3A_456 = tpu.memref_slice %arg2[%scan3A_77, %dma_start3A_454, %dma_start3A_455] : memref<2x10000x128xf32, #tpu.memory_space<hbm>> -> memref<1x10000x128xf32, #tpu.memory_space<hbm>>
        %dma_start3A_457 = tpu.memref_squeeze %dma_start3A_456 : memref<1x10000x128xf32, #tpu.memory_space<hbm>> -> memref<10000x128xf32, #tpu.memory_space<hbm>>
        %dma_start3A_458 = arith.constant 0 : i32
        %dma_start3A_459 = arith.constant 0 : i32
        %dma_start3A_460 = tpu.memref_slice %dma_start3A_457[%dma_start3A_458, %dma_start3A_459] : memref<10000x128xf32, #tpu.memory_space<hbm>> -> memref<10000x128xf32, #tpu.memory_space<hbm>>
        tpu.enqueue_indirect_dma source(%dma_start3A_460 : memref<10000x128xf32, #tpu.memory_space<hbm>>) target(%dma_start3A_450 : memref<125x128xf32, #tpu.memory_space<vmem>>) offsets(%dma_start3A_453 : memref<125xi32, #tpu.memory_space<vmem>>) semaphore(%arg13 : memref<!tpu.dma_semaphore, #tpu.memory_space<semaphore_mem>>)
        %dma_wait3A_461 = arith.constant 0 : i32
        %dma_wait3A_462 = arith.constant 1 : i32
        %dma_wait3A_463 = arith.constant 0 : i32
        %dma_wait3A_464 = arith.constant 0 : i32
        %dma_wait3A_465 = tpu.memref_slice %arg11[%dma_wait3A_462, %dma_wait3A_463, %dma_wait3A_464] : memref<2x125x128xf32, #tpu.memory_space<vmem>> -> memref<1x125x128xf32, #tpu.memory_space<vmem>>
        %dma_wait3A_466 = tpu.memref_squeeze %dma_wait3A_465 : memref<1x125x128xf32, #tpu.memory_space<vmem>> -> memref<125x128xf32, #tpu.memory_space<vmem>>
        %dma_wait3A_467 = arith.constant 0 : i32
        %dma_wait3A_468 = tpu.memref_slice %arg8[%dma_wait3A_461, %dma_wait3A_467] : memref<5x125xi32, #tpu.memory_space<vmem>> -> memref<1x125xi32, #tpu.memory_space<vmem>>
        %dma_wait3A_469 = tpu.memref_squeeze %dma_wait3A_468 : memref<1x125xi32, #tpu.memory_space<vmem>> -> memref<125xi32, #tpu.memory_space<vmem>>
        %dma_wait3A_470 = arith.constant 0 : i32
        %dma_wait3A_471 = arith.constant 0 : i32
        %dma_wait3A_472 = tpu.memref_slice %arg2[%scan3A_77, %dma_wait3A_470, %dma_wait3A_471] : memref<2x10000x128xf32, #tpu.memory_space<hbm>> -> memref<1x10000x128xf32, #tpu.memory_space<hbm>>
        %dma_wait3A_473 = tpu.memref_squeeze %dma_wait3A_472 : memref<1x10000x128xf32, #tpu.memory_space<hbm>> -> memref<10000x128xf32, #tpu.memory_space<hbm>>
        %dma_wait3A_474 = arith.constant 0 : i32
        %dma_wait3A_475 = arith.constant 0 : i32
        %dma_wait3A_476 = tpu.memref_slice %dma_wait3A_473[%dma_wait3A_474, %dma_wait3A_475] : memref<10000x128xf32, #tpu.memory_space<hbm>> -> memref<10000x128xf32, #tpu.memory_space<hbm>>
        tpu.wait_indirect_dma semaphore(%arg14 : memref<!tpu.dma_semaphore, #tpu.memory_space<semaphore_mem>>) src(%dma_wait3A_476 : memref<10000x128xf32, #tpu.memory_space<hbm>>) dst(%dma_wait3A_466 : memref<125x128xf32, #tpu.memory_space<vmem>>)
        %dma_start3A_477 = arith.constant 1 : i32
        %dma_start3A_478 = arith.constant 0 : i32
        %dma_start3A_479 = arith.constant 0 : i32
        %dma_start3A_480 = arith.constant 0 : i32
        %dma_start3A_481 = tpu.memref_slice %arg11[%dma_start3A_477, %dma_start3A_479, %dma_start3A_480] : memref<2x125x128xf32, #tpu.memory_space<vmem>> -> memref<1x125x128xf32, #tpu.memory_space<vmem>>
        %dma_start3A_482 = tpu.memref_squeeze %dma_start3A_481 : memref<1x125x128xf32, #tpu.memory_space<vmem>> -> memref<125x128xf32, #tpu.memory_space<vmem>>
        %dma_start3A_483 = arith.constant 0 : i32
        %dma_start3A_484 = tpu.memref_slice %arg10[%dma_start3A_478, %dma_start3A_483] : memref<5x125xi32, #tpu.memory_space<vmem>> -> memref<1x125xi32, #tpu.memory_space<vmem>>
        %dma_start3A_485 = tpu.memref_squeeze %dma_start3A_484 : memref<1x125xi32, #tpu.memory_space<vmem>> -> memref<125xi32, #tpu.memory_space<vmem>>
        %dma_start3A_486 = arith.constant 0 : i32
        %dma_start3A_487 = arith.constant 0 : i32
        %dma_start3A_488 = tpu.memref_slice %arg12[%dma_start3A_486, %dma_start3A_487] : memref<10240x128xf32, #tpu.memory_space<vmem_shared>> -> memref<10240x128xf32, #tpu.memory_space<vmem_shared>>
        tpu.enqueue_indirect_dma source(%dma_start3A_482 : memref<125x128xf32, #tpu.memory_space<vmem>>) target(%dma_start3A_488 : memref<10240x128xf32, #tpu.memory_space<vmem_shared>>) offsets(%dma_start3A_485 : memref<125xi32, #tpu.memory_space<vmem>>) semaphore(%arg16 : memref<!tpu.dma_semaphore, #tpu.memory_space<semaphore_mem>>) {add = true}
        %dma_wait3A_489 = arith.constant 1 : i32
        %dma_wait3A_490 = arith.constant 1 : i32
        %dma_wait3A_491 = arith.constant 0 : i32
        %dma_wait3A_492 = arith.constant 0 : i32
        %dma_wait3A_493 = tpu.memref_slice %arg11[%dma_wait3A_489, %dma_wait3A_491, %dma_wait3A_492] : memref<2x125x128xf32, #tpu.memory_space<vmem>> -> memref<1x125x128xf32, #tpu.memory_space<vmem>>
        %dma_wait3A_494 = tpu.memref_squeeze %dma_wait3A_493 : memref<1x125x128xf32, #tpu.memory_space<vmem>> -> memref<125x128xf32, #tpu.memory_space<vmem>>
        %dma_wait3A_495 = arith.constant 0 : i32
        %dma_wait3A_496 = tpu.memref_slice %arg10[%dma_wait3A_490, %dma_wait3A_495] : memref<5x125xi32, #tpu.memory_space<vmem>> -> memref<1x125xi32, #tpu.memory_space<vmem>>
        %dma_wait3A_497 = tpu.memref_squeeze %dma_wait3A_496 : memref<1x125xi32, #tpu.memory_space<vmem>> -> memref<125xi32, #tpu.memory_space<vmem>>
        %dma_wait3A_498 = arith.constant 0 : i32
        %dma_wait3A_499 = arith.constant 0 : i32
        %dma_wait3A_500 = tpu.memref_slice %arg12[%dma_wait3A_498, %dma_wait3A_499] : memref<10240x128xf32, #tpu.memory_space<vmem_shared>> -> memref<10240x128xf32, #tpu.memory_space<vmem_shared>>
        tpu.wait_indirect_dma semaphore(%arg16 : memref<!tpu.dma_semaphore, #tpu.memory_space<semaphore_mem>>) src(%dma_wait3A_494 : memref<125x128xf32, #tpu.memory_space<vmem>>) dst(%dma_wait3A_500 : memref<10240x128xf32, #tpu.memory_space<vmem_shared>>)
        %dma_start3A_501 = arith.constant 2 : i32
        %dma_start3A_502 = arith.constant 1 : i32
        %dma_start3A_503 = arith.constant 0 : i32
        %dma_start3A_504 = arith.constant 0 : i32
        %dma_start3A_505 = tpu.memref_slice %arg11[%dma_start3A_502, %dma_start3A_503, %dma_start3A_504] : memref<2x125x128xf32, #tpu.memory_space<vmem>> -> memref<1x125x128xf32, #tpu.memory_space<vmem>>
        %dma_start3A_506 = tpu.memref_squeeze %dma_start3A_505 : memref<1x125x128xf32, #tpu.memory_space<vmem>> -> memref<125x128xf32, #tpu.memory_space<vmem>>
        %dma_start3A_507 = arith.constant 0 : i32
        %dma_start3A_508 = tpu.memref_slice %arg8[%dma_start3A_501, %dma_start3A_507] : memref<5x125xi32, #tpu.memory_space<vmem>> -> memref<1x125xi32, #tpu.memory_space<vmem>>
        %dma_start3A_509 = tpu.memref_squeeze %dma_start3A_508 : memref<1x125xi32, #tpu.memory_space<vmem>> -> memref<125xi32, #tpu.memory_space<vmem>>
        %dma_start3A_510 = arith.constant 0 : i32
        %dma_start3A_511 = arith.constant 0 : i32
        %dma_start3A_512 = tpu.memref_slice %arg2[%scan3A_77, %dma_start3A_510, %dma_start3A_511] : memref<2x10000x128xf32, #tpu.memory_space<hbm>> -> memref<1x10000x128xf32, #tpu.memory_space<hbm>>
        %dma_start3A_513 = tpu.memref_squeeze %dma_start3A_512 : memref<1x10000x128xf32, #tpu.memory_space<hbm>> -> memref<10000x128xf32, #tpu.memory_space<hbm>>
        %dma_start3A_514 = arith.constant 0 : i32
        %dma_start3A_515 = arith.constant 0 : i32
        %dma_start3A_516 = tpu.memref_slice %dma_start3A_513[%dma_start3A_514, %dma_start3A_515] : memref<10000x128xf32, #tpu.memory_space<hbm>> -> memref<10000x128xf32, #tpu.memory_space<hbm>>
        tpu.enqueue_indirect_dma source(%dma_start3A_516 : memref<10000x128xf32, #tpu.memory_space<hbm>>) target(%dma_start3A_506 : memref<125x128xf32, #tpu.memory_space<vmem>>) offsets(%dma_start3A_509 : memref<125xi32, #tpu.memory_space<vmem>>) semaphore(%arg14 : memref<!tpu.dma_semaphore, #tpu.memory_space<semaphore_mem>>)
        %dma_wait3A_517 = arith.constant 1 : i32
        %dma_wait3A_518 = arith.constant 0 : i32
        %dma_wait3A_519 = arith.constant 0 : i32
        %dma_wait3A_520 = arith.constant 0 : i32
        %dma_wait3A_521 = tpu.memref_slice %arg11[%dma_wait3A_518, %dma_wait3A_519, %dma_wait3A_520] : memref<2x125x128xf32, #tpu.memory_space<vmem>> -> memref<1x125x128xf32, #tpu.memory_space<vmem>>
        %dma_wait3A_522 = tpu.memref_squeeze %dma_wait3A_521 : memref<1x125x128xf32, #tpu.memory_space<vmem>> -> memref<125x128xf32, #tpu.memory_space<vmem>>
        %dma_wait3A_523 = arith.constant 0 : i32
        %dma_wait3A_524 = tpu.memref_slice %arg8[%dma_wait3A_517, %dma_wait3A_523] : memref<5x125xi32, #tpu.memory_space<vmem>> -> memref<1x125xi32, #tpu.memory_space<vmem>>
        %dma_wait3A_525 = tpu.memref_squeeze %dma_wait3A_524 : memref<1x125xi32, #tpu.memory_space<vmem>> -> memref<125xi32, #tpu.memory_space<vmem>>
        %dma_wait3A_526 = arith.constant 0 : i32
        %dma_wait3A_527 = arith.constant 0 : i32
        %dma_wait3A_528 = tpu.memref_slice %arg2[%scan3A_77, %dma_wait3A_526, %dma_wait3A_527] : memref<2x10000x128xf32, #tpu.memory_space<hbm>> -> memref<1x10000x128xf32, #tpu.memory_space<hbm>>
        %dma_wait3A_529 = tpu.memref_squeeze %dma_wait3A_528 : memref<1x10000x128xf32, #tpu.memory_space<hbm>> -> memref<10000x128xf32, #tpu.memory_space<hbm>>
        %dma_wait3A_530 = arith.constant 0 : i32
        %dma_wait3A_531 = arith.constant 0 : i32
        %dma_wait3A_532 = tpu.memref_slice %dma_wait3A_529[%dma_wait3A_530, %dma_wait3A_531] : memref<10000x128xf32, #tpu.memory_space<hbm>> -> memref<10000x128xf32, #tpu.memory_space<hbm>>
        tpu.wait_indirect_dma semaphore(%arg13 : memref<!tpu.dma_semaphore, #tpu.memory_space<semaphore_mem>>) src(%dma_wait3A_532 : memref<10000x128xf32, #tpu.memory_space<hbm>>) dst(%dma_wait3A_522 : memref<125x128xf32, #tpu.memory_space<vmem>>)
        %dma_start3A_533 = arith.constant 0 : i32
        %dma_start3A_534 = arith.constant 1 : i32
        %dma_start3A_535 = arith.constant 0 : i32
        %dma_start3A_536 = arith.constant 0 : i32
        %dma_start3A_537 = tpu.memref_slice %arg11[%dma_start3A_533, %dma_start3A_535, %dma_start3A_536] : memref<2x125x128xf32, #tpu.memory_space<vmem>> -> memref<1x125x128xf32, #tpu.memory_space<vmem>>
        %dma_start3A_538 = tpu.memref_squeeze %dma_start3A_537 : memref<1x125x128xf32, #tpu.memory_space<vmem>> -> memref<125x128xf32, #tpu.memory_space<vmem>>
        %dma_start3A_539 = arith.constant 0 : i32
        %dma_start3A_540 = tpu.memref_slice %arg10[%dma_start3A_534, %dma_start3A_539] : memref<5x125xi32, #tpu.memory_space<vmem>> -> memref<1x125xi32, #tpu.memory_space<vmem>>
        %dma_start3A_541 = tpu.memref_squeeze %dma_start3A_540 : memref<1x125xi32, #tpu.memory_space<vmem>> -> memref<125xi32, #tpu.memory_space<vmem>>
        %dma_start3A_542 = arith.constant 0 : i32
        %dma_start3A_543 = arith.constant 0 : i32
        %dma_start3A_544 = tpu.memref_slice %arg12[%dma_start3A_542, %dma_start3A_543] : memref<10240x128xf32, #tpu.memory_space<vmem_shared>> -> memref<10240x128xf32, #tpu.memory_space<vmem_shared>>
        tpu.enqueue_indirect_dma source(%dma_start3A_538 : memref<125x128xf32, #tpu.memory_space<vmem>>) target(%dma_start3A_544 : memref<10240x128xf32, #tpu.memory_space<vmem_shared>>) offsets(%dma_start3A_541 : memref<125xi32, #tpu.memory_space<vmem>>) semaphore(%arg15 : memref<!tpu.dma_semaphore, #tpu.memory_space<semaphore_mem>>) {add = true}
        %dma_wait3A_545 = arith.constant 0 : i32
        %dma_wait3A_546 = arith.constant 2 : i32
        %dma_wait3A_547 = arith.constant 0 : i32
        %dma_wait3A_548 = arith.constant 0 : i32
        %dma_wait3A_549 = tpu.memref_slice %arg11[%dma_wait3A_545, %dma_wait3A_547, %dma_wait3A_548] : memref<2x125x128xf32, #tpu.memory_space<vmem>> -> memref<1x125x128xf32, #tpu.memory_space<vmem>>
        %dma_wait3A_550 = tpu.memref_squeeze %dma_wait3A_549 : memref<1x125x128xf32, #tpu.memory_space<vmem>> -> memref<125x128xf32, #tpu.memory_space<vmem>>
        %dma_wait3A_551 = arith.constant 0 : i32
        %dma_wait3A_552 = tpu.memref_slice %arg10[%dma_wait3A_546, %dma_wait3A_551] : memref<5x125xi32, #tpu.memory_space<vmem>> -> memref<1x125xi32, #tpu.memory_space<vmem>>
        %dma_wait3A_553 = tpu.memref_squeeze %dma_wait3A_552 : memref<1x125xi32, #tpu.memory_space<vmem>> -> memref<125xi32, #tpu.memory_space<vmem>>
        %dma_wait3A_554 = arith.constant 0 : i32
        %dma_wait3A_555 = arith.constant 0 : i32
        %dma_wait3A_556 = tpu.memref_slice %arg12[%dma_wait3A_554, %dma_wait3A_555] : memref<10240x128xf32, #tpu.memory_space<vmem_shared>> -> memref<10240x128xf32, #tpu.memory_space<vmem_shared>>
        tpu.wait_indirect_dma semaphore(%arg15 : memref<!tpu.dma_semaphore, #tpu.memory_space<semaphore_mem>>) src(%dma_wait3A_550 : memref<125x128xf32, #tpu.memory_space<vmem>>) dst(%dma_wait3A_556 : memref<10240x128xf32, #tpu.memory_space<vmem_shared>>)
        %dma_start3A_557 = arith.constant 3 : i32
        %dma_start3A_558 = arith.constant 0 : i32
        %dma_start3A_559 = arith.constant 0 : i32
        %dma_start3A_560 = arith.constant 0 : i32
        %dma_start3A_561 = tpu.memref_slice %arg11[%dma_start3A_558, %dma_start3A_559, %dma_start3A_560] : memref<2x125x128xf32, #tpu.memory_space<vmem>> -> memref<1x125x128xf32, #tpu.memory_space<vmem>>
        %dma_start3A_562 = tpu.memref_squeeze %dma_start3A_561 : memref<1x125x128xf32, #tpu.memory_space<vmem>> -> memref<125x128xf32, #tpu.memory_space<vmem>>
        %dma_start3A_563 = arith.constant 0 : i32
        %dma_start3A_564 = tpu.memref_slice %arg8[%dma_start3A_557, %dma_start3A_563] : memref<5x125xi32, #tpu.memory_space<vmem>> -> memref<1x125xi32, #tpu.memory_space<vmem>>
        %dma_start3A_565 = tpu.memref_squeeze %dma_start3A_564 : memref<1x125xi32, #tpu.memory_space<vmem>> -> memref<125xi32, #tpu.memory_space<vmem>>
        %dma_start3A_566 = arith.constant 0 : i32
        %dma_start3A_567 = arith.constant 0 : i32
        %dma_start3A_568 = tpu.memref_slice %arg2[%scan3A_77, %dma_start3A_566, %dma_start3A_567] : memref<2x10000x128xf32, #tpu.memory_space<hbm>> -> memref<1x10000x128xf32, #tpu.memory_space<hbm>>
        %dma_start3A_569 = tpu.memref_squeeze %dma_start3A_568 : memref<1x10000x128xf32, #tpu.memory_space<hbm>> -> memref<10000x128xf32, #tpu.memory_space<hbm>>
        %dma_start3A_570 = arith.constant 0 : i32
        %dma_start3A_571 = arith.constant 0 : i32
        %dma_start3A_572 = tpu.memref_slice %dma_start3A_569[%dma_start3A_570, %dma_start3A_571] : memref<10000x128xf32, #tpu.memory_space<hbm>> -> memref<10000x128xf32, #tpu.memory_space<hbm>>
        tpu.enqueue_indirect_dma source(%dma_start3A_572 : memref<10000x128xf32, #tpu.memory_space<hbm>>) target(%dma_start3A_562 : memref<125x128xf32, #tpu.memory_space<vmem>>) offsets(%dma_start3A_565 : memref<125xi32, #tpu.memory_space<vmem>>) semaphore(%arg13 : memref<!tpu.dma_semaphore, #tpu.memory_space<semaphore_mem>>)
        %dma_wait3A_573 = arith.constant 2 : i32
        %dma_wait3A_574 = arith.constant 1 : i32
        %dma_wait3A_575 = arith.constant 0 : i32
        %dma_wait3A_576 = arith.constant 0 : i32
        %dma_wait3A_577 = tpu.memref_slice %arg11[%dma_wait3A_574, %dma_wait3A_575, %dma_wait3A_576] : memref<2x125x128xf32, #tpu.memory_space<vmem>> -> memref<1x125x128xf32, #tpu.memory_space<vmem>>
        %dma_wait3A_578 = tpu.memref_squeeze %dma_wait3A_577 : memref<1x125x128xf32, #tpu.memory_space<vmem>> -> memref<125x128xf32, #tpu.memory_space<vmem>>
        %dma_wait3A_579 = arith.constant 0 : i32
        %dma_wait3A_580 = tpu.memref_slice %arg8[%dma_wait3A_573, %dma_wait3A_579] : memref<5x125xi32, #tpu.memory_space<vmem>> -> memref<1x125xi32, #tpu.memory_space<vmem>>
        %dma_wait3A_581 = tpu.memref_squeeze %dma_wait3A_580 : memref<1x125xi32, #tpu.memory_space<vmem>> -> memref<125xi32, #tpu.memory_space<vmem>>
        %dma_wait3A_582 = arith.constant 0 : i32
        %dma_wait3A_583 = arith.constant 0 : i32
        %dma_wait3A_584 = tpu.memref_slice %arg2[%scan3A_77, %dma_wait3A_582, %dma_wait3A_583] : memref<2x10000x128xf32, #tpu.memory_space<hbm>> -> memref<1x10000x128xf32, #tpu.memory_space<hbm>>
        %dma_wait3A_585 = tpu.memref_squeeze %dma_wait3A_584 : memref<1x10000x128xf32, #tpu.memory_space<hbm>> -> memref<10000x128xf32, #tpu.memory_space<hbm>>
        %dma_wait3A_586 = arith.constant 0 : i32
        %dma_wait3A_587 = arith.constant 0 : i32
        %dma_wait3A_588 = tpu.memref_slice %dma_wait3A_585[%dma_wait3A_586, %dma_wait3A_587] : memref<10000x128xf32, #tpu.memory_space<hbm>> -> memref<10000x128xf32, #tpu.memory_space<hbm>>
        tpu.wait_indirect_dma semaphore(%arg14 : memref<!tpu.dma_semaphore, #tpu.memory_space<semaphore_mem>>) src(%dma_wait3A_588 : memref<10000x128xf32, #tpu.memory_space<hbm>>) dst(%dma_wait3A_578 : memref<125x128xf32, #tpu.memory_space<vmem>>)
        %dma_start3A_589 = arith.constant 1 : i32
        %dma_start3A_590 = arith.constant 2 : i32
        %dma_start3A_591 = arith.constant 0 : i32
        %dma_start3A_592 = arith.constant 0 : i32
        %dma_start3A_593 = tpu.memref_slice %arg11[%dma_start3A_589, %dma_start3A_591, %dma_start3A_592] : memref<2x125x128xf32, #tpu.memory_space<vmem>> -> memref<1x125x128xf32, #tpu.memory_space<vmem>>
        %dma_start3A_594 = tpu.memref_squeeze %dma_start3A_593 : memref<1x125x128xf32, #tpu.memory_space<vmem>> -> memref<125x128xf32, #tpu.memory_space<vmem>>
        %dma_start3A_595 = arith.constant 0 : i32
        %dma_start3A_596 = tpu.memref_slice %arg10[%dma_start3A_590, %dma_start3A_595] : memref<5x125xi32, #tpu.memory_space<vmem>> -> memref<1x125xi32, #tpu.memory_space<vmem>>
        %dma_start3A_597 = tpu.memref_squeeze %dma_start3A_596 : memref<1x125xi32, #tpu.memory_space<vmem>> -> memref<125xi32, #tpu.memory_space<vmem>>
        %dma_start3A_598 = arith.constant 0 : i32
        %dma_start3A_599 = arith.constant 0 : i32
        %dma_start3A_600 = tpu.memref_slice %arg12[%dma_start3A_598, %dma_start3A_599] : memref<10240x128xf32, #tpu.memory_space<vmem_shared>> -> memref<10240x128xf32, #tpu.memory_space<vmem_shared>>
        tpu.enqueue_indirect_dma source(%dma_start3A_594 : memref<125x128xf32, #tpu.memory_space<vmem>>) target(%dma_start3A_600 : memref<10240x128xf32, #tpu.memory_space<vmem_shared>>) offsets(%dma_start3A_597 : memref<125xi32, #tpu.memory_space<vmem>>) semaphore(%arg16 : memref<!tpu.dma_semaphore, #tpu.memory_space<semaphore_mem>>) {add = true}
        %dma_wait3A_601 = arith.constant 1 : i32
        %dma_wait3A_602 = arith.constant 3 : i32
        %dma_wait3A_603 = arith.constant 0 : i32
        %dma_wait3A_604 = arith.constant 0 : i32
        %dma_wait3A_605 = tpu.memref_slice %arg11[%dma_wait3A_601, %dma_wait3A_603, %dma_wait3A_604] : memref<2x125x128xf32, #tpu.memory_space<vmem>> -> memref<1x125x128xf32, #tpu.memory_space<vmem>>
        %dma_wait3A_606 = tpu.memref_squeeze %dma_wait3A_605 : memref<1x125x128xf32, #tpu.memory_space<vmem>> -> memref<125x128xf32, #tpu.memory_space<vmem>>
        %dma_wait3A_607 = arith.constant 0 : i32
        %dma_wait3A_608 = tpu.memref_slice %arg10[%dma_wait3A_602, %dma_wait3A_607] : memref<5x125xi32, #tpu.memory_space<vmem>> -> memref<1x125xi32, #tpu.memory_space<vmem>>
        %dma_wait3A_609 = tpu.memref_squeeze %dma_wait3A_608 : memref<1x125xi32, #tpu.memory_space<vmem>> -> memref<125xi32, #tpu.memory_space<vmem>>
        %dma_wait3A_610 = arith.constant 0 : i32
        %dma_wait3A_611 = arith.constant 0 : i32
        %dma_wait3A_612 = tpu.memref_slice %arg12[%dma_wait3A_610, %dma_wait3A_611] : memref<10240x128xf32, #tpu.memory_space<vmem_shared>> -> memref<10240x128xf32, #tpu.memory_space<vmem_shared>>
        tpu.wait_indirect_dma semaphore(%arg16 : memref<!tpu.dma_semaphore, #tpu.memory_space<semaphore_mem>>) src(%dma_wait3A_606 : memref<125x128xf32, #tpu.memory_space<vmem>>) dst(%dma_wait3A_612 : memref<10240x128xf32, #tpu.memory_space<vmem_shared>>)
        %dma_start3A_613 = arith.constant 4 : i32
        %dma_start3A_614 = arith.constant 1 : i32
        %dma_start3A_615 = arith.constant 0 : i32
        %dma_start3A_616 = arith.constant 0 : i32
        %dma_start3A_617 = tpu.memref_slice %arg11[%dma_start3A_614, %dma_start3A_615, %dma_start3A_616] : memref<2x125x128xf32, #tpu.memory_space<vmem>> -> memref<1x125x128xf32, #tpu.memory_space<vmem>>
        %dma_start3A_618 = tpu.memref_squeeze %dma_start3A_617 : memref<1x125x128xf32, #tpu.memory_space<vmem>> -> memref<125x128xf32, #tpu.memory_space<vmem>>
        %dma_start3A_619 = arith.constant 0 : i32
        %dma_start3A_620 = tpu.memref_slice %arg8[%dma_start3A_613, %dma_start3A_619] : memref<5x125xi32, #tpu.memory_space<vmem>> -> memref<1x125xi32, #tpu.memory_space<vmem>>
        %dma_start3A_621 = tpu.memref_squeeze %dma_start3A_620 : memref<1x125xi32, #tpu.memory_space<vmem>> -> memref<125xi32, #tpu.memory_space<vmem>>
        %dma_start3A_622 = arith.constant 0 : i32
        %dma_start3A_623 = arith.constant 0 : i32
        %dma_start3A_624 = tpu.memref_slice %arg2[%scan3A_77, %dma_start3A_622, %dma_start3A_623] : memref<2x10000x128xf32, #tpu.memory_space<hbm>> -> memref<1x10000x128xf32, #tpu.memory_space<hbm>>
        %dma_start3A_625 = tpu.memref_squeeze %dma_start3A_624 : memref<1x10000x128xf32, #tpu.memory_space<hbm>> -> memref<10000x128xf32, #tpu.memory_space<hbm>>
        %dma_start3A_626 = arith.constant 0 : i32
        %dma_start3A_627 = arith.constant 0 : i32
        %dma_start3A_628 = tpu.memref_slice %dma_start3A_625[%dma_start3A_626, %dma_start3A_627] : memref<10000x128xf32, #tpu.memory_space<hbm>> -> memref<10000x128xf32, #tpu.memory_space<hbm>>
        tpu.enqueue_indirect_dma source(%dma_start3A_628 : memref<10000x128xf32, #tpu.memory_space<hbm>>) target(%dma_start3A_618 : memref<125x128xf32, #tpu.memory_space<vmem>>) offsets(%dma_start3A_621 : memref<125xi32, #tpu.memory_space<vmem>>) semaphore(%arg14 : memref<!tpu.dma_semaphore, #tpu.memory_space<semaphore_mem>>)
        %dma_wait3A_629 = arith.constant 3 : i32
        %dma_wait3A_630 = arith.constant 0 : i32
        %dma_wait3A_631 = arith.constant 0 : i32
        %dma_wait3A_632 = arith.constant 0 : i32
        %dma_wait3A_633 = tpu.memref_slice %arg11[%dma_wait3A_630, %dma_wait3A_631, %dma_wait3A_632] : memref<2x125x128xf32, #tpu.memory_space<vmem>> -> memref<1x125x128xf32, #tpu.memory_space<vmem>>
        %dma_wait3A_634 = tpu.memref_squeeze %dma_wait3A_633 : memref<1x125x128xf32, #tpu.memory_space<vmem>> -> memref<125x128xf32, #tpu.memory_space<vmem>>
        %dma_wait3A_635 = arith.constant 0 : i32
        %dma_wait3A_636 = tpu.memref_slice %arg8[%dma_wait3A_629, %dma_wait3A_635] : memref<5x125xi32, #tpu.memory_space<vmem>> -> memref<1x125xi32, #tpu.memory_space<vmem>>
        %dma_wait3A_637 = tpu.memref_squeeze %dma_wait3A_636 : memref<1x125xi32, #tpu.memory_space<vmem>> -> memref<125xi32, #tpu.memory_space<vmem>>
        %dma_wait3A_638 = arith.constant 0 : i32
        %dma_wait3A_639 = arith.constant 0 : i32
        %dma_wait3A_640 = tpu.memref_slice %arg2[%scan3A_77, %dma_wait3A_638, %dma_wait3A_639] : memref<2x10000x128xf32, #tpu.memory_space<hbm>> -> memref<1x10000x128xf32, #tpu.memory_space<hbm>>
        %dma_wait3A_641 = tpu.memref_squeeze %dma_wait3A_640 : memref<1x10000x128xf32, #tpu.memory_space<hbm>> -> memref<10000x128xf32, #tpu.memory_space<hbm>>
        %dma_wait3A_642 = arith.constant 0 : i32
        %dma_wait3A_643 = arith.constant 0 : i32
        %dma_wait3A_644 = tpu.memref_slice %dma_wait3A_641[%dma_wait3A_642, %dma_wait3A_643] : memref<10000x128xf32, #tpu.memory_space<hbm>> -> memref<10000x128xf32, #tpu.memory_space<hbm>>
        tpu.wait_indirect_dma semaphore(%arg13 : memref<!tpu.dma_semaphore, #tpu.memory_space<semaphore_mem>>) src(%dma_wait3A_644 : memref<10000x128xf32, #tpu.memory_space<hbm>>) dst(%dma_wait3A_634 : memref<125x128xf32, #tpu.memory_space<vmem>>)
        %dma_start3A_645 = arith.constant 0 : i32
        %dma_start3A_646 = arith.constant 3 : i32
        %dma_start3A_647 = arith.constant 0 : i32
        %dma_start3A_648 = arith.constant 0 : i32
        %dma_start3A_649 = tpu.memref_slice %arg11[%dma_start3A_645, %dma_start3A_647, %dma_start3A_648] : memref<2x125x128xf32, #tpu.memory_space<vmem>> -> memref<1x125x128xf32, #tpu.memory_space<vmem>>
        %dma_start3A_650 = tpu.memref_squeeze %dma_start3A_649 : memref<1x125x128xf32, #tpu.memory_space<vmem>> -> memref<125x128xf32, #tpu.memory_space<vmem>>
        %dma_start3A_651 = arith.constant 0 : i32
        %dma_start3A_652 = tpu.memref_slice %arg10[%dma_start3A_646, %dma_start3A_651] : memref<5x125xi32, #tpu.memory_space<vmem>> -> memref<1x125xi32, #tpu.memory_space<vmem>>
        %dma_start3A_653 = tpu.memref_squeeze %dma_start3A_652 : memref<1x125xi32, #tpu.memory_space<vmem>> -> memref<125xi32, #tpu.memory_space<vmem>>
        %dma_start3A_654 = arith.constant 0 : i32
        %dma_start3A_655 = arith.constant 0 : i32
        %dma_start3A_656 = tpu.memref_slice %arg12[%dma_start3A_654, %dma_start3A_655] : memref<10240x128xf32, #tpu.memory_space<vmem_shared>> -> memref<10240x128xf32, #tpu.memory_space<vmem_shared>>
        tpu.enqueue_indirect_dma source(%dma_start3A_650 : memref<125x128xf32, #tpu.memory_space<vmem>>) target(%dma_start3A_656 : memref<10240x128xf32, #tpu.memory_space<vmem_shared>>) offsets(%dma_start3A_653 : memref<125xi32, #tpu.memory_space<vmem>>) semaphore(%arg15 : memref<!tpu.dma_semaphore, #tpu.memory_space<semaphore_mem>>) {add = true}
        %dma_wait3A_657 = arith.constant 0 : i32
        %dma_wait3A_658 = arith.constant 4 : i32
        %dma_wait3A_659 = arith.constant 0 : i32
        %dma_wait3A_660 = arith.constant 0 : i32
        %dma_wait3A_661 = tpu.memref_slice %arg11[%dma_wait3A_657, %dma_wait3A_659, %dma_wait3A_660] : memref<2x125x128xf32, #tpu.memory_space<vmem>> -> memref<1x125x128xf32, #tpu.memory_space<vmem>>
        %dma_wait3A_662 = tpu.memref_squeeze %dma_wait3A_661 : memref<1x125x128xf32, #tpu.memory_space<vmem>> -> memref<125x128xf32, #tpu.memory_space<vmem>>
        %dma_wait3A_663 = arith.constant 0 : i32
        %dma_wait3A_664 = tpu.memref_slice %arg10[%dma_wait3A_658, %dma_wait3A_663] : memref<5x125xi32, #tpu.memory_space<vmem>> -> memref<1x125xi32, #tpu.memory_space<vmem>>
        %dma_wait3A_665 = tpu.memref_squeeze %dma_wait3A_664 : memref<1x125xi32, #tpu.memory_space<vmem>> -> memref<125xi32, #tpu.memory_space<vmem>>
        %dma_wait3A_666 = arith.constant 0 : i32
        %dma_wait3A_667 = arith.constant 0 : i32
        %dma_wait3A_668 = tpu.memref_slice %arg12[%dma_wait3A_666, %dma_wait3A_667] : memref<10240x128xf32, #tpu.memory_space<vmem_shared>> -> memref<10240x128xf32, #tpu.memory_space<vmem_shared>>
        tpu.wait_indirect_dma semaphore(%arg15 : memref<!tpu.dma_semaphore, #tpu.memory_space<semaphore_mem>>) src(%dma_wait3A_662 : memref<125x128xf32, #tpu.memory_space<vmem>>) dst(%dma_wait3A_668 : memref<10240x128xf32, #tpu.memory_space<vmem_shared>>)
        %convert_element_type3A_669 = arith.extui %lt3A_427 : i1 to i32
        %cond3A_670 = arith.constant 0 : i32
        %cond3A_671 = arith.cmpi ne, %convert_element_type3A_669, %cond3A_670 : i32
        scf.if %cond3A_671 {
          %dma_start3A_700 = arith.constant 0 : i32
          %dma_start3A_701 = arith.constant 0 : i32
          %dma_start3A_702 = arith.constant 0 : i32
          %dma_start3A_703 = arith.constant 0 : i32
          %dma_start3A_704 = tpu.memref_slice %arg11[%dma_start3A_701, %dma_start3A_702, %dma_start3A_703] : memref<2x125x128xf32, #tpu.memory_space<vmem>> -> memref<1x125x128xf32, #tpu.memory_space<vmem>>
          %dma_start3A_705 = tpu.memref_squeeze %dma_start3A_704 : memref<1x125x128xf32, #tpu.memory_space<vmem>> -> memref<125x128xf32, #tpu.memory_space<vmem>>
          %dma_start3A_706 = arith.constant 0 : i32
          %dma_start3A_707 = tpu.memref_slice %arg7[%dma_start3A_700, %dma_start3A_706] : memref<5x125xi32, #tpu.memory_space<vmem>> -> memref<1x125xi32, #tpu.memory_space<vmem>>
          %dma_start3A_708 = tpu.memref_squeeze %dma_start3A_707 : memref<1x125xi32, #tpu.memory_space<vmem>> -> memref<125xi32, #tpu.memory_space<vmem>>
          %dma_start3A_709 = arith.constant 0 : i32
          %dma_start3A_710 = arith.constant 0 : i32
          %dma_start3A_711 = tpu.memref_slice %arg2[%scan3A_77, %dma_start3A_709, %dma_start3A_710] : memref<2x10000x128xf32, #tpu.memory_space<hbm>> -> memref<1x10000x128xf32, #tpu.memory_space<hbm>>
          %dma_start3A_712 = tpu.memref_squeeze %dma_start3A_711 : memref<1x10000x128xf32, #tpu.memory_space<hbm>> -> memref<10000x128xf32, #tpu.memory_space<hbm>>
          %dma_start3A_713 = arith.constant 0 : i32
          %dma_start3A_714 = arith.constant 0 : i32
          %dma_start3A_715 = tpu.memref_slice %dma_start3A_712[%dma_start3A_713, %dma_start3A_714] : memref<10000x128xf32, #tpu.memory_space<hbm>> -> memref<10000x128xf32, #tpu.memory_space<hbm>>
          tpu.enqueue_indirect_dma source(%dma_start3A_715 : memref<10000x128xf32, #tpu.memory_space<hbm>>) target(%dma_start3A_705 : memref<125x128xf32, #tpu.memory_space<vmem>>) offsets(%dma_start3A_708 : memref<125xi32, #tpu.memory_space<vmem>>) semaphore(%arg13 : memref<!tpu.dma_semaphore, #tpu.memory_space<semaphore_mem>>)
        } else {
        }
        %dma_wait3A_672 = arith.constant 4 : i32
        %dma_wait3A_673 = arith.constant 1 : i32
        %dma_wait3A_674 = arith.constant 0 : i32
        %dma_wait3A_675 = arith.constant 0 : i32
        %dma_wait3A_676 = tpu.memref_slice %arg11[%dma_wait3A_673, %dma_wait3A_674, %dma_wait3A_675] : memref<2x125x128xf32, #tpu.memory_space<vmem>> -> memref<1x125x128xf32, #tpu.memory_space<vmem>>
        %dma_wait3A_677 = tpu.memref_squeeze %dma_wait3A_676 : memref<1x125x128xf32, #tpu.memory_space<vmem>> -> memref<125x128xf32, #tpu.memory_space<vmem>>
        %dma_wait3A_678 = arith.constant 0 : i32
        %dma_wait3A_679 = tpu.memref_slice %arg8[%dma_wait3A_672, %dma_wait3A_678] : memref<5x125xi32, #tpu.memory_space<vmem>> -> memref<1x125xi32, #tpu.memory_space<vmem>>
        %dma_wait3A_680 = tpu.memref_squeeze %dma_wait3A_679 : memref<1x125xi32, #tpu.memory_space<vmem>> -> memref<125xi32, #tpu.memory_space<vmem>>
        %dma_wait3A_681 = arith.constant 0 : i32
        %dma_wait3A_682 = arith.constant 0 : i32
        %dma_wait3A_683 = tpu.memref_slice %arg2[%scan3A_77, %dma_wait3A_681, %dma_wait3A_682] : memref<2x10000x128xf32, #tpu.memory_space<hbm>> -> memref<1x10000x128xf32, #tpu.memory_space<hbm>>
        %dma_wait3A_684 = tpu.memref_squeeze %dma_wait3A_683 : memref<1x10000x128xf32, #tpu.memory_space<hbm>> -> memref<10000x128xf32, #tpu.memory_space<hbm>>
        %dma_wait3A_685 = arith.constant 0 : i32
        %dma_wait3A_686 = arith.constant 0 : i32
        %dma_wait3A_687 = tpu.memref_slice %dma_wait3A_684[%dma_wait3A_685, %dma_wait3A_686] : memref<10000x128xf32, #tpu.memory_space<hbm>> -> memref<10000x128xf32, #tpu.memory_space<hbm>>
        tpu.wait_indirect_dma semaphore(%arg14 : memref<!tpu.dma_semaphore, #tpu.memory_space<semaphore_mem>>) src(%dma_wait3A_687 : memref<10000x128xf32, #tpu.memory_space<hbm>>) dst(%dma_wait3A_677 : memref<125x128xf32, #tpu.memory_space<vmem>>)
        %dma_start3A_688 = arith.constant 1 : i32
        %dma_start3A_689 = arith.constant 4 : i32
        %dma_start3A_690 = arith.constant 0 : i32
        %dma_start3A_691 = arith.constant 0 : i32
        %dma_start3A_692 = tpu.memref_slice %arg11[%dma_start3A_688, %dma_start3A_690, %dma_start3A_691] : memref<2x125x128xf32, #tpu.memory_space<vmem>> -> memref<1x125x128xf32, #tpu.memory_space<vmem>>
        %dma_start3A_693 = tpu.memref_squeeze %dma_start3A_692 : memref<1x125x128xf32, #tpu.memory_space<vmem>> -> memref<125x128xf32, #tpu.memory_space<vmem>>
        %dma_start3A_694 = arith.constant 0 : i32
        %dma_start3A_695 = tpu.memref_slice %arg10[%dma_start3A_689, %dma_start3A_694] : memref<5x125xi32, #tpu.memory_space<vmem>> -> memref<1x125xi32, #tpu.memory_space<vmem>>
        %dma_start3A_696 = tpu.memref_squeeze %dma_start3A_695 : memref<1x125xi32, #tpu.memory_space<vmem>> -> memref<125xi32, #tpu.memory_space<vmem>>
        %dma_start3A_697 = arith.constant 0 : i32
        %dma_start3A_698 = arith.constant 0 : i32
        %dma_start3A_699 = tpu.memref_slice %arg12[%dma_start3A_697, %dma_start3A_698] : memref<10240x128xf32, #tpu.memory_space<vmem_shared>> -> memref<10240x128xf32, #tpu.memory_space<vmem_shared>>
        tpu.enqueue_indirect_dma source(%dma_start3A_693 : memref<125x128xf32, #tpu.memory_space<vmem>>) target(%dma_start3A_699 : memref<10240x128xf32, #tpu.memory_space<vmem_shared>>) offsets(%dma_start3A_696 : memref<125xi32, #tpu.memory_space<vmem>>) semaphore(%arg16 : memref<!tpu.dma_semaphore, #tpu.memory_space<semaphore_mem>>) {add = true}
      }
      %scan3A_82 = arith.constant 8 : i32
      %dma_wait3A = arith.constant 1 : i32
      %dma_wait3A_83 = arith.constant 0 : i32
      %dma_wait3A_84 = arith.constant 0 : i32
      %dma_wait3A_85 = arith.constant 0 : i32
      %dma_wait3A_86 = tpu.memref_slice %arg11[%dma_wait3A, %dma_wait3A_84, %dma_wait3A_85] : memref<2x125x128xf32, #tpu.memory_space<vmem>> -> memref<1x125x128xf32, #tpu.memory_space<vmem>>
      %dma_wait3A_87 = tpu.memref_squeeze %dma_wait3A_86 : memref<1x125x128xf32, #tpu.memory_space<vmem>> -> memref<125x128xf32, #tpu.memory_space<vmem>>
      %dma_wait3A_88 = arith.constant 0 : i32
      %dma_wait3A_89 = tpu.memref_slice %arg9[%dma_wait3A_83, %dma_wait3A_88] : memref<5x125xi32, #tpu.memory_space<vmem>> -> memref<1x125xi32, #tpu.memory_space<vmem>>
      %dma_wait3A_90 = tpu.memref_squeeze %dma_wait3A_89 : memref<1x125xi32, #tpu.memory_space<vmem>> -> memref<125xi32, #tpu.memory_space<vmem>>
      %dma_wait3A_91 = arith.constant 0 : i32
      %dma_wait3A_92 = arith.constant 0 : i32
      %dma_wait3A_93 = tpu.memref_slice %arg12[%dma_wait3A_91, %dma_wait3A_92] : memref<10240x128xf32, #tpu.memory_space<vmem_shared>> -> memref<10240x128xf32, #tpu.memory_space<vmem_shared>>
      tpu.wait_indirect_dma semaphore(%arg16 : memref<!tpu.dma_semaphore, #tpu.memory_space<semaphore_mem>>) src(%dma_wait3A_87 : memref<125x128xf32, #tpu.memory_space<vmem>>) dst(%dma_wait3A_93 : memref<10240x128xf32, #tpu.memory_space<vmem_shared>>)
      %barrier3A_94 = arith.constant 0 : index
      tpu.barrier barrier_id(%barrier3A_94)
      %mul3A_95 = arith.constant 640 : i32
      %mul3A_96 = arith.muli %arg1, %mul3A_95 : i32
      %add3A_97 = arith.constant 0 : i32
      %add3A_98 = arith.addi %mul3A_96, %add3A_97 : i32
      %mul3A_99 = arith.constant 640 : i32
      %mul3A_100 = arith.muli %arg1, %mul3A_99 : i32
      %add3A_101 = arith.constant 0 : i32
      %add3A_102 = arith.addi %mul3A_100, %add3A_101 : i32
      "tpu.region"() ({
        %run_scoped3A_135 = tpu.sem_alloc : memref<!tpu.dma_semaphore, #tpu.memory_space<semaphore_mem>>
        %dma_start3A_136 = arith.constant 0 : i32
        %dma_start3A_137 = tpu.memref_slice %arg6[%add3A_102, %dma_start3A_136] : memref<10240x128xf32, #tpu.memory_space<hbm>> -> memref<128x128xf32, #tpu.memory_space<hbm>>
        %dma_start3A_138 = arith.constant 0 : i32
        %dma_start3A_139 = tpu.memref_slice %arg12[%add3A_98, %dma_start3A_138] : memref<10240x128xf32, #tpu.memory_space<vmem_shared>> -> memref<128x128xf32, #tpu.memory_space<vmem_shared>>
        tpu.enqueue_dma source(%dma_start3A_139 : memref<128x128xf32, #tpu.memory_space<vmem_shared>>) target(%dma_start3A_137 : memref<128x128xf32, #tpu.memory_space<hbm>>) target_semaphore(%run_scoped3A_135 : memref<!tpu.dma_semaphore, #tpu.memory_space<semaphore_mem>>)
        %dma_wait3A_140 = arith.constant 0 : i32
        %dma_wait3A_141 = tpu.memref_slice %arg6[%add3A_102, %dma_wait3A_140] : memref<10240x128xf32, #tpu.memory_space<hbm>> -> memref<128x128xf32, #tpu.memory_space<hbm>>
        %dma_wait3A_142 = arith.constant 0 : i32
        %dma_wait3A_143 = tpu.memref_slice %arg12[%add3A_98, %dma_wait3A_142] : memref<10240x128xf32, #tpu.memory_space<vmem_shared>> -> memref<128x128xf32, #tpu.memory_space<vmem_shared>>
        tpu.wait_dma2 semaphore(%run_scoped3A_135 : memref<!tpu.dma_semaphore, #tpu.memory_space<semaphore_mem>>) src(%dma_wait3A_143 : memref<128x128xf32, #tpu.memory_space<vmem_shared>>) dst(%dma_wait3A_141 : memref<128x128xf32, #tpu.memory_space<hbm>>)
        tpu.yield
      }) : () -> ()
      %mul3A_103 = arith.constant 640 : i32
      %mul3A_104 = arith.muli %arg1, %mul3A_103 : i32
      %add3A_105 = arith.constant 128 : i32
      %add3A_106 = arith.addi %mul3A_104, %add3A_105 : i32
      %mul3A_107 = arith.constant 640 : i32
      %mul3A_108 = arith.muli %arg1, %mul3A_107 : i32
      %add3A_109 = arith.constant 128 : i32
      %add3A_110 = arith.addi %mul3A_108, %add3A_109 : i32
      "tpu.region"() ({
        %run_scoped3A_135 = tpu.sem_alloc : memref<!tpu.dma_semaphore, #tpu.memory_space<semaphore_mem>>
        %dma_start3A_136 = arith.constant 0 : i32
        %dma_start3A_137 = tpu.memref_slice %arg6[%add3A_110, %dma_start3A_136] : memref<10240x128xf32, #tpu.memory_space<hbm>> -> memref<128x128xf32, #tpu.memory_space<hbm>>
        %dma_start3A_138 = arith.constant 0 : i32
        %dma_start3A_139 = tpu.memref_slice %arg12[%add3A_106, %dma_start3A_138] : memref<10240x128xf32, #tpu.memory_space<vmem_shared>> -> memref<128x128xf32, #tpu.memory_space<vmem_shared>>
        tpu.enqueue_dma source(%dma_start3A_139 : memref<128x128xf32, #tpu.memory_space<vmem_shared>>) target(%dma_start3A_137 : memref<128x128xf32, #tpu.memory_space<hbm>>) target_semaphore(%run_scoped3A_135 : memref<!tpu.dma_semaphore, #tpu.memory_space<semaphore_mem>>)
        %dma_wait3A_140 = arith.constant 0 : i32
        %dma_wait3A_141 = tpu.memref_slice %arg6[%add3A_110, %dma_wait3A_140] : memref<10240x128xf32, #tpu.memory_space<hbm>> -> memref<128x128xf32, #tpu.memory_space<hbm>>
        %dma_wait3A_142 = arith.constant 0 : i32
        %dma_wait3A_143 = tpu.memref_slice %arg12[%add3A_106, %dma_wait3A_142] : memref<10240x128xf32, #tpu.memory_space<vmem_shared>> -> memref<128x128xf32, #tpu.memory_space<vmem_shared>>
        tpu.wait_dma2 semaphore(%run_scoped3A_135 : memref<!tpu.dma_semaphore, #tpu.memory_space<semaphore_mem>>) src(%dma_wait3A_143 : memref<128x128xf32, #tpu.memory_space<vmem_shared>>) dst(%dma_wait3A_141 : memref<128x128xf32, #tpu.memory_space<hbm>>)
        tpu.yield
      }) : () -> ()
      %mul3A_111 = arith.constant 640 : i32
      %mul3A_112 = arith.muli %arg1, %mul3A_111 : i32
      %add3A_113 = arith.constant 256 : i32
      %add3A_114 = arith.addi %mul3A_112, %add3A_113 : i32
      %mul3A_115 = arith.constant 640 : i32
      %mul3A_116 = arith.muli %arg1, %mul3A_115 : i32
      %add3A_117 = arith.constant 256 : i32
      %add3A_118 = arith.addi %mul3A_116, %add3A_117 : i32
      "tpu.region"() ({
        %run_scoped3A_135 = tpu.sem_alloc : memref<!tpu.dma_semaphore, #tpu.memory_space<semaphore_mem>>
        %dma_start3A_136 = arith.constant 0 : i32
        %dma_start3A_137 = tpu.memref_slice %arg6[%add3A_118, %dma_start3A_136] : memref<10240x128xf32, #tpu.memory_space<hbm>> -> memref<128x128xf32, #tpu.memory_space<hbm>>
        %dma_start3A_138 = arith.constant 0 : i32
        %dma_start3A_139 = tpu.memref_slice %arg12[%add3A_114, %dma_start3A_138] : memref<10240x128xf32, #tpu.memory_space<vmem_shared>> -> memref<128x128xf32, #tpu.memory_space<vmem_shared>>
        tpu.enqueue_dma source(%dma_start3A_139 : memref<128x128xf32, #tpu.memory_space<vmem_shared>>) target(%dma_start3A_137 : memref<128x128xf32, #tpu.memory_space<hbm>>) target_semaphore(%run_scoped3A_135 : memref<!tpu.dma_semaphore, #tpu.memory_space<semaphore_mem>>)
        %dma_wait3A_140 = arith.constant 0 : i32
        %dma_wait3A_141 = tpu.memref_slice %arg6[%add3A_118, %dma_wait3A_140] : memref<10240x128xf32, #tpu.memory_space<hbm>> -> memref<128x128xf32, #tpu.memory_space<hbm>>
        %dma_wait3A_142 = arith.constant 0 : i32
        %dma_wait3A_143 = tpu.memref_slice %arg12[%add3A_114, %dma_wait3A_142] : memref<10240x128xf32, #tpu.memory_space<vmem_shared>> -> memref<128x128xf32, #tpu.memory_space<vmem_shared>>
        tpu.wait_dma2 semaphore(%run_scoped3A_135 : memref<!tpu.dma_semaphore, #tpu.memory_space<semaphore_mem>>) src(%dma_wait3A_143 : memref<128x128xf32, #tpu.memory_space<vmem_shared>>) dst(%dma_wait3A_141 : memref<128x128xf32, #tpu.memory_space<hbm>>)
        tpu.yield
      }) : () -> ()
      %mul3A_119 = arith.constant 640 : i32
      %mul3A_120 = arith.muli %arg1, %mul3A_119 : i32
      %add3A_121 = arith.constant 384 : i32
      %add3A_122 = arith.addi %mul3A_120, %add3A_121 : i32
      %mul3A_123 = arith.constant 640 : i32
      %mul3A_124 = arith.muli %arg1, %mul3A_123 : i32
      %add3A_125 = arith.constant 384 : i32
      %add3A_126 = arith.addi %mul3A_124, %add3A_125 : i32
      "tpu.region"() ({
        %run_scoped3A_135 = tpu.sem_alloc : memref<!tpu.dma_semaphore, #tpu.memory_space<semaphore_mem>>
        %dma_start3A_136 = arith.constant 0 : i32
        %dma_start3A_137 = tpu.memref_slice %arg6[%add3A_126, %dma_start3A_136] : memref<10240x128xf32, #tpu.memory_space<hbm>> -> memref<128x128xf32, #tpu.memory_space<hbm>>
        %dma_start3A_138 = arith.constant 0 : i32
        %dma_start3A_139 = tpu.memref_slice %arg12[%add3A_122, %dma_start3A_138] : memref<10240x128xf32, #tpu.memory_space<vmem_shared>> -> memref<128x128xf32, #tpu.memory_space<vmem_shared>>
        tpu.enqueue_dma source(%dma_start3A_139 : memref<128x128xf32, #tpu.memory_space<vmem_shared>>) target(%dma_start3A_137 : memref<128x128xf32, #tpu.memory_space<hbm>>) target_semaphore(%run_scoped3A_135 : memref<!tpu.dma_semaphore, #tpu.memory_space<semaphore_mem>>)
        %dma_wait3A_140 = arith.constant 0 : i32
        %dma_wait3A_141 = tpu.memref_slice %arg6[%add3A_126, %dma_wait3A_140] : memref<10240x128xf32, #tpu.memory_space<hbm>> -> memref<128x128xf32, #tpu.memory_space<hbm>>
        %dma_wait3A_142 = arith.constant 0 : i32
        %dma_wait3A_143 = tpu.memref_slice %arg12[%add3A_122, %dma_wait3A_142] : memref<10240x128xf32, #tpu.memory_space<vmem_shared>> -> memref<128x128xf32, #tpu.memory_space<vmem_shared>>
        tpu.wait_dma2 semaphore(%run_scoped3A_135 : memref<!tpu.dma_semaphore, #tpu.memory_space<semaphore_mem>>) src(%dma_wait3A_143 : memref<128x128xf32, #tpu.memory_space<vmem_shared>>) dst(%dma_wait3A_141 : memref<128x128xf32, #tpu.memory_space<hbm>>)
        tpu.yield
      }) : () -> ()
      %mul3A_127 = arith.constant 640 : i32
      %mul3A_128 = arith.muli %arg1, %mul3A_127 : i32
      %add3A_129 = arith.constant 512 : i32
      %add3A_130 = arith.addi %mul3A_128, %add3A_129 : i32
      %mul3A_131 = arith.constant 640 : i32
      %mul3A_132 = arith.muli %arg1, %mul3A_131 : i32
      %add3A_133 = arith.constant 512 : i32
      %add3A_134 = arith.addi %mul3A_132, %add3A_133 : i32
      "tpu.region"() ({
        %run_scoped3A_135 = tpu.sem_alloc : memref<!tpu.dma_semaphore, #tpu.memory_space<semaphore_mem>>
        %dma_start3A_136 = arith.constant 0 : i32
        %dma_start3A_137 = tpu.memref_slice %arg6[%add3A_134, %dma_start3A_136] : memref<10240x128xf32, #tpu.memory_space<hbm>> -> memref<128x128xf32, #tpu.memory_space<hbm>>
        %dma_start3A_138 = arith.constant 0 : i32
        %dma_start3A_139 = tpu.memref_slice %arg12[%add3A_130, %dma_start3A_138] : memref<10240x128xf32, #tpu.memory_space<vmem_shared>> -> memref<128x128xf32, #tpu.memory_space<vmem_shared>>
        tpu.enqueue_dma source(%dma_start3A_139 : memref<128x128xf32, #tpu.memory_space<vmem_shared>>) target(%dma_start3A_137 : memref<128x128xf32, #tpu.memory_space<hbm>>) target_semaphore(%run_scoped3A_135 : memref<!tpu.dma_semaphore, #tpu.memory_space<semaphore_mem>>)
        %dma_wait3A_140 = arith.constant 0 : i32
        %dma_wait3A_141 = tpu.memref_slice %arg6[%add3A_134, %dma_wait3A_140] : memref<10240x128xf32, #tpu.memory_space<hbm>> -> memref<128x128xf32, #tpu.memory_space<hbm>>
        %dma_wait3A_142 = arith.constant 0 : i32
        %dma_wait3A_143 = tpu.memref_slice %arg12[%add3A_130, %dma_wait3A_142] : memref<10240x128xf32, #tpu.memory_space<vmem_shared>> -> memref<128x128xf32, #tpu.memory_space<vmem_shared>>
        tpu.wait_dma2 semaphore(%run_scoped3A_135 : memref<!tpu.dma_semaphore, #tpu.memory_space<semaphore_mem>>) src(%dma_wait3A_143 : memref<128x128xf32, #tpu.memory_space<vmem_shared>>) dst(%dma_wait3A_141 : memref<128x128xf32, #tpu.memory_space<hbm>>)
        tpu.yield
      }) : () -> ()
    } else {
    }
    return
  }
}

module attributes {stable_mosaic.version = 14 : i64} {
  func.func @_mm1_body(%arg0: i32, %arg1: memref<2000x256xf32, #tpu.memory_space<vmem>>, %arg2: memref<256x256xf32, #tpu.memory_space<vmem>>, %arg3: memref<1x256xf32, #tpu.memory_space<vmem>>, %arg4: memref<2000x2xf32, #tpu.memory_space<vmem>>, %arg5: memref<2x2000x128xf32, #tpu.memory_space<vmem>>) attributes {dimension_semantics = [#tpu.dimension_semantics<arbitrary>], iteration_bounds = array<i64: 5>, scalar_prefetch = 0 : i64, scratch_operands = 0 : i64, tpu.core_type = #tpu.core_type<tc>, window_params = [{transform_indices = @transform_0, window_bounds = array<i64: 2000, 256>}, {pipeline_mode = #tpu.pipeline_mode<synchronous>, transform_indices = @transform_1, window_bounds = array<i64: 256, 256>}, {pipeline_mode = #tpu.pipeline_mode<synchronous>, transform_indices = @transform_2, window_bounds = array<i64: 1, 256>}, {transform_indices = @transform_3, window_bounds = array<i64: 2000, 2>}, {transform_indices = @transform_4, window_bounds = array<i64: 2, 2000, 128>}]} {
    %get3A = arith.constant 0 : index
    %get3A_0 = arith.constant 0 : index
    %get3A_1 = vector.load %arg1[%get3A, %get3A_0] : memref<2000x256xf32, #tpu.memory_space<vmem>>, vector<2000x256xf32>
    %get3A_2 = arith.constant 0 : index
    %get3A_3 = arith.constant 0 : index
    %get3A_4 = vector.load %arg2[%get3A_2, %get3A_3] : memref<256x256xf32, #tpu.memory_space<vmem>>, vector<256x256xf32>
    %dot_general3A = arith.constant dense<0.000000e+00> : vector<2000x256xf32>
    %dot_general3A_5 = tpu.matmul %get3A_1, %get3A_4, %dot_general3A {dimension_numbers = #tpu.dot_dimension_numbers<[1], [1], [0], [0], [0, 0, 1, 0], [], []>, transpose_lhs_hint = false} : vector<2000x256xf32>, vector<256x256xf32>, vector<2000x256xf32> -> vector<2000x256xf32>
    %get3A_6 = arith.constant 0 : index
    %get3A_7 = arith.constant 0 : index
    %get3A_8 = vector.load %arg3[%get3A_6, %get3A_7] : memref<1x256xf32, #tpu.memory_space<vmem>>, vector<1x256xf32>
    %add3A = vector.broadcast %get3A_8 : vector<1x256xf32> to vector<2000x256xf32>
    %add3A_9 = arith.addf %dot_general3A_5, %add3A : vector<2000x256xf32>
    %max3A = arith.constant 0.000000e+00 : f32
    %max3A_10 = vector.broadcast %max3A : f32 to vector<2000x256xf32>
    %max3A_11 = arith.maximumf %add3A_9, %max3A_10 : vector<2000x256xf32>
    %get3A_12 = arith.constant 0 : index
    %get3A_13 = arith.constant 0 : index
    %get3A_14 = vector.load %arg4[%get3A_12, %get3A_13] : memref<2000x2xf32, #tpu.memory_space<vmem>>, vector<2000x2xf32>
    %slice3A = vector.extract_strided_slice %get3A_14 {offsets = [0, 0], sizes = [2000, 1], strides = [1, 1]} : vector<2000x2xf32> to vector<2000x1xf32>
    %slice3A_15 = vector.extract_strided_slice %get3A_14 {offsets = [0, 1], sizes = [2000, 1], strides = [1, 1]} : vector<2000x2xf32> to vector<2000x1xf32>
    %add3A_16 = arith.addf %slice3A, %slice3A_15 : vector<2000x1xf32>
    %max3A_17 = arith.constant 1.000000e+00 : f32
    %max3A_18 = vector.broadcast %max3A_17 : f32 to vector<2000x1xf32>
    %max3A_19 = arith.maximumf %add3A_16, %max3A_18 : vector<2000x1xf32>
    %rsqrt3A = math.rsqrt %max3A_19 : vector<2000x1xf32>
    %mul3A = vector.broadcast %rsqrt3A : vector<2000x1xf32> to vector<2000x256xf32>
    %mul3A_20 = arith.mulf %max3A_11, %mul3A : vector<2000x256xf32>
    %slice3A_21 = vector.extract_strided_slice %mul3A_20 {offsets = [0, 0], sizes = [2000, 128], strides = [1, 1]} : vector<2000x256xf32> to vector<2000x128xf32>
    %swap3A = arith.constant 0 : index
    %swap3A_22 = arith.constant 0 : index
    %swap3A_23 = arith.constant 0 : index
    %swap3A_24 = vector.load %arg5[%swap3A, %swap3A_22, %swap3A_23] : memref<2x2000x128xf32, #tpu.memory_space<vmem>>, vector<1x2000x128xf32>
    %swap3A_25 = vector.shape_cast %swap3A_24 : vector<1x2000x128xf32> to vector<2000x128xf32>
    %swap3A_26 = vector.shape_cast %slice3A_21 : vector<2000x128xf32> to vector<1x2000x128xf32>
    tpu.vector_store %arg5[%swap3A, %swap3A_22, %swap3A_23], %swap3A_26 {strides = array<i32>} : memref<2x2000x128xf32, #tpu.memory_space<vmem>>, vector<1x2000x128xf32>,
    %slice3A_27 = vector.extract_strided_slice %mul3A_20 {offsets = [0, 128], sizes = [2000, 128], strides = [1, 1]} : vector<2000x256xf32> to vector<2000x128xf32>
    %swap3A_28 = arith.constant 1 : index
    %swap3A_29 = arith.constant 0 : index
    %swap3A_30 = arith.constant 0 : index
    %swap3A_31 = vector.load %arg5[%swap3A_28, %swap3A_29, %swap3A_30] : memref<2x2000x128xf32, #tpu.memory_space<vmem>>, vector<1x2000x128xf32>
    %swap3A_32 = vector.shape_cast %swap3A_31 : vector<1x2000x128xf32> to vector<2000x128xf32>
    %swap3A_33 = vector.shape_cast %slice3A_27 : vector<2000x128xf32> to vector<1x2000x128xf32>
    tpu.vector_store %arg5[%swap3A_28, %swap3A_29, %swap3A_30], %swap3A_33 {strides = array<i32>} : memref<2x2000x128xf32, #tpu.memory_space<vmem>>, vector<1x2000x128xf32>,
    return
  }
  func.func @transform_0(%arg0: i32) -> (i32, i32) {
    %c0_i32 = arith.constant 0 : i32
    %c0_i32_0 = arith.constant 0 : i32
    return %arg0, %c0_i32 : i32, i32
  }
  func.func @transform_1(%arg0: i32) -> (i32, i32) {
    %c0_i32 = arith.constant 0 : i32
    %c0_i32_0 = arith.constant 0 : i32
    %c0_i32_1 = arith.constant 0 : i32
    return %c0_i32, %c0_i32_0 : i32, i32
  }
  func.func @transform_2(%arg0: i32) -> (i32, i32) {
    %c0_i32 = arith.constant 0 : i32
    %c0_i32_0 = arith.constant 0 : i32
    %c0_i32_1 = arith.constant 0 : i32
    return %c0_i32, %c0_i32_0 : i32, i32
  }
  func.func @transform_3(%arg0: i32) -> (i32, i32) {
    %c0_i32 = arith.constant 0 : i32
    %c0_i32_0 = arith.constant 0 : i32
    return %arg0, %c0_i32 : i32, i32
  }
  func.func @transform_4(%arg0: i32) -> (i32, i32, i32) {
    %c0_i32 = arith.constant 0 : i32
    %c0_i32_0 = arith.constant 0 : i32
    %c0_i32_1 = arith.constant 0 : i32
    return %c0_i32, %arg0, %c0_i32_0 : i32, i32, i32
  }
}

module attributes {stable_mosaic.version = 14 : i64} {
  func.func @_mm2_body(%arg0: i32, %arg1: memref<2000x128xf32, #tpu.memory_space<vmem>>, %arg2: memref<2000x128xf32, #tpu.memory_space<vmem>>, %arg3: memref<256x128xf32, #tpu.memory_space<vmem>>, %arg4: memref<256x128xf32, #tpu.memory_space<vmem>>, %arg5: memref<1x256xf32, #tpu.memory_space<vmem>>, %arg6: memref<2000x2xf32, #tpu.memory_space<vmem>>, %arg7: memref<2000x256xf32, #tpu.memory_space<vmem>>) attributes {dimension_semantics = [#tpu.dimension_semantics<arbitrary>], iteration_bounds = array<i64: 5>, scalar_prefetch = 0 : i64, scratch_operands = 0 : i64, tpu.core_type = #tpu.core_type<tc>, window_params = [{transform_indices = @transform_0, window_bounds = array<i64: 2000, 128>}, {transform_indices = @transform_1, window_bounds = array<i64: 2000, 128>}, {transform_indices = @transform_2, window_bounds = array<i64: 256, 128>}, {transform_indices = @transform_3, window_bounds = array<i64: 256, 128>}, {pipeline_mode = #tpu.pipeline_mode<synchronous>, transform_indices = @transform_4, window_bounds = array<i64: 1, 256>}, {transform_indices = @transform_5, window_bounds = array<i64: 2000, 2>}, {transform_indices = @transform_6, window_bounds = array<i64: 2000, 256>}]} {
    %get3A = arith.constant 0 : index
    %get3A_0 = arith.constant 0 : index
    %get3A_1 = vector.load %arg6[%get3A, %get3A_0] : memref<2000x2xf32, #tpu.memory_space<vmem>>, vector<2000x2xf32>
    %slice3A = vector.extract_strided_slice %get3A_1 {offsets = [0, 0], sizes = [2000, 1], strides = [1, 1]} : vector<2000x2xf32> to vector<2000x1xf32>
    %slice3A_2 = vector.extract_strided_slice %get3A_1 {offsets = [0, 1], sizes = [2000, 1], strides = [1, 1]} : vector<2000x2xf32> to vector<2000x1xf32>
    %add3A = arith.addf %slice3A, %slice3A_2 : vector<2000x1xf32>
    %max3A = arith.constant 1.000000e+00 : f32
    %max3A_3 = vector.broadcast %max3A : f32 to vector<2000x1xf32>
    %max3A_4 = arith.maximumf %add3A, %max3A_3 : vector<2000x1xf32>
    %rsqrt3A = math.rsqrt %max3A_4 : vector<2000x1xf32>
    %get3A_5 = arith.constant 0 : index
    %get3A_6 = arith.constant 0 : index
    %get3A_7 = vector.load %arg1[%get3A_5, %get3A_6] : memref<2000x128xf32, #tpu.memory_space<vmem>>, vector<2000x128xf32>
    %mul3A = vector.broadcast %rsqrt3A : vector<2000x1xf32> to vector<2000x128xf32>
    %mul3A_8 = arith.mulf %get3A_7, %mul3A : vector<2000x128xf32>
    %get3A_9 = arith.constant 0 : index
    %get3A_10 = arith.constant 0 : index
    %get3A_11 = vector.load %arg3[%get3A_9, %get3A_10] : memref<256x128xf32, #tpu.memory_space<vmem>>, vector<256x128xf32>
    %dot_general3A = arith.constant dense<0.000000e+00> : vector<2000x256xf32>
    %dot_general3A_12 = tpu.matmul %mul3A_8, %get3A_11, %dot_general3A {dimension_numbers = #tpu.dot_dimension_numbers<[1], [1], [0], [0], [0, 0, 1, 0], [], []>, transpose_lhs_hint = false} : vector<2000x128xf32>, vector<256x128xf32>, vector<2000x256xf32> -> vector<2000x256xf32>
    %get3A_13 = arith.constant 0 : index
    %get3A_14 = arith.constant 0 : index
    %get3A_15 = vector.load %arg2[%get3A_13, %get3A_14] : memref<2000x128xf32, #tpu.memory_space<vmem>>, vector<2000x128xf32>
    %mul3A_16 = vector.broadcast %rsqrt3A : vector<2000x1xf32> to vector<2000x128xf32>
    %mul3A_17 = arith.mulf %get3A_15, %mul3A_16 : vector<2000x128xf32>
    %get3A_18 = arith.constant 0 : index
    %get3A_19 = arith.constant 0 : index
    %get3A_20 = vector.load %arg4[%get3A_18, %get3A_19] : memref<256x128xf32, #tpu.memory_space<vmem>>, vector<256x128xf32>
    %dot_general3A_21 = arith.constant dense<0.000000e+00> : vector<2000x256xf32>
    %dot_general3A_22 = tpu.matmul %mul3A_17, %get3A_20, %dot_general3A_21 {dimension_numbers = #tpu.dot_dimension_numbers<[1], [1], [0], [0], [0, 0, 1, 0], [], []>, transpose_lhs_hint = false} : vector<2000x128xf32>, vector<256x128xf32>, vector<2000x256xf32> -> vector<2000x256xf32>
    %add3A_23 = arith.addf %dot_general3A_12, %dot_general3A_22 : vector<2000x256xf32>
    %get3A_24 = arith.constant 0 : index
    %get3A_25 = arith.constant 0 : index
    %get3A_26 = vector.load %arg5[%get3A_24, %get3A_25] : memref<1x256xf32, #tpu.memory_space<vmem>>, vector<1x256xf32>
    %add3A_27 = vector.broadcast %get3A_26 : vector<1x256xf32> to vector<2000x256xf32>
    %add3A_28 = arith.addf %add3A_23, %add3A_27 : vector<2000x256xf32>
    %swap3A = arith.constant 0 : index
    %swap3A_29 = arith.constant 0 : index
    %swap3A_30 = vector.load %arg7[%swap3A, %swap3A_29] : memref<2000x256xf32, #tpu.memory_space<vmem>>, vector<2000x256xf32>
    tpu.vector_store %arg7[%swap3A, %swap3A_29], %add3A_28 {strides = array<i32>} : memref<2000x256xf32, #tpu.memory_space<vmem>>, vector<2000x256xf32>,
    return
  }
  func.func @transform_0(%arg0: i32) -> (i32, i32) {
    %c0_i32 = arith.constant 0 : i32
    %c0_i32_0 = arith.constant 0 : i32
    return %arg0, %c0_i32 : i32, i32
  }
  func.func @transform_1(%arg0: i32) -> (i32, i32) {
    %c0_i32 = arith.constant 0 : i32
    %c0_i32_0 = arith.constant 0 : i32
    return %arg0, %c0_i32 : i32, i32
  }
  func.func @transform_2(%arg0: i32) -> (i32, i32) {
    %c0_i32 = arith.constant 0 : i32
    %c0_i32_0 = arith.constant 0 : i32
    %c0_i32_1 = arith.constant 0 : i32
    return %c0_i32, %c0_i32_0 : i32, i32
  }
  func.func @transform_3(%arg0: i32) -> (i32, i32) {
    %c0_i32 = arith.constant 0 : i32
    %c1_i32 = arith.constant 1 : i32
    %c0_i32_0 = arith.constant 0 : i32
    return %c0_i32, %c1_i32 : i32, i32
  }
  func.func @transform_4(%arg0: i32) -> (i32, i32) {
    %c0_i32 = arith.constant 0 : i32
    %c0_i32_0 = arith.constant 0 : i32
    %c0_i32_1 = arith.constant 0 : i32
    return %c0_i32, %c0_i32_0 : i32, i32
  }
  func.func @transform_5(%arg0: i32) -> (i32, i32) {
    %c0_i32 = arith.constant 0 : i32
    %c0_i32_0 = arith.constant 0 : i32
    return %arg0, %c0_i32 : i32, i32
  }
  func.func @transform_6(%arg0: i32) -> (i32, i32) {
    %c0_i32 = arith.constant 0 : i32
    %c0_i32_0 = arith.constant 0 : i32
    return %arg0, %c0_i32 : i32, i32
  }
}

</mosaic_0001>

<sc_bundles>
// kernel: _run.6.cloned.1.call-start
scs
__scs_entry_jumppad:
0x0: {  	(pc) =	sbr.rel $0x88, $3  }
0x1: {  	(tag) =	ssettag $0x0;
	lr =	simm.s32 $0x1  }
0x2: {  	[smem:$0x3F9B] =	sst lr;
	_ =	strace $0xD0000000  }
0x3: {  	_ = 	snop  }
0x4: {  	_ = 	snop  }
0x5: {  	_ = 	snop  }
0x6: {  	_ = 	snop  }
0x7: {  	_ = 	snop  }
__scs_overlays_trampoline_lowered:
0x8: {  	[smem:$0x3FAA] =	sst s0  }
0x9: {  	[smem:$0x3FAB] =	sst s1  }
0xa: {  	[smem:$0x3FAC] =	sst s2  }
0xb: {  	[smem:$0x3FAD] =	sst s3  }
0xc: {  	[smem:$0x3FAE] =	sst s4  }
0xd: {  	[smem:$0x3FAF] =	sst s5  }
0xe: {  	[smem:$0x3FB0] =	sst s6  }
0xf: {  	[smem:$0x3FB1] =	sst s7  }
0x10: {  	[smem:$0x3FB2] =	sst s8  }
0x11: {  	[smem:$0x3FB3] =	sst s9;
	s0 =	simm.s32 @!p0 $0x0  }
0x12: {  	s1 =	sld [smem:$0x3F99];
	s0 =	simm.s32 @p0 $0x1  }
0x13: {  	[smem:$0x3FB4] =	sst s0;
	s0 =	simm.s32 @!p1 $0x0  }
0x14: {  	s2 =	sld [smem:$0x3F98];
	s0 =	simm.s32 @p1 $0x1  }
0x15: {  	[smem:$0x3FB5] =	sst s0;
	s0 =	simm.s32 @!p2 $0x0  }
0x16: {  	s3 =	sld [smem:$0x3FDB];
	s0 =	simm.s32 @p2 $0x1  }
0x17: {  	s4 =	simm.s32 $0x1BF5;
	[smem:$0x3FB7] =	sst s0  }
0x18: {  	s0 =	sld [smem:$0x3F9A];
	_ =	swait.ge [sflag:s4], $0x0  }
0x19: {  	s7 =	sld [smem:$0x3F9B]  }
0x1a: {  	s8 =	sadd.s32 $0xFFFFE003, lr  }
0x1b: {  	s9 =	sadd.s32 $0xFFFFFEF7, lr;
	s5 =	simm.s32 $0xFFFFFFFF;
	p2 =	slt.u32 s8, $0xFFFFF086  }
0x1c: {  	p1 =	slt.u32 s9, $0xF7A;
	s5 =	simm.s32 @!p2 $0x0  }
0x1d: {  	s5 =	simm.s32 @p1 $0x1;
	p0 =	seq.s32 s7, s2  }
0x1e: {  	s7 =	smul.u32 @!p0 $0xF7A, s2;
	p2 =	seq.s32 @!p0 s5, $0x0  }
0x1f: {  	s9 =	smul.u32 $0xF7A, s1;
	s8 =	simm.s32 @!p0 $0x1BF5;
	p2 =	por !p2, p0  }
0x20: {  	[sflag:s8] =	ssyncset.s32 @!p0 $0xFFFFF086;
	s6 =	sadd.s32 @!p0 s3, s7;
	s7 =	simm.s32 @!p0 $0x108  }
0x21: {  	s3 =	sadd.s32 s3, s9;
	s6 =	sadd.s32 @!p0 $0x88, s6;
	s7 =	simm.s32 @p2 $0x1082  }
0x22: {  	[simem:s7], [sflag:s8] =	dma.local @!p0 [hbm:s6], $0xF7A  }
0x23: {  	s9 =	sor.u32 $0xD0000000, s2;
	s6 =	simm.s32 $0x108;
	_ =	swait.ge @!p0 [sflag:s8], $0x0  }
0x24: {  	s3 =	sadd.s32 $0x88, s3;
	s6 =	simm.s32 @!p1 $0x1082;
	[sflag:s4] =	ssyncset.s32 $0xFFFFF086  }
0x25: {  	[simem:s6], [sflag:s4] =	dma.local [hbm:s3], $0xF7A  }
0x26: {  	[smem:$0x3F9B] =	sst s1;
	(tag) =	ssettag s2;
	_ =	strace s9  }
0x27: {  	s1 =	sld [smem:$0x3FAB]  }
0x28: {  	s2 =	sld [smem:$0x3FAC]  }
0x29: {  	s4 =	sld [smem:$0x3FAE]  }
0x2a: {  	p0 =	seq.s32 s5, $0x0;
	s5 =	sld [smem:$0x3FAF]  }
0x2b: {  	s6 =	sld [smem:$0x3FB0]  }
0x2c: {  	s7 =	sld [smem:$0x3FB1]  }
0x2d: {  	s3 =	simm.s32 $0x108;
	s8 =	sld [smem:$0x3FB2]  }
0x2e: {  	s3 =	simm.s32 @!p0 $0x1082;
	s9 =	sld [smem:$0x3FB3]  }
0x2f: {  	lr =	sadd.s32 s0, s3;
	s0 =	sld [smem:$0x3FAA]  }
0x30: {  	s3 =	sld [smem:$0x3FAD]  }
0x31: {  	[smem:$0x3FB6] =	sst s10  }
0x32: {  	s10 =	sld [smem:$0x3FB4];
	_ =	sdelay $0x3  }
0x33: {  	p0 =	seq.s32 s10, $0x1;
	s10 =	sld [smem:$0x3FB6];
	_ =	sdelay $0x3  }
0x34: {  	[smem:$0x3FB6] =	sst s10  }
0x35: {  	s10 =	sld [smem:$0x3FB5];
	_ =	sdelay $0x3  }
0x36: {  	p1 =	seq.s32 s10, $0x1;
	s10 =	sld [smem:$0x3FB6];
	_ =	sdelay $0x3  }
0x37: {  	[smem:$0x3FB6] =	sst s10  }
0x38: {  	s10 =	sld [smem:$0x3FB7]  }
0x39: {  	_ = 	snop;
	(pc) =	sbr.ind lr, $3  }
0x3a: {  	_ = 	snop  }
0x3b: {  	_ = 	snop  }
0x3c: {  	p2 =	seq.s32 s10, $0x1;
	s10 =	sld [smem:$0x3FB6]  }
0x3d: {  	_ =	shalt  }
0x3e: {  	_ =	shalt  }
0x3f: {  	_ =	shalt  }
0x40: {  	_ =	shalt  }
0x41: {  	_ =	shalt  }
0x42: {  	_ =	shalt  }
0x43: {  	_ =	shalt  }
0x44: {  	_ =	shalt  }
0x45: {  	_ =	shalt  }
0x46: {  	_ =	shalt  }
0x47: {  	_ =	shalt  }
0x48: {  	_ =	shalt  }
0x49: {  	_ =	shalt  }
0x4a: {  	_ =	shalt  }
0x4b: {  	_ =	shalt  }
0x4c: {  	_ =	shalt  }
0x4d: {  	_ =	shalt  }
0x4e: {  	_ =	shalt  }
0x4f: {  	_ =	shalt  }
0x50: {  	_ =	shalt  }
0x51: {  	_ =	shalt  }
0x52: {  	_ =	shalt  }
0x53: {  	_ =	shalt  }
0x54: {  	_ =	shalt  }
0x55: {  	_ =	shalt  }
0x56: {  	_ =	shalt  }
0x57: {  	_ =	shalt  }
0x58: {  	_ =	shalt  }
0x59: {  	_ =	shalt  }
0x5a: {  	_ =	shalt  }
0x5b: {  	_ =	shalt  }
0x5c: {  	_ =	shalt  }
0x5d: {  	_ =	shalt  }
0x5e: {  	_ =	shalt  }
0x5f: {  	_ =	shalt  }
0x60: {  	_ =	shalt  }
0x61: {  	_ =	shalt  }
0x62: {  	_ =	shalt  }
0x63: {  	_ =	shalt  }
0x64: {  	_ =	shalt  }
0x65: {  	_ =	shalt  }
0x66: {  	_ =	shalt  }
0x67: {  	_ =	shalt  }
0x68: {  	_ =	shalt  }
0x69: {  	_ =	shalt  }
0x6a: {  	_ =	shalt  }
0x6b: {  	_ =	shalt  }
0x6c: {  	_ =	shalt  }
0x6d: {  	_ =	shalt  }
0x6e: {  	_ =	shalt  }
0x6f: {  	_ =	shalt  }
0x70: {  	_ =	shalt  }
0x71: {  	_ =	shalt  }
0x72: {  	_ =	shalt  }
0x73: {  	_ =	shalt  }
0x74: {  	_ =	shalt  }
0x75: {  	_ =	shalt  }
0x76: {  	_ =	shalt  }
0x77: {  	_ =	shalt  }
0x78: {  	_ =	shalt  }
0x79: {  	_ =	shalt  }
0x7a: {  	_ =	shalt  }
0x7b: {  	_ =	shalt  }
0x7c: {  	_ =	shalt  }
0x7d: {  	_ =	shalt  }
0x7e: {  	_ =	shalt  }
0x7f: {  	_ =	shalt  }
0x80: {  	_ =	shalt  }
0x81: {  	_ =	shalt  }
0x82: {  	_ =	shalt  }
0x83: {  	_ =	shalt  }
0x84: {  	_ =	shalt  }
0x85: {  	_ =	shalt  }
0x86: {  	_ =	shalt  }
0x87: {  	_ =	shalt  }
.Lfunc_end0:
.L_simem_size_0:
called_computation_lowered:
.L_overlay_start_0:
0x88: {  	s2 =	sld [smem:$0x3FD9]  }
0x89: {  	s3 =	sld [smem:$0x3FFE];
	_ =	sdelay $0x1  }
0x8a: {  	s1 =	srdreg.scid  }
0x8b: {  	s0 =	sand.u32 $0x1, s1  }
0x8c: {  	s17 =	sshll.u32 s0, $0xA;
	s2 =	sadd.s32 s3, s2  }
0x8d: {  	s2 =	sadd.s32 s2, s17  }
0x8e: {  	[smem:$0x3FC2] =	sst s2  }
0x8f: {  	_ = 	snop  }
0x90: {  	s2 =	sld [smem:$0x3FD0];
	(tm) =	ssettm $0x1  }
0x91: {  	s18 =	sld [smem:$0x3FFB];
	_ =	sdelay $0x3  }
0x92: {  	_ =	strace s18  }
0x93: {  	s3 =	sld [smem:$0x3FFC];
	_ =	sdelay $0x3  }
0x94: {  	_ =	strace s3  }
0x95: {  	s3 =	sld [smem:$0x3FFD];
	_ =	sdelay $0x3  }
0x96: {  	_ =	strace s3  }
0x97: {  	_ =	strace $0x8FFFFFFF  }
0x98: {  	s19 =	sld [smem:$0x3FDB];
	_ =	sdelay $0x1  }
0x99: {  	s4 =	simm.s32 $_scs_section_size  }
0x9a: {  	s5 =	simm.s32 $_size__tile_overlayer_lowered;
	s6 =	simm.s32 $_tile_overlayer_lowered  }
0x9b: {  	s22 =	simm.s32 $0x1BFF;
	s21 =	sshll.u32 s6, $0x1;
	s3 =	sadd.s32 s4, s19  }
0x9c: {  	s7 =	simm.s32 $0x0;
	s20 =	sshll.u32 s5, $0x1;
	s5 =	sadd.s32 s21, s3  }
0x9d: {  	[timem:s7], [sflag:s22] =	dma.local [hbm:s5], s20  }
0x9e: {  	_ =	swait.ge [sflag:s22], s20  }
0x9f: {  	s4 =	ssub.s32 $0x0, s20;
	[sflag:s22] =	ssyncset.done $0x0  }
0xa0: {  	[sflag:s22] =	ssyncadd.s32 s4;
	_ =	sdelay $0x1  }
0xa1: {  	s23 =	simm.s32 $0x1B8B  }
0xa2: {  	_ =	swait.ge [sflag:s23], $0x1  }
0xa3: {  	[sflag:s23] =	ssyncset.done $0x0  }
0xa4: {  	s25 =	simm.s32 $0x1B8E;
	s24 =	sld [smem:$0x3FFE];
	[sflag:s23] =	ssyncadd.s32 $0xFFFFFFFF  }
0xa5: {  	s26 =	simm.s32 $execute0_lowered;
	[smem:$0x3FD2] =	sst s25  }
0xa6: {  	s5 =	sshll.u32 s26, $0x1;
	_ =	strace $0x80000046;
	[dreg:$0x1] =	wrdreg $0xFFFFFFFF  }
0xa7: {  	s28 =	simm.s32 $_size_execute0_lowered;
	s3 =	sadd.s32 s3, s5;
	[dreg:$0x0] =	wrdreg $0x0  }
0xa8: {  	s5 =	sshll.u32 s28, $0x1;
	[dreg:$0x2] =	wrdreg s3  }
0xa9: {  	[dreg:$0x3] =	wrdreg s5  }
0xaa: {  	[dreg:$0x4] =	wrdreg $0xC0  }
0xab: {  	_ =	task [dreg:s7], $0x5FFFF  }
0xac: {  	[dreg:$0x1] =	wrdreg $0xFFFFFFFF  }
0xad: {  	[dreg:$0x0] =	wrdreg $0x60  }
0xae: {  	[dreg:$0x2] =	wrdreg s24  }
0xaf: {  	[dreg:$0x3] =	wrdreg s2  }
0xb0: {  	[dreg:$0x4] =	wrdreg $0x43000  }
0xb1: {  	[dreg:$0x5] =	wrdreg $0x9  }
0xb2: {  	_ =	task.clear_ibuf [dreg:s7], $0x6FFFF;
	_ =	strace $0x90000046  }
0xb3: {  	s29 =	simm.s32 $0x9;
	_ =	strace $0x80000048  }
0xb4: {  	_ =	swait.ge [sflag:s29], $0x1  }
0xb5: {  	[sflag:s29] =	ssyncadd.s32 $0xFFFFFFFF  }
0xb6: {  	_ =	strace $0x90000048  }
0xb7: {  	_ =	sfence  }
0xb8: {  	s30 =	sld [smem:$0x0];
	_ =	sdelay $0x2  }
0xb9: {  	s31 =	sshll.u32 s1, $0xD;
	s1 =	sshrl.u32 s1, $0x2  }
0xba: {  	s3 =	sand.u32 $0x4000, s31;
	s1 =	sadd.s32 s1, s30  }
0xbb: {  	s0 =	sor.u32 s3, s0;
	s1 =	sshll.u32 s1, $0x11  }
0xbc: {  	s0 =	sor.u32 s1, s0  }
0xbd: {  	s0 =	sadd.s32 $0x8F2B, s0  }
0xbe: {  	[sflag:s0] =	ssyncadd.remote.s32 $0x1  }
0xbf: {  	_ =	sfence.sel $0xFFFF  }
0xc0: {  	[dreg:$0x0] =	wrdreg $0xFFFFFFFF;
	(pc) =	sbr.abs _section_cstart, $3  }
0xc1: {  	[dreg:$0x1] =	wrdreg $0xFFFFFFFF  }
0xc2: {  	_ =	task.clear_ibuf [dreg:s7], $0x2FFFF;
	_ =	strace $0x9FFFFFFF  }
0xc3: {  	(tm) =	ssettm $0x7FFFFFFF  }
tec
execute0_lowered:
.L_overlay_start_1:
0x0: {  	(tag) =	ssettag $0x1  }
0x1: {  	s0 =	rddreg [dreg:$0x0]  }
0x2: {  	s1 =	rddreg [dreg:$0x1]  }
0x3: {  	s2 =	rddreg [dreg:$0x2];
	s4 =	srdreg.scid  }
0x4: {  	s3 =	simm.s32 $0x0;
	s9 =	stileid.u32;
	s29 =	simm.s32 $0x2  }
0x5: {  	s30 =	simm.s32 $0x4080;
	s31 =	simm.s32 $0x7D;
	s23 =	simm.s32 $0x0  }
0x6: {  	s4 =	sand.u32 $0x1, s4;
	[smem:$0x7FF] =	sst s3;
	s6 =	smul.u32 $0x280, s9  }
0x7: {  	s9 =	sshll.u32 s9, $0xB;
	s5 =	ssub.s32 $0x2, s4;
	s8 =	smul.u32 $0x2800, s4  }
0x8: {  	_ =	strace $0x80000047;
	p0 =	seq.s32 s4, $0x1;
	s7 =	sshrl.u32 s5, $0x1  }
0x9: {  	s7 =	ssub.s32 s5, s7;
	s5 =	simm.s32 $0x1200;
	s8 =	sadd.s32 s6, s8  }
0xa: {  	s4 =	sadd.s32 s6, s2;
	s5 =	simm.s32 @!p0 $0x9200;
	s28 =	sshrl.u32 s8, $0x3  }
0xb: {  	s6 =	smax.u32 s7, $0x1;
	s0 =	sadd.s32 s5, s0;
	s5 =	sadd.s32 s1, s28  }
0xc: {  	s1 =	simm.s32 $0x1;
	s7 =	sadd.s32 s0, s9;
	s0 =	simm.s32 $0x4000  }
0xd: {  	s8 =	sadd.s32 $0x80, s7;
	s9 =	sadd.s32 $0x100, s7;
	s10 =	sadd.s32 $0x180, s7  }
0xe: {  	s11 =	sadd.s32 $0x200, s7;
	s12 =	sadd.s32 $0x280, s7;
	s13 =	sadd.s32 $0x300, s7  }
0xf: {  	s14 =	sadd.s32 $0x380, s7;
	s15 =	sadd.s32 $0x400, s7;
	s16 =	sadd.s32 $0x480, s7  }
0x10: {  	s17 =	sadd.s32 $0x500, s7;
	s18 =	sadd.s32 $0x580, s7;
	s19 =	sadd.s32 $0x600, s7  }
0x11: {  	v0 =	vimm.f32 $1.000000000e+00;
	v1 =	vimm.f32 $0.0e+00;
	s20 =	sadd.s32 $0x680, s7;
	s21 =	sadd.s32 $0x700, s7;
	s22 =	sadd.s32 $0x780, s7  }
.LBB2_1:
0x12: {  	[tilespmem:s3], [sflag:$0x2] =	stream.linear.gather [hbm4b:s7+s3], $0x280, $0x38;
	[tilespmem:$0x4580] =	vst v63  }
0x13: {  	s24 =	simm.s32 $0x400  }
0x14: {  	[tilespmem:s24], [sflag:$0x2] =	stream.linear.gather [hbm4b:s8+s3], $0x280, $0x38;
	[tilespmem:$0x4580] =	vst v63  }
0x15: {  	s28 =	simm.s32 $0x800  }
0x16: {  	[tilespmem:s28], [sflag:$0x2] =	stream.linear.gather [hbm4b:s9+s3], $0x280, $0x38;
	[tilespmem:$0x4580] =	vst v63  }
0x17: {  	s25 =	simm.s32 $0xC00  }
0x18: {  	[tilespmem:s25], [sflag:$0x2] =	stream.linear.gather [hbm4b:s10+s3], $0x280, $0x38;
	[tilespmem:$0x4580] =	vst v63  }
0x19: {  	s26 =	simm.s32 $0x1000  }
0x1a: {  	[tilespmem:s26], [sflag:$0x2] =	stream.linear.gather [hbm4b:s11+s3], $0x280, $0x38;
	[tilespmem:$0x4580] =	vst v63  }
0x1b: {  	s28 =	simm.s32 $0x1400  }
0x1c: {  	[tilespmem:s28], [sflag:$0x2] =	stream.linear.gather [hbm4b:s12+s3], $0x280, $0x38;
	[tilespmem:$0x4580] =	vst v63  }
0x1d: {  	s25 =	simm.s32 $0x1800  }
0x1e: {  	[tilespmem:s25], [sflag:$0x2] =	stream.linear.gather [hbm4b:s13+s3], $0x280, $0x38;
	[tilespmem:$0x4580] =	vst v63  }
0x1f: {  	s26 =	simm.s32 $0x1C00  }
0x20: {  	[tilespmem:s26], [sflag:$0x2] =	stream.linear.gather [hbm4b:s14+s3], $0x280, $0x38;
	[tilespmem:$0x4580] =	vst v63  }
0x21: {  	s28 =	simm.s32 $0x2000  }
0x22: {  	[tilespmem:s28], [sflag:$0x2] =	stream.linear.gather [hbm4b:s15+s3], $0x280, $0x38;
	[tilespmem:$0x4580] =	vst v63  }
0x23: {  	s25 =	simm.s32 $0x2400  }
0x24: {  	[tilespmem:s25], [sflag:$0x2] =	stream.linear.gather [hbm4b:s16+s3], $0x280, $0x38;
	[tilespmem:$0x4580] =	vst v63  }
0x25: {  	s26 =	simm.s32 $0x2800  }
0x26: {  	[tilespmem:s26], [sflag:$0x2] =	stream.linear.gather [hbm4b:s17+s3], $0x280, $0x38;
	[tilespmem:$0x4580] =	vst v63  }
0x27: {  	s28 =	simm.s32 $0x2C00  }
0x28: {  	[tilespmem:s28], [sflag:$0x2] =	stream.linear.gather [hbm4b:s18+s3], $0x280, $0x38;
	[tilespmem:$0x4580] =	vst v63  }
0x29: {  	s25 =	simm.s32 $0x3000  }
0x2a: {  	[tilespmem:s25], [sflag:$0x2] =	stream.linear.gather [hbm4b:s19+s3], $0x280, $0x38;
	[tilespmem:$0x4580] =	vst v63  }
0x2b: {  	s26 =	simm.s32 $0x3400  }
0x2c: {  	[tilespmem:s26], [sflag:$0x2] =	stream.linear.gather [hbm4b:s20+s3], $0x280, $0x38;
	[tilespmem:$0x4580] =	vst v63  }
0x2d: {  	s28 =	simm.s32 $0x3800  }
0x2e: {  	[tilespmem:s28], [sflag:$0x2] =	stream.linear.gather [hbm4b:s21+s3], $0x280, $0x38;
	[tilespmem:$0x4580] =	vst v63  }
0x2f: {  	s25 =	simm.s32 $0x3C00  }
0x30: {  	[tilespmem:s25], [sflag:$0x2] =	stream.linear.gather [hbm4b:s22+s3], $0x280, $0x38;
	[tilespmem:$0x4580] =	vst v63  }
0x31: {  	_ =	swait.ge [sflag:s29], $0x2800  }
0x32: {  	[sflag:s29] =	ssyncset.done $0x0  }
0x33: {  	[sflag:s29] =	ssyncadd.s32 $0xFFFFD800  }
0x34: {  	[tilespmem:$0x4000] =	vst v0  }
0x35: {  	[tilespmem:$0x4010] =	vst v0  }
0x36: {  	[tilespmem:$0x4020] =	vst v0  }
0x37: {  	[tilespmem:$0x4030] =	vst v0  }
0x38: {  	[tilespmem:$0x4040] =	vst v0  }
0x39: {  	[tilespmem:$0x4050] =	vst v0  }
0x3a: {  	[tilespmem:$0x4060] =	vst v0  }
0x3b: {  	[tilespmem:$0x4070] =	vst v0  }
0x3c: {  	[tilespmem:$0x4080] =	vst v1  }
0x3d: {  	[tilespmem:$0x4090] =	vst v1  }
0x3e: {  	[tilespmem:$0x40A0] =	vst v1  }
0x3f: {  	[tilespmem:$0x40B0] =	vst v1  }
0x40: {  	[tilespmem:$0x40C0] =	vst v1  }
0x41: {  	[tilespmem:$0x40D0] =	vst v1  }
0x42: {  	[tilespmem:$0x40E0] =	vst v1  }
0x43: {  	[tilespmem:$0x40F0] =	vst v1  }
0x44: {  	[tilespmem:$0x4100] =	vst v1  }
0x45: {  	[tilespmem:$0x4110] =	vst v1  }
0x46: {  	[tilespmem:$0x4120] =	vst v1  }
0x47: {  	[tilespmem:$0x4130] =	vst v1  }
0x48: {  	[tilespmem:$0x4140] =	vst v1  }
0x49: {  	[tilespmem:$0x4150] =	vst v1  }
0x4a: {  	[tilespmem:$0x4160] =	vst v1  }
0x4b: {  	[tilespmem:$0x4170] =	vst v1  }
0x4c: {  	[tilespmem:$0x4180] =	vst v1  }
0x4d: {  	[tilespmem:$0x4190] =	vst v1  }
0x4e: {  	[tilespmem:$0x41A0] =	vst v1  }
0x4f: {  	[tilespmem:$0x41B0] =	vst v1  }
0x50: {  	[tilespmem:$0x41C0] =	vst v1  }
0x51: {  	[tilespmem:$0x41D0] =	vst v1  }
0x52: {  	[tilespmem:$0x41E0] =	vst v1  }
0x53: {  	[tilespmem:$0x41F0] =	vst v1  }
0x54: {  	[tilespmem:$0x4200] =	vst v1  }
0x55: {  	[tilespmem:$0x4210] =	vst v1  }
0x56: {  	[tilespmem:$0x4220] =	vst v1  }
0x57: {  	[tilespmem:$0x4230] =	vst v1  }
0x58: {  	[tilespmem:$0x4240] =	vst v1  }
0x59: {  	[tilespmem:$0x4250] =	vst v1  }
0x5a: {  	[tilespmem:$0x4260] =	vst v1  }
0x5b: {  	[tilespmem:$0x4270] =	vst v1  }
0x5c: {  	[tilespmem:$0x4280] =	vst v1  }
0x5d: {  	[tilespmem:$0x4290] =	vst v1  }
0x5e: {  	[tilespmem:$0x42A0] =	vst v1  }
0x5f: {  	[tilespmem:$0x42B0] =	vst v1  }
0x60: {  	[tilespmem:$0x42C0] =	vst v1  }
0x61: {  	[tilespmem:$0x42D0] =	vst v1  }
0x62: {  	[tilespmem:$0x42E0] =	vst v1  }
0x63: {  	[tilespmem:$0x42F0] =	vst v1  }
0x64: {  	[spmem:s4] =	stream.linear.scatter [tilespmem:s30], [sflag:$0x2], $0x280, $0x38;
	[tilespmem:$0x4580] =	vst v63  }
0x65: {  	_ =	swait.ge [sflag:s29], $0x280  }
0x66: {  	[sflag:s29] =	ssyncset.done $0x0  }
0x67: {  	[sflag:s29] =	ssyncadd.s32 $0xFFFFFD80  }
0x68: {  	s26 =	simm.s32 $0x0;
	[bflag:$0x0] =	sbarrier.arrive $0xFFFF  }
0x69: {  	[spmem:s2] =	stream.indirect.scatter.add.f32 [tilespmem:s0], [sflag:$0x1], $0x1, s26, s31, $0xb8;
	[tilespmem:$0x4580] =	vst v63  }
0x6a: {  	s28 =	simm.s32 $0x80  }
0x6b: {  	[spmem:s2] =	stream.indirect.scatter.add.f32 [tilespmem:s0], [sflag:$0x1], $0x1, s28, s31, $0xb8;
	[tilespmem:$0x4580] =	vst v63  }
0x6c: {  	s25 =	simm.s32 $0x100  }
0x6d: {  	[spmem:s2] =	stream.indirect.scatter.add.f32 [tilespmem:s0], [sflag:$0x1], $0x1, s25, s31, $0xb8;
	[tilespmem:$0x4580] =	vst v63  }
0x6e: {  	s26 =	simm.s32 $0x180  }
0x6f: {  	[spmem:s2] =	stream.indirect.scatter.add.f32 [tilespmem:s0], [sflag:$0x1], $0x1, s26, s31, $0xb8;
	[tilespmem:$0x4580] =	vst v63  }
0x70: {  	s28 =	simm.s32 $0x200  }
0x71: {  	[spmem:s2] =	stream.indirect.scatter.add.f32 [tilespmem:s0], [sflag:$0x1], $0x1, s28, s31, $0xb8;
	[tilespmem:$0x4580] =	vst v63  }
0x72: {  	_ =	swait.ge [sflag:s1], $0x7D  }
0x73: {  	[sflag:s1] =	ssyncset.done $0x0  }
0x74: {  	[sflag:s1] =	ssyncadd.s32 $0xFFFFFF83  }
0x75: {  	_ =	swait.ge [sflag:s1], $0x7D  }
0x76: {  	[sflag:s1] =	ssyncset.done $0x0  }
0x77: {  	[sflag:s1] =	ssyncadd.s32 $0xFFFFFF83  }
0x78: {  	_ =	swait.ge [sflag:s1], $0x7D  }
0x79: {  	[sflag:s1] =	ssyncset.done $0x0  }
0x7a: {  	[sflag:s1] =	ssyncadd.s32 $0xFFFFFF83  }
0x7b: {  	_ =	swait.ge [sflag:s1], $0x7D  }
0x7c: {  	[sflag:s1] =	ssyncset.done $0x0  }
0x7d: {  	[sflag:s1] =	ssyncadd.s32 $0xFFFFFF83  }
0x7e: {  	_ =	swait.ge [sflag:s1], $0x7D  }
0x7f: {  	s24 =	simm.s32 $0x1000;
	s25 =	simm.s32 $0x2000;
	[sflag:s1] =	ssyncset.done $0x0  }
.LBB2_2:
0x80: {  	s26 =	sshra.s32 s24, $0x2  }
0x81: {  	[sflag:s1] =	ssyncadd.s32 $0xFFFFFF83;
	s24 =	smov.u32 s25;
	s28 =	sadd.s32 $0x1000, s25  }
0x82: {  	[spmem:s2] =	stream.indirect.scatter.add.f32 [tilespmem:s0], [sflag:$0x1], $0x1, s26, s31, $0xb8;
	[tilespmem:$0x4580] =	vst v63  }
0x83: {  	p0 =	sne.s32 s25, $0xF000;
	s25 =	sadd.s32 $0x80, s26  }
0x84: {  	[spmem:s2] =	stream.indirect.scatter.add.f32 [tilespmem:s0], [sflag:$0x1], $0x1, s25, s31, $0xb8;
	[tilespmem:$0x4580] =	vst v63  }
0x85: {  	s25 =	sadd.s32 $0x100, s26  }
0x86: {  	[spmem:s2] =	stream.indirect.scatter.add.f32 [tilespmem:s0], [sflag:$0x1], $0x1, s25, s31, $0xb8;
	[tilespmem:$0x4580] =	vst v63  }
0x87: {  	s25 =	sadd.s32 $0x180, s26  }
0x88: {  	[spmem:s2] =	stream.indirect.scatter.add.f32 [tilespmem:s0], [sflag:$0x1], $0x1, s25, s31, $0xb8;
	[tilespmem:$0x4580] =	vst v63  }
0x89: {  	s25 =	sadd.s32 $0x200, s26  }
0x8a: {  	[spmem:s2] =	stream.indirect.scatter.add.f32 [tilespmem:s0], [sflag:$0x1], $0x1, s25, s31, $0xb8;
	[tilespmem:$0x4580] =	vst v63  }
0x8b: {  	_ =	swait.ge [sflag:s1], $0x7D  }
0x8c: {  	[sflag:s1] =	ssyncset.done $0x0  }
0x8d: {  	[sflag:s1] =	ssyncadd.s32 $0xFFFFFF83  }
0x8e: {  	_ =	swait.ge [sflag:s1], $0x7D  }
0x8f: {  	[sflag:s1] =	ssyncset.done $0x0  }
0x90: {  	[sflag:s1] =	ssyncadd.s32 $0xFFFFFF83  }
0x91: {  	_ =	swait.ge [sflag:s1], $0x7D  }
0x92: {  	[sflag:s1] =	ssyncset.done $0x0  }
0x93: {  	[sflag:s1] =	ssyncadd.s32 $0xFFFFFF83  }
.Ltmp0:
0x94: {  	_ =	swait.ge [sflag:s1], $0x7D;
	(pc) =	sbr.rel @p0 .LBB2_2-.Ltmp0, $4  }
0x95: {  	[sflag:s1] =	ssyncset.done $0x0  }
0x96: {  	[sflag:s1] =	ssyncadd.s32 $0xFFFFFF83  }
0x97: {  	_ =	swait.ge [sflag:s1], $0x7D  }
0x98: {  	s25 =	smov.u32 s28;
	[sflag:s1] =	ssyncset.done $0x0  }
0x99: {  	s24 =	sshra.s32 s24, $0x2;
	[sflag:s1] =	ssyncadd.s32 $0xFFFFFF83  }
0x9a: {  	[spmem:s2] =	stream.indirect.scatter.add.f32 [tilespmem:s0], [sflag:$0x1], $0x1, s24, s31, $0xb8;
	[tilespmem:$0x4580] =	vst v63  }
0x9b: {  	s25 =	sadd.s32 $0x80, s24  }
0x9c: {  	[spmem:s2] =	stream.indirect.scatter.add.f32 [tilespmem:s0], [sflag:$0x1], $0x1, s25, s31, $0xb8;
	[tilespmem:$0x4580] =	vst v63  }
0x9d: {  	s26 =	sadd.s32 $0x100, s24  }
0x9e: {  	[spmem:s2] =	stream.indirect.scatter.add.f32 [tilespmem:s0], [sflag:$0x1], $0x1, s26, s31, $0xb8;
	[tilespmem:$0x4580] =	vst v63  }
0x9f: {  	s28 =	sadd.s32 $0x180, s24  }
0xa0: {  	[spmem:s2] =	stream.indirect.scatter.add.f32 [tilespmem:s0], [sflag:$0x1], $0x1, s28, s31, $0xb8;
	[tilespmem:$0x4580] =	vst v63  }
0xa1: {  	s24 =	sadd.s32 $0x200, s24  }
0xa2: {  	[spmem:s2] =	stream.indirect.scatter.add.f32 [tilespmem:s0], [sflag:$0x1], $0x1, s24, s31, $0xb8;
	[tilespmem:$0x4580] =	vst v63  }
0xa3: {  	_ =	swait.ge [sflag:s1], $0x7D  }
0xa4: {  	[sflag:s1] =	ssyncset.done $0x0  }
0xa5: {  	[sflag:s1] =	ssyncadd.s32 $0xFFFFFF83  }
0xa6: {  	_ =	swait.ge [sflag:s1], $0x7D  }
0xa7: {  	[sflag:s1] =	ssyncset.done $0x0  }
0xa8: {  	[sflag:s1] =	ssyncadd.s32 $0xFFFFFF83  }
0xa9: {  	_ =	swait.ge [sflag:s1], $0x7D  }
0xaa: {  	[sflag:s1] =	ssyncset.done $0x0  }
0xab: {  	[sflag:s1] =	ssyncadd.s32 $0xFFFFFF83  }
0xac: {  	_ =	swait.ge [sflag:s1], $0x7D  }
0xad: {  	[sflag:s1] =	ssyncset.done $0x0  }
0xae: {  	[sflag:s1] =	ssyncadd.s32 $0xFFFFFF83  }
0xaf: {  	s23 =	sadd.s32 $0x1, s23;
	_ =	swait.ge [sflag:s1], $0x7D  }
0xb0: {  	p0 =	sne.s32 s23, s6;
	s26 =	stileid.u32;
	[sflag:s1] =	ssyncset.done $0x0  }
0xb1: {  	s28 =	sshrl.u32 s4, $0x3;
	s24 =	sshll.u32 s26, $0x6;
	[sflag:s1] =	ssyncadd.s32 $0xFFFFFF83  }
.Ltmp1:
0xb2: {  	s24 =	sor.u32 $0x1C02, s24;
	[bflag:$0x0] =	sbarrier.arrive $0xFFFF;
	(pc) =	sbr.rel @p0 .LBB2_1-.Ltmp1, $4  }
0xb3: {  	[hbm:s5], [sflag:s24] =	dma.local [spmem:s28], $0x50  }
0xb4: {  	_ =	swait.ge [sflag:s29], $0x50  }
0xb5: {  	[sflag:s29] =	ssyncset.done $0x0  }
0xb6: {  	[sflag:s29] =	ssyncadd.s32 $0xFFFFFFB0  }
0xb7: {  	_ =	sfence.sel $0x180000  }
0xb8: {  	[bflag:$0x0] =	sbarrier.arrive $0xFFFF  }
0xb9: {  	_ =	strace $0x90000047  }
0xba: {  	s0 =	stileid.u32;
	[bflag:$0x2] =	sbarrier.arrive $0xFFFF  }
0xbb: {  	p0 =	sne.s32 s0, $0x0;
	s0 =	rddreg [dreg:$0x3]  }
0xbc: {  	s0 =	sadd.s32 @!p0 $0x100000, s0  }
0xbd: {  	[sflag:s0] =	ssyncadd.tile.s32 @!p0 $0x1;
	_ =	shalt  }
.Lfunc_end2:
_tile_overlayer_lowered:
.L_overlay_start_2:
0xbe: {  	(tag) =	ssettag $0x2  }
0xbf: {  	s0 =	rddreg [dreg:$0x0];
	s2 =	stileid.u32  }
0xc0: {  	s1 =	rddreg [dreg:$0x1];
	p0 =	sne.s32 s2, $0x0  }
0xc1: {  	s3 =	rddreg [dreg:$0x2];
	[bflag:$0x3] =	sbarrier.arrive $0xFFFF;
	s2 =	simm.s32 @!p0 $0x1C02  }
0xc2: {  	[timem:s3], [sflag:s2] =	dma.local @!p0 [hbm:s0], s1  }
0xc3: {  	s0 =	simm.s32 @!p0 $0x2  }
0xc4: {  	_ =	swait.ge @!p0 [sflag:s0], s1  }
0xc5: {  	s1 =	ssub.s32 @!p0 $0x0, s1;
	[sflag:s0] =	ssyncset.done @!p0 $0x0  }
0xc6: {  	[sflag:s0] =	ssyncadd.s32 @!p0 s1  }
0xc7: {  	[bflag:$0x3] =	sbarrier.arrive $0xFFFF  }
0xc8: {  	_ =	shalt  }

// kernel: _run.9.cloned.1.call-start
scs
__scs_entry_jumppad:
0x0: {  	(pc) =	sbr.rel $0x88, $3  }
0x1: {  	(tag) =	ssettag $0x0;
	lr =	simm.s32 $0x1  }
0x2: {  	[smem:$0x3F9B] =	sst lr;
	_ =	strace $0xD0000000  }
0x3: {  	_ = 	snop  }
0x4: {  	_ = 	snop  }
0x5: {  	_ = 	snop  }
0x6: {  	_ = 	snop  }
0x7: {  	_ = 	snop  }
__scs_overlays_trampoline_lowered:
0x8: {  	[smem:$0x3FAA] =	sst s0  }
0x9: {  	[smem:$0x3FAB] =	sst s1  }
0xa: {  	[smem:$0x3FAC] =	sst s2  }
0xb: {  	[smem:$0x3FAD] =	sst s3  }
0xc: {  	[smem:$0x3FAE] =	sst s4  }
0xd: {  	[smem:$0x3FAF] =	sst s5  }
0xe: {  	[smem:$0x3FB0] =	sst s6  }
0xf: {  	[smem:$0x3FB1] =	sst s7  }
0x10: {  	[smem:$0x3FB2] =	sst s8  }
0x11: {  	[smem:$0x3FB3] =	sst s9;
	s0 =	simm.s32 @!p0 $0x0  }
0x12: {  	s1 =	sld [smem:$0x3F99];
	s0 =	simm.s32 @p0 $0x1  }
0x13: {  	[smem:$0x3FB4] =	sst s0;
	s0 =	simm.s32 @!p1 $0x0  }
0x14: {  	s2 =	sld [smem:$0x3F98];
	s0 =	simm.s32 @p1 $0x1  }
0x15: {  	[smem:$0x3FB5] =	sst s0;
	s0 =	simm.s32 @!p2 $0x0  }
0x16: {  	s3 =	sld [smem:$0x3FDB];
	s0 =	simm.s32 @p2 $0x1  }
0x17: {  	s4 =	simm.s32 $0x1BF5;
	[smem:$0x3FB7] =	sst s0  }
0x18: {  	s0 =	sld [smem:$0x3F9A];
	_ =	swait.ge [sflag:s4], $0x0  }
0x19: {  	s7 =	sld [smem:$0x3F9B]  }
0x1a: {  	s8 =	sadd.s32 $0xFFFFE003, lr  }
0x1b: {  	s9 =	sadd.s32 $0xFFFFFEF7, lr;
	s5 =	simm.s32 $0xFFFFFFFF;
	p2 =	slt.u32 s8, $0xFFFFF086  }
0x1c: {  	p1 =	slt.u32 s9, $0xF7A;
	s5 =	simm.s32 @!p2 $0x0  }
0x1d: {  	s5 =	simm.s32 @p1 $0x1;
	p0 =	seq.s32 s7, s2  }
0x1e: {  	s7 =	smul.u32 @!p0 $0xF7A, s2;
	p2 =	seq.s32 @!p0 s5, $0x0  }
0x1f: {  	s9 =	smul.u32 $0xF7A, s1;
	s8 =	simm.s32 @!p0 $0x1BF5;
	p2 =	por !p2, p0  }
0x20: {  	[sflag:s8] =	ssyncset.s32 @!p0 $0xFFFFF086;
	s6 =	sadd.s32 @!p0 s3, s7;
	s7 =	simm.s32 @!p0 $0x108  }
0x21: {  	s3 =	sadd.s32 s3, s9;
	s6 =	sadd.s32 @!p0 $0x88, s6;
	s7 =	simm.s32 @p2 $0x1082  }
0x22: {  	[simem:s7], [sflag:s8] =	dma.local @!p0 [hbm:s6], $0xF7A  }
0x23: {  	s9 =	sor.u32 $0xD0000000, s2;
	s6 =	simm.s32 $0x108;
	_ =	swait.ge @!p0 [sflag:s8], $0x0  }
0x24: {  	s3 =	sadd.s32 $0x88, s3;
	s6 =	simm.s32 @!p1 $0x1082;
	[sflag:s4] =	ssyncset.s32 $0xFFFFF086  }
0x25: {  	[simem:s6], [sflag:s4] =	dma.local [hbm:s3], $0xF7A  }
0x26: {  	[smem:$0x3F9B] =	sst s1;
	(tag) =	ssettag s2;
	_ =	strace s9  }
0x27: {  	s1 =	sld [smem:$0x3FAB]  }
0x28: {  	s2 =	sld [smem:$0x3FAC]  }
0x29: {  	s4 =	sld [smem:$0x3FAE]  }
0x2a: {  	p0 =	seq.s32 s5, $0x0;
	s5 =	sld [smem:$0x3FAF]  }
0x2b: {  	s6 =	sld [smem:$0x3FB0]  }
0x2c: {  	s7 =	sld [smem:$0x3FB1]  }
0x2d: {  	s3 =	simm.s32 $0x108;
	s8 =	sld [smem:$0x3FB2]  }
0x2e: {  	s3 =	simm.s32 @!p0 $0x1082;
	s9 =	sld [smem:$0x3FB3]  }
0x2f: {  	lr =	sadd.s32 s0, s3;
	s0 =	sld [smem:$0x3FAA]  }
0x30: {  	s3 =	sld [smem:$0x3FAD]  }
0x31: {  	[smem:$0x3FB6] =	sst s10  }
0x32: {  	s10 =	sld [smem:$0x3FB4];
	_ =	sdelay $0x3  }
0x33: {  	p0 =	seq.s32 s10, $0x1;
	s10 =	sld [smem:$0x3FB6];
	_ =	sdelay $0x3  }
0x34: {  	[smem:$0x3FB6] =	sst s10  }
0x35: {  	s10 =	sld [smem:$0x3FB5];
	_ =	sdelay $0x3  }
0x36: {  	p1 =	seq.s32 s10, $0x1;
	s10 =	sld [smem:$0x3FB6];
	_ =	sdelay $0x3  }
0x37: {  	[smem:$0x3FB6] =	sst s10  }
0x38: {  	s10 =	sld [smem:$0x3FB7]  }
0x39: {  	_ = 	snop;
	(pc) =	sbr.ind lr, $3  }
0x3a: {  	_ = 	snop  }
0x3b: {  	_ = 	snop  }
0x3c: {  	p2 =	seq.s32 s10, $0x1;
	s10 =	sld [smem:$0x3FB6]  }
0x3d: {  	_ =	shalt  }
0x3e: {  	_ =	shalt  }
0x3f: {  	_ =	shalt  }
0x40: {  	_ =	shalt  }
0x41: {  	_ =	shalt  }
0x42: {  	_ =	shalt  }
0x43: {  	_ =	shalt  }
0x44: {  	_ =	shalt  }
0x45: {  	_ =	shalt  }
0x46: {  	_ =	shalt  }
0x47: {  	_ =	shalt  }
0x48: {  	_ =	shalt  }
0x49: {  	_ =	shalt  }
0x4a: {  	_ =	shalt  }
0x4b: {  	_ =	shalt  }
0x4c: {  	_ =	shalt  }
0x4d: {  	_ =	shalt  }
0x4e: {  	_ =	shalt  }
0x4f: {  	_ =	shalt  }
0x50: {  	_ =	shalt  }
0x51: {  	_ =	shalt  }
0x52: {  	_ =	shalt  }
0x53: {  	_ =	shalt  }
0x54: {  	_ =	shalt  }
0x55: {  	_ =	shalt  }
0x56: {  	_ =	shalt  }
0x57: {  	_ =	shalt  }
0x58: {  	_ =	shalt  }
0x59: {  	_ =	shalt  }
0x5a: {  	_ =	shalt  }
0x5b: {  	_ =	shalt  }
0x5c: {  	_ =	shalt  }
0x5d: {  	_ =	shalt  }
0x5e: {  	_ =	shalt  }
0x5f: {  	_ =	shalt  }
0x60: {  	_ =	shalt  }
0x61: {  	_ =	shalt  }
0x62: {  	_ =	shalt  }
0x63: {  	_ =	shalt  }
0x64: {  	_ =	shalt  }
0x65: {  	_ =	shalt  }
0x66: {  	_ =	shalt  }
0x67: {  	_ =	shalt  }
0x68: {  	_ =	shalt  }
0x69: {  	_ =	shalt  }
0x6a: {  	_ =	shalt  }
0x6b: {  	_ =	shalt  }
0x6c: {  	_ =	shalt  }
0x6d: {  	_ =	shalt  }
0x6e: {  	_ =	shalt  }
0x6f: {  	_ =	shalt  }
0x70: {  	_ =	shalt  }
0x71: {  	_ =	shalt  }
0x72: {  	_ =	shalt  }
0x73: {  	_ =	shalt  }
0x74: {  	_ =	shalt  }
0x75: {  	_ =	shalt  }
0x76: {  	_ =	shalt  }
0x77: {  	_ =	shalt  }
0x78: {  	_ =	shalt  }
0x79: {  	_ =	shalt  }
0x7a: {  	_ =	shalt  }
0x7b: {  	_ =	shalt  }
0x7c: {  	_ =	shalt  }
0x7d: {  	_ =	shalt  }
0x7e: {  	_ =	shalt  }
0x7f: {  	_ =	shalt  }
0x80: {  	_ =	shalt  }
0x81: {  	_ =	shalt  }
0x82: {  	_ =	shalt  }
0x83: {  	_ =	shalt  }
0x84: {  	_ =	shalt  }
0x85: {  	_ =	shalt  }
0x86: {  	_ =	shalt  }
0x87: {  	_ =	shalt  }
.Lfunc_end0:
.L_simem_size_0:
called_computation.1_lowered:
.L_overlay_start_0:
0x88: {  	s2 =	sld [smem:$0x3FD9]  }
0x89: {  	s3 =	sld [smem:$0x3FFE];
	_ =	sdelay $0x1  }
0x8a: {  	s1 =	srdreg.scid  }
0x8b: {  	s0 =	sand.u32 $0x1, s1  }
0x8c: {  	s17 =	sshll.u32 s0, $0xA;
	s2 =	sadd.s32 s3, s2  }
0x8d: {  	s2 =	sadd.s32 s2, s17  }
0x8e: {  	[smem:$0x3FC2] =	sst s2  }
0x8f: {  	_ = 	snop  }
0x90: {  	s2 =	sld [smem:$0x3FD0];
	(tm) =	ssettm $0x1  }
0x91: {  	s18 =	sld [smem:$0x3FFB];
	_ =	sdelay $0x3  }
0x92: {  	_ =	strace s18  }
0x93: {  	s3 =	sld [smem:$0x3FFC];
	_ =	sdelay $0x3  }
0x94: {  	_ =	strace s3  }
0x95: {  	s3 =	sld [smem:$0x3FFD];
	_ =	sdelay $0x3  }
0x96: {  	_ =	strace s3  }
0x97: {  	_ =	strace $0x8FFFFFFF  }
0x98: {  	s19 =	sld [smem:$0x3FDB];
	_ =	sdelay $0x1  }
0x99: {  	s4 =	simm.s32 $_scs_section_size  }
0x9a: {  	s5 =	simm.s32 $_size__tile_overlayer_lowered;
	s6 =	simm.s32 $_tile_overlayer_lowered  }
0x9b: {  	s22 =	simm.s32 $0x1BFF;
	s21 =	sshll.u32 s6, $0x1;
	s3 =	sadd.s32 s4, s19  }
0x9c: {  	s7 =	simm.s32 $0x0;
	s20 =	sshll.u32 s5, $0x1;
	s5 =	sadd.s32 s21, s3  }
0x9d: {  	[timem:s7], [sflag:s22] =	dma.local [hbm:s5], s20  }
0x9e: {  	_ =	swait.ge [sflag:s22], s20  }
0x9f: {  	s4 =	ssub.s32 $0x0, s20;
	[sflag:s22] =	ssyncset.done $0x0  }
0xa0: {  	[sflag:s22] =	ssyncadd.s32 s4;
	_ =	sdelay $0x1  }
0xa1: {  	s23 =	simm.s32 $0x1B8B  }
0xa2: {  	_ =	swait.ge [sflag:s23], $0x1  }
0xa3: {  	[sflag:s23] =	ssyncset.done $0x0  }
0xa4: {  	s25 =	simm.s32 $0x1B8E;
	s24 =	sld [smem:$0x3FFE];
	[sflag:s23] =	ssyncadd.s32 $0xFFFFFFFF  }
0xa5: {  	s26 =	simm.s32 $execute0_lowered;
	[smem:$0x3FD2] =	sst s25  }
0xa6: {  	s5 =	sshll.u32 s26, $0x1;
	_ =	strace $0x80000049;
	[dreg:$0x1] =	wrdreg $0xFFFFFFFF  }
0xa7: {  	s28 =	simm.s32 $_size_execute0_lowered;
	s3 =	sadd.s32 s3, s5;
	[dreg:$0x0] =	wrdreg $0x0  }
0xa8: {  	s5 =	sshll.u32 s28, $0x1;
	[dreg:$0x2] =	wrdreg s3  }
0xa9: {  	[dreg:$0x3] =	wrdreg s5  }
0xaa: {  	[dreg:$0x4] =	wrdreg $0xC0  }
0xab: {  	_ =	task [dreg:s7], $0x5FFFF  }
0xac: {  	[dreg:$0x1] =	wrdreg $0xFFFFFFFF  }
0xad: {  	[dreg:$0x0] =	wrdreg $0x60  }
0xae: {  	[dreg:$0x2] =	wrdreg s2  }
0xaf: {  	[dreg:$0x3] =	wrdreg s24  }
0xb0: {  	[dreg:$0x4] =	wrdreg $0x90000  }
0xb1: {  	[dreg:$0x5] =	wrdreg $0x9  }
0xb2: {  	_ =	task.clear_ibuf [dreg:s7], $0x6FFFF;
	_ =	strace $0x90000049  }
0xb3: {  	s29 =	simm.s32 $0x9;
	_ =	strace $0x8000004B  }
0xb4: {  	_ =	swait.ge [sflag:s29], $0x1  }
0xb5: {  	[sflag:s29] =	ssyncadd.s32 $0xFFFFFFFF  }
0xb6: {  	_ =	strace $0x9000004B  }
0xb7: {  	_ =	sfence  }
0xb8: {  	s30 =	sld [smem:$0x0];
	_ =	sdelay $0x2  }
0xb9: {  	s31 =	sshll.u32 s1, $0xD;
	s1 =	sshrl.u32 s1, $0x2  }
0xba: {  	s3 =	sand.u32 $0x4000, s31;
	s1 =	sadd.s32 s1, s30  }
0xbb: {  	s0 =	sor.u32 s3, s0;
	s1 =	sshll.u32 s1, $0x11  }
0xbc: {  	s0 =	sor.u32 s1, s0  }
0xbd: {  	s0 =	sadd.s32 $0x8F2B, s0  }
0xbe: {  	[sflag:s0] =	ssyncadd.remote.s32 $0x1  }
0xbf: {  	_ =	sfence.sel $0xFFFF  }
0xc0: {  	[dreg:$0x0] =	wrdreg $0xFFFFFFFF;
	(pc) =	sbr.abs _section_cstart, $3  }
0xc1: {  	[dreg:$0x1] =	wrdreg $0xFFFFFFFF  }
0xc2: {  	_ =	task.clear_ibuf [dreg:s7], $0x2FFFF;
	_ =	strace $0x9FFFFFFF  }
0xc3: {  	(tm) =	ssettm $0x7FFFFFFF  }
tec
execute0_lowered:
.L_overlay_start_1:
0x0: {  	(tag) =	ssettag $0x1  }
0x1: {  	s1 =	rddreg [dreg:$0x0]  }
0x2: {  	s0 =	rddreg [dreg:$0x1]  }
0x3: {  	s2 =	rddreg [dreg:$0x2];
	s4 =	simm.s32 $0x0;
	s3 =	srdreg.scid  }
0x4: {  	s12 =	stileid.u32;
	s28 =	simm.s32 $0x900;
	[smem:$0x7FF] =	sst s4  }
0x5: {  	s5 =	sadd.s32 $0x9200, s0;
	s3 =	sand.u32 $0x1, s3;
	s7 =	smul.u32 $0x280, s12  }
0x6: {  	s6 =	sadd.s32 $0x1200, s0;
	s9 =	smul.u32 $0x50000, s12;
	s10 =	sadd.s32 $0x11200, s0  }
0x7: {  	s0 =	sadd.s32 $0x39200, s0;
	_ =	strace $0x8000004A;
	[dreg:$0x4] =	wrdreg s10  }
0x8: {  	s29 =	sadd.s32 $0x27100, s1;
	s8 =	ssub.s32 $0x2, s3;
	[dreg:$0x5] =	wrdreg s0  }
0x9: {  	p0 =	seq.s32 s3, $0x1;
	s10 =	simm.s32 $0x400;
	s22 =	sshrl.u32 s8, $0x1  }
0xa: {  	s23 =	sshrl.u32 s9, $0x2;
	s24 =	sadd.s32 $0x80, s7;
	s26 =	sadd.s32 $0x100, s7  }
0xb: {  	s16 =	sadd.s32 $0x180, s7;
	s7 =	sadd.s32 $0x200, s7;
	s0 =	ssub.s32 s8, s22  }
0xc: {  	s17 =	sadd.s32 s23, s2;
	s25 =	sshll.u32 s24, $0x7;
	s9 =	sshll.u32 s24, $0x4  }
0xd: {  	s14 =	sshll.u32 s26, $0x7;
	s24 =	sshll.u32 s26, $0x4;
	[dreg:$0x11] =	wrdreg s9  }
0xe: {  	s21 =	sshll.u32 s7, $0x7;
	s7 =	sshll.u32 s7, $0x4;
	[dreg:$0x12] =	wrdreg s24  }
0xf: {  	s19 =	sshll.u32 s16, $0x7;
	s22 =	sshll.u32 s12, $0xB;
	[dreg:$0x14] =	wrdreg s7  }
0x10: {  	s23 =	sshll.u32 s12, $0xE;
	s11 =	sadd.s32 $0x2000, s17;
	[dreg:$0x6] =	wrdreg s17  }
0x11: {  	s26 =	smul.u32 $0x2800, s12;
	s8 =	sadd.s32 s25, s2;
	[dreg:$0x7] =	wrdreg s11  }
0x12: {  	s12 =	simm.s32 $0xC00;
	s15 =	sadd.s32 $0x6000, s17;
	[dreg:$0x8] =	wrdreg s8  }
0x13: {  	s18 =	sadd.s32 $0xA000, s17;
	s20 =	sadd.s32 $0xE000, s17;
	[dreg:$0x9] =	wrdreg s15  }
0x14: {  	s13 =	sadd.s32 s5, s22;
	s3 =	sadd.s32 s6, s22;
	[dreg:$0xb] =	wrdreg s18  }
0x15: {  	s0 =	smax.u32 s0, $0x1;
	s25 =	sadd.s32 $0x12000, s17;
	[dreg:$0xd] =	wrdreg s20  }
0x16: {  	s7 =	simm.s32 $0x5;
	s22 =	simm.s32 $0x3;
	[dreg:$0x15] =	wrdreg s0  }
0x17: {  	s24 =	simm.s32 $0x2;
	s8 =	sadd.s32 s14, s2;
	[dreg:$0x16] =	wrdreg s25  }
0x18: {  	s11 =	sadd.s32 s19, s2;
	s15 =	sadd.s32 s21, s2;
	[dreg:$0x17] =	wrdreg s26  }
0x19: {  	s20 =	sor.u32 $0x800, s23;
	[dreg:$0x10] =	wrdreg s3;
	s30 =	sadd.s32 $0x80, s3  }
0x1a: {  	[dreg:$0xf] =	wrdreg s13;
	s31 =	sadd.s32 $0x80, s13;
	s0 =	simm.s32 $0x1000  }
.Ltmp0:
0x1b: {  	s3 =	simm.s32 $0x7D;
	s25 =	simm.s32 $0x80;
	(pc) =	sbr.rel .LBB2_1-.Ltmp0, $4  }
0x1c: {  	s21 =	simm.s32 $0x1;
	s14 =	simm.s32 $0x880;
	[dreg:$0xa] =	wrdreg s8  }
0x1d: {  	s26 =	simm.s32 $0x4;
	s23 =	simm.s32 $0x180;
	[dreg:$0xc] =	wrdreg s11  }
0x1e: {  	s18 =	simm.s32 $0x0;
	s8 =	sshll.u32 s16, $0x4;
	[dreg:$0xe] =	wrdreg s15  }
0x1f: {  	v0 =	vimm.f32 $0.0e+00;
	s16 =	simm.s32 $0x5000;
	[dreg:$0x13] =	wrdreg s8;
	s8 =	simm.s32 $0x100  }
.LBB2_6:
0x20: {  	[sflag:s24] =	ssyncset.done $0x0  }
0x21: {  	s9 =	simm.s32 @!p2 $0x4;
	s4 =	simm.s32 $0xE00;
	[sflag:s24] =	ssyncadd.s32 $0xFFFFC180  }
0x22: {  	[spmem:s2] =	stream.indirect.scatter.add.f32 [tilespmem:s16], [sflag:$0x4], $0x80, s4, s3, $0xb8;
	[tilespmem:$0x1D000] =	vst v63  }
0x23: {  	_ =	swait.ge @!p2 [sflag:s9], $0x3E80  }
0x24: {  	[sflag:s9] =	ssyncset.done @!p2 $0x0  }
0x25: {  	s11 =	sadd.s32 s18, s31;
	[sflag:s9] =	ssyncadd.s32 @!p2 $0xFFFFC180  }
0x26: {  	[tilespmem:s10], [sflag:$0x5] =	stream.linear.gather [hbm4b:s11+s5], $0x280, $0x38;
	[tilespmem:$0x1D000] =	vst v63  }
0x27: {  	_ =	swait.ge [sflag:s7], $0x280  }
0x28: {  	[sflag:s7] =	ssyncset.done $0x0  }
0x29: {  	s15 =	sadd.s32 s18, s30;
	[sflag:s7] =	ssyncadd.s32 $0xFFFFFD80  }
0x2a: {  	[tilespmem:s12], [sflag:$0x5] =	stream.linear.gather [hbm4b:s15+s5], $0x280, $0x38;
	[tilespmem:$0x1D000] =	vst v63  }
0x2b: {  	_ =	swait.ge [sflag:s7], $0x280  }
0x2c: {  	[sflag:s7] =	ssyncset.done $0x0  }
0x2d: {  	[sflag:s7] =	ssyncadd.s32 $0xFFFFFD80  }
0x2e: {  	[tilespmem:s16], [sflag:$0x2] =	stream.indirect.gather [hbm4b:s1+s3], $0x80, s14, s3, $0xb8;
	[tilespmem:$0x1D000] =	vst v63  }
0x2f: {  	_ =	swait.ge [sflag:s21], $0x3E80  }
0x30: {  	[sflag:s21] =	ssyncset.done $0x0  }
0x31: {  	[sflag:s21] =	ssyncadd.s32 $0xFFFFC180  }
0x32: {  	[spmem:s2] =	stream.indirect.scatter.add.f32 [tilespmem:s0], [sflag:$0x3], $0x80, s8, s3, $0xb8;
	[tilespmem:$0x1D000] =	vst v63  }
0x33: {  	_ =	swait.ge [sflag:s22], $0x3E80  }
0x34: {  	[sflag:s22] =	ssyncset.done $0x0  }
0x35: {  	[sflag:s22] =	ssyncadd.s32 $0xFFFFC180  }
0x36: {  	[tilespmem:s0], [sflag:$0x1] =	stream.indirect.gather [hbm4b:s1+s3], $0x80, s23, s3, $0xb8;
	[tilespmem:$0x1D000] =	vst v63  }
0x37: {  	_ =	swait.ge [sflag:s24], $0x3E80  }
0x38: {  	[sflag:s24] =	ssyncset.done $0x0  }
0x39: {  	[sflag:s24] =	ssyncadd.s32 $0xFFFFC180  }
0x3a: {  	[spmem:s2] =	stream.indirect.scatter.add.f32 [tilespmem:s16], [sflag:$0x4], $0x80, s25, s3, $0xb8;
	[tilespmem:$0x1D000] =	vst v63  }
0x3b: {  	_ =	swait.ge [sflag:s26], $0x3E80  }
0x3c: {  	[sflag:s26] =	ssyncset.done $0x0  }
0x3d: {  	s8 =	simm.s32 $0x180;
	[sflag:s26] =	ssyncadd.s32 $0xFFFFC180  }
0x3e: {  	[tilespmem:s16], [sflag:$0x2] =	stream.indirect.gather [hbm4b:s1+s3], $0x80, s8, s3, $0xb8;
	[tilespmem:$0x1D000] =	vst v63  }
0x3f: {  	_ =	swait.ge [sflag:s21], $0x3E80  }
0x40: {  	[sflag:s21] =	ssyncset.done $0x0  }
0x41: {  	s9 =	simm.s32 $0x900;
	[sflag:s21] =	ssyncadd.s32 $0xFFFFC180  }
0x42: {  	[spmem:s2] =	stream.indirect.scatter.add.f32 [tilespmem:s0], [sflag:$0x3], $0x80, s9, s3, $0xb8;
	[tilespmem:$0x1D000] =	vst v63  }
0x43: {  	_ =	swait.ge [sflag:s22], $0x3E80  }
0x44: {  	[sflag:s22] =	ssyncset.done $0x0  }
0x45: {  	s11 =	simm.s32 $0x200;
	[sflag:s22] =	ssyncadd.s32 $0xFFFFC180  }
0x46: {  	[tilespmem:s0], [sflag:$0x1] =	stream.indirect.gather [hbm4b:s1+s3], $0x80, s11, s3, $0xb8;
	[tilespmem:$0x1D000] =	vst v63  }
0x47: {  	_ =	swait.ge [sflag:s24], $0x3E80  }
0x48: {  	[sflag:s24] =	ssyncset.done $0x0  }
0x49: {  	s13 =	simm.s32 $0x980;
	[sflag:s24] =	ssyncadd.s32 $0xFFFFC180  }
0x4a: {  	[spmem:s2] =	stream.indirect.scatter.add.f32 [tilespmem:s16], [sflag:$0x4], $0x80, s13, s3, $0xb8;
	[tilespmem:$0x1D000] =	vst v63  }
0x4b: {  	_ =	swait.ge [sflag:s26], $0x3E80  }
0x4c: {  	[sflag:s26] =	ssyncset.done $0x0  }
0x4d: {  	[sflag:s26] =	ssyncadd.s32 $0xFFFFC180  }
0x4e: {  	[tilespmem:s16], [sflag:$0x2] =	stream.indirect.gather [hbm4b:s1+s3], $0x80, s10, s3, $0xb8;
	[tilespmem:$0x1D000] =	vst v63  }
0x4f: {  	p1 =	seq.s32 s18, $0x700;
	_ =	swait.ge [sflag:s21], $0x3E80  }
0x50: {  	s9 =	smin.u32 @!p1 s19, $0xD;
	[sflag:s21] =	ssyncset.done $0x0  }
0x51: {  	s14 =	simm.s32 $0xA00;
	s9 =	sshll.u32 @!p1 s9, $0xA;
	[sflag:s21] =	ssyncadd.s32 $0xFFFFC180  }
0x52: {  	[spmem:s2] =	stream.indirect.scatter.add.f32 [tilespmem:s0], [sflag:$0x3], $0x80, s14, s3, $0xb8;
	[tilespmem:$0x1D000] =	vst v63  }
0x53: {  	s9 =	sadd.s32 @!p1 s9, s20;
	_ =	swait.ge [sflag:s22], $0x3E80  }
0x54: {  	s9 =	sshrl.u32 @!p1 s9, $0x3;
	s11 =	simm.s32 @!p1 $0x5;
	[sflag:s22] =	ssyncset.done $0x0  }
0x55: {  	s15 =	sadd.s32 @!p1 s6, s9;
	s13 =	simm.s32 @!p1 $0x0;
	[sflag:s22] =	ssyncadd.s32 $0xFFFFC180  }
0x56: {  	[tilespmem:s13], [sflag:$0x5] =	stream.linear.gather @!p1 [hbm4b:s15+s13], $0x280, $0x38;
	[tilespmem:$0x1D000] =	vst v63  }
0x57: {  	_ =	swait.ge @!p1 [sflag:s11], $0x280  }
0x58: {  	[sflag:s11] =	ssyncset.done @!p1 $0x0  }
0x59: {  	s9 =	sadd.s32 @!p1 s28, s9;
	s15 =	simm.s32 @!p1 $0x800;
	[sflag:s11] =	ssyncadd.s32 @!p1 $0xFFFFFD80  }
0x5a: {  	[tilespmem:s15], [sflag:$0x5] =	stream.linear.gather @!p1 [hbm4b:s9+s13], $0x280, $0x38;
	[tilespmem:$0x1D000] =	vst v63  }
0x5b: {  	_ =	swait.ge @!p1 [sflag:s11], $0x280  }
0x5c: {  	[sflag:s11] =	ssyncset.done @!p1 $0x0  }
0x5d: {  	[sflag:s11] =	ssyncadd.s32 @!p1 $0xFFFFFD80  }
0x5e: {  	[tilespmem:s0], [sflag:$0x1] =	stream.indirect.gather [hbm4b:s1+s3], $0x80, s17, s3, $0xb8;
	[tilespmem:$0x1D000] =	vst v63  }
0x5f: {  	_ =	swait.ge [sflag:s24], $0x3E80  }
0x60: {  	[sflag:s24] =	ssyncset.done $0x0  }
0x61: {  	[sflag:s24] =	ssyncadd.s32 $0xFFFFC180  }
0x62: {  	[spmem:s2] =	stream.indirect.scatter.add.f32 [tilespmem:s16], [sflag:$0x4], $0x80, s12, s3, $0xb8;
	[tilespmem:$0x1D000] =	vst v63  }
0x63: {  	_ =	swait.ge [sflag:s26], $0x3E80  }
0x64: {  	[sflag:s26] =	ssyncset.done $0x0  }
0x65: {  	s15 =	simm.s32 $0x500;
	[sflag:s26] =	ssyncadd.s32 $0xFFFFC180  }
0x66: {  	[tilespmem:s16], [sflag:$0x2] =	stream.indirect.gather [hbm4b:s1+s3], $0x80, s15, s3, $0xb8;
	[tilespmem:$0x1D000] =	vst v63  }
0x67: {  	_ =	swait.ge [sflag:s21], $0x3E80  }
0x68: {  	[sflag:s21] =	ssyncset.done $0x0  }
0x69: {  	s17 =	simm.s32 $0xC80;
	[sflag:s21] =	ssyncadd.s32 $0xFFFFC180  }
0x6a: {  	[spmem:s2] =	stream.indirect.scatter.add.f32 [tilespmem:s0], [sflag:$0x3], $0x80, s17, s3, $0xb8;
	[tilespmem:$0x1D000] =	vst v63  }
0x6b: {  	_ =	swait.ge [sflag:s22], $0x3E80  }
0x6c: {  	[sflag:s22] =	ssyncset.done $0x0  }
0x6d: {  	s18 =	simm.s32 $0x580;
	[sflag:s22] =	ssyncadd.s32 $0xFFFFC180  }
0x6e: {  	[tilespmem:s0], [sflag:$0x1] =	stream.indirect.gather [hbm4b:s1+s3], $0x80, s18, s3, $0xb8;
	[tilespmem:$0x1D000] =	vst v63  }
0x6f: {  	_ =	swait.ge [sflag:s24], $0x3E80  }
0x70: {  	[sflag:s24] =	ssyncset.done $0x0  }
0x71: {  	s19 =	simm.s32 $0xD00;
	[sflag:s24] =	ssyncadd.s32 $0xFFFFC180  }
0x72: {  	[spmem:s2] =	stream.indirect.scatter.add.f32 [tilespmem:s16], [sflag:$0x4], $0x80, s19, s3, $0xb8;
	[tilespmem:$0x1D000] =	vst v63  }
0x73: {  	_ =	swait.ge [sflag:s26], $0x3E80  }
0x74: {  	[sflag:s26] =	ssyncset.done $0x0  }
0x75: {  	s23 =	simm.s32 $0x600;
	[sflag:s26] =	ssyncadd.s32 $0xFFFFC180  }
0x76: {  	[tilespmem:s16], [sflag:$0x2] =	stream.indirect.gather [hbm4b:s1+s3], $0x80, s23, s3, $0xb8;
	[tilespmem:$0x1D000] =	vst v63  }
0x77: {  	_ =	swait.ge [sflag:s21], $0x3E80  }
0x78: {  	[sflag:s21] =	ssyncset.done $0x0  }
0x79: {  	s25 =	simm.s32 $0xD80;
	[sflag:s21] =	ssyncadd.s32 $0xFFFFC180  }
0x7a: {  	[spmem:s2] =	stream.indirect.scatter.add.f32 [tilespmem:s0], [sflag:$0x3], $0x80, s25, s3, $0xb8;
	[tilespmem:$0x1D000] =	vst v63  }
0x7b: {  	_ =	swait.ge [sflag:s22], $0x3E80  }
0x7c: {  	s5 =	smov.u32 s6;
	[sflag:s22] =	ssyncset.done $0x0  }
0x7d: {  	s9 =	simm.s32 @!p1 $0x7D;
	s11 =	simm.s32 @!p1 $0x1000;
	[sflag:s22] =	ssyncadd.s32 $0xFFFFC180  }
0x7e: {  	[tilespmem:s11], [sflag:$0x1] =	stream.indirect.gather @!p1 [hbm4b:s1+s9], $0x80, s13, s9, $0xb8;
	[tilespmem:$0x1D000] =	vst v63  }
0x7f: {  	s8 =	simm.s32 $0x100;
	s6 =	smov.u32 s28;
	_ =	swait.ge [sflag:s24], $0x3E80  }
0x80: {  	s28 =	simm.s32 $0x900;
	s14 =	simm.s32 $0x880;
	[sflag:s24] =	ssyncset.done $0x0  }
0x81: {  	s23 =	simm.s32 $0x180;
	s11 =	rddreg [dreg:$0x4];
	[sflag:s24] =	ssyncadd.s32 $0xFFFFC180  }
0x82: {  	[spmem:s2] =	stream.indirect.scatter.add.f32 [tilespmem:s16], [sflag:$0x4], $0x80, s4, s3, $0xb8;
	[tilespmem:$0x1D000] =	vst v63  }
0x83: {  	s25 =	simm.s32 $0x80;
	s18 =	rddreg [dreg:$0x18];
	s4 =	simm.s32 $0x0  }
.LBB2_10:
0x84: {  	_ =	swait.ge [sflag:s26], $0x3E80  }
0x85: {  	[sflag:s26] =	ssyncset.done $0x0  }
0x86: {  	[sflag:s26] =	ssyncadd.s32 $0xFFFFC180  }
0x87: {  	s13 =	stileid.u32;
	s9 =	rddreg [dreg:$0x17];
	[bflag:$0x0] =	sbarrier.arrive $0xFFFF  }
0x88: {  	s13 =	sshll.u32 s13, $0x6;
	s17 =	rddreg [dreg:$0x6]  }
0x89: {  	s9 =	sadd.s32 s11, s9;
	s13 =	sor.u32 $0x1C05, s13;
	s15 =	sshrl.u32 s17, $0x3  }
0x8a: {  	[hbm:s9], [sflag:s13] =	dma.local [spmem:s15], $0x800  }
0x8b: {  	_ =	swait.ge [sflag:s7], $0x800  }
0x8c: {  	s15 =	rddreg [dreg:$0x11]  }
0x8d: {  	[sflag:s7] =	ssyncset.done $0x0;
	s19 =	rddreg [dreg:$0x8]  }
0x8e: {  	s9 =	sadd.s32 s11, s15;
	[sflag:s7] =	ssyncadd.s32 $0xFFFFF800;
	s15 =	sshrl.u32 s19, $0x3  }
0x8f: {  	[hbm:s9], [sflag:s13] =	dma.local [spmem:s15], $0x800  }
0x90: {  	_ =	swait.ge [sflag:s7], $0x800  }
0x91: {  	s15 =	rddreg [dreg:$0x12]  }
0x92: {  	[sflag:s7] =	ssyncset.done $0x0;
	s19 =	rddreg [dreg:$0xa]  }
0x93: {  	s9 =	sadd.s32 s11, s15;
	[sflag:s7] =	ssyncadd.s32 $0xFFFFF800;
	s15 =	sshrl.u32 s19, $0x3  }
0x94: {  	[hbm:s9], [sflag:s13] =	dma.local [spmem:s15], $0x800  }
0x95: {  	_ =	swait.ge [sflag:s7], $0x800  }
0x96: {  	s15 =	rddreg [dreg:$0x13]  }
0x97: {  	[sflag:s7] =	ssyncset.done $0x0;
	s19 =	rddreg [dreg:$0xc]  }
0x98: {  	s9 =	sadd.s32 s11, s15;
	[sflag:s7] =	ssyncadd.s32 $0xFFFFF800;
	s15 =	sshrl.u32 s19, $0x3  }
0x99: {  	[hbm:s9], [sflag:s13] =	dma.local [spmem:s15], $0x800  }
0x9a: {  	_ =	swait.ge [sflag:s7], $0x800  }
0x9b: {  	s15 =	rddreg [dreg:$0x14]  }
0x9c: {  	[sflag:s7] =	ssyncset.done $0x0;
	s9 =	sadd.s32 s11, s15;
	s15 =	rddreg [dreg:$0xe]  }
0x9d: {  	[sflag:s7] =	ssyncadd.s32 $0xFFFFF800;
	s19 =	sshrl.u32 s15, $0x3  }
0x9e: {  	[hbm:s9], [sflag:s13] =	dma.local [spmem:s19], $0x800  }
0x9f: {  	_ =	swait.ge [sflag:s7], $0x800  }
0xa0: {  	s18 =	sadd.s32 $0x1, s18;
	s19 =	rddreg [dreg:$0x15]  }
0xa1: {  	p1 =	sne.s32 s18, s19  }
.Ltmp1:
0xa2: {  	_ = 	snop;
	(pc) =	sbr.rel @!p1 .LBB2_11-.Ltmp1, $3  }
0xa3: {  	_ =	sdelay $0x1  }
0xa4: {  	[sflag:s7] =	ssyncset.done $0x0  }
0xa5: {  	[sflag:s7] =	ssyncadd.s32 $0xFFFFF800  }
.LBB2_1:
0xa6: {  	s11 =	sand.u32 $0x7E00, s4  }
0xa7: {  	[dreg:$0x18] =	wrdreg s18;
	s13 =	sand.u32 $0x70, s4;
	s19 =	sshrl.u32 s11, $0x2  }
0xa8: {  	s11 =	simm.s32 $0x40;
	s18 =	sor.u32 s13, s19;
	s13 =	simm.s32 $0x0  }
.LBB2_2:
0xa9: {  	p1 =	sne.s32 s11, $0x7FC0  }
0xaa: {  	[tilespmem:s18+$0x1000] =	vst v0;
	s13 =	sadd.s32 $0x10, s13;
	s18 =	smov.u32 s11;
	s11 =	sadd.s32 $0x40, s11  }
.Ltmp2:
0xab: {  	(pc) =	sbr.rel @p1 .LBB2_2-.Ltmp2, $4  }
0xac: {  	_ = 	snop  }
0xad: {  	s18 =	sand.u32 $0x7E00, s18  }
0xae: {  	s19 =	sand.u32 $0x70, s13;
	s18 =	sshrl.u32 s18, $0x2  }
0xaf: {  	s18 =	sor.u32 s19, s18  }
0xb0: {  	[tilespmem:s18+$0x1000] =	vst v0  }
0xb1: {  	[spmem:s17] =	stream.linear.scatter [tilespmem:s0], [sflag:$0x5], $0x2000, $0x38;
	[tilespmem:$0x1D000] =	vst v63  }
0xb2: {  	_ =	swait.ge [sflag:s7], $0x2000  }
0xb3: {  	[sflag:s7] =	ssyncset.done $0x0  }
0xb4: {  	s9 =	rddreg [dreg:$0x7];
	[sflag:s7] =	ssyncadd.s32 $0xFFFFE000  }
0xb5: {  	[spmem:s9] =	stream.linear.scatter [tilespmem:s0], [sflag:$0x5], $0x2000, $0x38;
	[tilespmem:$0x1D000] =	vst v63  }
0xb6: {  	_ =	swait.ge [sflag:s7], $0x2000  }
0xb7: {  	[sflag:s7] =	ssyncset.done $0x0  }
0xb8: {  	s13 =	rddreg [dreg:$0x8];
	[sflag:s7] =	ssyncadd.s32 $0xFFFFE000  }
0xb9: {  	[spmem:s13] =	stream.linear.scatter [tilespmem:s0], [sflag:$0x5], $0x2000, $0x38;
	[tilespmem:$0x1D000] =	vst v63  }
0xba: {  	_ =	swait.ge [sflag:s7], $0x2000  }
0xbb: {  	[sflag:s7] =	ssyncset.done $0x0  }
0xbc: {  	s17 =	rddreg [dreg:$0x9];
	[sflag:s7] =	ssyncadd.s32 $0xFFFFE000  }
0xbd: {  	[spmem:s17] =	stream.linear.scatter [tilespmem:s0], [sflag:$0x5], $0x2000, $0x38;
	[tilespmem:$0x1D000] =	vst v63  }
0xbe: {  	_ =	swait.ge [sflag:s7], $0x2000  }
0xbf: {  	[sflag:s7] =	ssyncset.done $0x0  }
0xc0: {  	s18 =	rddreg [dreg:$0xa];
	[sflag:s7] =	ssyncadd.s32 $0xFFFFE000  }
0xc1: {  	[spmem:s18] =	stream.linear.scatter [tilespmem:s0], [sflag:$0x5], $0x2000, $0x38;
	[tilespmem:$0x1D000] =	vst v63  }
0xc2: {  	_ =	swait.ge [sflag:s7], $0x2000  }
0xc3: {  	[sflag:s7] =	ssyncset.done $0x0  }
0xc4: {  	s19 =	rddreg [dreg:$0xb];
	[sflag:s7] =	ssyncadd.s32 $0xFFFFE000  }
0xc5: {  	[spmem:s19] =	stream.linear.scatter [tilespmem:s0], [sflag:$0x5], $0x2000, $0x38;
	[tilespmem:$0x1D000] =	vst v63  }
0xc6: {  	_ =	swait.ge [sflag:s7], $0x2000  }
0xc7: {  	[sflag:s7] =	ssyncset.done $0x0  }
0xc8: {  	s11 =	rddreg [dreg:$0xc];
	[sflag:s7] =	ssyncadd.s32 $0xFFFFE000  }
0xc9: {  	[spmem:s11] =	stream.linear.scatter [tilespmem:s0], [sflag:$0x5], $0x2000, $0x38;
	[tilespmem:$0x1D000] =	vst v63  }
0xca: {  	_ =	swait.ge [sflag:s7], $0x2000  }
0xcb: {  	[sflag:s7] =	ssyncset.done $0x0  }
0xcc: {  	s13 =	rddreg [dreg:$0xd];
	[sflag:s7] =	ssyncadd.s32 $0xFFFFE000  }
0xcd: {  	[spmem:s13] =	stream.linear.scatter [tilespmem:s0], [sflag:$0x5], $0x2000, $0x38;
	[tilespmem:$0x1D000] =	vst v63  }
0xce: {  	_ =	swait.ge [sflag:s7], $0x2000  }
0xcf: {  	[sflag:s7] =	ssyncset.done $0x0  }
0xd0: {  	[sflag:s7] =	ssyncadd.s32 $0xFFFFE000  }
0xd1: {  	[spmem:s15] =	stream.linear.scatter [tilespmem:s0], [sflag:$0x5], $0x2000, $0x38;
	[tilespmem:$0x1D000] =	vst v63  }
0xd2: {  	_ =	swait.ge [sflag:s7], $0x2000  }
0xd3: {  	[sflag:s7] =	ssyncset.done $0x0  }
0xd4: {  	s17 =	rddreg [dreg:$0x16];
	[sflag:s7] =	ssyncadd.s32 $0xFFFFE000  }
0xd5: {  	[spmem:s17] =	stream.linear.scatter [tilespmem:s0], [sflag:$0x5], $0x2000, $0x38;
	[tilespmem:$0x1D000] =	vst v63  }
0xd6: {  	_ =	swait.ge [sflag:s7], $0x2000  }
0xd7: {  	[sflag:s7] =	ssyncset.done $0x0  }
0xd8: {  	[sflag:s7] =	ssyncadd.s32 $0xFFFFE000  }
0xd9: {  	[bflag:$0x0] =	sbarrier.arrive $0xFFFF  }
0xda: {  	s18 =	rddreg [dreg:$0xf]  }
0xdb: {  	[tilespmem:s4], [sflag:$0x5] =	stream.linear.gather [hbm4b:s18+s4], $0x280, $0x38;
	[tilespmem:$0x1D000] =	vst v63  }
0xdc: {  	_ =	swait.ge [sflag:s7], $0x280  }
0xdd: {  	s17 =	simm.s32 $0x800;
	[sflag:s7] =	ssyncset.done $0x0  }
.Ltmp3:
0xde: {  	s19 =	rddreg [dreg:$0x10];
	[sflag:s7] =	ssyncadd.s32 $0xFFFFFD80;
	(pc) =	sbr.rel @!p0 .LBB2_4-.Ltmp3, $4  }
0xdf: {  	[tilespmem:s17], [sflag:$0x5] =	stream.linear.gather [hbm4b:s19+s4], $0x280, $0x38;
	[tilespmem:$0x1D000] =	vst v63  }
0xe0: {  	_ =	swait.ge [sflag:s7], $0x280  }
0xe1: {  	[sflag:s7] =	ssyncset.done $0x0  }
0xe2: {  	[sflag:s7] =	ssyncadd.s32 $0xFFFFFD80  }
0xe3: {  	s9 =	simm.s32 $0x0;
	p1 =	por $0x1, $0x1  }
0xe4: {  	[tilespmem:s0], [sflag:$0x1] =	stream.indirect.gather [hbm4b:s29+s3], $0x80, s9, s3, $0xb8;
	[tilespmem:$0x1D000] =	vst v63  }
0xe5: {  	s11 =	simm.s32 @!p1 $0x4  }
0xe6: {  	_ =	swait.ge @!p1 [sflag:s11], $0x3E80  }
0xe7: {  	[sflag:s11] =	ssyncset.done @!p1 $0x0  }
0xe8: {  	s13 =	sadd.s32 $0x0, s31;
	[sflag:s11] =	ssyncadd.s32 @!p1 $0xFFFFC180  }
0xe9: {  	[tilespmem:s10], [sflag:$0x5] =	stream.linear.gather [hbm4b:s13+s4], $0x280, $0x38;
	[tilespmem:$0x1D000] =	vst v63  }
0xea: {  	_ =	swait.ge [sflag:s7], $0x280  }
0xeb: {  	[sflag:s7] =	ssyncset.done $0x0  }
0xec: {  	s19 =	sadd.s32 $0x0, s30;
	[sflag:s7] =	ssyncadd.s32 $0xFFFFFD80  }
0xed: {  	[tilespmem:s12], [sflag:$0x5] =	stream.linear.gather [hbm4b:s19+s4], $0x280, $0x38;
	[tilespmem:$0x1D000] =	vst v63  }
0xee: {  	_ =	swait.ge [sflag:s7], $0x280  }
0xef: {  	[sflag:s7] =	ssyncset.done $0x0  }
0xf0: {  	[sflag:s7] =	ssyncadd.s32 $0xFFFFFD80  }
0xf1: {  	[tilespmem:s16], [sflag:$0x2] =	stream.indirect.gather [hbm4b:s29+s3], $0x80, s25, s3, $0xb8;
	[tilespmem:$0x1D000] =	vst v63  }
0xf2: {  	_ =	swait.ge [sflag:s21], $0x3E80  }
0xf3: {  	[sflag:s21] =	ssyncset.done $0x0  }
0xf4: {  	[sflag:s21] =	ssyncadd.s32 $0xFFFFC180  }
0xf5: {  	[spmem:s2] =	stream.indirect.scatter.add.f32 [tilespmem:s0], [sflag:$0x3], $0x80, s17, s3, $0xb8;
	[tilespmem:$0x1D000] =	vst v63  }
0xf6: {  	_ =	swait.ge [sflag:s22], $0x3E80  }
0xf7: {  	[sflag:s22] =	ssyncset.done $0x0  }
0xf8: {  	[sflag:s22] =	ssyncadd.s32 $0xFFFFC180  }
0xf9: {  	[tilespmem:s0], [sflag:$0x1] =	stream.indirect.gather [hbm4b:s29+s3], $0x80, s8, s3, $0xb8;
	[tilespmem:$0x1D000] =	vst v63  }
0xfa: {  	_ =	swait.ge [sflag:s24], $0x3E80  }
0xfb: {  	[sflag:s24] =	ssyncset.done $0x0  }
0xfc: {  	[sflag:s24] =	ssyncadd.s32 $0xFFFFC180  }
0xfd: {  	[spmem:s2] =	stream.indirect.scatter.add.f32 [tilespmem:s16], [sflag:$0x4], $0x80, s14, s3, $0xb8;
	[tilespmem:$0x1D000] =	vst v63  }
0xfe: {  	_ =	swait.ge [sflag:s26], $0x3E80  }
0xff: {  	[sflag:s26] =	ssyncset.done $0x0  }
0x100: {  	[sflag:s26] =	ssyncadd.s32 $0xFFFFC180  }
0x101: {  	[tilespmem:s16], [sflag:$0x2] =	stream.indirect.gather [hbm4b:s29+s3], $0x80, s23, s3, $0xb8;
	[tilespmem:$0x1D000] =	vst v63  }
0x102: {  	_ =	swait.ge [sflag:s21], $0x3E80  }
0x103: {  	[sflag:s21] =	ssyncset.done $0x0  }
0x104: {  	[sflag:s21] =	ssyncadd.s32 $0xFFFFC180  }
0x105: {  	[spmem:s2] =	stream.indirect.scatter.add.f32 [tilespmem:s0], [sflag:$0x3], $0x80, s28, s3, $0xb8;
	[tilespmem:$0x1D000] =	vst v63  }
0x106: {  	_ =	swait.ge [sflag:s22], $0x3E80  }
0x107: {  	[sflag:s22] =	ssyncset.done $0x0  }
0x108: {  	s23 =	simm.s32 $0x200;
	[sflag:s22] =	ssyncadd.s32 $0xFFFFC180  }
0x109: {  	[tilespmem:s0], [sflag:$0x1] =	stream.indirect.gather [hbm4b:s29+s3], $0x80, s23, s3, $0xb8;
	[tilespmem:$0x1D000] =	vst v63  }
0x10a: {  	_ =	swait.ge [sflag:s24], $0x3E80  }
0x10b: {  	[sflag:s24] =	ssyncset.done $0x0  }
0x10c: {  	s25 =	simm.s32 $0x980;
	[sflag:s24] =	ssyncadd.s32 $0xFFFFC180  }
0x10d: {  	[spmem:s2] =	stream.indirect.scatter.add.f32 [tilespmem:s16], [sflag:$0x4], $0x80, s25, s3, $0xb8;
	[tilespmem:$0x1D000] =	vst v63  }
0x10e: {  	_ =	swait.ge [sflag:s26], $0x3E80  }
0x10f: {  	[sflag:s26] =	ssyncset.done $0x0  }
0x110: {  	[sflag:s26] =	ssyncadd.s32 $0xFFFFC180  }
0x111: {  	[tilespmem:s16], [sflag:$0x2] =	stream.indirect.gather [hbm4b:s29+s3], $0x80, s10, s3, $0xb8;
	[tilespmem:$0x1D000] =	vst v63  }
0x112: {  	p1 =	por $0x0, $0x0;
	_ =	swait.ge [sflag:s21], $0x3E80  }
0x113: {  	s9 =	smin.u32 @!p1 s9, $0xD;
	[sflag:s21] =	ssyncset.done $0x0  }
0x114: {  	s9 =	sshll.u32 @!p1 s9, $0xA;
	s8 =	simm.s32 $0xA00;
	[sflag:s21] =	ssyncadd.s32 $0xFFFFC180  }
0x115: {  	[spmem:s2] =	stream.indirect.scatter.add.f32 [tilespmem:s0], [sflag:$0x3], $0x80, s8, s3, $0xb8;
	[tilespmem:$0x1D000] =	vst v63  }
0x116: {  	s9 =	sadd.s32 @!p1 s9, s20;
	_ =	swait.ge [sflag:s22], $0x3E80  }
0x117: {  	s11 =	simm.s32 @!p1 $0x5;
	s9 =	sshrl.u32 @!p1 s9, $0x3;
	[sflag:s22] =	ssyncset.done $0x0  }
0x118: {  	s13 =	simm.s32 @!p1 $0x0;
	s15 =	sadd.s32 @!p1 s5, s9;
	[sflag:s22] =	ssyncadd.s32 $0xFFFFC180  }
0x119: {  	[tilespmem:s13], [sflag:$0x5] =	stream.linear.gather @!p1 [hbm4b:s15+s13], $0x280, $0x38;
	[tilespmem:$0x1D000] =	vst v63  }
0x11a: {  	_ =	swait.ge @!p1 [sflag:s11], $0x280  }
0x11b: {  	[sflag:s11] =	ssyncset.done @!p1 $0x0  }
0x11c: {  	s9 =	sadd.s32 @!p1 s6, s9;
	s15 =	simm.s32 @!p1 $0x800;
	[sflag:s11] =	ssyncadd.s32 @!p1 $0xFFFFFD80  }
0x11d: {  	[tilespmem:s15], [sflag:$0x5] =	stream.linear.gather @!p1 [hbm4b:s9+s13], $0x280, $0x38;
	[tilespmem:$0x1D000] =	vst v63  }
0x11e: {  	_ =	swait.ge @!p1 [sflag:s11], $0x280  }
0x11f: {  	[sflag:s11] =	ssyncset.done @!p1 $0x0  }
0x120: {  	[sflag:s11] =	ssyncadd.s32 @!p1 $0xFFFFFD80;
	s11 =	simm.s32 $0x480  }
0x121: {  	[tilespmem:s0], [sflag:$0x1] =	stream.indirect.gather [hbm4b:s29+s3], $0x80, s11, s3, $0xb8;
	[tilespmem:$0x1D000] =	vst v63  }
0x122: {  	_ =	swait.ge [sflag:s24], $0x3E80  }
0x123: {  	[sflag:s24] =	ssyncset.done $0x0  }
0x124: {  	[sflag:s24] =	ssyncadd.s32 $0xFFFFC180  }
0x125: {  	[spmem:s2] =	stream.indirect.scatter.add.f32 [tilespmem:s16], [sflag:$0x4], $0x80, s12, s3, $0xb8;
	[tilespmem:$0x1D000] =	vst v63  }
0x126: {  	_ =	swait.ge [sflag:s26], $0x3E80  }
0x127: {  	[sflag:s26] =	ssyncset.done $0x0  }
0x128: {  	s14 =	simm.s32 $0x500;
	[sflag:s26] =	ssyncadd.s32 $0xFFFFC180  }
0x129: {  	[tilespmem:s16], [sflag:$0x2] =	stream.indirect.gather [hbm4b:s29+s3], $0x80, s14, s3, $0xb8;
	[tilespmem:$0x1D000] =	vst v63  }
0x12a: {  	_ =	swait.ge [sflag:s21], $0x3E80  }
0x12b: {  	[sflag:s21] =	ssyncset.done $0x0  }
0x12c: {  	s15 =	simm.s32 $0xC80;
	[sflag:s21] =	ssyncadd.s32 $0xFFFFC180  }
0x12d: {  	[spmem:s2] =	stream.indirect.scatter.add.f32 [tilespmem:s0], [sflag:$0x3], $0x80, s15, s3, $0xb8;
	[tilespmem:$0x1D000] =	vst v63  }
0x12e: {  	_ =	swait.ge [sflag:s22], $0x3E80  }
0x12f: {  	[sflag:s22] =	ssyncset.done $0x0  }
0x130: {  	s18 =	simm.s32 $0x580;
	[sflag:s22] =	ssyncadd.s32 $0xFFFFC180  }
0x131: {  	[tilespmem:s0], [sflag:$0x1] =	stream.indirect.gather [hbm4b:s29+s3], $0x80, s18, s3, $0xb8;
	[tilespmem:$0x1D000] =	vst v63  }
0x132: {  	_ =	swait.ge [sflag:s24], $0x3E80  }
0x133: {  	[sflag:s24] =	ssyncset.done $0x0  }
0x134: {  	s19 =	simm.s32 $0xD00;
	[sflag:s24] =	ssyncadd.s32 $0xFFFFC180  }
0x135: {  	[spmem:s2] =	stream.indirect.scatter.add.f32 [tilespmem:s16], [sflag:$0x4], $0x80, s19, s3, $0xb8;
	[tilespmem:$0x1D000] =	vst v63  }
0x136: {  	_ =	swait.ge [sflag:s26], $0x3E80  }
0x137: {  	[sflag:s26] =	ssyncset.done $0x0  }
0x138: {  	s23 =	simm.s32 $0x600;
	[sflag:s26] =	ssyncadd.s32 $0xFFFFC180  }
0x139: {  	[tilespmem:s16], [sflag:$0x2] =	stream.indirect.gather [hbm4b:s29+s3], $0x80, s23, s3, $0xb8;
	[tilespmem:$0x1D000] =	vst v63  }
0x13a: {  	_ =	swait.ge [sflag:s21], $0x3E80  }
0x13b: {  	p2 =	por $0x0, $0x0;
	s28 =	simm.s32 $0xE00;
	[sflag:s21] =	ssyncset.done $0x0  }
0x13c: {  	s25 =	simm.s32 $0xD80;
	s8 =	simm.s32 $0x100;
	[sflag:s21] =	ssyncadd.s32 $0xFFFFC180  }
0x13d: {  	[spmem:s2] =	stream.indirect.scatter.add.f32 [tilespmem:s0], [sflag:$0x3], $0x80, s25, s3, $0xb8;
	[tilespmem:$0x1D000] =	vst v63  }
0x13e: {  	s9 =	simm.s32 @!p1 $0x7D;
	s11 =	simm.s32 @!p1 $0x1000;
	_ =	swait.ge [sflag:s22], $0x3E80  }
0x13f: {  	s14 =	simm.s32 $0x880;
	s18 =	simm.s32 $0x100;
	[sflag:s22] =	ssyncset.done $0x0  }
0x140: {  	s19 =	simm.s32 $0x2;
	s23 =	simm.s32 $0x180;
	[sflag:s22] =	ssyncadd.s32 $0xFFFFC180  }
0x141: {  	[tilespmem:s11], [sflag:$0x1] =	stream.indirect.gather @!p1 [hbm4b:s29+s9], $0x80, s13, s9, $0xb8;
	[tilespmem:$0x1D000] =	vst v63  }
0x142: {  	s25 =	simm.s32 $0x80;
	s11 =	simm.s32 $0x200;
	_ =	swait.ge [sflag:s24], $0x3E80  }
.LBB2_8:
0x143: {  	s9 =	simm.s32 @!p2 $0x4  }
0x144: {  	[sflag:s24] =	ssyncset.done $0x0;
	s13 =	smov.u32 s11;
	s11 =	sadd.s32 $0x100, s11  }
0x145: {  	p1 =	sne.s32 s11, $0x800;
	[sflag:s24] =	ssyncadd.s32 $0xFFFFC180  }
0x146: {  	[spmem:s2] =	stream.indirect.scatter.add.f32 [tilespmem:s16], [sflag:$0x4], $0x80, s28, s3, $0xb8;
	[tilespmem:$0x1D000] =	vst v63  }
0x147: {  	_ =	swait.ge @!p2 [sflag:s9], $0x3E80  }
0x148: {  	s15 =	sadd.s32 s18, s31;
	[sflag:s9] =	ssyncset.done @!p2 $0x0  }
0x149: {  	[sflag:s9] =	ssyncadd.s32 @!p2 $0xFFFFC180  }
0x14a: {  	[tilespmem:s10], [sflag:$0x5] =	stream.linear.gather [hbm4b:s15+s4], $0x280, $0x38;
	[tilespmem:$0x1D000] =	vst v63  }
0x14b: {  	_ =	swait.ge [sflag:s7], $0x280  }
0x14c: {  	s9 =	sadd.s32 s18, s30;
	[sflag:s7] =	ssyncset.done $0x0  }
0x14d: {  	[sflag:s7] =	ssyncadd.s32 $0xFFFFFD80  }
0x14e: {  	[tilespmem:s12], [sflag:$0x5] =	stream.linear.gather [hbm4b:s9+s4], $0x280, $0x38;
	[tilespmem:$0x1D000] =	vst v63  }
0x14f: {  	_ =	swait.ge [sflag:s7], $0x280  }
0x150: {  	[sflag:s7] =	ssyncset.done $0x0  }
0x151: {  	[sflag:s7] =	ssyncadd.s32 $0xFFFFFD80  }
0x152: {  	[tilespmem:s16], [sflag:$0x2] =	stream.indirect.gather [hbm4b:s29+s3], $0x80, s25, s3, $0xb8;
	[tilespmem:$0x1D000] =	vst v63  }
0x153: {  	_ =	swait.ge [sflag:s21], $0x3E80  }
0x154: {  	[sflag:s21] =	ssyncset.done $0x0  }
0x155: {  	[sflag:s21] =	ssyncadd.s32 $0xFFFFC180  }
0x156: {  	[spmem:s2] =	stream.indirect.scatter.add.f32 [tilespmem:s0], [sflag:$0x3], $0x80, s17, s3, $0xb8;
	[tilespmem:$0x1D000] =	vst v63  }
0x157: {  	_ =	swait.ge [sflag:s22], $0x3E80  }
0x158: {  	[sflag:s22] =	ssyncset.done $0x0  }
0x159: {  	[sflag:s22] =	ssyncadd.s32 $0xFFFFC180  }
0x15a: {  	[tilespmem:s0], [sflag:$0x1] =	stream.indirect.gather [hbm4b:s29+s3], $0x80, s8, s3, $0xb8;
	[tilespmem:$0x1D000] =	vst v63  }
0x15b: {  	_ =	swait.ge [sflag:s24], $0x3E80  }
0x15c: {  	[sflag:s24] =	ssyncset.done $0x0  }
0x15d: {  	[sflag:s24] =	ssyncadd.s32 $0xFFFFC180  }
0x15e: {  	[spmem:s2] =	stream.indirect.scatter.add.f32 [tilespmem:s16], [sflag:$0x4], $0x80, s14, s3, $0xb8;
	[tilespmem:$0x1D000] =	vst v63  }
0x15f: {  	_ =	swait.ge [sflag:s26], $0x3E80  }
0x160: {  	[sflag:s26] =	ssyncset.done $0x0  }
0x161: {  	[sflag:s26] =	ssyncadd.s32 $0xFFFFC180  }
0x162: {  	[tilespmem:s16], [sflag:$0x2] =	stream.indirect.gather [hbm4b:s29+s3], $0x80, s23, s3, $0xb8;
	[tilespmem:$0x1D000] =	vst v63  }
0x163: {  	_ =	swait.ge [sflag:s21], $0x3E80  }
0x164: {  	[sflag:s21] =	ssyncset.done $0x0  }
0x165: {  	s9 =	simm.s32 $0x900;
	[sflag:s21] =	ssyncadd.s32 $0xFFFFC180  }
0x166: {  	[spmem:s2] =	stream.indirect.scatter.add.f32 [tilespmem:s0], [sflag:$0x3], $0x80, s9, s3, $0xb8;
	[tilespmem:$0x1D000] =	vst v63  }
0x167: {  	_ =	swait.ge [sflag:s22], $0x3E80  }
0x168: {  	[sflag:s22] =	ssyncset.done $0x0  }
0x169: {  	s9 =	simm.s32 $0x200;
	[sflag:s22] =	ssyncadd.s32 $0xFFFFC180  }
0x16a: {  	[tilespmem:s0], [sflag:$0x1] =	stream.indirect.gather [hbm4b:s29+s3], $0x80, s9, s3, $0xb8;
	[tilespmem:$0x1D000] =	vst v63  }
0x16b: {  	_ =	swait.ge [sflag:s24], $0x3E80  }
0x16c: {  	[sflag:s24] =	ssyncset.done $0x0  }
0x16d: {  	s9 =	simm.s32 $0x980;
	[sflag:s24] =	ssyncadd.s32 $0xFFFFC180  }
0x16e: {  	[spmem:s2] =	stream.indirect.scatter.add.f32 [tilespmem:s16], [sflag:$0x4], $0x80, s9, s3, $0xb8;
	[tilespmem:$0x1D000] =	vst v63  }
0x16f: {  	_ =	swait.ge [sflag:s26], $0x3E80  }
0x170: {  	[sflag:s26] =	ssyncset.done $0x0  }
0x171: {  	[sflag:s26] =	ssyncadd.s32 $0xFFFFC180  }
0x172: {  	[tilespmem:s16], [sflag:$0x2] =	stream.indirect.gather [hbm4b:s29+s3], $0x80, s10, s3, $0xb8;
	[tilespmem:$0x1D000] =	vst v63  }
0x173: {  	p2 =	seq.s32 s18, $0x700;
	s18 =	smov.u32 s13;
	_ =	swait.ge [sflag:s21], $0x3E80  }
0x174: {  	s9 =	smin.u32 @!p2 s19, $0xD;
	[sflag:s21] =	ssyncset.done $0x0  }
0x175: {  	s13 =	simm.s32 $0xA00;
	s9 =	sshll.u32 @!p2 s9, $0xA;
	[sflag:s21] =	ssyncadd.s32 $0xFFFFC180  }
0x176: {  	[spmem:s2] =	stream.indirect.scatter.add.f32 [tilespmem:s0], [sflag:$0x3], $0x80, s13, s3, $0xb8;
	[tilespmem:$0x1D000] =	vst v63  }
0x177: {  	s15 =	simm.s32 @!p2 $0x5;
	s9 =	sadd.s32 @!p2 s9, s20;
	_ =	swait.ge [sflag:s22], $0x3E80  }
0x178: {  	s9 =	sshrl.u32 @!p2 s9, $0x3;
	s13 =	simm.s32 @!p2 $0x0;
	[sflag:s22] =	ssyncset.done $0x0  }
0x179: {  	s17 =	sadd.s32 @!p2 s5, s9;
	s9 =	sadd.s32 @!p2 s6, s9;
	[sflag:s22] =	ssyncadd.s32 $0xFFFFC180  }
0x17a: {  	[tilespmem:s13], [sflag:$0x5] =	stream.linear.gather @!p2 [hbm4b:s17+s13], $0x280, $0x38;
	[tilespmem:$0x1D000] =	vst v63  }
0x17b: {  	_ =	swait.ge @!p2 [sflag:s15], $0x280  }
0x17c: {  	s17 =	simm.s32 @!p2 $0x800;
	[sflag:s15] =	ssyncset.done @!p2 $0x0  }
0x17d: {  	[sflag:s15] =	ssyncadd.s32 @!p2 $0xFFFFFD80  }
0x17e: {  	[tilespmem:s17], [sflag:$0x5] =	stream.linear.gather @!p2 [hbm4b:s9+s13], $0x280, $0x38;
	[tilespmem:$0x1D000] =	vst v63  }
0x17f: {  	s17 =	simm.s32 $0x800  }
0x180: {  	_ =	swait.ge @!p2 [sflag:s15], $0x280  }
0x181: {  	[sflag:s15] =	ssyncset.done @!p2 $0x0  }
0x182: {  	s9 =	simm.s32 $0x480;
	[sflag:s15] =	ssyncadd.s32 @!p2 $0xFFFFFD80  }
0x183: {  	[tilespmem:s0], [sflag:$0x1] =	stream.indirect.gather [hbm4b:s29+s3], $0x80, s9, s3, $0xb8;
	[tilespmem:$0x1D000] =	vst v63  }
0x184: {  	_ =	swait.ge [sflag:s24], $0x3E80  }
0x185: {  	[sflag:s24] =	ssyncset.done $0x0  }
0x186: {  	[sflag:s24] =	ssyncadd.s32 $0xFFFFC180  }
0x187: {  	[spmem:s2] =	stream.indirect.scatter.add.f32 [tilespmem:s16], [sflag:$0x4], $0x80, s12, s3, $0xb8;
	[tilespmem:$0x1D000] =	vst v63  }
0x188: {  	_ =	swait.ge [sflag:s26], $0x3E80  }
0x189: {  	[sflag:s26] =	ssyncset.done $0x0  }
0x18a: {  	s9 =	simm.s32 $0x500;
	[sflag:s26] =	ssyncadd.s32 $0xFFFFC180  }
0x18b: {  	[tilespmem:s16], [sflag:$0x2] =	stream.indirect.gather [hbm4b:s29+s3], $0x80, s9, s3, $0xb8;
	[tilespmem:$0x1D000] =	vst v63  }
0x18c: {  	_ =	swait.ge [sflag:s21], $0x3E80  }
0x18d: {  	[sflag:s21] =	ssyncset.done $0x0  }
0x18e: {  	s9 =	simm.s32 $0xC80;
	[sflag:s21] =	ssyncadd.s32 $0xFFFFC180  }
0x18f: {  	[spmem:s2] =	stream.indirect.scatter.add.f32 [tilespmem:s0], [sflag:$0x3], $0x80, s9, s3, $0xb8;
	[tilespmem:$0x1D000] =	vst v63  }
0x190: {  	_ =	swait.ge [sflag:s22], $0x3E80  }
0x191: {  	[sflag:s22] =	ssyncset.done $0x0  }
0x192: {  	s9 =	simm.s32 $0x580;
	[sflag:s22] =	ssyncadd.s32 $0xFFFFC180  }
0x193: {  	[tilespmem:s0], [sflag:$0x1] =	stream.indirect.gather [hbm4b:s29+s3], $0x80, s9, s3, $0xb8;
	[tilespmem:$0x1D000] =	vst v63  }
0x194: {  	_ =	swait.ge [sflag:s24], $0x3E80  }
0x195: {  	[sflag:s24] =	ssyncset.done $0x0  }
0x196: {  	s9 =	simm.s32 $0xD00;
	[sflag:s24] =	ssyncadd.s32 $0xFFFFC180  }
0x197: {  	[spmem:s2] =	stream.indirect.scatter.add.f32 [tilespmem:s16], [sflag:$0x4], $0x80, s9, s3, $0xb8;
	[tilespmem:$0x1D000] =	vst v63  }
0x198: {  	_ =	swait.ge [sflag:s26], $0x3E80  }
0x199: {  	[sflag:s26] =	ssyncset.done $0x0  }
0x19a: {  	s9 =	simm.s32 $0x600;
	[sflag:s26] =	ssyncadd.s32 $0xFFFFC180  }
0x19b: {  	[tilespmem:s16], [sflag:$0x2] =	stream.indirect.gather [hbm4b:s29+s3], $0x80, s9, s3, $0xb8;
	[tilespmem:$0x1D000] =	vst v63  }
0x19c: {  	_ =	swait.ge [sflag:s21], $0x3E80  }
0x19d: {  	[sflag:s21] =	ssyncset.done $0x0  }
0x19e: {  	s9 =	simm.s32 $0xD80;
	[sflag:s21] =	ssyncadd.s32 $0xFFFFC180  }
0x19f: {  	[spmem:s2] =	stream.indirect.scatter.add.f32 [tilespmem:s0], [sflag:$0x3], $0x80, s9, s3, $0xb8;
	[tilespmem:$0x1D000] =	vst v63  }
.Ltmp4:
0x1a0: {  	_ =	swait.ge [sflag:s22], $0x3E80;
	(pc) =	sbr.rel @p1 .LBB2_8-.Ltmp4, $4  }
0x1a1: {  	s15 =	simm.s32 @!p2 $0x1000;
	s9 =	simm.s32 @!p2 $0x7D;
	[sflag:s22] =	ssyncset.done $0x0  }
0x1a2: {  	[sflag:s22] =	ssyncadd.s32 $0xFFFFC180  }
0x1a3: {  	[tilespmem:s15], [sflag:$0x1] =	stream.indirect.gather @!p2 [hbm4b:s29+s9], $0x80, s13, s9, $0xb8;
	[tilespmem:$0x1D000] =	vst v63  }
0x1a4: {  	s19 =	sadd.s32 $0x2, s19;
	p2 =	seq.s32 s18, $0x0;
	_ =	swait.ge [sflag:s24], $0x3E80  }
0x1a5: {  	[sflag:s24] =	ssyncset.done $0x0  }
0x1a6: {  	s9 =	simm.s32 @!p2 $0x4;
	s28 =	simm.s32 $0xE00;
	[sflag:s24] =	ssyncadd.s32 $0xFFFFC180  }
0x1a7: {  	[spmem:s2] =	stream.indirect.scatter.add.f32 [tilespmem:s16], [sflag:$0x4], $0x80, s28, s3, $0xb8;
	[tilespmem:$0x1D000] =	vst v63  }
0x1a8: {  	_ =	swait.ge @!p2 [sflag:s9], $0x3E80  }
0x1a9: {  	[sflag:s9] =	ssyncset.done @!p2 $0x0  }
0x1aa: {  	s11 =	sadd.s32 s18, s31;
	[sflag:s9] =	ssyncadd.s32 @!p2 $0xFFFFC180  }
0x1ab: {  	[tilespmem:s10], [sflag:$0x5] =	stream.linear.gather [hbm4b:s11+s4], $0x280, $0x38;
	[tilespmem:$0x1D000] =	vst v63  }
0x1ac: {  	_ =	swait.ge [sflag:s7], $0x280  }
0x1ad: {  	[sflag:s7] =	ssyncset.done $0x0  }
0x1ae: {  	s15 =	sadd.s32 s18, s30;
	[sflag:s7] =	ssyncadd.s32 $0xFFFFFD80  }
0x1af: {  	[tilespmem:s12], [sflag:$0x5] =	stream.linear.gather [hbm4b:s15+s4], $0x280, $0x38;
	[tilespmem:$0x1D000] =	vst v63  }
0x1b0: {  	_ =	swait.ge [sflag:s7], $0x280  }
0x1b1: {  	[sflag:s7] =	ssyncset.done $0x0  }
0x1b2: {  	[sflag:s7] =	ssyncadd.s32 $0xFFFFFD80  }
0x1b3: {  	[tilespmem:s16], [sflag:$0x2] =	stream.indirect.gather [hbm4b:s29+s3], $0x80, s25, s3, $0xb8;
	[tilespmem:$0x1D000] =	vst v63  }
0x1b4: {  	_ =	swait.ge [sflag:s21], $0x3E80  }
0x1b5: {  	[sflag:s21] =	ssyncset.done $0x0  }
0x1b6: {  	[sflag:s21] =	ssyncadd.s32 $0xFFFFC180  }
0x1b7: {  	[spmem:s2] =	stream.indirect.scatter.add.f32 [tilespmem:s0], [sflag:$0x3], $0x80, s17, s3, $0xb8;
	[tilespmem:$0x1D000] =	vst v63  }
0x1b8: {  	_ =	swait.ge [sflag:s22], $0x3E80  }
0x1b9: {  	[sflag:s22] =	ssyncset.done $0x0  }
0x1ba: {  	[sflag:s22] =	ssyncadd.s32 $0xFFFFC180  }
0x1bb: {  	[tilespmem:s0], [sflag:$0x1] =	stream.indirect.gather [hbm4b:s29+s3], $0x80, s8, s3, $0xb8;
	[tilespmem:$0x1D000] =	vst v63  }
0x1bc: {  	_ =	swait.ge [sflag:s24], $0x3E80  }
0x1bd: {  	[sflag:s24] =	ssyncset.done $0x0  }
0x1be: {  	[sflag:s24] =	ssyncadd.s32 $0xFFFFC180  }
0x1bf: {  	[spmem:s2] =	stream.indirect.scatter.add.f32 [tilespmem:s16], [sflag:$0x4], $0x80, s14, s3, $0xb8;
	[tilespmem:$0x1D000] =	vst v63  }
0x1c0: {  	_ =	swait.ge [sflag:s26], $0x3E80  }
0x1c1: {  	[sflag:s26] =	ssyncset.done $0x0  }
0x1c2: {  	[sflag:s26] =	ssyncadd.s32 $0xFFFFC180  }
0x1c3: {  	[tilespmem:s16], [sflag:$0x2] =	stream.indirect.gather [hbm4b:s29+s3], $0x80, s23, s3, $0xb8;
	[tilespmem:$0x1D000] =	vst v63  }
0x1c4: {  	_ =	swait.ge [sflag:s21], $0x3E80  }
0x1c5: {  	[sflag:s21] =	ssyncset.done $0x0  }
0x1c6: {  	s25 =	simm.s32 $0x900;
	[sflag:s21] =	ssyncadd.s32 $0xFFFFC180  }
0x1c7: {  	[spmem:s2] =	stream.indirect.scatter.add.f32 [tilespmem:s0], [sflag:$0x3], $0x80, s25, s3, $0xb8;
	[tilespmem:$0x1D000] =	vst v63  }
0x1c8: {  	_ =	swait.ge [sflag:s22], $0x3E80  }
0x1c9: {  	[sflag:s22] =	ssyncset.done $0x0  }
0x1ca: {  	s8 =	simm.s32 $0x200;
	[sflag:s22] =	ssyncadd.s32 $0xFFFFC180  }
0x1cb: {  	[tilespmem:s0], [sflag:$0x1] =	stream.indirect.gather [hbm4b:s29+s3], $0x80, s8, s3, $0xb8;
	[tilespmem:$0x1D000] =	vst v63  }
0x1cc: {  	_ =	swait.ge [sflag:s24], $0x3E80  }
0x1cd: {  	[sflag:s24] =	ssyncset.done $0x0  }
0x1ce: {  	s11 =	simm.s32 $0x980;
	[sflag:s24] =	ssyncadd.s32 $0xFFFFC180  }
0x1cf: {  	[spmem:s2] =	stream.indirect.scatter.add.f32 [tilespmem:s16], [sflag:$0x4], $0x80, s11, s3, $0xb8;
	[tilespmem:$0x1D000] =	vst v63  }
0x1d0: {  	_ =	swait.ge [sflag:s26], $0x3E80  }
0x1d1: {  	[sflag:s26] =	ssyncset.done $0x0  }
0x1d2: {  	p1 =	seq.s32 s18, $0x700;
	[sflag:s26] =	ssyncadd.s32 $0xFFFFC180  }
0x1d3: {  	[tilespmem:s16], [sflag:$0x2] =	stream.indirect.gather [hbm4b:s29+s3], $0x80, s10, s3, $0xb8;
	[tilespmem:$0x1D000] =	vst v63  }
0x1d4: {  	s9 =	smin.u32 @!p1 s19, $0xD;
	_ =	swait.ge [sflag:s21], $0x3E80  }
0x1d5: {  	s9 =	sshll.u32 @!p1 s9, $0xA;
	[sflag:s21] =	ssyncset.done $0x0  }
0x1d6: {  	s13 =	simm.s32 $0xA00;
	s9 =	sadd.s32 @!p1 s9, s20;
	[sflag:s21] =	ssyncadd.s32 $0xFFFFC180  }
0x1d7: {  	[spmem:s2] =	stream.indirect.scatter.add.f32 [tilespmem:s0], [sflag:$0x3], $0x80, s13, s3, $0xb8;
	[tilespmem:$0x1D000] =	vst v63  }
0x1d8: {  	s9 =	sshrl.u32 @!p1 s9, $0x3;
	_ =	swait.ge [sflag:s22], $0x3E80  }
0x1d9: {  	s15 =	sadd.s32 @!p1 s5, s9;
	[sflag:s22] =	ssyncset.done $0x0  }
0x1da: {  	s11 =	simm.s32 @!p1 $0x5;
	s13 =	simm.s32 @!p1 $0x0;
	[sflag:s22] =	ssyncadd.s32 $0xFFFFC180  }
0x1db: {  	[tilespmem:s13], [sflag:$0x5] =	stream.linear.gather @!p1 [hbm4b:s15+s13], $0x280, $0x38;
	[tilespmem:$0x1D000] =	vst v63  }
0x1dc: {  	_ =	swait.ge @!p1 [sflag:s11], $0x280  }
0x1dd: {  	[sflag:s11] =	ssyncset.done @!p1 $0x0  }
0x1de: {  	s9 =	sadd.s32 @!p1 s6, s9;
	s15 =	simm.s32 @!p1 $0x800;
	[sflag:s11] =	ssyncadd.s32 @!p1 $0xFFFFFD80  }
0x1df: {  	[tilespmem:s15], [sflag:$0x5] =	stream.linear.gather @!p1 [hbm4b:s9+s13], $0x280, $0x38;
	[tilespmem:$0x1D000] =	vst v63  }
0x1e0: {  	_ =	swait.ge @!p1 [sflag:s11], $0x280  }
0x1e1: {  	[sflag:s11] =	ssyncset.done @!p1 $0x0  }
0x1e2: {  	s14 =	simm.s32 $0x480;
	[sflag:s11] =	ssyncadd.s32 @!p1 $0xFFFFFD80  }
0x1e3: {  	[tilespmem:s0], [sflag:$0x1] =	stream.indirect.gather [hbm4b:s29+s3], $0x80, s14, s3, $0xb8;
	[tilespmem:$0x1D000] =	vst v63  }
0x1e4: {  	_ =	swait.ge [sflag:s24], $0x3E80  }
0x1e5: {  	[sflag:s24] =	ssyncset.done $0x0  }
0x1e6: {  	[sflag:s24] =	ssyncadd.s32 $0xFFFFC180  }
0x1e7: {  	[spmem:s2] =	stream.indirect.scatter.add.f32 [tilespmem:s16], [sflag:$0x4], $0x80, s12, s3, $0xb8;
	[tilespmem:$0x1D000] =	vst v63  }
0x1e8: {  	_ =	swait.ge [sflag:s26], $0x3E80  }
0x1e9: {  	[sflag:s26] =	ssyncset.done $0x0  }
0x1ea: {  	s15 =	simm.s32 $0x500;
	[sflag:s26] =	ssyncadd.s32 $0xFFFFC180  }
0x1eb: {  	[tilespmem:s16], [sflag:$0x2] =	stream.indirect.gather [hbm4b:s29+s3], $0x80, s15, s3, $0xb8;
	[tilespmem:$0x1D000] =	vst v63  }
0x1ec: {  	_ =	swait.ge [sflag:s21], $0x3E80  }
0x1ed: {  	[sflag:s21] =	ssyncset.done $0x0  }
0x1ee: {  	s17 =	simm.s32 $0xC80;
	[sflag:s21] =	ssyncadd.s32 $0xFFFFC180  }
0x1ef: {  	[spmem:s2] =	stream.indirect.scatter.add.f32 [tilespmem:s0], [sflag:$0x3], $0x80, s17, s3, $0xb8;
	[tilespmem:$0x1D000] =	vst v63  }
0x1f0: {  	_ =	swait.ge [sflag:s22], $0x3E80  }
0x1f1: {  	[sflag:s22] =	ssyncset.done $0x0  }
0x1f2: {  	s18 =	simm.s32 $0x580;
	[sflag:s22] =	ssyncadd.s32 $0xFFFFC180  }
0x1f3: {  	[tilespmem:s0], [sflag:$0x1] =	stream.indirect.gather [hbm4b:s29+s3], $0x80, s18, s3, $0xb8;
	[tilespmem:$0x1D000] =	vst v63  }
0x1f4: {  	_ =	swait.ge [sflag:s24], $0x3E80  }
0x1f5: {  	[sflag:s24] =	ssyncset.done $0x0  }
0x1f6: {  	s19 =	simm.s32 $0xD00;
	[sflag:s24] =	ssyncadd.s32 $0xFFFFC180  }
0x1f7: {  	[spmem:s2] =	stream.indirect.scatter.add.f32 [tilespmem:s16], [sflag:$0x4], $0x80, s19, s3, $0xb8;
	[tilespmem:$0x1D000] =	vst v63  }
0x1f8: {  	_ =	swait.ge [sflag:s26], $0x3E80  }
0x1f9: {  	[sflag:s26] =	ssyncset.done $0x0  }
0x1fa: {  	s23 =	simm.s32 $0x600;
	[sflag:s26] =	ssyncadd.s32 $0xFFFFC180  }
0x1fb: {  	[tilespmem:s16], [sflag:$0x2] =	stream.indirect.gather [hbm4b:s29+s3], $0x80, s23, s3, $0xb8;
	[tilespmem:$0x1D000] =	vst v63  }
0x1fc: {  	_ =	swait.ge [sflag:s21], $0x3E80  }
0x1fd: {  	[sflag:s21] =	ssyncset.done $0x0  }
0x1fe: {  	s25 =	simm.s32 $0xD80;
	[sflag:s21] =	ssyncadd.s32 $0xFFFFC180  }
0x1ff: {  	[spmem:s2] =	stream.indirect.scatter.add.f32 [tilespmem:s0], [sflag:$0x3], $0x80, s25, s3, $0xb8;
	[tilespmem:$0x1D000] =	vst v63  }
0x200: {  	_ =	swait.ge [sflag:s22], $0x3E80  }
0x201: {  	[sflag:s22] =	ssyncset.done $0x0  }
0x202: {  	s9 =	simm.s32 @!p1 $0x7D;
	s11 =	simm.s32 @!p1 $0x1000;
	[sflag:s22] =	ssyncadd.s32 $0xFFFFC180  }
0x203: {  	[tilespmem:s11], [sflag:$0x1] =	stream.indirect.gather @!p1 [hbm4b:s29+s9], $0x80, s13, s9, $0xb8;
	[tilespmem:$0x1D000] =	vst v63  }
.Ltmp5:
0x204: {  	_ =	swait.ge [sflag:s24], $0x3E80;
	(pc) =	sbr.rel .LBB2_10-.Ltmp5, $4  }
0x205: {  	s8 =	simm.s32 $0x100;
	s14 =	simm.s32 $0x880;
	[sflag:s24] =	ssyncset.done $0x0  }
0x206: {  	s23 =	simm.s32 $0x180;
	s11 =	rddreg [dreg:$0x5];
	[sflag:s24] =	ssyncadd.s32 $0xFFFFC180  }
0x207: {  	[spmem:s2] =	stream.indirect.scatter.add.f32 [tilespmem:s16], [sflag:$0x4], $0x80, s28, s3, $0xb8;
	[tilespmem:$0x1D000] =	vst v63  }
0x208: {  	s25 =	simm.s32 $0x80;
	s18 =	rddreg [dreg:$0x18];
	s28 =	simm.s32 $0x900  }
.LBB2_4:
0x209: {  	s11 =	simm.s32 $0x0;
	p1 =	por $0x1, $0x1  }
0x20a: {  	[tilespmem:s0], [sflag:$0x1] =	stream.indirect.gather [hbm4b:s1+s3], $0x80, s11, s3, $0xb8;
	[tilespmem:$0x1D000] =	vst v63  }
0x20b: {  	s13 =	simm.s32 @!p1 $0x4  }
0x20c: {  	_ =	swait.ge @!p1 [sflag:s13], $0x3E80  }
0x20d: {  	[sflag:s13] =	ssyncset.done @!p1 $0x0  }
0x20e: {  	s18 =	sadd.s32 $0x0, s31;
	[sflag:s13] =	ssyncadd.s32 @!p1 $0xFFFFC180  }
0x20f: {  	[tilespmem:s10], [sflag:$0x5] =	stream.linear.gather [hbm4b:s18+s4], $0x280, $0x38;
	[tilespmem:$0x1D000] =	vst v63  }
0x210: {  	_ =	swait.ge [sflag:s7], $0x280  }
0x211: {  	[sflag:s7] =	ssyncset.done $0x0  }
0x212: {  	s19 =	sadd.s32 $0x0, s30;
	[sflag:s7] =	ssyncadd.s32 $0xFFFFFD80  }
0x213: {  	[tilespmem:s12], [sflag:$0x5] =	stream.linear.gather [hbm4b:s19+s4], $0x280, $0x38;
	[tilespmem:$0x1D000] =	vst v63  }
0x214: {  	_ =	swait.ge [sflag:s7], $0x280  }
0x215: {  	[sflag:s7] =	ssyncset.done $0x0  }
0x216: {  	[sflag:s7] =	ssyncadd.s32 $0xFFFFFD80  }
0x217: {  	[tilespmem:s16], [sflag:$0x2] =	stream.indirect.gather [hbm4b:s1+s3], $0x80, s25, s3, $0xb8;
	[tilespmem:$0x1D000] =	vst v63  }
0x218: {  	_ =	swait.ge [sflag:s21], $0x3E80  }
0x219: {  	[sflag:s21] =	ssyncset.done $0x0  }
0x21a: {  	[sflag:s21] =	ssyncadd.s32 $0xFFFFC180  }
0x21b: {  	[spmem:s2] =	stream.indirect.scatter.add.f32 [tilespmem:s0], [sflag:$0x3], $0x80, s17, s3, $0xb8;
	[tilespmem:$0x1D000] =	vst v63  }
0x21c: {  	_ =	swait.ge [sflag:s22], $0x3E80  }
0x21d: {  	[sflag:s22] =	ssyncset.done $0x0  }
0x21e: {  	[sflag:s22] =	ssyncadd.s32 $0xFFFFC180  }
0x21f: {  	[tilespmem:s0], [sflag:$0x1] =	stream.indirect.gather [hbm4b:s1+s3], $0x80, s8, s3, $0xb8;
	[tilespmem:$0x1D000] =	vst v63  }
0x220: {  	_ =	swait.ge [sflag:s24], $0x3E80  }
0x221: {  	[sflag:s24] =	ssyncset.done $0x0  }
0x222: {  	[sflag:s24] =	ssyncadd.s32 $0xFFFFC180  }
0x223: {  	[spmem:s2] =	stream.indirect.scatter.add.f32 [tilespmem:s16], [sflag:$0x4], $0x80, s14, s3, $0xb8;
	[tilespmem:$0x1D000] =	vst v63  }
0x224: {  	_ =	swait.ge [sflag:s26], $0x3E80  }
0x225: {  	[sflag:s26] =	ssyncset.done $0x0  }
0x226: {  	[sflag:s26] =	ssyncadd.s32 $0xFFFFC180  }
0x227: {  	[tilespmem:s16], [sflag:$0x2] =	stream.indirect.gather [hbm4b:s1+s3], $0x80, s23, s3, $0xb8;
	[tilespmem:$0x1D000] =	vst v63  }
0x228: {  	_ =	swait.ge [sflag:s21], $0x3E80  }
0x229: {  	[sflag:s21] =	ssyncset.done $0x0  }
0x22a: {  	[sflag:s21] =	ssyncadd.s32 $0xFFFFC180  }
0x22b: {  	[spmem:s2] =	stream.indirect.scatter.add.f32 [tilespmem:s0], [sflag:$0x3], $0x80, s28, s3, $0xb8;
	[tilespmem:$0x1D000] =	vst v63  }
0x22c: {  	_ =	swait.ge [sflag:s22], $0x3E80  }
0x22d: {  	[sflag:s22] =	ssyncset.done $0x0  }
0x22e: {  	s25 =	simm.s32 $0x200;
	[sflag:s22] =	ssyncadd.s32 $0xFFFFC180  }
0x22f: {  	[tilespmem:s0], [sflag:$0x1] =	stream.indirect.gather [hbm4b:s1+s3], $0x80, s25, s3, $0xb8;
	[tilespmem:$0x1D000] =	vst v63  }
0x230: {  	_ =	swait.ge [sflag:s24], $0x3E80  }
0x231: {  	[sflag:s24] =	ssyncset.done $0x0  }
0x232: {  	s4 =	simm.s32 $0x980;
	[sflag:s24] =	ssyncadd.s32 $0xFFFFC180  }
0x233: {  	[spmem:s2] =	stream.indirect.scatter.add.f32 [tilespmem:s16], [sflag:$0x4], $0x80, s4, s3, $0xb8;
	[tilespmem:$0x1D000] =	vst v63  }
0x234: {  	_ =	swait.ge [sflag:s26], $0x3E80  }
0x235: {  	[sflag:s26] =	ssyncset.done $0x0  }
0x236: {  	[sflag:s26] =	ssyncadd.s32 $0xFFFFC180  }
0x237: {  	[tilespmem:s16], [sflag:$0x2] =	stream.indirect.gather [hbm4b:s1+s3], $0x80, s10, s3, $0xb8;
	[tilespmem:$0x1D000] =	vst v63  }
0x238: {  	p1 =	por $0x0, $0x0;
	_ =	swait.ge [sflag:s21], $0x3E80  }
0x239: {  	s11 =	smin.u32 @!p1 s11, $0xD;
	[sflag:s21] =	ssyncset.done $0x0  }
0x23a: {  	s9 =	simm.s32 $0xA00;
	s11 =	sshll.u32 @!p1 s11, $0xA;
	[sflag:s21] =	ssyncadd.s32 $0xFFFFC180  }
0x23b: {  	[spmem:s2] =	stream.indirect.scatter.add.f32 [tilespmem:s0], [sflag:$0x3], $0x80, s9, s3, $0xb8;
	[tilespmem:$0x1D000] =	vst v63  }
0x23c: {  	s11 =	sadd.s32 @!p1 s11, s20;
	_ =	swait.ge [sflag:s22], $0x3E80  }
0x23d: {  	s13 =	simm.s32 @!p1 $0x5;
	s11 =	sshrl.u32 @!p1 s11, $0x3;
	[sflag:s22] =	ssyncset.done $0x0  }
0x23e: {  	s18 =	simm.s32 @!p1 $0x0;
	s19 =	sadd.s32 @!p1 s5, s11;
	[sflag:s22] =	ssyncadd.s32 $0xFFFFC180  }
0x23f: {  	[tilespmem:s18], [sflag:$0x5] =	stream.linear.gather @!p1 [hbm4b:s19+s18], $0x280, $0x38;
	[tilespmem:$0x1D000] =	vst v63  }
0x240: {  	_ =	swait.ge @!p1 [sflag:s13], $0x280  }
0x241: {  	[sflag:s13] =	ssyncset.done @!p1 $0x0  }
0x242: {  	s11 =	sadd.s32 @!p1 s6, s11;
	s19 =	simm.s32 @!p1 $0x800;
	[sflag:s13] =	ssyncadd.s32 @!p1 $0xFFFFFD80  }
0x243: {  	[tilespmem:s19], [sflag:$0x5] =	stream.linear.gather @!p1 [hbm4b:s11+s18], $0x280, $0x38;
	[tilespmem:$0x1D000] =	vst v63  }
0x244: {  	_ =	swait.ge @!p1 [sflag:s13], $0x280  }
0x245: {  	[sflag:s13] =	ssyncset.done @!p1 $0x0  }
0x246: {  	[sflag:s13] =	ssyncadd.s32 @!p1 $0xFFFFFD80;
	s13 =	simm.s32 $0x480  }
0x247: {  	[tilespmem:s0], [sflag:$0x1] =	stream.indirect.gather [hbm4b:s1+s3], $0x80, s13, s3, $0xb8;
	[tilespmem:$0x1D000] =	vst v63  }
0x248: {  	_ =	swait.ge [sflag:s24], $0x3E80  }
0x249: {  	[sflag:s24] =	ssyncset.done $0x0  }
0x24a: {  	[sflag:s24] =	ssyncadd.s32 $0xFFFFC180  }
0x24b: {  	[spmem:s2] =	stream.indirect.scatter.add.f32 [tilespmem:s16], [sflag:$0x4], $0x80, s12, s3, $0xb8;
	[tilespmem:$0x1D000] =	vst v63  }
0x24c: {  	_ =	swait.ge [sflag:s26], $0x3E80  }
0x24d: {  	[sflag:s26] =	ssyncset.done $0x0  }
0x24e: {  	s14 =	simm.s32 $0x500;
	[sflag:s26] =	ssyncadd.s32 $0xFFFFC180  }
0x24f: {  	[tilespmem:s16], [sflag:$0x2] =	stream.indirect.gather [hbm4b:s1+s3], $0x80, s14, s3, $0xb8;
	[tilespmem:$0x1D000] =	vst v63  }
0x250: {  	_ =	swait.ge [sflag:s21], $0x3E80  }
0x251: {  	[sflag:s21] =	ssyncset.done $0x0  }
0x252: {  	s15 =	simm.s32 $0xC80;
	[sflag:s21] =	ssyncadd.s32 $0xFFFFC180  }
0x253: {  	[spmem:s2] =	stream.indirect.scatter.add.f32 [tilespmem:s0], [sflag:$0x3], $0x80, s15, s3, $0xb8;
	[tilespmem:$0x1D000] =	vst v63  }
0x254: {  	_ =	swait.ge [sflag:s22], $0x3E80  }
0x255: {  	[sflag:s22] =	ssyncset.done $0x0  }
0x256: {  	s17 =	simm.s32 $0x580;
	[sflag:s22] =	ssyncadd.s32 $0xFFFFC180  }
0x257: {  	[tilespmem:s0], [sflag:$0x1] =	stream.indirect.gather [hbm4b:s1+s3], $0x80, s17, s3, $0xb8;
	[tilespmem:$0x1D000] =	vst v63  }
0x258: {  	_ =	swait.ge [sflag:s24], $0x3E80  }
0x259: {  	[sflag:s24] =	ssyncset.done $0x0  }
0x25a: {  	s19 =	simm.s32 $0xD00;
	[sflag:s24] =	ssyncadd.s32 $0xFFFFC180  }
0x25b: {  	[spmem:s2] =	stream.indirect.scatter.add.f32 [tilespmem:s16], [sflag:$0x4], $0x80, s19, s3, $0xb8;
	[tilespmem:$0x1D000] =	vst v63  }
0x25c: {  	_ =	swait.ge [sflag:s26], $0x3E80  }
0x25d: {  	[sflag:s26] =	ssyncset.done $0x0  }
0x25e: {  	p2 =	por $0x0, $0x0;
	s23 =	simm.s32 $0x600;
	[sflag:s26] =	ssyncadd.s32 $0xFFFFC180  }
0x25f: {  	[tilespmem:s16], [sflag:$0x2] =	stream.indirect.gather [hbm4b:s1+s3], $0x80, s23, s3, $0xb8;
	[tilespmem:$0x1D000] =	vst v63  }
0x260: {  	s8 =	simm.s32 $0x800;
	s28 =	smov.u32 s6;
	_ =	swait.ge [sflag:s21], $0x3E80  }
0x261: {  	s6 =	smov.u32 s5;
	s5 =	simm.s32 $0x0;
	[sflag:s21] =	ssyncset.done $0x0  }
0x262: {  	s25 =	simm.s32 $0xD80;
	s4 =	simm.s32 $0xE00;
	[sflag:s21] =	ssyncadd.s32 $0xFFFFC180  }
0x263: {  	[spmem:s2] =	stream.indirect.scatter.add.f32 [tilespmem:s0], [sflag:$0x3], $0x80, s25, s3, $0xb8;
	[tilespmem:$0x1D000] =	vst v63  }
0x264: {  	s11 =	simm.s32 @!p1 $0x7D;
	s13 =	simm.s32 @!p1 $0x1000;
	_ =	swait.ge [sflag:s22], $0x3E80  }
0x265: {  	s14 =	simm.s32 $0x80;
	s19 =	simm.s32 $0x2;
	[sflag:s22] =	ssyncset.done $0x0  }
0x266: {  	s23 =	simm.s32 $0x100;
	s25 =	simm.s32 $0x880;
	[sflag:s22] =	ssyncadd.s32 $0xFFFFC180  }
0x267: {  	[tilespmem:s13], [sflag:$0x1] =	stream.indirect.gather @!p1 [hbm4b:s1+s11], $0x80, s18, s11, $0xb8;
	[tilespmem:$0x1D000] =	vst v63  }
0x268: {  	s18 =	simm.s32 $0x100;
	s11 =	simm.s32 $0x200;
	_ =	swait.ge [sflag:s24], $0x3E80  }
.LBB2_5:
0x269: {  	s15 =	simm.s32 @!p2 $0x4  }
0x26a: {  	[sflag:s24] =	ssyncset.done $0x0;
	s13 =	smov.u32 s11;
	s11 =	sadd.s32 $0x100, s11  }
0x26b: {  	p1 =	seq.s32 s11, $0x800;
	[sflag:s24] =	ssyncadd.s32 $0xFFFFC180  }
0x26c: {  	[spmem:s2] =	stream.indirect.scatter.add.f32 [tilespmem:s16], [sflag:$0x4], $0x80, s4, s3, $0xb8;
	[tilespmem:$0x1D000] =	vst v63  }
0x26d: {  	_ =	swait.ge @!p2 [sflag:s15], $0x3E80  }
0x26e: {  	s17 =	sadd.s32 s18, s31;
	[sflag:s15] =	ssyncset.done @!p2 $0x0  }
0x26f: {  	[sflag:s15] =	ssyncadd.s32 @!p2 $0xFFFFC180  }
0x270: {  	[tilespmem:s10], [sflag:$0x5] =	stream.linear.gather [hbm4b:s17+s5], $0x280, $0x38;
	[tilespmem:$0x1D000] =	vst v63  }
0x271: {  	_ =	swait.ge [sflag:s7], $0x280  }
0x272: {  	s15 =	sadd.s32 s18, s30;
	[sflag:s7] =	ssyncset.done $0x0  }
0x273: {  	[sflag:s7] =	ssyncadd.s32 $0xFFFFFD80  }
0x274: {  	[tilespmem:s12], [sflag:$0x5] =	stream.linear.gather [hbm4b:s15+s5], $0x280, $0x38;
	[tilespmem:$0x1D000] =	vst v63  }
0x275: {  	_ =	swait.ge [sflag:s7], $0x280  }
0x276: {  	[sflag:s7] =	ssyncset.done $0x0  }
0x277: {  	[sflag:s7] =	ssyncadd.s32 $0xFFFFFD80  }
0x278: {  	[tilespmem:s16], [sflag:$0x2] =	stream.indirect.gather [hbm4b:s1+s3], $0x80, s14, s3, $0xb8;
	[tilespmem:$0x1D000] =	vst v63  }
0x279: {  	_ =	swait.ge [sflag:s21], $0x3E80  }
0x27a: {  	[sflag:s21] =	ssyncset.done $0x0  }
0x27b: {  	[sflag:s21] =	ssyncadd.s32 $0xFFFFC180  }
0x27c: {  	[spmem:s2] =	stream.indirect.scatter.add.f32 [tilespmem:s0], [sflag:$0x3], $0x80, s8, s3, $0xb8;
	[tilespmem:$0x1D000] =	vst v63  }
0x27d: {  	_ =	swait.ge [sflag:s22], $0x3E80  }
0x27e: {  	[sflag:s22] =	ssyncset.done $0x0  }
0x27f: {  	[sflag:s22] =	ssyncadd.s32 $0xFFFFC180  }
0x280: {  	[tilespmem:s0], [sflag:$0x1] =	stream.indirect.gather [hbm4b:s1+s3], $0x80, s23, s3, $0xb8;
	[tilespmem:$0x1D000] =	vst v63  }
0x281: {  	_ =	swait.ge [sflag:s24], $0x3E80  }
0x282: {  	[sflag:s24] =	ssyncset.done $0x0  }
0x283: {  	[sflag:s24] =	ssyncadd.s32 $0xFFFFC180  }
0x284: {  	[spmem:s2] =	stream.indirect.scatter.add.f32 [tilespmem:s16], [sflag:$0x4], $0x80, s25, s3, $0xb8;
	[tilespmem:$0x1D000] =	vst v63  }
0x285: {  	_ =	swait.ge [sflag:s26], $0x3E80  }
0x286: {  	[sflag:s26] =	ssyncset.done $0x0  }
0x287: {  	s9 =	simm.s32 $0x180;
	[sflag:s26] =	ssyncadd.s32 $0xFFFFC180  }
0x288: {  	[tilespmem:s16], [sflag:$0x2] =	stream.indirect.gather [hbm4b:s1+s3], $0x80, s9, s3, $0xb8;
	[tilespmem:$0x1D000] =	vst v63  }
0x289: {  	_ =	swait.ge [sflag:s21], $0x3E80  }
0x28a: {  	[sflag:s21] =	ssyncset.done $0x0  }
0x28b: {  	s9 =	simm.s32 $0x900;
	[sflag:s21] =	ssyncadd.s32 $0xFFFFC180  }
0x28c: {  	[spmem:s2] =	stream.indirect.scatter.add.f32 [tilespmem:s0], [sflag:$0x3], $0x80, s9, s3, $0xb8;
	[tilespmem:$0x1D000] =	vst v63  }
0x28d: {  	_ =	swait.ge [sflag:s22], $0x3E80  }
0x28e: {  	[sflag:s22] =	ssyncset.done $0x0  }
0x28f: {  	s9 =	simm.s32 $0x200;
	[sflag:s22] =	ssyncadd.s32 $0xFFFFC180  }
0x290: {  	[tilespmem:s0], [sflag:$0x1] =	stream.indirect.gather [hbm4b:s1+s3], $0x80, s9, s3, $0xb8;
	[tilespmem:$0x1D000] =	vst v63  }
0x291: {  	_ =	swait.ge [sflag:s24], $0x3E80  }
0x292: {  	[sflag:s24] =	ssyncset.done $0x0  }
0x293: {  	s9 =	simm.s32 $0x980;
	[sflag:s24] =	ssyncadd.s32 $0xFFFFC180  }
0x294: {  	[spmem:s2] =	stream.indirect.scatter.add.f32 [tilespmem:s16], [sflag:$0x4], $0x80, s9, s3, $0xb8;
	[tilespmem:$0x1D000] =	vst v63  }
0x295: {  	_ =	swait.ge [sflag:s26], $0x3E80  }
0x296: {  	[sflag:s26] =	ssyncset.done $0x0  }
0x297: {  	[sflag:s26] =	ssyncadd.s32 $0xFFFFC180  }
0x298: {  	[tilespmem:s16], [sflag:$0x2] =	stream.indirect.gather [hbm4b:s1+s3], $0x80, s10, s3, $0xb8;
	[tilespmem:$0x1D000] =	vst v63  }
0x299: {  	p2 =	seq.s32 s18, $0x700;
	s18 =	smov.u32 s13;
	_ =	swait.ge [sflag:s21], $0x3E80  }
0x29a: {  	s13 =	smin.u32 @!p2 s19, $0xD;
	[sflag:s21] =	ssyncset.done $0x0  }
0x29b: {  	s13 =	sshll.u32 @!p2 s13, $0xA;
	s9 =	simm.s32 $0xA00;
	[sflag:s21] =	ssyncadd.s32 $0xFFFFC180  }
0x29c: {  	[spmem:s2] =	stream.indirect.scatter.add.f32 [tilespmem:s0], [sflag:$0x3], $0x80, s9, s3, $0xb8;
	[tilespmem:$0x1D000] =	vst v63  }
0x29d: {  	s13 =	sadd.s32 @!p2 s13, s20;
	s15 =	simm.s32 @!p2 $0x5;
	_ =	swait.ge [sflag:s22], $0x3E80  }
0x29e: {  	s17 =	sshrl.u32 @!p2 s13, $0x3;
	s13 =	simm.s32 @!p2 $0x0;
	[sflag:s22] =	ssyncset.done $0x0  }
0x29f: {  	s9 =	sadd.s32 @!p2 s6, s17;
	s17 =	sadd.s32 @!p2 s28, s17;
	[sflag:s22] =	ssyncadd.s32 $0xFFFFC180  }
0x2a0: {  	[tilespmem:s13], [sflag:$0x5] =	stream.linear.gather @!p2 [hbm4b:s9+s13], $0x280, $0x38;
	[tilespmem:$0x1D000] =	vst v63  }
0x2a1: {  	_ =	swait.ge @!p2 [sflag:s15], $0x280  }
0x2a2: {  	s9 =	simm.s32 @!p2 $0x800;
	[sflag:s15] =	ssyncset.done @!p2 $0x0  }
0x2a3: {  	[sflag:s15] =	ssyncadd.s32 @!p2 $0xFFFFFD80  }
0x2a4: {  	[tilespmem:s9], [sflag:$0x5] =	stream.linear.gather @!p2 [hbm4b:s17+s13], $0x280, $0x38;
	[tilespmem:$0x1D000] =	vst v63  }
0x2a5: {  	s17 =	simm.s32 $0x480  }
0x2a6: {  	_ =	swait.ge @!p2 [sflag:s15], $0x280  }
0x2a7: {  	[sflag:s15] =	ssyncset.done @!p2 $0x0  }
0x2a8: {  	[sflag:s15] =	ssyncadd.s32 @!p2 $0xFFFFFD80  }
0x2a9: {  	[tilespmem:s0], [sflag:$0x1] =	stream.indirect.gather [hbm4b:s1+s3], $0x80, s17, s3, $0xb8;
	[tilespmem:$0x1D000] =	vst v63  }
0x2aa: {  	_ =	swait.ge [sflag:s24], $0x3E80  }
0x2ab: {  	[sflag:s24] =	ssyncset.done $0x0  }
0x2ac: {  	[sflag:s24] =	ssyncadd.s32 $0xFFFFC180  }
0x2ad: {  	[spmem:s2] =	stream.indirect.scatter.add.f32 [tilespmem:s16], [sflag:$0x4], $0x80, s12, s3, $0xb8;
	[tilespmem:$0x1D000] =	vst v63  }
0x2ae: {  	_ =	swait.ge [sflag:s26], $0x3E80  }
0x2af: {  	[sflag:s26] =	ssyncset.done $0x0  }
0x2b0: {  	s9 =	simm.s32 $0x500;
	[sflag:s26] =	ssyncadd.s32 $0xFFFFC180  }
0x2b1: {  	[tilespmem:s16], [sflag:$0x2] =	stream.indirect.gather [hbm4b:s1+s3], $0x80, s9, s3, $0xb8;
	[tilespmem:$0x1D000] =	vst v63  }
0x2b2: {  	_ =	swait.ge [sflag:s21], $0x3E80  }
0x2b3: {  	[sflag:s21] =	ssyncset.done $0x0  }
0x2b4: {  	s9 =	simm.s32 $0xC80;
	[sflag:s21] =	ssyncadd.s32 $0xFFFFC180  }
0x2b5: {  	[spmem:s2] =	stream.indirect.scatter.add.f32 [tilespmem:s0], [sflag:$0x3], $0x80, s9, s3, $0xb8;
	[tilespmem:$0x1D000] =	vst v63  }
0x2b6: {  	_ =	swait.ge [sflag:s22], $0x3E80  }
0x2b7: {  	[sflag:s22] =	ssyncset.done $0x0  }
0x2b8: {  	s9 =	simm.s32 $0x580;
	[sflag:s22] =	ssyncadd.s32 $0xFFFFC180  }
0x2b9: {  	[tilespmem:s0], [sflag:$0x1] =	stream.indirect.gather [hbm4b:s1+s3], $0x80, s9, s3, $0xb8;
	[tilespmem:$0x1D000] =	vst v63  }
0x2ba: {  	_ =	swait.ge [sflag:s24], $0x3E80  }
0x2bb: {  	[sflag:s24] =	ssyncset.done $0x0  }
0x2bc: {  	s9 =	simm.s32 $0xD00;
	[sflag:s24] =	ssyncadd.s32 $0xFFFFC180  }
0x2bd: {  	[spmem:s2] =	stream.indirect.scatter.add.f32 [tilespmem:s16], [sflag:$0x4], $0x80, s9, s3, $0xb8;
	[tilespmem:$0x1D000] =	vst v63  }
0x2be: {  	_ =	swait.ge [sflag:s26], $0x3E80  }
0x2bf: {  	[sflag:s26] =	ssyncset.done $0x0  }
0x2c0: {  	s9 =	simm.s32 $0x600;
	[sflag:s26] =	ssyncadd.s32 $0xFFFFC180  }
0x2c1: {  	[tilespmem:s16], [sflag:$0x2] =	stream.indirect.gather [hbm4b:s1+s3], $0x80, s9, s3, $0xb8;
	[tilespmem:$0x1D000] =	vst v63  }
0x2c2: {  	_ =	swait.ge [sflag:s21], $0x3E80  }
0x2c3: {  	[sflag:s21] =	ssyncset.done $0x0  }
0x2c4: {  	s9 =	simm.s32 $0xD80;
	[sflag:s21] =	ssyncadd.s32 $0xFFFFC180  }
0x2c5: {  	[spmem:s2] =	stream.indirect.scatter.add.f32 [tilespmem:s0], [sflag:$0x3], $0x80, s9, s3, $0xb8;
	[tilespmem:$0x1D000] =	vst v63  }
.Ltmp6:
0x2c6: {  	_ =	swait.ge [sflag:s22], $0x3E80;
	(pc) =	sbr.rel @!p1 .LBB2_5-.Ltmp6, $4  }
0x2c7: {  	s15 =	simm.s32 @!p2 $0x1000;
	s9 =	simm.s32 @!p2 $0x7D;
	[sflag:s22] =	ssyncset.done $0x0  }
0x2c8: {  	[sflag:s22] =	ssyncadd.s32 $0xFFFFC180  }
0x2c9: {  	[tilespmem:s15], [sflag:$0x1] =	stream.indirect.gather @!p2 [hbm4b:s1+s9], $0x80, s13, s9, $0xb8;
	[tilespmem:$0x1D000] =	vst v63  }
0x2ca: {  	s19 =	sadd.s32 $0x2, s19;
	p2 =	seq.s32 s18, $0x0;
	_ =	swait.ge [sflag:s24], $0x3E80  }
.Ltmp7:
0x2cb: {  	_ = 	snop;
	(pc) =	sbr.rel .LBB2_6-.Ltmp7, $1  }
0x2cc: {  	_ =	sdelay $0x3  }
.LBB2_11:
0x2cd: {  	_ =	sfence.sel $0x180000  }
0x2ce: {  	[bflag:$0x0] =	sbarrier.arrive $0xFFFF  }
0x2cf: {  	_ =	strace $0x9000004A  }
0x2d0: {  	s0 =	stileid.u32;
	[bflag:$0x2] =	sbarrier.arrive $0xFFFF  }
0x2d1: {  	p0 =	sne.s32 s0, $0x0;
	s0 =	rddreg [dreg:$0x3]  }
0x2d2: {  	s0 =	sadd.s32 @!p0 $0x100000, s0  }
0x2d3: {  	[sflag:s0] =	ssyncadd.tile.s32 @!p0 $0x1;
	_ =	shalt  }
.Lfunc_end2:
_tile_overlayer_lowered:
.L_overlay_start_2:
0x2d4: {  	(tag) =	ssettag $0x2  }
0x2d5: {  	s0 =	rddreg [dreg:$0x0];
	s2 =	stileid.u32  }
0x2d6: {  	s1 =	rddreg [dreg:$0x1];
	p0 =	sne.s32 s2, $0x0  }
0x2d7: {  	s3 =	rddreg [dreg:$0x2];
	[bflag:$0x3] =	sbarrier.arrive $0xFFFF;
	s2 =	simm.s32 @!p0 $0x1C05  }
0x2d8: {  	[timem:s3], [sflag:s2] =	dma.local @!p0 [hbm:s0], s1  }
0x2d9: {  	s0 =	simm.s32 @!p0 $0x5  }
0x2da: {  	_ =	swait.ge @!p0 [sflag:s0], s1  }
0x2db: {  	s1 =	ssub.s32 @!p0 $0x0, s1;
	[sflag:s0] =	ssyncset.done @!p0 $0x0  }
0x2dc: {  	[sflag:s0] =	ssyncadd.s32 @!p0 s1  }
0x2dd: {  	[bflag:$0x3] =	sbarrier.arrive $0xFFFF  }
0x2de: {  	_ =	shalt  }

</sc_bundles>
